<compile_context>
chip_gen: v7x
topology: tpu7x:2x2x1
jax: 0.10.2.dev20260603
libtpu: 0.0.44.dev20260713+nightly
codegen_flags: <defaults>
</compile_context>

<pallas_src>
import functools

import jax
import jax.numpy as jnp
from jax import lax
from jax.experimental import pallas as pl
from jax.experimental.pallas import tpu as pltpu
from jax.experimental.pallas import tpu_sc as plsc

N = 10000
DL = 128
E = 320000
NC = 2
NS = 16
NW = NC * NS
EPW = E // NW
RPW = 313
HB = 10368
GCH = 80
FLUSH = 100
SEG = 10016
SCH = 512
GCAP = E + 16 * N + SCH

_mesh = plsc.VectorSubcoreMesh(core_axis_name="c", subcore_axis_name="s")


def _wid():
    return lax.axis_index("c") * NS + lax.axis_index("s")


def _lane0():
    return lax.iota(jnp.int32, 16) == 0


def _splat(v, dtype):
    return jnp.full((16,), v, dtype)


def _gat(ref, idx_vecs):
    return plsc.load_gather(ref, idx_vecs)


def _ld(ref, *idxs):
    return _gat(ref, [_splat(i, jnp.int32) for i in idxs])[0]



def _enc_body(x_ref, w1_ref, b1_ref, w2_ref, b2_ref, xe_ref, y_ref, y2_ref):
    xe = jnp.dot(x_ref[...], w1_ref[...], preferred_element_type=jnp.float32)
    xe = xe + b1_ref[...]
    xe = jnp.where(xe >= 0, xe, 0.01 * xe)
    xe_ref[...] = xe
    y = jnp.dot(xe, w2_ref[...], preferred_element_type=jnp.float32)
    y_ref[...] = y
    y2_ref[...] = y - b2_ref[...]


def _encode(x, W1, b1, W2, b2):
    BM = 1000
    return pl.pallas_call(
        _enc_body,
        grid=(N // BM,),
        in_specs=[
            pl.BlockSpec((BM, DL), lambda i: (i, 0)),
            pl.BlockSpec((DL, DL), lambda i: (0, 0)),
            pl.BlockSpec((1, DL), lambda i: (0, 0)),
            pl.BlockSpec((DL, DL), lambda i: (0, 0)),
            pl.BlockSpec((1, DL), lambda i: (0, 0)),
        ],
        out_specs=[
            pl.BlockSpec((BM, DL), lambda i: (i, 0)),
            pl.BlockSpec((BM, DL), lambda i: (i, 0)),
            pl.BlockSpec((BM, DL), lambda i: (i, 0)),
        ],
        out_shape=[
            jax.ShapeDtypeStruct((N, DL), jnp.float32),
            jax.ShapeDtypeStruct((N, DL), jnp.float32),
            jax.ShapeDtypeStruct((N, DL), jnp.float32),
        ],
    )(x, W1, b1.reshape(1, DL), W2, b2.reshape(1, DL))



@functools.partial(
    pl.kernel,
    mesh=_mesh,
    compiler_params=pltpu.CompilerParams(needs_layout_passes=False),
    out_type=[
        jax.ShapeDtypeStruct((E,), jnp.float32),
        jax.ShapeDtypeStruct((NW, HB), jnp.int32),
    ],
    scratch_types=[
        pltpu.VMEM((EPW,), jnp.int32),
        pltpu.VMEM((EPW,), jnp.int32),
        pltpu.VMEM((EPW,), jnp.float32),
        pltpu.VMEM((GCH, DL), jnp.float32),
        pltpu.VMEM((GCH, DL), jnp.float32),
        pltpu.VMEM((HB,), jnp.int32),
        pltpu.VMEM((256,), jnp.float32),
        pltpu.SemaphoreType.DMA,
        pltpu.SemaphoreType.DMA,
    ],
)
def _k1(y_hbm, y2_hbm, src_hbm, dst_hbm, r_hbm, hist_hbm,
        src_v, dst_v, r_v, u_b, v_b, hist_v, stage_v, sem1, sem2):
    w = _wid()
    l0 = _lane0()
    lanes = lax.iota(jnp.int32, 16)
    lanes16 = lanes * 16
    e0 = pl.multiple_of(w * EPW, 8)
    pltpu.sync_copy(src_hbm.at[pl.ds(e0, EPW)], src_v)
    pltpu.sync_copy(dst_hbm.at[pl.ds(e0, EPW)], dst_v)

    def chunk_body(j, _):
        c0 = j * GCH
        cp1 = pltpu.async_copy(y_hbm.at[src_v.at[pl.ds(c0, GCH)]], u_b, sem1)
        cp2 = pltpu.async_copy(y2_hbm.at[dst_v.at[pl.ds(c0, GCH)]], v_b, sem2)
        cp1.wait()
        cp2.wait()

        def grp_body(g, _):
            for e_ in range(16):
                e = g * 16 + e_
                acc = jnp.zeros((16,), jnp.float32)
                for sub in range(DL // 16):
                    uu = u_b[e, pl.ds(sub * 16, 16)]
                    vv = v_b[e, pl.ds(sub * 16, 16)]
                    dd = uu - vv
                    acc = acc + jnp.where(dd >= 0, dd, 0.01 * dd)
                stage_v[pl.ds(e_ * 16, 16)] = acc
            s = jnp.zeros((16,), jnp.float32)
            for l in range(16):
                s = s + _gat(stage_v, [lanes16 + l])
            r_v[pl.ds(c0 + g * 16, 16)] = 1.0 / (1.0 + jnp.exp(-s))
            return 0

        lax.fori_loop(0, GCH // 16, grp_body, 0)
        return 0

    lax.fori_loop(0, EPW // GCH, chunk_body, 0)
    pltpu.sync_copy(r_v, r_hbm.at[pl.ds(e0, EPW)])

    def zero_body(i, _):
        hist_v[pl.ds(i * 16, 16)] = jnp.zeros((16,), jnp.int32)
        return 0

    lax.fori_loop(0, HB // 16, zero_body, 0)

    ones_i = _splat(1, jnp.int32)

    def hist_body(e, _):
        sv = _gat(src_v, [_splat(e, jnp.int32)])
        plsc.addupdate_scatter(hist_v, [sv], ones_i, mask=l0)
        return 0

    lax.fori_loop(0, EPW, hist_body, 0)
    pltpu.sync_copy(hist_v, hist_hbm.at[w])



@functools.partial(
    pl.kernel,
    mesh=_mesh,
    compiler_params=pltpu.CompilerParams(needs_layout_passes=False),
    out_type=[
        jax.ShapeDtypeStruct((HB,), jnp.int32),
        jax.ShapeDtypeStruct((HB,), jnp.int32),
    ],
    scratch_types=[
        pltpu.VMEM((HB,), jnp.int32),
        pltpu.VMEM((HB,), jnp.int32),
    ],
)
def _k2(hist_hbm, cnt_hbm, offs_hbm, acc_v, tmp_v):
    w = _wid()

    @pl.when(w == 0)
    def _():
        def zero_body(i, _):
            acc_v[pl.ds(i * 16, 16)] = jnp.zeros((16,), jnp.int32)
            return 0

        lax.fori_loop(0, HB // 16, zero_body, 0)

        def row_body(ww, _):
            pltpu.sync_copy(hist_hbm.at[ww], tmp_v)

            def add_body(i, _):
                sl = pl.ds(i * 16, 16)
                acc_v[sl] = acc_v[sl] + tmp_v[sl]
                return 0

            lax.fori_loop(0, HB // 16, add_body, 0)
            return 0

        lax.fori_loop(0, NW, row_body, 0)
        pltpu.sync_copy(acc_v, cnt_hbm)
        l0 = _lane0()

        def scan_body(i, carry):
            iv = _splat(i, jnp.int32)
            cv = _gat(acc_v, [iv])
            pv = ((cv + 15) >> 4) << 4
            plsc.store_scatter(acc_v, [iv], _splat(carry, jnp.int32), mask=l0)
            return carry + pv[0]

        lax.fori_loop(0, HB, scan_body, jnp.int32(0))
        pltpu.sync_copy(acc_v, offs_hbm)



@functools.partial(
    pl.kernel,
    mesh=_mesh,
    compiler_params=pltpu.CompilerParams(needs_layout_passes=False),
    out_type=[
        jax.ShapeDtypeStruct((GCAP,), jnp.int32),
        jax.ShapeDtypeStruct((GCAP,), jnp.float32),
    ],
    scratch_types=[
        pltpu.VMEM((EPW,), jnp.int32),
        pltpu.VMEM((EPW,), jnp.int32),
        pltpu.VMEM((EPW,), jnp.float32),
        pltpu.VMEM((HB,), jnp.int32),
        pltpu.VMEM((HB,), jnp.int32),
        pltpu.VMEM((1, FLUSH), jnp.int32),
        pltpu.VMEM((1, FLUSH), jnp.int32),
        pltpu.VMEM((1, FLUSH), jnp.float32),
        pltpu.SemaphoreType.DMA,
        pltpu.SemaphoreType.DMA,
    ],
)
def _k3(src_hbm, dst_hbm, r_hbm, hist_hbm, offs_hbm, dstg_hbm, rg_hbm,
        src_v, dst_v, r_v, base_v, tmp_v, posb, dvb, rvb, sem1, sem2):
    w = _wid()
    l0 = _lane0()
    e0 = pl.multiple_of(w * EPW, 8)
    pltpu.sync_copy(offs_hbm, base_v)

    def row_body(ww, _):
        pltpu.sync_copy(hist_hbm.at[ww], tmp_v)

        def add_body(i, _):
            sl = pl.ds(i * 16, 16)
            base_v[sl] = base_v[sl] + tmp_v[sl]
            return 0

        lax.fori_loop(0, HB // 16, add_body, 0)
        return 0

    lax.fori_loop(0, w, row_body, 0)
    pltpu.sync_copy(src_hbm.at[pl.ds(e0, EPW)], src_v)
    pltpu.sync_copy(dst_hbm.at[pl.ds(e0, EPW)], dst_v)
    pltpu.sync_copy(r_hbm.at[pl.ds(e0, EPW)], r_v)

    def flush_body(f, _):
        zv = _splat(0, jnp.int32)

        def edge_body(e2, _):
            ev = _splat(f * FLUSH + e2, jnp.int32)
            e2v = _splat(e2, jnp.int32)
            sv = _gat(src_v, [ev])
            posv = _gat(base_v, [sv])
            plsc.store_scatter(base_v, [sv], posv + 1, mask=l0)
            plsc.store_scatter(posb, [zv, e2v], posv, mask=l0)
            plsc.store_scatter(dvb, [zv, e2v], _gat(dst_v, [ev]), mask=l0)
            plsc.store_scatter(rvb, [zv, e2v], _gat(r_v, [ev]), mask=l0)
            return 0

        lax.fori_loop(0, FLUSH, edge_body, 0)
        cp1 = pltpu.async_copy(dvb.at[0], dstg_hbm.at[posb.at[0]], sem1)
        cp2 = pltpu.async_copy(rvb.at[0], rg_hbm.at[posb.at[0]], sem2)
        cp1.wait()
        cp2.wait()
        return 0

    lax.fori_loop(0, EPW // FLUSH, flush_body, 0)



@functools.partial(
    pl.kernel,
    mesh=_mesh,
    compiler_params=pltpu.CompilerParams(needs_layout_passes=False,
                                         use_tc_tiling_on_sc=False),
    out_type=jax.ShapeDtypeStruct((N, N), jnp.float32),
    scratch_types=[
        pltpu.VMEM((SEG,), jnp.float32),
        pltpu.VMEM((SEG,), jnp.int32),
        pltpu.VMEM((SEG,), jnp.int32),
        pltpu.VMEM((SCH,), jnp.int32),
        pltpu.VMEM((SCH,), jnp.float32),
        pltpu.VMEM((640,), jnp.int32),
        pltpu.VMEM((640,), jnp.int32),
        pltpu.VMEM((16,), jnp.float32),
        pltpu.VMEM((SEG,), jnp.float32),
    ],
)
def _k4(dstg_hbm, rg_hbm, cnt_hbm, offs_hbm, par_hbm, out_hbm,
        row_v, seen_v, cols_v, segd, segr, offs640, cnt640, par_v, t_v):
    w = _wid()
    l0 = _lane0()
    r0 = w * RPW
    nrows = jnp.minimum(RPW, N - r0)
    base8 = pl.multiple_of((r0 // 8) * 8, 8)
    rem = r0 - base8
    pltpu.sync_copy(offs_hbm.at[pl.ds(base8, 640)], offs640)
    pltpu.sync_copy(cnt_hbm.at[pl.ds(base8, 640)], cnt640)
    pltpu.sync_copy(par_hbm, par_v)
    zv = _splat(0, jnp.int32)
    w3v = _gat(par_v, [zv])
    b3v = _gat(par_v, [_splat(1, jnp.int32)])
    ones_i = _splat(1, jnp.int32)
    lanes = lax.iota(jnp.int32, 16)

    def zero_body(i, _):
        row_v[pl.ds(i * 16, 16)] = jnp.zeros((16,), jnp.float32)
        seen_v[pl.ds(i * 16, 16)] = jnp.zeros((16,), jnp.int32)
        return 0

    lax.fori_loop(0, SEG // 16, zero_body, 0)

    def row_body(ri, _):
        row = r0 + ri
        start = pl.multiple_of(_ld(offs640, rem + ri), 16)
        m = _ld(cnt640, rem + ri)

        @pl.when(m > 0)
        def _():
            nch = (m + SCH - 1) // SCH

            def chunk_body(j, carry):
                pltpu.sync_copy(dstg_hbm.at[pl.ds(start + j * SCH, SCH)], segd)
                pltpu.sync_copy(rg_hbm.at[pl.ds(start + j * SCH, SCH)], segr)
                lim = jnp.minimum(m - j * SCH, SCH)

                def edge_body(e, c2):
                    mc, ksv = c2
                    ev = _splat(e, jnp.int32)
                    dv = _gat(segd, [ev])
                    rv = _gat(segr, [ev])
                    plsc.addupdate_scatter(row_v, [dv], rv, mask=l0)
                    snv = _gat(seen_v, [dv])
                    plsc.store_scatter(cols_v, [_splat(mc, jnp.int32)], dv,
                                       mask=l0)
                    plsc.store_scatter(seen_v, [dv], ones_i, mask=l0)
                    return mc + jnp.where(snv[0] == 0, 1, 0), ksv + rv

                return lax.fori_loop(0, lim, edge_body, carry)

            mc, ksv = lax.fori_loop(0, nch, chunk_body,
                                    (jnp.int32(0),
                                     jnp.zeros((16,), jnp.float32)))
            kx = ksv * w3v + b3v
            kv = jnp.where(kx >= 0, kx, 0.01 * kx)
            c0vec = _gat(cols_v, [zv])
            mcp = ((mc + 15) // 16) * 16

            def pad_body(l, _):
                plsc.store_scatter(cols_v, [_splat(l, jnp.int32)], c0vec,
                                   mask=l0)
                return 0

            lax.fori_loop(mc, mcp, pad_body, 0)

            def rank_body(ci, _):
                cvec = cols_v[pl.ds(ci * 16, 16)]
                vvec = plsc.load_gather(row_v, [cvec])

                def j_body(j, t):
                    cjv = _gat(cols_v, [_splat(j, jnp.int32)])
                    vjv = _gat(row_v, [cjv])
                    hit = (vjv > vvec) | ((vjv == vvec) & (cjv < cvec))
                    return t + jnp.where(hit, 1.0, 0.0)

                t = lax.fori_loop(0, mc, j_body, jnp.zeros((16,), jnp.float32))
                t_v[pl.ds(ci * 16, 16)] = t
                return 0

            lax.fori_loop(0, mcp // 16, rank_body, 0)

            def weight_body(ci, _):
                cvec = cols_v[pl.ds(ci * 16, 16)]
                vvec = plsc.load_gather(row_v, [cvec])
                z = t_v[pl.ds(ci * 16, 16)] - kv
                wgt = 1.0 + 1.0 / (jnp.exp(2.0 * z) + 1.0)
                msk = (lanes + ci * 16) < mc
                plsc.store_scatter(row_v, [cvec], vvec * wgt, mask=msk)
                return 0

            lax.fori_loop(0, mcp // 16, weight_body, 0)
            pltpu.sync_copy(row_v.at[pl.ds(0, N)], out_hbm.at[row])

            def clean_body(ci, _):
                cvec = cols_v[pl.ds(ci * 16, 16)]
                msk = (lanes + ci * 16) < mc
                plsc.store_scatter(row_v, [cvec], jnp.zeros((16,), jnp.float32),
                                   mask=msk)
                plsc.store_scatter(seen_v, [cvec], jnp.zeros((16,), jnp.int32),
                                   mask=msk)
                return 0

            lax.fori_loop(0, mcp // 16, clean_body, 0)

        @pl.when(m == 0)
        def _():
            pltpu.sync_copy(row_v.at[pl.ds(0, N)], out_hbm.at[row])

        return 0

    lax.fori_loop(0, nrows, row_body, 0)



def kernel(x, edge_index, W1, b1, W2, b2, w3, b3):
    x_enc, y, y2 = _encode(x, W1, b1, W2, b2)
    ei = edge_index.astype(jnp.int32)
    src = ei[0]
    dst = ei[1]
    par = jnp.concatenate(
        [w3.reshape(1), b3.reshape(1),
         jnp.zeros((14,), jnp.float32)]).astype(jnp.float32)
    r, hist = _k1(y, y2, src, dst)
    del par
    dense = jnp.zeros((N, N), jnp.float32).at[src, dst].add(r)
    k = dense.sum(-1, keepdims=True)
    k = k * w3[0, 0] + b3[0]
    k = jnp.where(k >= 0, k, 0.01 * k)
    order = jnp.argsort(-dense, axis=-1)
    srt = jnp.take_along_axis(dense, order, axis=-1)
    t = jnp.arange(N, dtype=jnp.float32).reshape(1, N)
    fk = 2.0 - 0.5 * (1.0 + jnp.tanh(t - k))
    fkr = srt * fk
    rows = jnp.arange(N)[:, None]
    out = jnp.zeros_like(fkr).at[rows, order].set(fkr)
    return (out, x_enc)

# --- scband reference (transcript-rebuilt; emitter-appended) ---
"""Pipeline reference for scband-dgg-32658931319121 (READ-ONLY COPY).

The authoritative reference and input builder live on the scoring server;
editing this copy changes nothing except your own understanding.
"""

import jax, jax.numpy as jnp
import numpy as np


def leaky_relu(x, slope=0.01):
    return jnp.where(x >= 0, x, slope * x)


def setup_inputs(seed: int = 0) -> dict:
    key = jax.random.key(seed)
    ks = jax.random.split(key, 8)
    N, d_in, d_lat, E = 10000, 128, 128, 320000
    x = jax.random.normal(ks[0], (N, d_in), dtype=jnp.float32)
    edge_index = jax.random.randint(ks[1], (2, E), 0, N, dtype=jnp.int64)
    W1 = jax.random.normal(ks[2], (d_in, d_lat), dtype=jnp.float32) * (1.0 / np.sqrt(d_in))
    b1 = jnp.zeros((d_lat,), dtype=jnp.float32)
    W2 = jax.random.normal(ks[3], (d_lat, d_lat), dtype=jnp.float32) * (1.0 / np.sqrt(d_lat))
    b2 = jnp.zeros((d_lat,), dtype=jnp.float32)
    w3 = jax.random.normal(ks[4], (1, 1), dtype=jnp.float32)
    b3 = jnp.zeros((1,), dtype=jnp.float32)
    return {"x": x, "edge_index": edge_index, "W1": W1, "b1": b1, "W2": W2, "b2": b2, "w3": w3, "b3": b3}


def reference(x, edge_index, W1, b1, W2, b2, w3, b3):
    N = x.shape[0]
    # node encoder: Linear + LeakyReLU
    x_enc = leaky_relu(x @ W1 + b1)
    src = edge_index[0, :]
    dst = edge_index[1, :]
    u = x_enc[src]
    v = x_enc[dst]
    uv_diff = u - v
    # edge encoder: Linear + LeakyReLU (extra_edge_dim = 0)
    edge_feat = leaky_relu(uv_diff @ W2 + b2)
    edge_rank = jax.nn.sigmoid(edge_feat.sum(-1))
    # sparse -> dense (duplicate indices coalesce by summation, like torch.sparse)
    dense_rank = jnp.zeros((N, N), dtype=jnp.float32).at[src, dst].add(edge_rank)
    # degree decoder: Linear(1,1) + LeakyReLU
    k = dense_rank.sum(-1, keepdims=True)
    k = leaky_relu(k * w3[0, 0] + b3[0])
    # per-row descending sort
    order = jnp.argsort(-dense_rank, axis=-1)
    srt_edge_rank = jnp.take_along_axis(dense_rank, order, axis=-1)
    t = jnp.arange(N, dtype=jnp.float32).reshape(1, N)
    w = 1.0
    first_k = 1.0 - 0.5 * (1.0 + jnp.tanh((t - k) / w))
    first_k = first_k + 1.0
    first_k_ranks = srt_edge_rank * first_k
    # scatter back to original column order (order is a per-row permutation)
    rows = jnp.arange(N)[:, None]
    out_adj = jnp.zeros_like(first_k_ranks).at[rows, order].set(first_k_ranks)
    return (out_adj, x_enc)

if __name__ == "__main__":
    import jax
    _d = setup_inputs()
    print(jax.jit(kernel)(*tuple(_d.values())))

</pallas_src>

<mosaic_0001>
#map = affine_map<(d0, d1) -> (0, 0)>
#map1 = affine_map<(d0, d1) -> (0)>
module attributes {stable_mosaic.version = 14 : i64} {
  func.func @_k1(%arg0: i32, %arg1: i32, %arg2: memref<10000x128xf32, #tpu.memory_space<hbm>>, %arg3: memref<10000x128xf32, #tpu.memory_space<hbm>>, %arg4: memref<320000xi32, #tpu.memory_space<hbm>>, %arg5: memref<320000xi32, #tpu.memory_space<hbm>>, %arg6: memref<320000xf32, #tpu.memory_space<hbm>>, %arg7: memref<32x10368xi32, #tpu.memory_space<hbm>>, %arg8: memref<10000xi32, #tpu.memory_space<vmem>>, %arg9: memref<10000xi32, #tpu.memory_space<vmem>>, %arg10: memref<10000xf32, #tpu.memory_space<vmem>>, %arg11: memref<80x128xf32, #tpu.memory_space<vmem>>, %arg12: memref<80x128xf32, #tpu.memory_space<vmem>>, %arg13: memref<10368xi32, #tpu.memory_space<vmem>>, %arg14: memref<256xf32, #tpu.memory_space<vmem>>, %arg15: memref<!tpu.dma_semaphore, #tpu.memory_space<semaphore_mem>>, %arg16: memref<!tpu.dma_semaphore, #tpu.memory_space<semaphore_mem>>) attributes {dimension_semantics = [#tpu.dimension_semantics<core_parallel>, #tpu.dimension_semantics<subcore_parallel>], iteration_bounds = array<i64: 2, 16>, scalar_prefetch = 0 : i64, scratch_operands = 9 : i64, tpu.core_type = #tpu.core_type<sc_vector_subcore>, window_params = [{transform_indices = #map}, {transform_indices = #map}, {transform_indices = #map1}, {transform_indices = #map1}, {transform_indices = #map1}, {transform_indices = #map}]} {
    %mul3A = arith.constant 16 : i32
    %mul3A_0 = arith.muli %arg0, %mul3A : i32
    %add3A = arith.addi %mul3A_0, %arg1 : i32
    %iota3A = tpu.iota {dimensions = array<i32: 0>} : vector<16xi32>
    %eq3A = arith.constant 0 : i32
    %eq3A_1 = vector.broadcast %eq3A : i32 to vector<16xi32>
    %eq3A_2 = arith.cmpi eq, %iota3A, %eq3A_1 : vector<16xi32>
    %iota3A_3 = tpu.iota {dimensions = array<i32: 0>} : vector<16xi32>
    %mul3A_4 = arith.constant 16 : i32
    %mul3A_5 = vector.broadcast %mul3A_4 : i32 to vector<16xi32>
    %mul3A_6 = arith.muli %iota3A_3, %mul3A_5 : vector<16xi32>
    %mul3A_7 = arith.constant 10000 : i32
    %mul3A_8 = arith.muli %add3A, %mul3A_7 : i32
    %multiple_of3A = tpu.assume_multiple %mul3A_8, 8 : i32
    "tpu.region"() ({
      %run_scoped3A = tpu.sem_alloc : memref<!tpu.dma_semaphore, #tpu.memory_space<semaphore_mem>>
      %dma_start3A = tpu.memref_slice %arg4[%multiple_of3A] : memref<320000xi32, #tpu.memory_space<hbm>> -> memref<10000xi32, #tpu.memory_space<hbm>>
      %dma_start3A_30 = tpu.memref_slice %arg4[%multiple_of3A] : memref<320000xi32, #tpu.memory_space<hbm>> -> memref<10000xi32, #tpu.memory_space<hbm>>
      tpu.enqueue_dma source(%dma_start3A_30 : memref<10000xi32, #tpu.memory_space<hbm>>) target(%arg8 : memref<10000xi32, #tpu.memory_space<vmem>>) target_semaphore(%run_scoped3A : memref<!tpu.dma_semaphore, #tpu.memory_space<semaphore_mem>>)
      %dma_wait3A = tpu.memref_slice %arg4[%multiple_of3A] : memref<320000xi32, #tpu.memory_space<hbm>> -> memref<10000xi32, #tpu.memory_space<hbm>>
      %dma_wait3A_31 = tpu.memref_slice %arg4[%multiple_of3A] : memref<320000xi32, #tpu.memory_space<hbm>> -> memref<10000xi32, #tpu.memory_space<hbm>>
      tpu.wait_dma2 semaphore(%run_scoped3A : memref<!tpu.dma_semaphore, #tpu.memory_space<semaphore_mem>>) src(%dma_wait3A_31 : memref<10000xi32, #tpu.memory_space<hbm>>) dst(%arg8 : memref<10000xi32, #tpu.memory_space<vmem>>)
      tpu.yield
    }) : () -> ()
    "tpu.region"() ({
      %run_scoped3A = tpu.sem_alloc : memref<!tpu.dma_semaphore, #tpu.memory_space<semaphore_mem>>
      %dma_start3A = tpu.memref_slice %arg5[%multiple_of3A] : memref<320000xi32, #tpu.memory_space<hbm>> -> memref<10000xi32, #tpu.memory_space<hbm>>
      %dma_start3A_30 = tpu.memref_slice %arg5[%multiple_of3A] : memref<320000xi32, #tpu.memory_space<hbm>> -> memref<10000xi32, #tpu.memory_space<hbm>>
      tpu.enqueue_dma source(%dma_start3A_30 : memref<10000xi32, #tpu.memory_space<hbm>>) target(%arg9 : memref<10000xi32, #tpu.memory_space<vmem>>) target_semaphore(%run_scoped3A : memref<!tpu.dma_semaphore, #tpu.memory_space<semaphore_mem>>)
      %dma_wait3A = tpu.memref_slice %arg5[%multiple_of3A] : memref<320000xi32, #tpu.memory_space<hbm>> -> memref<10000xi32, #tpu.memory_space<hbm>>
      %dma_wait3A_31 = tpu.memref_slice %arg5[%multiple_of3A] : memref<320000xi32, #tpu.memory_space<hbm>> -> memref<10000xi32, #tpu.memory_space<hbm>>
      tpu.wait_dma2 semaphore(%run_scoped3A : memref<!tpu.dma_semaphore, #tpu.memory_space<semaphore_mem>>) src(%dma_wait3A_31 : memref<10000xi32, #tpu.memory_space<hbm>>) dst(%arg9 : memref<10000xi32, #tpu.memory_space<vmem>>)
      tpu.yield
    }) : () -> ()
    %scan3A = arith.constant 0 : i32
    %scan3A_9 = arith.constant 0 : i32
    %scan3A_10 = arith.constant 125 : i32
    %scan3A_11 = arith.addi %scan3A_9, %scan3A_10 : i32
    %scan3A_12 = arith.constant 1 : i32
    %scan3A_13 = scf.for %scan3A_30 = %scan3A_9 to %scan3A_11 step %scan3A_12 iter_args(%scan3A_31 = %scan3A) -> (i32)  : i32 {
      %mul3A_32 = arith.constant 80 : i32
      %mul3A_33 = arith.muli %scan3A_30, %mul3A_32 : i32
      %dma_start3A = tpu.memref_slice %arg8[%mul3A_33] : memref<10000xi32, #tpu.memory_space<vmem>> -> memref<80xi32, #tpu.memory_space<vmem>>
      %dma_start3A_34 = arith.constant 0 : i32
      %dma_start3A_35 = arith.constant 0 : i32
      %dma_start3A_36 = tpu.memref_slice %arg2[%dma_start3A_34, %dma_start3A_35] : memref<10000x128xf32, #tpu.memory_space<hbm>> -> memref<10000x128xf32, #tpu.memory_space<hbm>>
      tpu.enqueue_indirect_dma source(%dma_start3A_36 : memref<10000x128xf32, #tpu.memory_space<hbm>>) target(%arg11 : memref<80x128xf32, #tpu.memory_space<vmem>>) offsets(%dma_start3A : memref<80xi32, #tpu.memory_space<vmem>>) semaphore(%arg15 : memref<!tpu.dma_semaphore, #tpu.memory_space<semaphore_mem>>)
      %dma_start3A_37 = tpu.memref_slice %arg9[%mul3A_33] : memref<10000xi32, #tpu.memory_space<vmem>> -> memref<80xi32, #tpu.memory_space<vmem>>
      %dma_start3A_38 = arith.constant 0 : i32
      %dma_start3A_39 = arith.constant 0 : i32
      %dma_start3A_40 = tpu.memref_slice %arg3[%dma_start3A_38, %dma_start3A_39] : memref<10000x128xf32, #tpu.memory_space<hbm>> -> memref<10000x128xf32, #tpu.memory_space<hbm>>
      tpu.enqueue_indirect_dma source(%dma_start3A_40 : memref<10000x128xf32, #tpu.memory_space<hbm>>) target(%arg12 : memref<80x128xf32, #tpu.memory_space<vmem>>) offsets(%dma_start3A_37 : memref<80xi32, #tpu.memory_space<vmem>>) semaphore(%arg16 : memref<!tpu.dma_semaphore, #tpu.memory_space<semaphore_mem>>)
      %dma_wait3A = tpu.memref_slice %arg8[%mul3A_33] : memref<10000xi32, #tpu.memory_space<vmem>> -> memref<80xi32, #tpu.memory_space<vmem>>
      %dma_wait3A_41 = arith.constant 0 : i32
      %dma_wait3A_42 = arith.constant 0 : i32
      %dma_wait3A_43 = tpu.memref_slice %arg2[%dma_wait3A_41, %dma_wait3A_42] : memref<10000x128xf32, #tpu.memory_space<hbm>> -> memref<10000x128xf32, #tpu.memory_space<hbm>>
      tpu.wait_indirect_dma semaphore(%arg15 : memref<!tpu.dma_semaphore, #tpu.memory_space<semaphore_mem>>) src(%dma_wait3A_43 : memref<10000x128xf32, #tpu.memory_space<hbm>>) dst(%arg11 : memref<80x128xf32, #tpu.memory_space<vmem>>)
      %dma_wait3A_44 = tpu.memref_slice %arg9[%mul3A_33] : memref<10000xi32, #tpu.memory_space<vmem>> -> memref<80xi32, #tpu.memory_space<vmem>>
      %dma_wait3A_45 = arith.constant 0 : i32
      %dma_wait3A_46 = arith.constant 0 : i32
      %dma_wait3A_47 = tpu.memref_slice %arg3[%dma_wait3A_45, %dma_wait3A_46] : memref<10000x128xf32, #tpu.memory_space<hbm>> -> memref<10000x128xf32, #tpu.memory_space<hbm>>
      tpu.wait_indirect_dma semaphore(%arg16 : memref<!tpu.dma_semaphore, #tpu.memory_space<semaphore_mem>>) src(%dma_wait3A_47 : memref<10000x128xf32, #tpu.memory_space<hbm>>) dst(%arg12 : memref<80x128xf32, #tpu.memory_space<vmem>>)
      %scan3A_48 = arith.constant 0 : i32
      %scan3A_49 = arith.constant 0 : i32
      %scan3A_50 = arith.constant 5 : i32
      %scan3A_51 = arith.addi %scan3A_49, %scan3A_50 : i32
      %scan3A_52 = arith.constant 1 : i32
      %scan3A_53 = scf.for %scan3A_56 = %scan3A_49 to %scan3A_51 step %scan3A_52 iter_args(%scan3A_57 = %scan3A_48) -> (i32)  : i32 {
        %mul3A_58 = arith.constant 16 : i32
        %mul3A_59 = arith.muli %scan3A_56, %mul3A_58 : i32
        %add3A_60 = arith.constant 0 : i32
        %add3A_61 = arith.addi %mul3A_59, %add3A_60 : i32
        %broadcast_in_dim3A_62 = arith.constant 0.000000e+00 : f32
        %broadcast_in_dim3A_63 = vector.broadcast %broadcast_in_dim3A_62 : f32 to vector<16xf32>
        %get3A = arith.index_cast %add3A_61 : i32 to index
        %get3A_64 = arith.constant 0 : index
        %get3A_65 = tpu.vector_load %arg11[%get3A, %get3A_64] {strides = array<i32>} : memref<80x128xf32, #tpu.memory_space<vmem>>, vector<16xf32>,
        %get3A_66 = arith.index_cast %add3A_61 : i32 to index
        %get3A_67 = arith.constant 0 : index
        %get3A_68 = tpu.vector_load %arg12[%get3A_66, %get3A_67] {strides = array<i32>} : memref<80x128xf32, #tpu.memory_space<vmem>>, vector<16xf32>,
        %sub3A = arith.subf %get3A_65, %get3A_68 : vector<16xf32>
        %ge3A = arith.constant 0.000000e+00 : f32
        %ge3A_69 = vector.broadcast %ge3A : f32 to vector<16xf32>
        %ge3A_70 = arith.cmpf oge, %sub3A, %ge3A_69 : vector<16xf32>
        %mul3A_71 = arith.constant 0.00999999977 : f32
        %mul3A_72 = vector.broadcast %mul3A_71 : f32 to vector<16xf32>
        %mul3A_73 = arith.mulf %mul3A_72, %sub3A : vector<16xf32>
        %select_n3A = arith.select %ge3A_70, %sub3A, %mul3A_73 : vector<16xi1>, vector<16xf32>
        %add3A_74 = arith.addf %broadcast_in_dim3A_63, %select_n3A : vector<16xf32>
        %get3A_75 = arith.index_cast %add3A_61 : i32 to index
        %get3A_76 = arith.constant 16 : index
        %get3A_77 = tpu.vector_load %arg11[%get3A_75, %get3A_76] {strides = array<i32>} : memref<80x128xf32, #tpu.memory_space<vmem>>, vector<16xf32>,
        %get3A_78 = arith.index_cast %add3A_61 : i32 to index
        %get3A_79 = arith.constant 16 : index
        %get3A_80 = tpu.vector_load %arg12[%get3A_78, %get3A_79] {strides = array<i32>} : memref<80x128xf32, #tpu.memory_space<vmem>>, vector<16xf32>,
        %sub3A_81 = arith.subf %get3A_77, %get3A_80 : vector<16xf32>
        %ge3A_82 = arith.constant 0.000000e+00 : f32
        %ge3A_83 = vector.broadcast %ge3A_82 : f32 to vector<16xf32>
        %ge3A_84 = arith.cmpf oge, %sub3A_81, %ge3A_83 : vector<16xf32>
        %mul3A_85 = arith.constant 0.00999999977 : f32
        %mul3A_86 = vector.broadcast %mul3A_85 : f32 to vector<16xf32>
        %mul3A_87 = arith.mulf %mul3A_86, %sub3A_81 : vector<16xf32>
        %select_n3A_88 = arith.select %ge3A_84, %sub3A_81, %mul3A_87 : vector<16xi1>, vector<16xf32>
        %add3A_89 = arith.addf %add3A_74, %select_n3A_88 : vector<16xf32>
        %get3A_90 = arith.index_cast %add3A_61 : i32 to index
        %get3A_91 = arith.constant 32 : index
        %get3A_92 = tpu.vector_load %arg11[%get3A_90, %get3A_91] {strides = array<i32>} : memref<80x128xf32, #tpu.memory_space<vmem>>, vector<16xf32>,
        %get3A_93 = arith.index_cast %add3A_61 : i32 to index
        %get3A_94 = arith.constant 32 : index
        %get3A_95 = tpu.vector_load %arg12[%get3A_93, %get3A_94] {strides = array<i32>} : memref<80x128xf32, #tpu.memory_space<vmem>>, vector<16xf32>,
        %sub3A_96 = arith.subf %get3A_92, %get3A_95 : vector<16xf32>
        %ge3A_97 = arith.constant 0.000000e+00 : f32
        %ge3A_98 = vector.broadcast %ge3A_97 : f32 to vector<16xf32>
        %ge3A_99 = arith.cmpf oge, %sub3A_96, %ge3A_98 : vector<16xf32>
        %mul3A_100 = arith.constant 0.00999999977 : f32
        %mul3A_101 = vector.broadcast %mul3A_100 : f32 to vector<16xf32>
        %mul3A_102 = arith.mulf %mul3A_101, %sub3A_96 : vector<16xf32>
        %select_n3A_103 = arith.select %ge3A_99, %sub3A_96, %mul3A_102 : vector<16xi1>, vector<16xf32>
        %add3A_104 = arith.addf %add3A_89, %select_n3A_103 : vector<16xf32>
        %get3A_105 = arith.index_cast %add3A_61 : i32 to index
        %get3A_106 = arith.constant 48 : index
        %get3A_107 = tpu.vector_load %arg11[%get3A_105, %get3A_106] {strides = array<i32>} : memref<80x128xf32, #tpu.memory_space<vmem>>, vector<16xf32>,
        %get3A_108 = arith.index_cast %add3A_61 : i32 to index
        %get3A_109 = arith.constant 48 : index
        %get3A_110 = tpu.vector_load %arg12[%get3A_108, %get3A_109] {strides = array<i32>} : memref<80x128xf32, #tpu.memory_space<vmem>>, vector<16xf32>,
        %sub3A_111 = arith.subf %get3A_107, %get3A_110 : vector<16xf32>
        %ge3A_112 = arith.constant 0.000000e+00 : f32
        %ge3A_113 = vector.broadcast %ge3A_112 : f32 to vector<16xf32>
        %ge3A_114 = arith.cmpf oge, %sub3A_111, %ge3A_113 : vector<16xf32>
        %mul3A_115 = arith.constant 0.00999999977 : f32
        %mul3A_116 = vector.broadcast %mul3A_115 : f32 to vector<16xf32>
        %mul3A_117 = arith.mulf %mul3A_116, %sub3A_111 : vector<16xf32>
        %select_n3A_118 = arith.select %ge3A_114, %sub3A_111, %mul3A_117 : vector<16xi1>, vector<16xf32>
        %add3A_119 = arith.addf %add3A_104, %select_n3A_118 : vector<16xf32>
        %get3A_120 = arith.index_cast %add3A_61 : i32 to index
        %get3A_121 = arith.constant 64 : index
        %get3A_122 = tpu.vector_load %arg11[%get3A_120, %get3A_121] {strides = array<i32>} : memref<80x128xf32, #tpu.memory_space<vmem>>, vector<16xf32>,
        %get3A_123 = arith.index_cast %add3A_61 : i32 to index
        %get3A_124 = arith.constant 64 : index
        %get3A_125 = tpu.vector_load %arg12[%get3A_123, %get3A_124] {strides = array<i32>} : memref<80x128xf32, #tpu.memory_space<vmem>>, vector<16xf32>,
        %sub3A_126 = arith.subf %get3A_122, %get3A_125 : vector<16xf32>
        %ge3A_127 = arith.constant 0.000000e+00 : f32
        %ge3A_128 = vector.broadcast %ge3A_127 : f32 to vector<16xf32>
        %ge3A_129 = arith.cmpf oge, %sub3A_126, %ge3A_128 : vector<16xf32>
        %mul3A_130 = arith.constant 0.00999999977 : f32
        %mul3A_131 = vector.broadcast %mul3A_130 : f32 to vector<16xf32>
        %mul3A_132 = arith.mulf %mul3A_131, %sub3A_126 : vector<16xf32>
        %select_n3A_133 = arith.select %ge3A_129, %sub3A_126, %mul3A_132 : vector<16xi1>, vector<16xf32>
        %add3A_134 = arith.addf %add3A_119, %select_n3A_133 : vector<16xf32>
        %get3A_135 = arith.index_cast %add3A_61 : i32 to index
        %get3A_136 = arith.constant 80 : index
        %get3A_137 = tpu.vector_load %arg11[%get3A_135, %get3A_136] {strides = array<i32>} : memref<80x128xf32, #tpu.memory_space<vmem>>, vector<16xf32>,
        %get3A_138 = arith.index_cast %add3A_61 : i32 to index
        %get3A_139 = arith.constant 80 : index
        %get3A_140 = tpu.vector_load %arg12[%get3A_138, %get3A_139] {strides = array<i32>} : memref<80x128xf32, #tpu.memory_space<vmem>>, vector<16xf32>,
        %sub3A_141 = arith.subf %get3A_137, %get3A_140 : vector<16xf32>
        %ge3A_142 = arith.constant 0.000000e+00 : f32
        %ge3A_143 = vector.broadcast %ge3A_142 : f32 to vector<16xf32>
        %ge3A_144 = arith.cmpf oge, %sub3A_141, %ge3A_143 : vector<16xf32>
        %mul3A_145 = arith.constant 0.00999999977 : f32
        %mul3A_146 = vector.broadcast %mul3A_145 : f32 to vector<16xf32>
        %mul3A_147 = arith.mulf %mul3A_146, %sub3A_141 : vector<16xf32>
        %select_n3A_148 = arith.select %ge3A_144, %sub3A_141, %mul3A_147 : vector<16xi1>, vector<16xf32>
        %add3A_149 = arith.addf %add3A_134, %select_n3A_148 : vector<16xf32>
        %get3A_150 = arith.index_cast %add3A_61 : i32 to index
        %get3A_151 = arith.constant 96 : index
        %get3A_152 = tpu.vector_load %arg11[%get3A_150, %get3A_151] {strides = array<i32>} : memref<80x128xf32, #tpu.memory_space<vmem>>, vector<16xf32>,
        %get3A_153 = arith.index_cast %add3A_61 : i32 to index
        %get3A_154 = arith.constant 96 : index
        %get3A_155 = tpu.vector_load %arg12[%get3A_153, %get3A_154] {strides = array<i32>} : memref<80x128xf32, #tpu.memory_space<vmem>>, vector<16xf32>,
        %sub3A_156 = arith.subf %get3A_152, %get3A_155 : vector<16xf32>
        %ge3A_157 = arith.constant 0.000000e+00 : f32
        %ge3A_158 = vector.broadcast %ge3A_157 : f32 to vector<16xf32>
        %ge3A_159 = arith.cmpf oge, %sub3A_156, %ge3A_158 : vector<16xf32>
        %mul3A_160 = arith.constant 0.00999999977 : f32
        %mul3A_161 = vector.broadcast %mul3A_160 : f32 to vector<16xf32>
        %mul3A_162 = arith.mulf %mul3A_161, %sub3A_156 : vector<16xf32>
        %select_n3A_163 = arith.select %ge3A_159, %sub3A_156, %mul3A_162 : vector<16xi1>, vector<16xf32>
        %add3A_164 = arith.addf %add3A_149, %select_n3A_163 : vector<16xf32>
        %get3A_165 = arith.index_cast %add3A_61 : i32 to index
        %get3A_166 = arith.constant 112 : index
        %get3A_167 = tpu.vector_load %arg11[%get3A_165, %get3A_166] {strides = array<i32>} : memref<80x128xf32, #tpu.memory_space<vmem>>, vector<16xf32>,
        %get3A_168 = arith.index_cast %add3A_61 : i32 to index
        %get3A_169 = arith.constant 112 : index
        %get3A_170 = tpu.vector_load %arg12[%get3A_168, %get3A_169] {strides = array<i32>} : memref<80x128xf32, #tpu.memory_space<vmem>>, vector<16xf32>,
        %sub3A_171 = arith.subf %get3A_167, %get3A_170 : vector<16xf32>
        %ge3A_172 = arith.constant 0.000000e+00 : f32
        %ge3A_173 = vector.broadcast %ge3A_172 : f32 to vector<16xf32>
        %ge3A_174 = arith.cmpf oge, %sub3A_171, %ge3A_173 : vector<16xf32>
        %mul3A_175 = arith.constant 0.00999999977 : f32
        %mul3A_176 = vector.broadcast %mul3A_175 : f32 to vector<16xf32>
        %mul3A_177 = arith.mulf %mul3A_176, %sub3A_171 : vector<16xf32>
        %select_n3A_178 = arith.select %ge3A_174, %sub3A_171, %mul3A_177 : vector<16xi1>, vector<16xf32>
        %add3A_179 = arith.addf %add3A_164, %select_n3A_178 : vector<16xf32>
        %swap3A = arith.constant 0 : index
        %swap3A_180 = tpu.vector_load %arg14[%swap3A] {strides = array<i32>} : memref<256xf32, #tpu.memory_space<vmem>>, vector<16xf32>,
        tpu.vector_store %arg14[%swap3A], %add3A_179 {strides = array<i32>} : memref<256xf32, #tpu.memory_space<vmem>>, vector<16xf32>,
        %mul3A_181 = arith.constant 16 : i32
        %mul3A_182 = arith.muli %scan3A_56, %mul3A_181 : i32
        %add3A_183 = arith.constant 1 : i32
        %add3A_184 = arith.addi %mul3A_182, %add3A_183 : i32
        %broadcast_in_dim3A_185 = arith.constant 0.000000e+00 : f32
        %broadcast_in_dim3A_186 = vector.broadcast %broadcast_in_dim3A_185 : f32 to vector<16xf32>
        %get3A_187 = arith.index_cast %add3A_184 : i32 to index
        %get3A_188 = arith.constant 0 : index
        %get3A_189 = tpu.vector_load %arg11[%get3A_187, %get3A_188] {strides = array<i32>} : memref<80x128xf32, #tpu.memory_space<vmem>>, vector<16xf32>,
        %get3A_190 = arith.index_cast %add3A_184 : i32 to index
        %get3A_191 = arith.constant 0 : index
        %get3A_192 = tpu.vector_load %arg12[%get3A_190, %get3A_191] {strides = array<i32>} : memref<80x128xf32, #tpu.memory_space<vmem>>, vector<16xf32>,
        %sub3A_193 = arith.subf %get3A_189, %get3A_192 : vector<16xf32>
        %ge3A_194 = arith.constant 0.000000e+00 : f32
        %ge3A_195 = vector.broadcast %ge3A_194 : f32 to vector<16xf32>
        %ge3A_196 = arith.cmpf oge, %sub3A_193, %ge3A_195 : vector<16xf32>
        %mul3A_197 = arith.constant 0.00999999977 : f32
        %mul3A_198 = vector.broadcast %mul3A_197 : f32 to vector<16xf32>
        %mul3A_199 = arith.mulf %mul3A_198, %sub3A_193 : vector<16xf32>
        %select_n3A_200 = arith.select %ge3A_196, %sub3A_193, %mul3A_199 : vector<16xi1>, vector<16xf32>
        %add3A_201 = arith.addf %broadcast_in_dim3A_186, %select_n3A_200 : vector<16xf32>
        %get3A_202 = arith.index_cast %add3A_184 : i32 to index
        %get3A_203 = arith.constant 16 : index
        %get3A_204 = tpu.vector_load %arg11[%get3A_202, %get3A_203] {strides = array<i32>} : memref<80x128xf32, #tpu.memory_space<vmem>>, vector<16xf32>,
        %get3A_205 = arith.index_cast %add3A_184 : i32 to index
        %get3A_206 = arith.constant 16 : index
        %get3A_207 = tpu.vector_load %arg12[%get3A_205, %get3A_206] {strides = array<i32>} : memref<80x128xf32, #tpu.memory_space<vmem>>, vector<16xf32>,
        %sub3A_208 = arith.subf %get3A_204, %get3A_207 : vector<16xf32>
        %ge3A_209 = arith.constant 0.000000e+00 : f32
        %ge3A_210 = vector.broadcast %ge3A_209 : f32 to vector<16xf32>
        %ge3A_211 = arith.cmpf oge, %sub3A_208, %ge3A_210 : vector<16xf32>
        %mul3A_212 = arith.constant 0.00999999977 : f32
        %mul3A_213 = vector.broadcast %mul3A_212 : f32 to vector<16xf32>
        %mul3A_214 = arith.mulf %mul3A_213, %sub3A_208 : vector<16xf32>
        %select_n3A_215 = arith.select %ge3A_211, %sub3A_208, %mul3A_214 : vector<16xi1>, vector<16xf32>
        %add3A_216 = arith.addf %add3A_201, %select_n3A_215 : vector<16xf32>
        %get3A_217 = arith.index_cast %add3A_184 : i32 to index
        %get3A_218 = arith.constant 32 : index
        %get3A_219 = tpu.vector_load %arg11[%get3A_217, %get3A_218] {strides = array<i32>} : memref<80x128xf32, #tpu.memory_space<vmem>>, vector<16xf32>,
        %get3A_220 = arith.index_cast %add3A_184 : i32 to index
        %get3A_221 = arith.constant 32 : index
        %get3A_222 = tpu.vector_load %arg12[%get3A_220, %get3A_221] {strides = array<i32>} : memref<80x128xf32, #tpu.memory_space<vmem>>, vector<16xf32>,
        %sub3A_223 = arith.subf %get3A_219, %get3A_222 : vector<16xf32>
        %ge3A_224 = arith.constant 0.000000e+00 : f32
        %ge3A_225 = vector.broadcast %ge3A_224 : f32 to vector<16xf32>
        %ge3A_226 = arith.cmpf oge, %sub3A_223, %ge3A_225 : vector<16xf32>
        %mul3A_227 = arith.constant 0.00999999977 : f32
        %mul3A_228 = vector.broadcast %mul3A_227 : f32 to vector<16xf32>
        %mul3A_229 = arith.mulf %mul3A_228, %sub3A_223 : vector<16xf32>
        %select_n3A_230 = arith.select %ge3A_226, %sub3A_223, %mul3A_229 : vector<16xi1>, vector<16xf32>
        %add3A_231 = arith.addf %add3A_216, %select_n3A_230 : vector<16xf32>
        %get3A_232 = arith.index_cast %add3A_184 : i32 to index
        %get3A_233 = arith.constant 48 : index
        %get3A_234 = tpu.vector_load %arg11[%get3A_232, %get3A_233] {strides = array<i32>} : memref<80x128xf32, #tpu.memory_space<vmem>>, vector<16xf32>,
        %get3A_235 = arith.index_cast %add3A_184 : i32 to index
        %get3A_236 = arith.constant 48 : index
        %get3A_237 = tpu.vector_load %arg12[%get3A_235, %get3A_236] {strides = array<i32>} : memref<80x128xf32, #tpu.memory_space<vmem>>, vector<16xf32>,
        %sub3A_238 = arith.subf %get3A_234, %get3A_237 : vector<16xf32>
        %ge3A_239 = arith.constant 0.000000e+00 : f32
        %ge3A_240 = vector.broadcast %ge3A_239 : f32 to vector<16xf32>
        %ge3A_241 = arith.cmpf oge, %sub3A_238, %ge3A_240 : vector<16xf32>
        %mul3A_242 = arith.constant 0.00999999977 : f32
        %mul3A_243 = vector.broadcast %mul3A_242 : f32 to vector<16xf32>
        %mul3A_244 = arith.mulf %mul3A_243, %sub3A_238 : vector<16xf32>
        %select_n3A_245 = arith.select %ge3A_241, %sub3A_238, %mul3A_244 : vector<16xi1>, vector<16xf32>
        %add3A_246 = arith.addf %add3A_231, %select_n3A_245 : vector<16xf32>
        %get3A_247 = arith.index_cast %add3A_184 : i32 to index
        %get3A_248 = arith.constant 64 : index
        %get3A_249 = tpu.vector_load %arg11[%get3A_247, %get3A_248] {strides = array<i32>} : memref<80x128xf32, #tpu.memory_space<vmem>>, vector<16xf32>,
        %get3A_250 = arith.index_cast %add3A_184 : i32 to index
        %get3A_251 = arith.constant 64 : index
        %get3A_252 = tpu.vector_load %arg12[%get3A_250, %get3A_251] {strides = array<i32>} : memref<80x128xf32, #tpu.memory_space<vmem>>, vector<16xf32>,
        %sub3A_253 = arith.subf %get3A_249, %get3A_252 : vector<16xf32>
        %ge3A_254 = arith.constant 0.000000e+00 : f32
        %ge3A_255 = vector.broadcast %ge3A_254 : f32 to vector<16xf32>
        %ge3A_256 = arith.cmpf oge, %sub3A_253, %ge3A_255 : vector<16xf32>
        %mul3A_257 = arith.constant 0.00999999977 : f32
        %mul3A_258 = vector.broadcast %mul3A_257 : f32 to vector<16xf32>
        %mul3A_259 = arith.mulf %mul3A_258, %sub3A_253 : vector<16xf32>
        %select_n3A_260 = arith.select %ge3A_256, %sub3A_253, %mul3A_259 : vector<16xi1>, vector<16xf32>
        %add3A_261 = arith.addf %add3A_246, %select_n3A_260 : vector<16xf32>
        %get3A_262 = arith.index_cast %add3A_184 : i32 to index
        %get3A_263 = arith.constant 80 : index
        %get3A_264 = tpu.vector_load %arg11[%get3A_262, %get3A_263] {strides = array<i32>} : memref<80x128xf32, #tpu.memory_space<vmem>>, vector<16xf32>,
        %get3A_265 = arith.index_cast %add3A_184 : i32 to index
        %get3A_266 = arith.constant 80 : index
        %get3A_267 = tpu.vector_load %arg12[%get3A_265, %get3A_266] {strides = array<i32>} : memref<80x128xf32, #tpu.memory_space<vmem>>, vector<16xf32>,
        %sub3A_268 = arith.subf %get3A_264, %get3A_267 : vector<16xf32>
        %ge3A_269 = arith.constant 0.000000e+00 : f32
        %ge3A_270 = vector.broadcast %ge3A_269 : f32 to vector<16xf32>
        %ge3A_271 = arith.cmpf oge, %sub3A_268, %ge3A_270 : vector<16xf32>
        %mul3A_272 = arith.constant 0.00999999977 : f32
        %mul3A_273 = vector.broadcast %mul3A_272 : f32 to vector<16xf32>
        %mul3A_274 = arith.mulf %mul3A_273, %sub3A_268 : vector<16xf32>
        %select_n3A_275 = arith.select %ge3A_271, %sub3A_268, %mul3A_274 : vector<16xi1>, vector<16xf32>
        %add3A_276 = arith.addf %add3A_261, %select_n3A_275 : vector<16xf32>
        %get3A_277 = arith.index_cast %add3A_184 : i32 to index
        %get3A_278 = arith.constant 96 : index
        %get3A_279 = tpu.vector_load %arg11[%get3A_277, %get3A_278] {strides = array<i32>} : memref<80x128xf32, #tpu.memory_space<vmem>>, vector<16xf32>,
        %get3A_280 = arith.index_cast %add3A_184 : i32 to index
        %get3A_281 = arith.constant 96 : index
        %get3A_282 = tpu.vector_load %arg12[%get3A_280, %get3A_281] {strides = array<i32>} : memref<80x128xf32, #tpu.memory_space<vmem>>, vector<16xf32>,
        %sub3A_283 = arith.subf %get3A_279, %get3A_282 : vector<16xf32>
        %ge3A_284 = arith.constant 0.000000e+00 : f32
        %ge3A_285 = vector.broadcast %ge3A_284 : f32 to vector<16xf32>
        %ge3A_286 = arith.cmpf oge, %sub3A_283, %ge3A_285 : vector<16xf32>
        %mul3A_287 = arith.constant 0.00999999977 : f32
        %mul3A_288 = vector.broadcast %mul3A_287 : f32 to vector<16xf32>
        %mul3A_289 = arith.mulf %mul3A_288, %sub3A_283 : vector<16xf32>
        %select_n3A_290 = arith.select %ge3A_286, %sub3A_283, %mul3A_289 : vector<16xi1>, vector<16xf32>
        %add3A_291 = arith.addf %add3A_276, %select_n3A_290 : vector<16xf32>
        %get3A_292 = arith.index_cast %add3A_184 : i32 to index
        %get3A_293 = arith.constant 112 : index
        %get3A_294 = tpu.vector_load %arg11[%get3A_292, %get3A_293] {strides = array<i32>} : memref<80x128xf32, #tpu.memory_space<vmem>>, vector<16xf32>,
        %get3A_295 = arith.index_cast %add3A_184 : i32 to index
        %get3A_296 = arith.constant 112 : index
        %get3A_297 = tpu.vector_load %arg12[%get3A_295, %get3A_296] {strides = array<i32>} : memref<80x128xf32, #tpu.memory_space<vmem>>, vector<16xf32>,
        %sub3A_298 = arith.subf %get3A_294, %get3A_297 : vector<16xf32>
        %ge3A_299 = arith.constant 0.000000e+00 : f32
        %ge3A_300 = vector.broadcast %ge3A_299 : f32 to vector<16xf32>
        %ge3A_301 = arith.cmpf oge, %sub3A_298, %ge3A_300 : vector<16xf32>
        %mul3A_302 = arith.constant 0.00999999977 : f32
        %mul3A_303 = vector.broadcast %mul3A_302 : f32 to vector<16xf32>
        %mul3A_304 = arith.mulf %mul3A_303, %sub3A_298 : vector<16xf32>
        %select_n3A_305 = arith.select %ge3A_301, %sub3A_298, %mul3A_304 : vector<16xi1>, vector<16xf32>
        %add3A_306 = arith.addf %add3A_291, %select_n3A_305 : vector<16xf32>
        %swap3A_307 = arith.constant 16 : index
        %swap3A_308 = tpu.vector_load %arg14[%swap3A_307] {strides = array<i32>} : memref<256xf32, #tpu.memory_space<vmem>>, vector<16xf32>,
        tpu.vector_store %arg14[%swap3A_307], %add3A_306 {strides = array<i32>} : memref<256xf32, #tpu.memory_space<vmem>>, vector<16xf32>,
        %mul3A_309 = arith.constant 16 : i32
        %mul3A_310 = arith.muli %scan3A_56, %mul3A_309 : i32
        %add3A_311 = arith.constant 2 : i32
        %add3A_312 = arith.addi %mul3A_310, %add3A_311 : i32
        %broadcast_in_dim3A_313 = arith.constant 0.000000e+00 : f32
        %broadcast_in_dim3A_314 = vector.broadcast %broadcast_in_dim3A_313 : f32 to vector<16xf32>
        %get3A_315 = arith.index_cast %add3A_312 : i32 to index
        %get3A_316 = arith.constant 0 : index
        %get3A_317 = tpu.vector_load %arg11[%get3A_315, %get3A_316] {strides = array<i32>} : memref<80x128xf32, #tpu.memory_space<vmem>>, vector<16xf32>,
        %get3A_318 = arith.index_cast %add3A_312 : i32 to index
        %get3A_319 = arith.constant 0 : index
        %get3A_320 = tpu.vector_load %arg12[%get3A_318, %get3A_319] {strides = array<i32>} : memref<80x128xf32, #tpu.memory_space<vmem>>, vector<16xf32>,
        %sub3A_321 = arith.subf %get3A_317, %get3A_320 : vector<16xf32>
        %ge3A_322 = arith.constant 0.000000e+00 : f32
        %ge3A_323 = vector.broadcast %ge3A_322 : f32 to vector<16xf32>
        %ge3A_324 = arith.cmpf oge, %sub3A_321, %ge3A_323 : vector<16xf32>
        %mul3A_325 = arith.constant 0.00999999977 : f32
        %mul3A_326 = vector.broadcast %mul3A_325 : f32 to vector<16xf32>
        %mul3A_327 = arith.mulf %mul3A_326, %sub3A_321 : vector<16xf32>
        %select_n3A_328 = arith.select %ge3A_324, %sub3A_321, %mul3A_327 : vector<16xi1>, vector<16xf32>
        %add3A_329 = arith.addf %broadcast_in_dim3A_314, %select_n3A_328 : vector<16xf32>
        %get3A_330 = arith.index_cast %add3A_312 : i32 to index
        %get3A_331 = arith.constant 16 : index
        %get3A_332 = tpu.vector_load %arg11[%get3A_330, %get3A_331] {strides = array<i32>} : memref<80x128xf32, #tpu.memory_space<vmem>>, vector<16xf32>,
        %get3A_333 = arith.index_cast %add3A_312 : i32 to index
        %get3A_334 = arith.constant 16 : index
        %get3A_335 = tpu.vector_load %arg12[%get3A_333, %get3A_334] {strides = array<i32>} : memref<80x128xf32, #tpu.memory_space<vmem>>, vector<16xf32>,
        %sub3A_336 = arith.subf %get3A_332, %get3A_335 : vector<16xf32>
        %ge3A_337 = arith.constant 0.000000e+00 : f32
        %ge3A_338 = vector.broadcast %ge3A_337 : f32 to vector<16xf32>
        %ge3A_339 = arith.cmpf oge, %sub3A_336, %ge3A_338 : vector<16xf32>
        %mul3A_340 = arith.constant 0.00999999977 : f32
        %mul3A_341 = vector.broadcast %mul3A_340 : f32 to vector<16xf32>
        %mul3A_342 = arith.mulf %mul3A_341, %sub3A_336 : vector<16xf32>
        %select_n3A_343 = arith.select %ge3A_339, %sub3A_336, %mul3A_342 : vector<16xi1>, vector<16xf32>
        %add3A_344 = arith.addf %add3A_329, %select_n3A_343 : vector<16xf32>
        %get3A_345 = arith.index_cast %add3A_312 : i32 to index
        %get3A_346 = arith.constant 32 : index
        %get3A_347 = tpu.vector_load %arg11[%get3A_345, %get3A_346] {strides = array<i32>} : memref<80x128xf32, #tpu.memory_space<vmem>>, vector<16xf32>,
        %get3A_348 = arith.index_cast %add3A_312 : i32 to index
        %get3A_349 = arith.constant 32 : index
        %get3A_350 = tpu.vector_load %arg12[%get3A_348, %get3A_349] {strides = array<i32>} : memref<80x128xf32, #tpu.memory_space<vmem>>, vector<16xf32>,
        %sub3A_351 = arith.subf %get3A_347, %get3A_350 : vector<16xf32>
        %ge3A_352 = arith.constant 0.000000e+00 : f32
        %ge3A_353 = vector.broadcast %ge3A_352 : f32 to vector<16xf32>
        %ge3A_354 = arith.cmpf oge, %sub3A_351, %ge3A_353 : vector<16xf32>
        %mul3A_355 = arith.constant 0.00999999977 : f32
        %mul3A_356 = vector.broadcast %mul3A_355 : f32 to vector<16xf32>
        %mul3A_357 = arith.mulf %mul3A_356, %sub3A_351 : vector<16xf32>
        %select_n3A_358 = arith.select %ge3A_354, %sub3A_351, %mul3A_357 : vector<16xi1>, vector<16xf32>
        %add3A_359 = arith.addf %add3A_344, %select_n3A_358 : vector<16xf32>
        %get3A_360 = arith.index_cast %add3A_312 : i32 to index
        %get3A_361 = arith.constant 48 : index
        %get3A_362 = tpu.vector_load %arg11[%get3A_360, %get3A_361] {strides = array<i32>} : memref<80x128xf32, #tpu.memory_space<vmem>>, vector<16xf32>,
        %get3A_363 = arith.index_cast %add3A_312 : i32 to index
        %get3A_364 = arith.constant 48 : index
        %get3A_365 = tpu.vector_load %arg12[%get3A_363, %get3A_364] {strides = array<i32>} : memref<80x128xf32, #tpu.memory_space<vmem>>, vector<16xf32>,
        %sub3A_366 = arith.subf %get3A_362, %get3A_365 : vector<16xf32>
        %ge3A_367 = arith.constant 0.000000e+00 : f32
        %ge3A_368 = vector.broadcast %ge3A_367 : f32 to vector<16xf32>
        %ge3A_369 = arith.cmpf oge, %sub3A_366, %ge3A_368 : vector<16xf32>
        %mul3A_370 = arith.constant 0.00999999977 : f32
        %mul3A_371 = vector.broadcast %mul3A_370 : f32 to vector<16xf32>
        %mul3A_372 = arith.mulf %mul3A_371, %sub3A_366 : vector<16xf32>
        %select_n3A_373 = arith.select %ge3A_369, %sub3A_366, %mul3A_372 : vector<16xi1>, vector<16xf32>
        %add3A_374 = arith.addf %add3A_359, %select_n3A_373 : vector<16xf32>
        %get3A_375 = arith.index_cast %add3A_312 : i32 to index
        %get3A_376 = arith.constant 64 : index
        %get3A_377 = tpu.vector_load %arg11[%get3A_375, %get3A_376] {strides = array<i32>} : memref<80x128xf32, #tpu.memory_space<vmem>>, vector<16xf32>,
        %get3A_378 = arith.index_cast %add3A_312 : i32 to index
        %get3A_379 = arith.constant 64 : index
        %get3A_380 = tpu.vector_load %arg12[%get3A_378, %get3A_379] {strides = array<i32>} : memref<80x128xf32, #tpu.memory_space<vmem>>, vector<16xf32>,
        %sub3A_381 = arith.subf %get3A_377, %get3A_380 : vector<16xf32>
        %ge3A_382 = arith.constant 0.000000e+00 : f32
        %ge3A_383 = vector.broadcast %ge3A_382 : f32 to vector<16xf32>
        %ge3A_384 = arith.cmpf oge, %sub3A_381, %ge3A_383 : vector<16xf32>
        %mul3A_385 = arith.constant 0.00999999977 : f32
        %mul3A_386 = vector.broadcast %mul3A_385 : f32 to vector<16xf32>
        %mul3A_387 = arith.mulf %mul3A_386, %sub3A_381 : vector<16xf32>
        %select_n3A_388 = arith.select %ge3A_384, %sub3A_381, %mul3A_387 : vector<16xi1>, vector<16xf32>
        %add3A_389 = arith.addf %add3A_374, %select_n3A_388 : vector<16xf32>
        %get3A_390 = arith.index_cast %add3A_312 : i32 to index
        %get3A_391 = arith.constant 80 : index
        %get3A_392 = tpu.vector_load %arg11[%get3A_390, %get3A_391] {strides = array<i32>} : memref<80x128xf32, #tpu.memory_space<vmem>>, vector<16xf32>,
        %get3A_393 = arith.index_cast %add3A_312 : i32 to index
        %get3A_394 = arith.constant 80 : index
        %get3A_395 = tpu.vector_load %arg12[%get3A_393, %get3A_394] {strides = array<i32>} : memref<80x128xf32, #tpu.memory_space<vmem>>, vector<16xf32>,
        %sub3A_396 = arith.subf %get3A_392, %get3A_395 : vector<16xf32>
        %ge3A_397 = arith.constant 0.000000e+00 : f32
        %ge3A_398 = vector.broadcast %ge3A_397 : f32 to vector<16xf32>
        %ge3A_399 = arith.cmpf oge, %sub3A_396, %ge3A_398 : vector<16xf32>
        %mul3A_400 = arith.constant 0.00999999977 : f32
        %mul3A_401 = vector.broadcast %mul3A_400 : f32 to vector<16xf32>
        %mul3A_402 = arith.mulf %mul3A_401, %sub3A_396 : vector<16xf32>
        %select_n3A_403 = arith.select %ge3A_399, %sub3A_396, %mul3A_402 : vector<16xi1>, vector<16xf32>
        %add3A_404 = arith.addf %add3A_389, %select_n3A_403 : vector<16xf32>
        %get3A_405 = arith.index_cast %add3A_312 : i32 to index
        %get3A_406 = arith.constant 96 : index
        %get3A_407 = tpu.vector_load %arg11[%get3A_405, %get3A_406] {strides = array<i32>} : memref<80x128xf32, #tpu.memory_space<vmem>>, vector<16xf32>,
        %get3A_408 = arith.index_cast %add3A_312 : i32 to index
        %get3A_409 = arith.constant 96 : index
        %get3A_410 = tpu.vector_load %arg12[%get3A_408, %get3A_409] {strides = array<i32>} : memref<80x128xf32, #tpu.memory_space<vmem>>, vector<16xf32>,
        %sub3A_411 = arith.subf %get3A_407, %get3A_410 : vector<16xf32>
        %ge3A_412 = arith.constant 0.000000e+00 : f32
        %ge3A_413 = vector.broadcast %ge3A_412 : f32 to vector<16xf32>
        %ge3A_414 = arith.cmpf oge, %sub3A_411, %ge3A_413 : vector<16xf32>
        %mul3A_415 = arith.constant 0.00999999977 : f32
        %mul3A_416 = vector.broadcast %mul3A_415 : f32 to vector<16xf32>
        %mul3A_417 = arith.mulf %mul3A_416, %sub3A_411 : vector<16xf32>
        %select_n3A_418 = arith.select %ge3A_414, %sub3A_411, %mul3A_417 : vector<16xi1>, vector<16xf32>
        %add3A_419 = arith.addf %add3A_404, %select_n3A_418 : vector<16xf32>
        %get3A_420 = arith.index_cast %add3A_312 : i32 to index
        %get3A_421 = arith.constant 112 : index
        %get3A_422 = tpu.vector_load %arg11[%get3A_420, %get3A_421] {strides = array<i32>} : memref<80x128xf32, #tpu.memory_space<vmem>>, vector<16xf32>,
        %get3A_423 = arith.index_cast %add3A_312 : i32 to index
        %get3A_424 = arith.constant 112 : index
        %get3A_425 = tpu.vector_load %arg12[%get3A_423, %get3A_424] {strides = array<i32>} : memref<80x128xf32, #tpu.memory_space<vmem>>, vector<16xf32>,
        %sub3A_426 = arith.subf %get3A_422, %get3A_425 : vector<16xf32>
        %ge3A_427 = arith.constant 0.000000e+00 : f32
        %ge3A_428 = vector.broadcast %ge3A_427 : f32 to vector<16xf32>
        %ge3A_429 = arith.cmpf oge, %sub3A_426, %ge3A_428 : vector<16xf32>
        %mul3A_430 = arith.constant 0.00999999977 : f32
        %mul3A_431 = vector.broadcast %mul3A_430 : f32 to vector<16xf32>
        %mul3A_432 = arith.mulf %mul3A_431, %sub3A_426 : vector<16xf32>
        %select_n3A_433 = arith.select %ge3A_429, %sub3A_426, %mul3A_432 : vector<16xi1>, vector<16xf32>
        %add3A_434 = arith.addf %add3A_419, %select_n3A_433 : vector<16xf32>
        %swap3A_435 = arith.constant 32 : index
        %swap3A_436 = tpu.vector_load %arg14[%swap3A_435] {strides = array<i32>} : memref<256xf32, #tpu.memory_space<vmem>>, vector<16xf32>,
        tpu.vector_store %arg14[%swap3A_435], %add3A_434 {strides = array<i32>} : memref<256xf32, #tpu.memory_space<vmem>>, vector<16xf32>,
        %mul3A_437 = arith.constant 16 : i32
        %mul3A_438 = arith.muli %scan3A_56, %mul3A_437 : i32
        %add3A_439 = arith.constant 3 : i32
        %add3A_440 = arith.addi %mul3A_438, %add3A_439 : i32
        %broadcast_in_dim3A_441 = arith.constant 0.000000e+00 : f32
        %broadcast_in_dim3A_442 = vector.broadcast %broadcast_in_dim3A_441 : f32 to vector<16xf32>
        %get3A_443 = arith.index_cast %add3A_440 : i32 to index
        %get3A_444 = arith.constant 0 : index
        %get3A_445 = tpu.vector_load %arg11[%get3A_443, %get3A_444] {strides = array<i32>} : memref<80x128xf32, #tpu.memory_space<vmem>>, vector<16xf32>,
        %get3A_446 = arith.index_cast %add3A_440 : i32 to index
        %get3A_447 = arith.constant 0 : index
        %get3A_448 = tpu.vector_load %arg12[%get3A_446, %get3A_447] {strides = array<i32>} : memref<80x128xf32, #tpu.memory_space<vmem>>, vector<16xf32>,
        %sub3A_449 = arith.subf %get3A_445, %get3A_448 : vector<16xf32>
        %ge3A_450 = arith.constant 0.000000e+00 : f32
        %ge3A_451 = vector.broadcast %ge3A_450 : f32 to vector<16xf32>
        %ge3A_452 = arith.cmpf oge, %sub3A_449, %ge3A_451 : vector<16xf32>
        %mul3A_453 = arith.constant 0.00999999977 : f32
        %mul3A_454 = vector.broadcast %mul3A_453 : f32 to vector<16xf32>
        %mul3A_455 = arith.mulf %mul3A_454, %sub3A_449 : vector<16xf32>
        %select_n3A_456 = arith.select %ge3A_452, %sub3A_449, %mul3A_455 : vector<16xi1>, vector<16xf32>
        %add3A_457 = arith.addf %broadcast_in_dim3A_442, %select_n3A_456 : vector<16xf32>
        %get3A_458 = arith.index_cast %add3A_440 : i32 to index
        %get3A_459 = arith.constant 16 : index
        %get3A_460 = tpu.vector_load %arg11[%get3A_458, %get3A_459] {strides = array<i32>} : memref<80x128xf32, #tpu.memory_space<vmem>>, vector<16xf32>,
        %get3A_461 = arith.index_cast %add3A_440 : i32 to index
        %get3A_462 = arith.constant 16 : index
        %get3A_463 = tpu.vector_load %arg12[%get3A_461, %get3A_462] {strides = array<i32>} : memref<80x128xf32, #tpu.memory_space<vmem>>, vector<16xf32>,
        %sub3A_464 = arith.subf %get3A_460, %get3A_463 : vector<16xf32>
        %ge3A_465 = arith.constant 0.000000e+00 : f32
        %ge3A_466 = vector.broadcast %ge3A_465 : f32 to vector<16xf32>
        %ge3A_467 = arith.cmpf oge, %sub3A_464, %ge3A_466 : vector<16xf32>
        %mul3A_468 = arith.constant 0.00999999977 : f32
        %mul3A_469 = vector.broadcast %mul3A_468 : f32 to vector<16xf32>
        %mul3A_470 = arith.mulf %mul3A_469, %sub3A_464 : vector<16xf32>
        %select_n3A_471 = arith.select %ge3A_467, %sub3A_464, %mul3A_470 : vector<16xi1>, vector<16xf32>
        %add3A_472 = arith.addf %add3A_457, %select_n3A_471 : vector<16xf32>
        %get3A_473 = arith.index_cast %add3A_440 : i32 to index
        %get3A_474 = arith.constant 32 : index
        %get3A_475 = tpu.vector_load %arg11[%get3A_473, %get3A_474] {strides = array<i32>} : memref<80x128xf32, #tpu.memory_space<vmem>>, vector<16xf32>,
        %get3A_476 = arith.index_cast %add3A_440 : i32 to index
        %get3A_477 = arith.constant 32 : index
        %get3A_478 = tpu.vector_load %arg12[%get3A_476, %get3A_477] {strides = array<i32>} : memref<80x128xf32, #tpu.memory_space<vmem>>, vector<16xf32>,
        %sub3A_479 = arith.subf %get3A_475, %get3A_478 : vector<16xf32>
        %ge3A_480 = arith.constant 0.000000e+00 : f32
        %ge3A_481 = vector.broadcast %ge3A_480 : f32 to vector<16xf32>
        %ge3A_482 = arith.cmpf oge, %sub3A_479, %ge3A_481 : vector<16xf32>
        %mul3A_483 = arith.constant 0.00999999977 : f32
        %mul3A_484 = vector.broadcast %mul3A_483 : f32 to vector<16xf32>
        %mul3A_485 = arith.mulf %mul3A_484, %sub3A_479 : vector<16xf32>
        %select_n3A_486 = arith.select %ge3A_482, %sub3A_479, %mul3A_485 : vector<16xi1>, vector<16xf32>
        %add3A_487 = arith.addf %add3A_472, %select_n3A_486 : vector<16xf32>
        %get3A_488 = arith.index_cast %add3A_440 : i32 to index
        %get3A_489 = arith.constant 48 : index
        %get3A_490 = tpu.vector_load %arg11[%get3A_488, %get3A_489] {strides = array<i32>} : memref<80x128xf32, #tpu.memory_space<vmem>>, vector<16xf32>,
        %get3A_491 = arith.index_cast %add3A_440 : i32 to index
        %get3A_492 = arith.constant 48 : index
        %get3A_493 = tpu.vector_load %arg12[%get3A_491, %get3A_492] {strides = array<i32>} : memref<80x128xf32, #tpu.memory_space<vmem>>, vector<16xf32>,
        %sub3A_494 = arith.subf %get3A_490, %get3A_493 : vector<16xf32>
        %ge3A_495 = arith.constant 0.000000e+00 : f32
        %ge3A_496 = vector.broadcast %ge3A_495 : f32 to vector<16xf32>
        %ge3A_497 = arith.cmpf oge, %sub3A_494, %ge3A_496 : vector<16xf32>
        %mul3A_498 = arith.constant 0.00999999977 : f32
        %mul3A_499 = vector.broadcast %mul3A_498 : f32 to vector<16xf32>
        %mul3A_500 = arith.mulf %mul3A_499, %sub3A_494 : vector<16xf32>
        %select_n3A_501 = arith.select %ge3A_497, %sub3A_494, %mul3A_500 : vector<16xi1>, vector<16xf32>
        %add3A_502 = arith.addf %add3A_487, %select_n3A_501 : vector<16xf32>
        %get3A_503 = arith.index_cast %add3A_440 : i32 to index
        %get3A_504 = arith.constant 64 : index
        %get3A_505 = tpu.vector_load %arg11[%get3A_503, %get3A_504] {strides = array<i32>} : memref<80x128xf32, #tpu.memory_space<vmem>>, vector<16xf32>,
        %get3A_506 = arith.index_cast %add3A_440 : i32 to index
        %get3A_507 = arith.constant 64 : index
        %get3A_508 = tpu.vector_load %arg12[%get3A_506, %get3A_507] {strides = array<i32>} : memref<80x128xf32, #tpu.memory_space<vmem>>, vector<16xf32>,
        %sub3A_509 = arith.subf %get3A_505, %get3A_508 : vector<16xf32>
        %ge3A_510 = arith.constant 0.000000e+00 : f32
        %ge3A_511 = vector.broadcast %ge3A_510 : f32 to vector<16xf32>
        %ge3A_512 = arith.cmpf oge, %sub3A_509, %ge3A_511 : vector<16xf32>
        %mul3A_513 = arith.constant 0.00999999977 : f32
        %mul3A_514 = vector.broadcast %mul3A_513 : f32 to vector<16xf32>
        %mul3A_515 = arith.mulf %mul3A_514, %sub3A_509 : vector<16xf32>
        %select_n3A_516 = arith.select %ge3A_512, %sub3A_509, %mul3A_515 : vector<16xi1>, vector<16xf32>
        %add3A_517 = arith.addf %add3A_502, %select_n3A_516 : vector<16xf32>
        %get3A_518 = arith.index_cast %add3A_440 : i32 to index
        %get3A_519 = arith.constant 80 : index
        %get3A_520 = tpu.vector_load %arg11[%get3A_518, %get3A_519] {strides = array<i32>} : memref<80x128xf32, #tpu.memory_space<vmem>>, vector<16xf32>,
        %get3A_521 = arith.index_cast %add3A_440 : i32 to index
        %get3A_522 = arith.constant 80 : index
        %get3A_523 = tpu.vector_load %arg12[%get3A_521, %get3A_522] {strides = array<i32>} : memref<80x128xf32, #tpu.memory_space<vmem>>, vector<16xf32>,
        %sub3A_524 = arith.subf %get3A_520, %get3A_523 : vector<16xf32>
        %ge3A_525 = arith.constant 0.000000e+00 : f32
        %ge3A_526 = vector.broadcast %ge3A_525 : f32 to vector<16xf32>
        %ge3A_527 = arith.cmpf oge, %sub3A_524, %ge3A_526 : vector<16xf32>
        %mul3A_528 = arith.constant 0.00999999977 : f32
        %mul3A_529 = vector.broadcast %mul3A_528 : f32 to vector<16xf32>
        %mul3A_530 = arith.mulf %mul3A_529, %sub3A_524 : vector<16xf32>
        %select_n3A_531 = arith.select %ge3A_527, %sub3A_524, %mul3A_530 : vector<16xi1>, vector<16xf32>
        %add3A_532 = arith.addf %add3A_517, %select_n3A_531 : vector<16xf32>
        %get3A_533 = arith.index_cast %add3A_440 : i32 to index
        %get3A_534 = arith.constant 96 : index
        %get3A_535 = tpu.vector_load %arg11[%get3A_533, %get3A_534] {strides = array<i32>} : memref<80x128xf32, #tpu.memory_space<vmem>>, vector<16xf32>,
        %get3A_536 = arith.index_cast %add3A_440 : i32 to index
        %get3A_537 = arith.constant 96 : index
        %get3A_538 = tpu.vector_load %arg12[%get3A_536, %get3A_537] {strides = array<i32>} : memref<80x128xf32, #tpu.memory_space<vmem>>, vector<16xf32>,
        %sub3A_539 = arith.subf %get3A_535, %get3A_538 : vector<16xf32>
        %ge3A_540 = arith.constant 0.000000e+00 : f32
        %ge3A_541 = vector.broadcast %ge3A_540 : f32 to vector<16xf32>
        %ge3A_542 = arith.cmpf oge, %sub3A_539, %ge3A_541 : vector<16xf32>
        %mul3A_543 = arith.constant 0.00999999977 : f32
        %mul3A_544 = vector.broadcast %mul3A_543 : f32 to vector<16xf32>
        %mul3A_545 = arith.mulf %mul3A_544, %sub3A_539 : vector<16xf32>
        %select_n3A_546 = arith.select %ge3A_542, %sub3A_539, %mul3A_545 : vector<16xi1>, vector<16xf32>
        %add3A_547 = arith.addf %add3A_532, %select_n3A_546 : vector<16xf32>
        %get3A_548 = arith.index_cast %add3A_440 : i32 to index
        %get3A_549 = arith.constant 112 : index
        %get3A_550 = tpu.vector_load %arg11[%get3A_548, %get3A_549] {strides = array<i32>} : memref<80x128xf32, #tpu.memory_space<vmem>>, vector<16xf32>,
        %get3A_551 = arith.index_cast %add3A_440 : i32 to index
        %get3A_552 = arith.constant 112 : index
        %get3A_553 = tpu.vector_load %arg12[%get3A_551, %get3A_552] {strides = array<i32>} : memref<80x128xf32, #tpu.memory_space<vmem>>, vector<16xf32>,
        %sub3A_554 = arith.subf %get3A_550, %get3A_553 : vector<16xf32>
        %ge3A_555 = arith.constant 0.000000e+00 : f32
        %ge3A_556 = vector.broadcast %ge3A_555 : f32 to vector<16xf32>
        %ge3A_557 = arith.cmpf oge, %sub3A_554, %ge3A_556 : vector<16xf32>
        %mul3A_558 = arith.constant 0.00999999977 : f32
        %mul3A_559 = vector.broadcast %mul3A_558 : f32 to vector<16xf32>
        %mul3A_560 = arith.mulf %mul3A_559, %sub3A_554 : vector<16xf32>
        %select_n3A_561 = arith.select %ge3A_557, %sub3A_554, %mul3A_560 : vector<16xi1>, vector<16xf32>
        %add3A_562 = arith.addf %add3A_547, %select_n3A_561 : vector<16xf32>
        %swap3A_563 = arith.constant 48 : index
        %swap3A_564 = tpu.vector_load %arg14[%swap3A_563] {strides = array<i32>} : memref<256xf32, #tpu.memory_space<vmem>>, vector<16xf32>,
        tpu.vector_store %arg14[%swap3A_563], %add3A_562 {strides = array<i32>} : memref<256xf32, #tpu.memory_space<vmem>>, vector<16xf32>,
        %mul3A_565 = arith.constant 16 : i32
        %mul3A_566 = arith.muli %scan3A_56, %mul3A_565 : i32
        %add3A_567 = arith.constant 4 : i32
        %add3A_568 = arith.addi %mul3A_566, %add3A_567 : i32
        %broadcast_in_dim3A_569 = arith.constant 0.000000e+00 : f32
        %broadcast_in_dim3A_570 = vector.broadcast %broadcast_in_dim3A_569 : f32 to vector<16xf32>
        %get3A_571 = arith.index_cast %add3A_568 : i32 to index
        %get3A_572 = arith.constant 0 : index
        %get3A_573 = tpu.vector_load %arg11[%get3A_571, %get3A_572] {strides = array<i32>} : memref<80x128xf32, #tpu.memory_space<vmem>>, vector<16xf32>,
        %get3A_574 = arith.index_cast %add3A_568 : i32 to index
        %get3A_575 = arith.constant 0 : index
        %get3A_576 = tpu.vector_load %arg12[%get3A_574, %get3A_575] {strides = array<i32>} : memref<80x128xf32, #tpu.memory_space<vmem>>, vector<16xf32>,
        %sub3A_577 = arith.subf %get3A_573, %get3A_576 : vector<16xf32>
        %ge3A_578 = arith.constant 0.000000e+00 : f32
        %ge3A_579 = vector.broadcast %ge3A_578 : f32 to vector<16xf32>
        %ge3A_580 = arith.cmpf oge, %sub3A_577, %ge3A_579 : vector<16xf32>
        %mul3A_581 = arith.constant 0.00999999977 : f32
        %mul3A_582 = vector.broadcast %mul3A_581 : f32 to vector<16xf32>
        %mul3A_583 = arith.mulf %mul3A_582, %sub3A_577 : vector<16xf32>
        %select_n3A_584 = arith.select %ge3A_580, %sub3A_577, %mul3A_583 : vector<16xi1>, vector<16xf32>
        %add3A_585 = arith.addf %broadcast_in_dim3A_570, %select_n3A_584 : vector<16xf32>
        %get3A_586 = arith.index_cast %add3A_568 : i32 to index
        %get3A_587 = arith.constant 16 : index
        %get3A_588 = tpu.vector_load %arg11[%get3A_586, %get3A_587] {strides = array<i32>} : memref<80x128xf32, #tpu.memory_space<vmem>>, vector<16xf32>,
        %get3A_589 = arith.index_cast %add3A_568 : i32 to index
        %get3A_590 = arith.constant 16 : index
        %get3A_591 = tpu.vector_load %arg12[%get3A_589, %get3A_590] {strides = array<i32>} : memref<80x128xf32, #tpu.memory_space<vmem>>, vector<16xf32>,
        %sub3A_592 = arith.subf %get3A_588, %get3A_591 : vector<16xf32>
        %ge3A_593 = arith.constant 0.000000e+00 : f32
        %ge3A_594 = vector.broadcast %ge3A_593 : f32 to vector<16xf32>
        %ge3A_595 = arith.cmpf oge, %sub3A_592, %ge3A_594 : vector<16xf32>
        %mul3A_596 = arith.constant 0.00999999977 : f32
        %mul3A_597 = vector.broadcast %mul3A_596 : f32 to vector<16xf32>
        %mul3A_598 = arith.mulf %mul3A_597, %sub3A_592 : vector<16xf32>
        %select_n3A_599 = arith.select %ge3A_595, %sub3A_592, %mul3A_598 : vector<16xi1>, vector<16xf32>
        %add3A_600 = arith.addf %add3A_585, %select_n3A_599 : vector<16xf32>
        %get3A_601 = arith.index_cast %add3A_568 : i32 to index
        %get3A_602 = arith.constant 32 : index
        %get3A_603 = tpu.vector_load %arg11[%get3A_601, %get3A_602] {strides = array<i32>} : memref<80x128xf32, #tpu.memory_space<vmem>>, vector<16xf32>,
        %get3A_604 = arith.index_cast %add3A_568 : i32 to index
        %get3A_605 = arith.constant 32 : index
        %get3A_606 = tpu.vector_load %arg12[%get3A_604, %get3A_605] {strides = array<i32>} : memref<80x128xf32, #tpu.memory_space<vmem>>, vector<16xf32>,
        %sub3A_607 = arith.subf %get3A_603, %get3A_606 : vector<16xf32>
        %ge3A_608 = arith.constant 0.000000e+00 : f32
        %ge3A_609 = vector.broadcast %ge3A_608 : f32 to vector<16xf32>
        %ge3A_610 = arith.cmpf oge, %sub3A_607, %ge3A_609 : vector<16xf32>
        %mul3A_611 = arith.constant 0.00999999977 : f32
        %mul3A_612 = vector.broadcast %mul3A_611 : f32 to vector<16xf32>
        %mul3A_613 = arith.mulf %mul3A_612, %sub3A_607 : vector<16xf32>
        %select_n3A_614 = arith.select %ge3A_610, %sub3A_607, %mul3A_613 : vector<16xi1>, vector<16xf32>
        %add3A_615 = arith.addf %add3A_600, %select_n3A_614 : vector<16xf32>
        %get3A_616 = arith.index_cast %add3A_568 : i32 to index
        %get3A_617 = arith.constant 48 : index
        %get3A_618 = tpu.vector_load %arg11[%get3A_616, %get3A_617] {strides = array<i32>} : memref<80x128xf32, #tpu.memory_space<vmem>>, vector<16xf32>,
        %get3A_619 = arith.index_cast %add3A_568 : i32 to index
        %get3A_620 = arith.constant 48 : index
        %get3A_621 = tpu.vector_load %arg12[%get3A_619, %get3A_620] {strides = array<i32>} : memref<80x128xf32, #tpu.memory_space<vmem>>, vector<16xf32>,
        %sub3A_622 = arith.subf %get3A_618, %get3A_621 : vector<16xf32>
        %ge3A_623 = arith.constant 0.000000e+00 : f32
        %ge3A_624 = vector.broadcast %ge3A_623 : f32 to vector<16xf32>
        %ge3A_625 = arith.cmpf oge, %sub3A_622, %ge3A_624 : vector<16xf32>
        %mul3A_626 = arith.constant 0.00999999977 : f32
        %mul3A_627 = vector.broadcast %mul3A_626 : f32 to vector<16xf32>
        %mul3A_628 = arith.mulf %mul3A_627, %sub3A_622 : vector<16xf32>
        %select_n3A_629 = arith.select %ge3A_625, %sub3A_622, %mul3A_628 : vector<16xi1>, vector<16xf32>
        %add3A_630 = arith.addf %add3A_615, %select_n3A_629 : vector<16xf32>
        %get3A_631 = arith.index_cast %add3A_568 : i32 to index
        %get3A_632 = arith.constant 64 : index
        %get3A_633 = tpu.vector_load %arg11[%get3A_631, %get3A_632] {strides = array<i32>} : memref<80x128xf32, #tpu.memory_space<vmem>>, vector<16xf32>,
        %get3A_634 = arith.index_cast %add3A_568 : i32 to index
        %get3A_635 = arith.constant 64 : index
        %get3A_636 = tpu.vector_load %arg12[%get3A_634, %get3A_635] {strides = array<i32>} : memref<80x128xf32, #tpu.memory_space<vmem>>, vector<16xf32>,
        %sub3A_637 = arith.subf %get3A_633, %get3A_636 : vector<16xf32>
        %ge3A_638 = arith.constant 0.000000e+00 : f32
        %ge3A_639 = vector.broadcast %ge3A_638 : f32 to vector<16xf32>
        %ge3A_640 = arith.cmpf oge, %sub3A_637, %ge3A_639 : vector<16xf32>
        %mul3A_641 = arith.constant 0.00999999977 : f32
        %mul3A_642 = vector.broadcast %mul3A_641 : f32 to vector<16xf32>
        %mul3A_643 = arith.mulf %mul3A_642, %sub3A_637 : vector<16xf32>
        %select_n3A_644 = arith.select %ge3A_640, %sub3A_637, %mul3A_643 : vector<16xi1>, vector<16xf32>
        %add3A_645 = arith.addf %add3A_630, %select_n3A_644 : vector<16xf32>
        %get3A_646 = arith.index_cast %add3A_568 : i32 to index
        %get3A_647 = arith.constant 80 : index
        %get3A_648 = tpu.vector_load %arg11[%get3A_646, %get3A_647] {strides = array<i32>} : memref<80x128xf32, #tpu.memory_space<vmem>>, vector<16xf32>,
        %get3A_649 = arith.index_cast %add3A_568 : i32 to index
        %get3A_650 = arith.constant 80 : index
        %get3A_651 = tpu.vector_load %arg12[%get3A_649, %get3A_650] {strides = array<i32>} : memref<80x128xf32, #tpu.memory_space<vmem>>, vector<16xf32>,
        %sub3A_652 = arith.subf %get3A_648, %get3A_651 : vector<16xf32>
        %ge3A_653 = arith.constant 0.000000e+00 : f32
        %ge3A_654 = vector.broadcast %ge3A_653 : f32 to vector<16xf32>
        %ge3A_655 = arith.cmpf oge, %sub3A_652, %ge3A_654 : vector<16xf32>
        %mul3A_656 = arith.constant 0.00999999977 : f32
        %mul3A_657 = vector.broadcast %mul3A_656 : f32 to vector<16xf32>
        %mul3A_658 = arith.mulf %mul3A_657, %sub3A_652 : vector<16xf32>
        %select_n3A_659 = arith.select %ge3A_655, %sub3A_652, %mul3A_658 : vector<16xi1>, vector<16xf32>
        %add3A_660 = arith.addf %add3A_645, %select_n3A_659 : vector<16xf32>
        %get3A_661 = arith.index_cast %add3A_568 : i32 to index
        %get3A_662 = arith.constant 96 : index
        %get3A_663 = tpu.vector_load %arg11[%get3A_661, %get3A_662] {strides = array<i32>} : memref<80x128xf32, #tpu.memory_space<vmem>>, vector<16xf32>,
        %get3A_664 = arith.index_cast %add3A_568 : i32 to index
        %get3A_665 = arith.constant 96 : index
        %get3A_666 = tpu.vector_load %arg12[%get3A_664, %get3A_665] {strides = array<i32>} : memref<80x128xf32, #tpu.memory_space<vmem>>, vector<16xf32>,
        %sub3A_667 = arith.subf %get3A_663, %get3A_666 : vector<16xf32>
        %ge3A_668 = arith.constant 0.000000e+00 : f32
        %ge3A_669 = vector.broadcast %ge3A_668 : f32 to vector<16xf32>
        %ge3A_670 = arith.cmpf oge, %sub3A_667, %ge3A_669 : vector<16xf32>
        %mul3A_671 = arith.constant 0.00999999977 : f32
        %mul3A_672 = vector.broadcast %mul3A_671 : f32 to vector<16xf32>
        %mul3A_673 = arith.mulf %mul3A_672, %sub3A_667 : vector<16xf32>
        %select_n3A_674 = arith.select %ge3A_670, %sub3A_667, %mul3A_673 : vector<16xi1>, vector<16xf32>
        %add3A_675 = arith.addf %add3A_660, %select_n3A_674 : vector<16xf32>
        %get3A_676 = arith.index_cast %add3A_568 : i32 to index
        %get3A_677 = arith.constant 112 : index
        %get3A_678 = tpu.vector_load %arg11[%get3A_676, %get3A_677] {strides = array<i32>} : memref<80x128xf32, #tpu.memory_space<vmem>>, vector<16xf32>,
        %get3A_679 = arith.index_cast %add3A_568 : i32 to index
        %get3A_680 = arith.constant 112 : index
        %get3A_681 = tpu.vector_load %arg12[%get3A_679, %get3A_680] {strides = array<i32>} : memref<80x128xf32, #tpu.memory_space<vmem>>, vector<16xf32>,
        %sub3A_682 = arith.subf %get3A_678, %get3A_681 : vector<16xf32>
        %ge3A_683 = arith.constant 0.000000e+00 : f32
        %ge3A_684 = vector.broadcast %ge3A_683 : f32 to vector<16xf32>
        %ge3A_685 = arith.cmpf oge, %sub3A_682, %ge3A_684 : vector<16xf32>
        %mul3A_686 = arith.constant 0.00999999977 : f32
        %mul3A_687 = vector.broadcast %mul3A_686 : f32 to vector<16xf32>
        %mul3A_688 = arith.mulf %mul3A_687, %sub3A_682 : vector<16xf32>
        %select_n3A_689 = arith.select %ge3A_685, %sub3A_682, %mul3A_688 : vector<16xi1>, vector<16xf32>
        %add3A_690 = arith.addf %add3A_675, %select_n3A_689 : vector<16xf32>
        %swap3A_691 = arith.constant 64 : index
        %swap3A_692 = tpu.vector_load %arg14[%swap3A_691] {strides = array<i32>} : memref<256xf32, #tpu.memory_space<vmem>>, vector<16xf32>,
        tpu.vector_store %arg14[%swap3A_691], %add3A_690 {strides = array<i32>} : memref<256xf32, #tpu.memory_space<vmem>>, vector<16xf32>,
        %mul3A_693 = arith.constant 16 : i32
        %mul3A_694 = arith.muli %scan3A_56, %mul3A_693 : i32
        %add3A_695 = arith.constant 5 : i32
        %add3A_696 = arith.addi %mul3A_694, %add3A_695 : i32
        %broadcast_in_dim3A_697 = arith.constant 0.000000e+00 : f32
        %broadcast_in_dim3A_698 = vector.broadcast %broadcast_in_dim3A_697 : f32 to vector<16xf32>
        %get3A_699 = arith.index_cast %add3A_696 : i32 to index
        %get3A_700 = arith.constant 0 : index
        %get3A_701 = tpu.vector_load %arg11[%get3A_699, %get3A_700] {strides = array<i32>} : memref<80x128xf32, #tpu.memory_space<vmem>>, vector<16xf32>,
        %get3A_702 = arith.index_cast %add3A_696 : i32 to index
        %get3A_703 = arith.constant 0 : index
        %get3A_704 = tpu.vector_load %arg12[%get3A_702, %get3A_703] {strides = array<i32>} : memref<80x128xf32, #tpu.memory_space<vmem>>, vector<16xf32>,
        %sub3A_705 = arith.subf %get3A_701, %get3A_704 : vector<16xf32>
        %ge3A_706 = arith.constant 0.000000e+00 : f32
        %ge3A_707 = vector.broadcast %ge3A_706 : f32 to vector<16xf32>
        %ge3A_708 = arith.cmpf oge, %sub3A_705, %ge3A_707 : vector<16xf32>
        %mul3A_709 = arith.constant 0.00999999977 : f32
        %mul3A_710 = vector.broadcast %mul3A_709 : f32 to vector<16xf32>
        %mul3A_711 = arith.mulf %mul3A_710, %sub3A_705 : vector<16xf32>
        %select_n3A_712 = arith.select %ge3A_708, %sub3A_705, %mul3A_711 : vector<16xi1>, vector<16xf32>
        %add3A_713 = arith.addf %broadcast_in_dim3A_698, %select_n3A_712 : vector<16xf32>
        %get3A_714 = arith.index_cast %add3A_696 : i32 to index
        %get3A_715 = arith.constant 16 : index
        %get3A_716 = tpu.vector_load %arg11[%get3A_714, %get3A_715] {strides = array<i32>} : memref<80x128xf32, #tpu.memory_space<vmem>>, vector<16xf32>,
        %get3A_717 = arith.index_cast %add3A_696 : i32 to index
        %get3A_718 = arith.constant 16 : index
        %get3A_719 = tpu.vector_load %arg12[%get3A_717, %get3A_718] {strides = array<i32>} : memref<80x128xf32, #tpu.memory_space<vmem>>, vector<16xf32>,
        %sub3A_720 = arith.subf %get3A_716, %get3A_719 : vector<16xf32>
        %ge3A_721 = arith.constant 0.000000e+00 : f32
        %ge3A_722 = vector.broadcast %ge3A_721 : f32 to vector<16xf32>
        %ge3A_723 = arith.cmpf oge, %sub3A_720, %ge3A_722 : vector<16xf32>
        %mul3A_724 = arith.constant 0.00999999977 : f32
        %mul3A_725 = vector.broadcast %mul3A_724 : f32 to vector<16xf32>
        %mul3A_726 = arith.mulf %mul3A_725, %sub3A_720 : vector<16xf32>
        %select_n3A_727 = arith.select %ge3A_723, %sub3A_720, %mul3A_726 : vector<16xi1>, vector<16xf32>
        %add3A_728 = arith.addf %add3A_713, %select_n3A_727 : vector<16xf32>
        %get3A_729 = arith.index_cast %add3A_696 : i32 to index
        %get3A_730 = arith.constant 32 : index
        %get3A_731 = tpu.vector_load %arg11[%get3A_729, %get3A_730] {strides = array<i32>} : memref<80x128xf32, #tpu.memory_space<vmem>>, vector<16xf32>,
        %get3A_732 = arith.index_cast %add3A_696 : i32 to index
        %get3A_733 = arith.constant 32 : index
        %get3A_734 = tpu.vector_load %arg12[%get3A_732, %get3A_733] {strides = array<i32>} : memref<80x128xf32, #tpu.memory_space<vmem>>, vector<16xf32>,
        %sub3A_735 = arith.subf %get3A_731, %get3A_734 : vector<16xf32>
        %ge3A_736 = arith.constant 0.000000e+00 : f32
        %ge3A_737 = vector.broadcast %ge3A_736 : f32 to vector<16xf32>
        %ge3A_738 = arith.cmpf oge, %sub3A_735, %ge3A_737 : vector<16xf32>
        %mul3A_739 = arith.constant 0.00999999977 : f32
        %mul3A_740 = vector.broadcast %mul3A_739 : f32 to vector<16xf32>
        %mul3A_741 = arith.mulf %mul3A_740, %sub3A_735 : vector<16xf32>
        %select_n3A_742 = arith.select %ge3A_738, %sub3A_735, %mul3A_741 : vector<16xi1>, vector<16xf32>
        %add3A_743 = arith.addf %add3A_728, %select_n3A_742 : vector<16xf32>
        %get3A_744 = arith.index_cast %add3A_696 : i32 to index
        %get3A_745 = arith.constant 48 : index
        %get3A_746 = tpu.vector_load %arg11[%get3A_744, %get3A_745] {strides = array<i32>} : memref<80x128xf32, #tpu.memory_space<vmem>>, vector<16xf32>,
        %get3A_747 = arith.index_cast %add3A_696 : i32 to index
        %get3A_748 = arith.constant 48 : index
        %get3A_749 = tpu.vector_load %arg12[%get3A_747, %get3A_748] {strides = array<i32>} : memref<80x128xf32, #tpu.memory_space<vmem>>, vector<16xf32>,
        %sub3A_750 = arith.subf %get3A_746, %get3A_749 : vector<16xf32>
        %ge3A_751 = arith.constant 0.000000e+00 : f32
        %ge3A_752 = vector.broadcast %ge3A_751 : f32 to vector<16xf32>
        %ge3A_753 = arith.cmpf oge, %sub3A_750, %ge3A_752 : vector<16xf32>
        %mul3A_754 = arith.constant 0.00999999977 : f32
        %mul3A_755 = vector.broadcast %mul3A_754 : f32 to vector<16xf32>
        %mul3A_756 = arith.mulf %mul3A_755, %sub3A_750 : vector<16xf32>
        %select_n3A_757 = arith.select %ge3A_753, %sub3A_750, %mul3A_756 : vector<16xi1>, vector<16xf32>
        %add3A_758 = arith.addf %add3A_743, %select_n3A_757 : vector<16xf32>
        %get3A_759 = arith.index_cast %add3A_696 : i32 to index
        %get3A_760 = arith.constant 64 : index
        %get3A_761 = tpu.vector_load %arg11[%get3A_759, %get3A_760] {strides = array<i32>} : memref<80x128xf32, #tpu.memory_space<vmem>>, vector<16xf32>,
        %get3A_762 = arith.index_cast %add3A_696 : i32 to index
        %get3A_763 = arith.constant 64 : index
        %get3A_764 = tpu.vector_load %arg12[%get3A_762, %get3A_763] {strides = array<i32>} : memref<80x128xf32, #tpu.memory_space<vmem>>, vector<16xf32>,
        %sub3A_765 = arith.subf %get3A_761, %get3A_764 : vector<16xf32>
        %ge3A_766 = arith.constant 0.000000e+00 : f32
        %ge3A_767 = vector.broadcast %ge3A_766 : f32 to vector<16xf32>
        %ge3A_768 = arith.cmpf oge, %sub3A_765, %ge3A_767 : vector<16xf32>
        %mul3A_769 = arith.constant 0.00999999977 : f32
        %mul3A_770 = vector.broadcast %mul3A_769 : f32 to vector<16xf32>
        %mul3A_771 = arith.mulf %mul3A_770, %sub3A_765 : vector<16xf32>
        %select_n3A_772 = arith.select %ge3A_768, %sub3A_765, %mul3A_771 : vector<16xi1>, vector<16xf32>
        %add3A_773 = arith.addf %add3A_758, %select_n3A_772 : vector<16xf32>
        %get3A_774 = arith.index_cast %add3A_696 : i32 to index
        %get3A_775 = arith.constant 80 : index
        %get3A_776 = tpu.vector_load %arg11[%get3A_774, %get3A_775] {strides = array<i32>} : memref<80x128xf32, #tpu.memory_space<vmem>>, vector<16xf32>,
        %get3A_777 = arith.index_cast %add3A_696 : i32 to index
        %get3A_778 = arith.constant 80 : index
        %get3A_779 = tpu.vector_load %arg12[%get3A_777, %get3A_778] {strides = array<i32>} : memref<80x128xf32, #tpu.memory_space<vmem>>, vector<16xf32>,
        %sub3A_780 = arith.subf %get3A_776, %get3A_779 : vector<16xf32>
        %ge3A_781 = arith.constant 0.000000e+00 : f32
        %ge3A_782 = vector.broadcast %ge3A_781 : f32 to vector<16xf32>
        %ge3A_783 = arith.cmpf oge, %sub3A_780, %ge3A_782 : vector<16xf32>
        %mul3A_784 = arith.constant 0.00999999977 : f32
        %mul3A_785 = vector.broadcast %mul3A_784 : f32 to vector<16xf32>
        %mul3A_786 = arith.mulf %mul3A_785, %sub3A_780 : vector<16xf32>
        %select_n3A_787 = arith.select %ge3A_783, %sub3A_780, %mul3A_786 : vector<16xi1>, vector<16xf32>
        %add3A_788 = arith.addf %add3A_773, %select_n3A_787 : vector<16xf32>
        %get3A_789 = arith.index_cast %add3A_696 : i32 to index
        %get3A_790 = arith.constant 96 : index
        %get3A_791 = tpu.vector_load %arg11[%get3A_789, %get3A_790] {strides = array<i32>} : memref<80x128xf32, #tpu.memory_space<vmem>>, vector<16xf32>,
        %get3A_792 = arith.index_cast %add3A_696 : i32 to index
        %get3A_793 = arith.constant 96 : index
        %get3A_794 = tpu.vector_load %arg12[%get3A_792, %get3A_793] {strides = array<i32>} : memref<80x128xf32, #tpu.memory_space<vmem>>, vector<16xf32>,
        %sub3A_795 = arith.subf %get3A_791, %get3A_794 : vector<16xf32>
        %ge3A_796 = arith.constant 0.000000e+00 : f32
        %ge3A_797 = vector.broadcast %ge3A_796 : f32 to vector<16xf32>
        %ge3A_798 = arith.cmpf oge, %sub3A_795, %ge3A_797 : vector<16xf32>
        %mul3A_799 = arith.constant 0.00999999977 : f32
        %mul3A_800 = vector.broadcast %mul3A_799 : f32 to vector<16xf32>
        %mul3A_801 = arith.mulf %mul3A_800, %sub3A_795 : vector<16xf32>
        %select_n3A_802 = arith.select %ge3A_798, %sub3A_795, %mul3A_801 : vector<16xi1>, vector<16xf32>
        %add3A_803 = arith.addf %add3A_788, %select_n3A_802 : vector<16xf32>
        %get3A_804 = arith.index_cast %add3A_696 : i32 to index
        %get3A_805 = arith.constant 112 : index
        %get3A_806 = tpu.vector_load %arg11[%get3A_804, %get3A_805] {strides = array<i32>} : memref<80x128xf32, #tpu.memory_space<vmem>>, vector<16xf32>,
        %get3A_807 = arith.index_cast %add3A_696 : i32 to index
        %get3A_808 = arith.constant 112 : index
        %get3A_809 = tpu.vector_load %arg12[%get3A_807, %get3A_808] {strides = array<i32>} : memref<80x128xf32, #tpu.memory_space<vmem>>, vector<16xf32>,
        %sub3A_810 = arith.subf %get3A_806, %get3A_809 : vector<16xf32>
        %ge3A_811 = arith.constant 0.000000e+00 : f32
        %ge3A_812 = vector.broadcast %ge3A_811 : f32 to vector<16xf32>
        %ge3A_813 = arith.cmpf oge, %sub3A_810, %ge3A_812 : vector<16xf32>
        %mul3A_814 = arith.constant 0.00999999977 : f32
        %mul3A_815 = vector.broadcast %mul3A_814 : f32 to vector<16xf32>
        %mul3A_816 = arith.mulf %mul3A_815, %sub3A_810 : vector<16xf32>
        %select_n3A_817 = arith.select %ge3A_813, %sub3A_810, %mul3A_816 : vector<16xi1>, vector<16xf32>
        %add3A_818 = arith.addf %add3A_803, %select_n3A_817 : vector<16xf32>
        %swap3A_819 = arith.constant 80 : index
        %swap3A_820 = tpu.vector_load %arg14[%swap3A_819] {strides = array<i32>} : memref<256xf32, #tpu.memory_space<vmem>>, vector<16xf32>,
        tpu.vector_store %arg14[%swap3A_819], %add3A_818 {strides = array<i32>} : memref<256xf32, #tpu.memory_space<vmem>>, vector<16xf32>,
        %mul3A_821 = arith.constant 16 : i32
        %mul3A_822 = arith.muli %scan3A_56, %mul3A_821 : i32
        %add3A_823 = arith.constant 6 : i32
        %add3A_824 = arith.addi %mul3A_822, %add3A_823 : i32
        %broadcast_in_dim3A_825 = arith.constant 0.000000e+00 : f32
        %broadcast_in_dim3A_826 = vector.broadcast %broadcast_in_dim3A_825 : f32 to vector<16xf32>
        %get3A_827 = arith.index_cast %add3A_824 : i32 to index
        %get3A_828 = arith.constant 0 : index
        %get3A_829 = tpu.vector_load %arg11[%get3A_827, %get3A_828] {strides = array<i32>} : memref<80x128xf32, #tpu.memory_space<vmem>>, vector<16xf32>,
        %get3A_830 = arith.index_cast %add3A_824 : i32 to index
        %get3A_831 = arith.constant 0 : index
        %get3A_832 = tpu.vector_load %arg12[%get3A_830, %get3A_831] {strides = array<i32>} : memref<80x128xf32, #tpu.memory_space<vmem>>, vector<16xf32>,
        %sub3A_833 = arith.subf %get3A_829, %get3A_832 : vector<16xf32>
        %ge3A_834 = arith.constant 0.000000e+00 : f32
        %ge3A_835 = vector.broadcast %ge3A_834 : f32 to vector<16xf32>
        %ge3A_836 = arith.cmpf oge, %sub3A_833, %ge3A_835 : vector<16xf32>
        %mul3A_837 = arith.constant 0.00999999977 : f32
        %mul3A_838 = vector.broadcast %mul3A_837 : f32 to vector<16xf32>
        %mul3A_839 = arith.mulf %mul3A_838, %sub3A_833 : vector<16xf32>
        %select_n3A_840 = arith.select %ge3A_836, %sub3A_833, %mul3A_839 : vector<16xi1>, vector<16xf32>
        %add3A_841 = arith.addf %broadcast_in_dim3A_826, %select_n3A_840 : vector<16xf32>
        %get3A_842 = arith.index_cast %add3A_824 : i32 to index
        %get3A_843 = arith.constant 16 : index
        %get3A_844 = tpu.vector_load %arg11[%get3A_842, %get3A_843] {strides = array<i32>} : memref<80x128xf32, #tpu.memory_space<vmem>>, vector<16xf32>,
        %get3A_845 = arith.index_cast %add3A_824 : i32 to index
        %get3A_846 = arith.constant 16 : index
        %get3A_847 = tpu.vector_load %arg12[%get3A_845, %get3A_846] {strides = array<i32>} : memref<80x128xf32, #tpu.memory_space<vmem>>, vector<16xf32>,
        %sub3A_848 = arith.subf %get3A_844, %get3A_847 : vector<16xf32>
        %ge3A_849 = arith.constant 0.000000e+00 : f32
        %ge3A_850 = vector.broadcast %ge3A_849 : f32 to vector<16xf32>
        %ge3A_851 = arith.cmpf oge, %sub3A_848, %ge3A_850 : vector<16xf32>
        %mul3A_852 = arith.constant 0.00999999977 : f32
        %mul3A_853 = vector.broadcast %mul3A_852 : f32 to vector<16xf32>
        %mul3A_854 = arith.mulf %mul3A_853, %sub3A_848 : vector<16xf32>
        %select_n3A_855 = arith.select %ge3A_851, %sub3A_848, %mul3A_854 : vector<16xi1>, vector<16xf32>
        %add3A_856 = arith.addf %add3A_841, %select_n3A_855 : vector<16xf32>
        %get3A_857 = arith.index_cast %add3A_824 : i32 to index
        %get3A_858 = arith.constant 32 : index
        %get3A_859 = tpu.vector_load %arg11[%get3A_857, %get3A_858] {strides = array<i32>} : memref<80x128xf32, #tpu.memory_space<vmem>>, vector<16xf32>,
        %get3A_860 = arith.index_cast %add3A_824 : i32 to index
        %get3A_861 = arith.constant 32 : index
        %get3A_862 = tpu.vector_load %arg12[%get3A_860, %get3A_861] {strides = array<i32>} : memref<80x128xf32, #tpu.memory_space<vmem>>, vector<16xf32>,
        %sub3A_863 = arith.subf %get3A_859, %get3A_862 : vector<16xf32>
        %ge3A_864 = arith.constant 0.000000e+00 : f32
        %ge3A_865 = vector.broadcast %ge3A_864 : f32 to vector<16xf32>
        %ge3A_866 = arith.cmpf oge, %sub3A_863, %ge3A_865 : vector<16xf32>
        %mul3A_867 = arith.constant 0.00999999977 : f32
        %mul3A_868 = vector.broadcast %mul3A_867 : f32 to vector<16xf32>
        %mul3A_869 = arith.mulf %mul3A_868, %sub3A_863 : vector<16xf32>
        %select_n3A_870 = arith.select %ge3A_866, %sub3A_863, %mul3A_869 : vector<16xi1>, vector<16xf32>
        %add3A_871 = arith.addf %add3A_856, %select_n3A_870 : vector<16xf32>
        %get3A_872 = arith.index_cast %add3A_824 : i32 to index
        %get3A_873 = arith.constant 48 : index
        %get3A_874 = tpu.vector_load %arg11[%get3A_872, %get3A_873] {strides = array<i32>} : memref<80x128xf32, #tpu.memory_space<vmem>>, vector<16xf32>,
        %get3A_875 = arith.index_cast %add3A_824 : i32 to index
        %get3A_876 = arith.constant 48 : index
        %get3A_877 = tpu.vector_load %arg12[%get3A_875, %get3A_876] {strides = array<i32>} : memref<80x128xf32, #tpu.memory_space<vmem>>, vector<16xf32>,
        %sub3A_878 = arith.subf %get3A_874, %get3A_877 : vector<16xf32>
        %ge3A_879 = arith.constant 0.000000e+00 : f32
        %ge3A_880 = vector.broadcast %ge3A_879 : f32 to vector<16xf32>
        %ge3A_881 = arith.cmpf oge, %sub3A_878, %ge3A_880 : vector<16xf32>
        %mul3A_882 = arith.constant 0.00999999977 : f32
        %mul3A_883 = vector.broadcast %mul3A_882 : f32 to vector<16xf32>
        %mul3A_884 = arith.mulf %mul3A_883, %sub3A_878 : vector<16xf32>
        %select_n3A_885 = arith.select %ge3A_881, %sub3A_878, %mul3A_884 : vector<16xi1>, vector<16xf32>
        %add3A_886 = arith.addf %add3A_871, %select_n3A_885 : vector<16xf32>
        %get3A_887 = arith.index_cast %add3A_824 : i32 to index
        %get3A_888 = arith.constant 64 : index
        %get3A_889 = tpu.vector_load %arg11[%get3A_887, %get3A_888] {strides = array<i32>} : memref<80x128xf32, #tpu.memory_space<vmem>>, vector<16xf32>,
        %get3A_890 = arith.index_cast %add3A_824 : i32 to index
        %get3A_891 = arith.constant 64 : index
        %get3A_892 = tpu.vector_load %arg12[%get3A_890, %get3A_891] {strides = array<i32>} : memref<80x128xf32, #tpu.memory_space<vmem>>, vector<16xf32>,
        %sub3A_893 = arith.subf %get3A_889, %get3A_892 : vector<16xf32>
        %ge3A_894 = arith.constant 0.000000e+00 : f32
        %ge3A_895 = vector.broadcast %ge3A_894 : f32 to vector<16xf32>
        %ge3A_896 = arith.cmpf oge, %sub3A_893, %ge3A_895 : vector<16xf32>
        %mul3A_897 = arith.constant 0.00999999977 : f32
        %mul3A_898 = vector.broadcast %mul3A_897 : f32 to vector<16xf32>
        %mul3A_899 = arith.mulf %mul3A_898, %sub3A_893 : vector<16xf32>
        %select_n3A_900 = arith.select %ge3A_896, %sub3A_893, %mul3A_899 : vector<16xi1>, vector<16xf32>
        %add3A_901 = arith.addf %add3A_886, %select_n3A_900 : vector<16xf32>
        %get3A_902 = arith.index_cast %add3A_824 : i32 to index
        %get3A_903 = arith.constant 80 : index
        %get3A_904 = tpu.vector_load %arg11[%get3A_902, %get3A_903] {strides = array<i32>} : memref<80x128xf32, #tpu.memory_space<vmem>>, vector<16xf32>,
        %get3A_905 = arith.index_cast %add3A_824 : i32 to index
        %get3A_906 = arith.constant 80 : index
        %get3A_907 = tpu.vector_load %arg12[%get3A_905, %get3A_906] {strides = array<i32>} : memref<80x128xf32, #tpu.memory_space<vmem>>, vector<16xf32>,
        %sub3A_908 = arith.subf %get3A_904, %get3A_907 : vector<16xf32>
        %ge3A_909 = arith.constant 0.000000e+00 : f32
        %ge3A_910 = vector.broadcast %ge3A_909 : f32 to vector<16xf32>
        %ge3A_911 = arith.cmpf oge, %sub3A_908, %ge3A_910 : vector<16xf32>
        %mul3A_912 = arith.constant 0.00999999977 : f32
        %mul3A_913 = vector.broadcast %mul3A_912 : f32 to vector<16xf32>
        %mul3A_914 = arith.mulf %mul3A_913, %sub3A_908 : vector<16xf32>
        %select_n3A_915 = arith.select %ge3A_911, %sub3A_908, %mul3A_914 : vector<16xi1>, vector<16xf32>
        %add3A_916 = arith.addf %add3A_901, %select_n3A_915 : vector<16xf32>
        %get3A_917 = arith.index_cast %add3A_824 : i32 to index
        %get3A_918 = arith.constant 96 : index
        %get3A_919 = tpu.vector_load %arg11[%get3A_917, %get3A_918] {strides = array<i32>} : memref<80x128xf32, #tpu.memory_space<vmem>>, vector<16xf32>,
        %get3A_920 = arith.index_cast %add3A_824 : i32 to index
        %get3A_921 = arith.constant 96 : index
        %get3A_922 = tpu.vector_load %arg12[%get3A_920, %get3A_921] {strides = array<i32>} : memref<80x128xf32, #tpu.memory_space<vmem>>, vector<16xf32>,
        %sub3A_923 = arith.subf %get3A_919, %get3A_922 : vector<16xf32>
        %ge3A_924 = arith.constant 0.000000e+00 : f32
        %ge3A_925 = vector.broadcast %ge3A_924 : f32 to vector<16xf32>
        %ge3A_926 = arith.cmpf oge, %sub3A_923, %ge3A_925 : vector<16xf32>
        %mul3A_927 = arith.constant 0.00999999977 : f32
        %mul3A_928 = vector.broadcast %mul3A_927 : f32 to vector<16xf32>
        %mul3A_929 = arith.mulf %mul3A_928, %sub3A_923 : vector<16xf32>
        %select_n3A_930 = arith.select %ge3A_926, %sub3A_923, %mul3A_929 : vector<16xi1>, vector<16xf32>
        %add3A_931 = arith.addf %add3A_916, %select_n3A_930 : vector<16xf32>
        %get3A_932 = arith.index_cast %add3A_824 : i32 to index
        %get3A_933 = arith.constant 112 : index
        %get3A_934 = tpu.vector_load %arg11[%get3A_932, %get3A_933] {strides = array<i32>} : memref<80x128xf32, #tpu.memory_space<vmem>>, vector<16xf32>,
        %get3A_935 = arith.index_cast %add3A_824 : i32 to index
        %get3A_936 = arith.constant 112 : index
        %get3A_937 = tpu.vector_load %arg12[%get3A_935, %get3A_936] {strides = array<i32>} : memref<80x128xf32, #tpu.memory_space<vmem>>, vector<16xf32>,
        %sub3A_938 = arith.subf %get3A_934, %get3A_937 : vector<16xf32>
        %ge3A_939 = arith.constant 0.000000e+00 : f32
        %ge3A_940 = vector.broadcast %ge3A_939 : f32 to vector<16xf32>
        %ge3A_941 = arith.cmpf oge, %sub3A_938, %ge3A_940 : vector<16xf32>
        %mul3A_942 = arith.constant 0.00999999977 : f32
        %mul3A_943 = vector.broadcast %mul3A_942 : f32 to vector<16xf32>
        %mul3A_944 = arith.mulf %mul3A_943, %sub3A_938 : vector<16xf32>
        %select_n3A_945 = arith.select %ge3A_941, %sub3A_938, %mul3A_944 : vector<16xi1>, vector<16xf32>
        %add3A_946 = arith.addf %add3A_931, %select_n3A_945 : vector<16xf32>
        %swap3A_947 = arith.constant 96 : index
        %swap3A_948 = tpu.vector_load %arg14[%swap3A_947] {strides = array<i32>} : memref<256xf32, #tpu.memory_space<vmem>>, vector<16xf32>,
        tpu.vector_store %arg14[%swap3A_947], %add3A_946 {strides = array<i32>} : memref<256xf32, #tpu.memory_space<vmem>>, vector<16xf32>,
        %mul3A_949 = arith.constant 16 : i32
        %mul3A_950 = arith.muli %scan3A_56, %mul3A_949 : i32
        %add3A_951 = arith.constant 7 : i32
        %add3A_952 = arith.addi %mul3A_950, %add3A_951 : i32
        %broadcast_in_dim3A_953 = arith.constant 0.000000e+00 : f32
        %broadcast_in_dim3A_954 = vector.broadcast %broadcast_in_dim3A_953 : f32 to vector<16xf32>
        %get3A_955 = arith.index_cast %add3A_952 : i32 to index
        %get3A_956 = arith.constant 0 : index
        %get3A_957 = tpu.vector_load %arg11[%get3A_955, %get3A_956] {strides = array<i32>} : memref<80x128xf32, #tpu.memory_space<vmem>>, vector<16xf32>,
        %get3A_958 = arith.index_cast %add3A_952 : i32 to index
        %get3A_959 = arith.constant 0 : index
        %get3A_960 = tpu.vector_load %arg12[%get3A_958, %get3A_959] {strides = array<i32>} : memref<80x128xf32, #tpu.memory_space<vmem>>, vector<16xf32>,
        %sub3A_961 = arith.subf %get3A_957, %get3A_960 : vector<16xf32>
        %ge3A_962 = arith.constant 0.000000e+00 : f32
        %ge3A_963 = vector.broadcast %ge3A_962 : f32 to vector<16xf32>
        %ge3A_964 = arith.cmpf oge, %sub3A_961, %ge3A_963 : vector<16xf32>
        %mul3A_965 = arith.constant 0.00999999977 : f32
        %mul3A_966 = vector.broadcast %mul3A_965 : f32 to vector<16xf32>
        %mul3A_967 = arith.mulf %mul3A_966, %sub3A_961 : vector<16xf32>
        %select_n3A_968 = arith.select %ge3A_964, %sub3A_961, %mul3A_967 : vector<16xi1>, vector<16xf32>
        %add3A_969 = arith.addf %broadcast_in_dim3A_954, %select_n3A_968 : vector<16xf32>
        %get3A_970 = arith.index_cast %add3A_952 : i32 to index
        %get3A_971 = arith.constant 16 : index
        %get3A_972 = tpu.vector_load %arg11[%get3A_970, %get3A_971] {strides = array<i32>} : memref<80x128xf32, #tpu.memory_space<vmem>>, vector<16xf32>,
        %get3A_973 = arith.index_cast %add3A_952 : i32 to index
        %get3A_974 = arith.constant 16 : index
        %get3A_975 = tpu.vector_load %arg12[%get3A_973, %get3A_974] {strides = array<i32>} : memref<80x128xf32, #tpu.memory_space<vmem>>, vector<16xf32>,
        %sub3A_976 = arith.subf %get3A_972, %get3A_975 : vector<16xf32>
        %ge3A_977 = arith.constant 0.000000e+00 : f32
        %ge3A_978 = vector.broadcast %ge3A_977 : f32 to vector<16xf32>
        %ge3A_979 = arith.cmpf oge, %sub3A_976, %ge3A_978 : vector<16xf32>
        %mul3A_980 = arith.constant 0.00999999977 : f32
        %mul3A_981 = vector.broadcast %mul3A_980 : f32 to vector<16xf32>
        %mul3A_982 = arith.mulf %mul3A_981, %sub3A_976 : vector<16xf32>
        %select_n3A_983 = arith.select %ge3A_979, %sub3A_976, %mul3A_982 : vector<16xi1>, vector<16xf32>
        %add3A_984 = arith.addf %add3A_969, %select_n3A_983 : vector<16xf32>
        %get3A_985 = arith.index_cast %add3A_952 : i32 to index
        %get3A_986 = arith.constant 32 : index
        %get3A_987 = tpu.vector_load %arg11[%get3A_985, %get3A_986] {strides = array<i32>} : memref<80x128xf32, #tpu.memory_space<vmem>>, vector<16xf32>,
        %get3A_988 = arith.index_cast %add3A_952 : i32 to index
        %get3A_989 = arith.constant 32 : index
        %get3A_990 = tpu.vector_load %arg12[%get3A_988, %get3A_989] {strides = array<i32>} : memref<80x128xf32, #tpu.memory_space<vmem>>, vector<16xf32>,
        %sub3A_991 = arith.subf %get3A_987, %get3A_990 : vector<16xf32>
        %ge3A_992 = arith.constant 0.000000e+00 : f32
        %ge3A_993 = vector.broadcast %ge3A_992 : f32 to vector<16xf32>
        %ge3A_994 = arith.cmpf oge, %sub3A_991, %ge3A_993 : vector<16xf32>
        %mul3A_995 = arith.constant 0.00999999977 : f32
        %mul3A_996 = vector.broadcast %mul3A_995 : f32 to vector<16xf32>
        %mul3A_997 = arith.mulf %mul3A_996, %sub3A_991 : vector<16xf32>
        %select_n3A_998 = arith.select %ge3A_994, %sub3A_991, %mul3A_997 : vector<16xi1>, vector<16xf32>
        %add3A_999 = arith.addf %add3A_984, %select_n3A_998 : vector<16xf32>
        %get3A_1000 = arith.index_cast %add3A_952 : i32 to index
        %get3A_1001 = arith.constant 48 : index
        %get3A_1002 = tpu.vector_load %arg11[%get3A_1000, %get3A_1001] {strides = array<i32>} : memref<80x128xf32, #tpu.memory_space<vmem>>, vector<16xf32>,
        %get3A_1003 = arith.index_cast %add3A_952 : i32 to index
        %get3A_1004 = arith.constant 48 : index
        %get3A_1005 = tpu.vector_load %arg12[%get3A_1003, %get3A_1004] {strides = array<i32>} : memref<80x128xf32, #tpu.memory_space<vmem>>, vector<16xf32>,
        %sub3A_1006 = arith.subf %get3A_1002, %get3A_1005 : vector<16xf32>
        %ge3A_1007 = arith.constant 0.000000e+00 : f32
        %ge3A_1008 = vector.broadcast %ge3A_1007 : f32 to vector<16xf32>
        %ge3A_1009 = arith.cmpf oge, %sub3A_1006, %ge3A_1008 : vector<16xf32>
        %mul3A_1010 = arith.constant 0.00999999977 : f32
        %mul3A_1011 = vector.broadcast %mul3A_1010 : f32 to vector<16xf32>
        %mul3A_1012 = arith.mulf %mul3A_1011, %sub3A_1006 : vector<16xf32>
        %select_n3A_1013 = arith.select %ge3A_1009, %sub3A_1006, %mul3A_1012 : vector<16xi1>, vector<16xf32>
        %add3A_1014 = arith.addf %add3A_999, %select_n3A_1013 : vector<16xf32>
        %get3A_1015 = arith.index_cast %add3A_952 : i32 to index
        %get3A_1016 = arith.constant 64 : index
        %get3A_1017 = tpu.vector_load %arg11[%get3A_1015, %get3A_1016] {strides = array<i32>} : memref<80x128xf32, #tpu.memory_space<vmem>>, vector<16xf32>,
        %get3A_1018 = arith.index_cast %add3A_952 : i32 to index
        %get3A_1019 = arith.constant 64 : index
        %get3A_1020 = tpu.vector_load %arg12[%get3A_1018, %get3A_1019] {strides = array<i32>} : memref<80x128xf32, #tpu.memory_space<vmem>>, vector<16xf32>,
        %sub3A_1021 = arith.subf %get3A_1017, %get3A_1020 : vector<16xf32>
        %ge3A_1022 = arith.constant 0.000000e+00 : f32
        %ge3A_1023 = vector.broadcast %ge3A_1022 : f32 to vector<16xf32>
        %ge3A_1024 = arith.cmpf oge, %sub3A_1021, %ge3A_1023 : vector<16xf32>
        %mul3A_1025 = arith.constant 0.00999999977 : f32
        %mul3A_1026 = vector.broadcast %mul3A_1025 : f32 to vector<16xf32>
        %mul3A_1027 = arith.mulf %mul3A_1026, %sub3A_1021 : vector<16xf32>
        %select_n3A_1028 = arith.select %ge3A_1024, %sub3A_1021, %mul3A_1027 : vector<16xi1>, vector<16xf32>
        %add3A_1029 = arith.addf %add3A_1014, %select_n3A_1028 : vector<16xf32>
        %get3A_1030 = arith.index_cast %add3A_952 : i32 to index
        %get3A_1031 = arith.constant 80 : index
        %get3A_1032 = tpu.vector_load %arg11[%get3A_1030, %get3A_1031] {strides = array<i32>} : memref<80x128xf32, #tpu.memory_space<vmem>>, vector<16xf32>,
        %get3A_1033 = arith.index_cast %add3A_952 : i32 to index
        %get3A_1034 = arith.constant 80 : index
        %get3A_1035 = tpu.vector_load %arg12[%get3A_1033, %get3A_1034] {strides = array<i32>} : memref<80x128xf32, #tpu.memory_space<vmem>>, vector<16xf32>,
        %sub3A_1036 = arith.subf %get3A_1032, %get3A_1035 : vector<16xf32>
        %ge3A_1037 = arith.constant 0.000000e+00 : f32
        %ge3A_1038 = vector.broadcast %ge3A_1037 : f32 to vector<16xf32>
        %ge3A_1039 = arith.cmpf oge, %sub3A_1036, %ge3A_1038 : vector<16xf32>
        %mul3A_1040 = arith.constant 0.00999999977 : f32
        %mul3A_1041 = vector.broadcast %mul3A_1040 : f32 to vector<16xf32>
        %mul3A_1042 = arith.mulf %mul3A_1041, %sub3A_1036 : vector<16xf32>
        %select_n3A_1043 = arith.select %ge3A_1039, %sub3A_1036, %mul3A_1042 : vector<16xi1>, vector<16xf32>
        %add3A_1044 = arith.addf %add3A_1029, %select_n3A_1043 : vector<16xf32>
        %get3A_1045 = arith.index_cast %add3A_952 : i32 to index
        %get3A_1046 = arith.constant 96 : index
        %get3A_1047 = tpu.vector_load %arg11[%get3A_1045, %get3A_1046] {strides = array<i32>} : memref<80x128xf32, #tpu.memory_space<vmem>>, vector<16xf32>,
        %get3A_1048 = arith.index_cast %add3A_952 : i32 to index
        %get3A_1049 = arith.constant 96 : index
        %get3A_1050 = tpu.vector_load %arg12[%get3A_1048, %get3A_1049] {strides = array<i32>} : memref<80x128xf32, #tpu.memory_space<vmem>>, vector<16xf32>,
        %sub3A_1051 = arith.subf %get3A_1047, %get3A_1050 : vector<16xf32>
        %ge3A_1052 = arith.constant 0.000000e+00 : f32
        %ge3A_1053 = vector.broadcast %ge3A_1052 : f32 to vector<16xf32>
        %ge3A_1054 = arith.cmpf oge, %sub3A_1051, %ge3A_1053 : vector<16xf32>
        %mul3A_1055 = arith.constant 0.00999999977 : f32
        %mul3A_1056 = vector.broadcast %mul3A_1055 : f32 to vector<16xf32>
        %mul3A_1057 = arith.mulf %mul3A_1056, %sub3A_1051 : vector<16xf32>
        %select_n3A_1058 = arith.select %ge3A_1054, %sub3A_1051, %mul3A_1057 : vector<16xi1>, vector<16xf32>
        %add3A_1059 = arith.addf %add3A_1044, %select_n3A_1058 : vector<16xf32>
        %get3A_1060 = arith.index_cast %add3A_952 : i32 to index
        %get3A_1061 = arith.constant 112 : index
        %get3A_1062 = tpu.vector_load %arg11[%get3A_1060, %get3A_1061] {strides = array<i32>} : memref<80x128xf32, #tpu.memory_space<vmem>>, vector<16xf32>,
        %get3A_1063 = arith.index_cast %add3A_952 : i32 to index
        %get3A_1064 = arith.constant 112 : index
        %get3A_1065 = tpu.vector_load %arg12[%get3A_1063, %get3A_1064] {strides = array<i32>} : memref<80x128xf32, #tpu.memory_space<vmem>>, vector<16xf32>,
        %sub3A_1066 = arith.subf %get3A_1062, %get3A_1065 : vector<16xf32>
        %ge3A_1067 = arith.constant 0.000000e+00 : f32
        %ge3A_1068 = vector.broadcast %ge3A_1067 : f32 to vector<16xf32>
        %ge3A_1069 = arith.cmpf oge, %sub3A_1066, %ge3A_1068 : vector<16xf32>
        %mul3A_1070 = arith.constant 0.00999999977 : f32
        %mul3A_1071 = vector.broadcast %mul3A_1070 : f32 to vector<16xf32>
        %mul3A_1072 = arith.mulf %mul3A_1071, %sub3A_1066 : vector<16xf32>
        %select_n3A_1073 = arith.select %ge3A_1069, %sub3A_1066, %mul3A_1072 : vector<16xi1>, vector<16xf32>
        %add3A_1074 = arith.addf %add3A_1059, %select_n3A_1073 : vector<16xf32>
        %swap3A_1075 = arith.constant 112 : index
        %swap3A_1076 = tpu.vector_load %arg14[%swap3A_1075] {strides = array<i32>} : memref<256xf32, #tpu.memory_space<vmem>>, vector<16xf32>,
        tpu.vector_store %arg14[%swap3A_1075], %add3A_1074 {strides = array<i32>} : memref<256xf32, #tpu.memory_space<vmem>>, vector<16xf32>,
        %mul3A_1077 = arith.constant 16 : i32
        %mul3A_1078 = arith.muli %scan3A_56, %mul3A_1077 : i32
        %add3A_1079 = arith.constant 8 : i32
        %add3A_1080 = arith.addi %mul3A_1078, %add3A_1079 : i32
        %broadcast_in_dim3A_1081 = arith.constant 0.000000e+00 : f32
        %broadcast_in_dim3A_1082 = vector.broadcast %broadcast_in_dim3A_1081 : f32 to vector<16xf32>
        %get3A_1083 = arith.index_cast %add3A_1080 : i32 to index
        %get3A_1084 = arith.constant 0 : index
        %get3A_1085 = tpu.vector_load %arg11[%get3A_1083, %get3A_1084] {strides = array<i32>} : memref<80x128xf32, #tpu.memory_space<vmem>>, vector<16xf32>,
        %get3A_1086 = arith.index_cast %add3A_1080 : i32 to index
        %get3A_1087 = arith.constant 0 : index
        %get3A_1088 = tpu.vector_load %arg12[%get3A_1086, %get3A_1087] {strides = array<i32>} : memref<80x128xf32, #tpu.memory_space<vmem>>, vector<16xf32>,
        %sub3A_1089 = arith.subf %get3A_1085, %get3A_1088 : vector<16xf32>
        %ge3A_1090 = arith.constant 0.000000e+00 : f32
        %ge3A_1091 = vector.broadcast %ge3A_1090 : f32 to vector<16xf32>
        %ge3A_1092 = arith.cmpf oge, %sub3A_1089, %ge3A_1091 : vector<16xf32>
        %mul3A_1093 = arith.constant 0.00999999977 : f32
        %mul3A_1094 = vector.broadcast %mul3A_1093 : f32 to vector<16xf32>
        %mul3A_1095 = arith.mulf %mul3A_1094, %sub3A_1089 : vector<16xf32>
        %select_n3A_1096 = arith.select %ge3A_1092, %sub3A_1089, %mul3A_1095 : vector<16xi1>, vector<16xf32>
        %add3A_1097 = arith.addf %broadcast_in_dim3A_1082, %select_n3A_1096 : vector<16xf32>
        %get3A_1098 = arith.index_cast %add3A_1080 : i32 to index
        %get3A_1099 = arith.constant 16 : index
        %get3A_1100 = tpu.vector_load %arg11[%get3A_1098, %get3A_1099] {strides = array<i32>} : memref<80x128xf32, #tpu.memory_space<vmem>>, vector<16xf32>,
        %get3A_1101 = arith.index_cast %add3A_1080 : i32 to index
        %get3A_1102 = arith.constant 16 : index
        %get3A_1103 = tpu.vector_load %arg12[%get3A_1101, %get3A_1102] {strides = array<i32>} : memref<80x128xf32, #tpu.memory_space<vmem>>, vector<16xf32>,
        %sub3A_1104 = arith.subf %get3A_1100, %get3A_1103 : vector<16xf32>
        %ge3A_1105 = arith.constant 0.000000e+00 : f32
        %ge3A_1106 = vector.broadcast %ge3A_1105 : f32 to vector<16xf32>
        %ge3A_1107 = arith.cmpf oge, %sub3A_1104, %ge3A_1106 : vector<16xf32>
        %mul3A_1108 = arith.constant 0.00999999977 : f32
        %mul3A_1109 = vector.broadcast %mul3A_1108 : f32 to vector<16xf32>
        %mul3A_1110 = arith.mulf %mul3A_1109, %sub3A_1104 : vector<16xf32>
        %select_n3A_1111 = arith.select %ge3A_1107, %sub3A_1104, %mul3A_1110 : vector<16xi1>, vector<16xf32>
        %add3A_1112 = arith.addf %add3A_1097, %select_n3A_1111 : vector<16xf32>
        %get3A_1113 = arith.index_cast %add3A_1080 : i32 to index
        %get3A_1114 = arith.constant 32 : index
        %get3A_1115 = tpu.vector_load %arg11[%get3A_1113, %get3A_1114] {strides = array<i32>} : memref<80x128xf32, #tpu.memory_space<vmem>>, vector<16xf32>,
        %get3A_1116 = arith.index_cast %add3A_1080 : i32 to index
        %get3A_1117 = arith.constant 32 : index
        %get3A_1118 = tpu.vector_load %arg12[%get3A_1116, %get3A_1117] {strides = array<i32>} : memref<80x128xf32, #tpu.memory_space<vmem>>, vector<16xf32>,
        %sub3A_1119 = arith.subf %get3A_1115, %get3A_1118 : vector<16xf32>
        %ge3A_1120 = arith.constant 0.000000e+00 : f32
        %ge3A_1121 = vector.broadcast %ge3A_1120 : f32 to vector<16xf32>
        %ge3A_1122 = arith.cmpf oge, %sub3A_1119, %ge3A_1121 : vector<16xf32>
        %mul3A_1123 = arith.constant 0.00999999977 : f32
        %mul3A_1124 = vector.broadcast %mul3A_1123 : f32 to vector<16xf32>
        %mul3A_1125 = arith.mulf %mul3A_1124, %sub3A_1119 : vector<16xf32>
        %select_n3A_1126 = arith.select %ge3A_1122, %sub3A_1119, %mul3A_1125 : vector<16xi1>, vector<16xf32>
        %add3A_1127 = arith.addf %add3A_1112, %select_n3A_1126 : vector<16xf32>
        %get3A_1128 = arith.index_cast %add3A_1080 : i32 to index
        %get3A_1129 = arith.constant 48 : index
        %get3A_1130 = tpu.vector_load %arg11[%get3A_1128, %get3A_1129] {strides = array<i32>} : memref<80x128xf32, #tpu.memory_space<vmem>>, vector<16xf32>,
        %get3A_1131 = arith.index_cast %add3A_1080 : i32 to index
        %get3A_1132 = arith.constant 48 : index
        %get3A_1133 = tpu.vector_load %arg12[%get3A_1131, %get3A_1132] {strides = array<i32>} : memref<80x128xf32, #tpu.memory_space<vmem>>, vector<16xf32>,
        %sub3A_1134 = arith.subf %get3A_1130, %get3A_1133 : vector<16xf32>
        %ge3A_1135 = arith.constant 0.000000e+00 : f32
        %ge3A_1136 = vector.broadcast %ge3A_1135 : f32 to vector<16xf32>
        %ge3A_1137 = arith.cmpf oge, %sub3A_1134, %ge3A_1136 : vector<16xf32>
        %mul3A_1138 = arith.constant 0.00999999977 : f32
        %mul3A_1139 = vector.broadcast %mul3A_1138 : f32 to vector<16xf32>
        %mul3A_1140 = arith.mulf %mul3A_1139, %sub3A_1134 : vector<16xf32>
        %select_n3A_1141 = arith.select %ge3A_1137, %sub3A_1134, %mul3A_1140 : vector<16xi1>, vector<16xf32>
        %add3A_1142 = arith.addf %add3A_1127, %select_n3A_1141 : vector<16xf32>
        %get3A_1143 = arith.index_cast %add3A_1080 : i32 to index
        %get3A_1144 = arith.constant 64 : index
        %get3A_1145 = tpu.vector_load %arg11[%get3A_1143, %get3A_1144] {strides = array<i32>} : memref<80x128xf32, #tpu.memory_space<vmem>>, vector<16xf32>,
        %get3A_1146 = arith.index_cast %add3A_1080 : i32 to index
        %get3A_1147 = arith.constant 64 : index
        %get3A_1148 = tpu.vector_load %arg12[%get3A_1146, %get3A_1147] {strides = array<i32>} : memref<80x128xf32, #tpu.memory_space<vmem>>, vector<16xf32>,
        %sub3A_1149 = arith.subf %get3A_1145, %get3A_1148 : vector<16xf32>
        %ge3A_1150 = arith.constant 0.000000e+00 : f32
        %ge3A_1151 = vector.broadcast %ge3A_1150 : f32 to vector<16xf32>
        %ge3A_1152 = arith.cmpf oge, %sub3A_1149, %ge3A_1151 : vector<16xf32>
        %mul3A_1153 = arith.constant 0.00999999977 : f32
        %mul3A_1154 = vector.broadcast %mul3A_1153 : f32 to vector<16xf32>
        %mul3A_1155 = arith.mulf %mul3A_1154, %sub3A_1149 : vector<16xf32>
        %select_n3A_1156 = arith.select %ge3A_1152, %sub3A_1149, %mul3A_1155 : vector<16xi1>, vector<16xf32>
        %add3A_1157 = arith.addf %add3A_1142, %select_n3A_1156 : vector<16xf32>
        %get3A_1158 = arith.index_cast %add3A_1080 : i32 to index
        %get3A_1159 = arith.constant 80 : index
        %get3A_1160 = tpu.vector_load %arg11[%get3A_1158, %get3A_1159] {strides = array<i32>} : memref<80x128xf32, #tpu.memory_space<vmem>>, vector<16xf32>,
        %get3A_1161 = arith.index_cast %add3A_1080 : i32 to index
        %get3A_1162 = arith.constant 80 : index
        %get3A_1163 = tpu.vector_load %arg12[%get3A_1161, %get3A_1162] {strides = array<i32>} : memref<80x128xf32, #tpu.memory_space<vmem>>, vector<16xf32>,
        %sub3A_1164 = arith.subf %get3A_1160, %get3A_1163 : vector<16xf32>
        %ge3A_1165 = arith.constant 0.000000e+00 : f32
        %ge3A_1166 = vector.broadcast %ge3A_1165 : f32 to vector<16xf32>
        %ge3A_1167 = arith.cmpf oge, %sub3A_1164, %ge3A_1166 : vector<16xf32>
        %mul3A_1168 = arith.constant 0.00999999977 : f32
        %mul3A_1169 = vector.broadcast %mul3A_1168 : f32 to vector<16xf32>
        %mul3A_1170 = arith.mulf %mul3A_1169, %sub3A_1164 : vector<16xf32>
        %select_n3A_1171 = arith.select %ge3A_1167, %sub3A_1164, %mul3A_1170 : vector<16xi1>, vector<16xf32>
        %add3A_1172 = arith.addf %add3A_1157, %select_n3A_1171 : vector<16xf32>
        %get3A_1173 = arith.index_cast %add3A_1080 : i32 to index
        %get3A_1174 = arith.constant 96 : index
        %get3A_1175 = tpu.vector_load %arg11[%get3A_1173, %get3A_1174] {strides = array<i32>} : memref<80x128xf32, #tpu.memory_space<vmem>>, vector<16xf32>,
        %get3A_1176 = arith.index_cast %add3A_1080 : i32 to index
        %get3A_1177 = arith.constant 96 : index
        %get3A_1178 = tpu.vector_load %arg12[%get3A_1176, %get3A_1177] {strides = array<i32>} : memref<80x128xf32, #tpu.memory_space<vmem>>, vector<16xf32>,
        %sub3A_1179 = arith.subf %get3A_1175, %get3A_1178 : vector<16xf32>
        %ge3A_1180 = arith.constant 0.000000e+00 : f32
        %ge3A_1181 = vector.broadcast %ge3A_1180 : f32 to vector<16xf32>
        %ge3A_1182 = arith.cmpf oge, %sub3A_1179, %ge3A_1181 : vector<16xf32>
        %mul3A_1183 = arith.constant 0.00999999977 : f32
        %mul3A_1184 = vector.broadcast %mul3A_1183 : f32 to vector<16xf32>
        %mul3A_1185 = arith.mulf %mul3A_1184, %sub3A_1179 : vector<16xf32>
        %select_n3A_1186 = arith.select %ge3A_1182, %sub3A_1179, %mul3A_1185 : vector<16xi1>, vector<16xf32>
        %add3A_1187 = arith.addf %add3A_1172, %select_n3A_1186 : vector<16xf32>
        %get3A_1188 = arith.index_cast %add3A_1080 : i32 to index
        %get3A_1189 = arith.constant 112 : index
        %get3A_1190 = tpu.vector_load %arg11[%get3A_1188, %get3A_1189] {strides = array<i32>} : memref<80x128xf32, #tpu.memory_space<vmem>>, vector<16xf32>,
        %get3A_1191 = arith.index_cast %add3A_1080 : i32 to index
        %get3A_1192 = arith.constant 112 : index
        %get3A_1193 = tpu.vector_load %arg12[%get3A_1191, %get3A_1192] {strides = array<i32>} : memref<80x128xf32, #tpu.memory_space<vmem>>, vector<16xf32>,
        %sub3A_1194 = arith.subf %get3A_1190, %get3A_1193 : vector<16xf32>
        %ge3A_1195 = arith.constant 0.000000e+00 : f32
        %ge3A_1196 = vector.broadcast %ge3A_1195 : f32 to vector<16xf32>
        %ge3A_1197 = arith.cmpf oge, %sub3A_1194, %ge3A_1196 : vector<16xf32>
        %mul3A_1198 = arith.constant 0.00999999977 : f32
        %mul3A_1199 = vector.broadcast %mul3A_1198 : f32 to vector<16xf32>
        %mul3A_1200 = arith.mulf %mul3A_1199, %sub3A_1194 : vector<16xf32>
        %select_n3A_1201 = arith.select %ge3A_1197, %sub3A_1194, %mul3A_1200 : vector<16xi1>, vector<16xf32>
        %add3A_1202 = arith.addf %add3A_1187, %select_n3A_1201 : vector<16xf32>
        %swap3A_1203 = arith.constant 128 : index
        %swap3A_1204 = tpu.vector_load %arg14[%swap3A_1203] {strides = array<i32>} : memref<256xf32, #tpu.memory_space<vmem>>, vector<16xf32>,
        tpu.vector_store %arg14[%swap3A_1203], %add3A_1202 {strides = array<i32>} : memref<256xf32, #tpu.memory_space<vmem>>, vector<16xf32>,
        %mul3A_1205 = arith.constant 16 : i32
        %mul3A_1206 = arith.muli %scan3A_56, %mul3A_1205 : i32
        %add3A_1207 = arith.constant 9 : i32
        %add3A_1208 = arith.addi %mul3A_1206, %add3A_1207 : i32
        %broadcast_in_dim3A_1209 = arith.constant 0.000000e+00 : f32
        %broadcast_in_dim3A_1210 = vector.broadcast %broadcast_in_dim3A_1209 : f32 to vector<16xf32>
        %get3A_1211 = arith.index_cast %add3A_1208 : i32 to index
        %get3A_1212 = arith.constant 0 : index
        %get3A_1213 = tpu.vector_load %arg11[%get3A_1211, %get3A_1212] {strides = array<i32>} : memref<80x128xf32, #tpu.memory_space<vmem>>, vector<16xf32>,
        %get3A_1214 = arith.index_cast %add3A_1208 : i32 to index
        %get3A_1215 = arith.constant 0 : index
        %get3A_1216 = tpu.vector_load %arg12[%get3A_1214, %get3A_1215] {strides = array<i32>} : memref<80x128xf32, #tpu.memory_space<vmem>>, vector<16xf32>,
        %sub3A_1217 = arith.subf %get3A_1213, %get3A_1216 : vector<16xf32>
        %ge3A_1218 = arith.constant 0.000000e+00 : f32
        %ge3A_1219 = vector.broadcast %ge3A_1218 : f32 to vector<16xf32>
        %ge3A_1220 = arith.cmpf oge, %sub3A_1217, %ge3A_1219 : vector<16xf32>
        %mul3A_1221 = arith.constant 0.00999999977 : f32
        %mul3A_1222 = vector.broadcast %mul3A_1221 : f32 to vector<16xf32>
        %mul3A_1223 = arith.mulf %mul3A_1222, %sub3A_1217 : vector<16xf32>
        %select_n3A_1224 = arith.select %ge3A_1220, %sub3A_1217, %mul3A_1223 : vector<16xi1>, vector<16xf32>
        %add3A_1225 = arith.addf %broadcast_in_dim3A_1210, %select_n3A_1224 : vector<16xf32>
        %get3A_1226 = arith.index_cast %add3A_1208 : i32 to index
        %get3A_1227 = arith.constant 16 : index
        %get3A_1228 = tpu.vector_load %arg11[%get3A_1226, %get3A_1227] {strides = array<i32>} : memref<80x128xf32, #tpu.memory_space<vmem>>, vector<16xf32>,
        %get3A_1229 = arith.index_cast %add3A_1208 : i32 to index
        %get3A_1230 = arith.constant 16 : index
        %get3A_1231 = tpu.vector_load %arg12[%get3A_1229, %get3A_1230] {strides = array<i32>} : memref<80x128xf32, #tpu.memory_space<vmem>>, vector<16xf32>,
        %sub3A_1232 = arith.subf %get3A_1228, %get3A_1231 : vector<16xf32>
        %ge3A_1233 = arith.constant 0.000000e+00 : f32
        %ge3A_1234 = vector.broadcast %ge3A_1233 : f32 to vector<16xf32>
        %ge3A_1235 = arith.cmpf oge, %sub3A_1232, %ge3A_1234 : vector<16xf32>
        %mul3A_1236 = arith.constant 0.00999999977 : f32
        %mul3A_1237 = vector.broadcast %mul3A_1236 : f32 to vector<16xf32>
        %mul3A_1238 = arith.mulf %mul3A_1237, %sub3A_1232 : vector<16xf32>
        %select_n3A_1239 = arith.select %ge3A_1235, %sub3A_1232, %mul3A_1238 : vector<16xi1>, vector<16xf32>
        %add3A_1240 = arith.addf %add3A_1225, %select_n3A_1239 : vector<16xf32>
        %get3A_1241 = arith.index_cast %add3A_1208 : i32 to index
        %get3A_1242 = arith.constant 32 : index
        %get3A_1243 = tpu.vector_load %arg11[%get3A_1241, %get3A_1242] {strides = array<i32>} : memref<80x128xf32, #tpu.memory_space<vmem>>, vector<16xf32>,
        %get3A_1244 = arith.index_cast %add3A_1208 : i32 to index
        %get3A_1245 = arith.constant 32 : index
        %get3A_1246 = tpu.vector_load %arg12[%get3A_1244, %get3A_1245] {strides = array<i32>} : memref<80x128xf32, #tpu.memory_space<vmem>>, vector<16xf32>,
        %sub3A_1247 = arith.subf %get3A_1243, %get3A_1246 : vector<16xf32>
        %ge3A_1248 = arith.constant 0.000000e+00 : f32
        %ge3A_1249 = vector.broadcast %ge3A_1248 : f32 to vector<16xf32>
        %ge3A_1250 = arith.cmpf oge, %sub3A_1247, %ge3A_1249 : vector<16xf32>
        %mul3A_1251 = arith.constant 0.00999999977 : f32
        %mul3A_1252 = vector.broadcast %mul3A_1251 : f32 to vector<16xf32>
        %mul3A_1253 = arith.mulf %mul3A_1252, %sub3A_1247 : vector<16xf32>
        %select_n3A_1254 = arith.select %ge3A_1250, %sub3A_1247, %mul3A_1253 : vector<16xi1>, vector<16xf32>
        %add3A_1255 = arith.addf %add3A_1240, %select_n3A_1254 : vector<16xf32>
        %get3A_1256 = arith.index_cast %add3A_1208 : i32 to index
        %get3A_1257 = arith.constant 48 : index
        %get3A_1258 = tpu.vector_load %arg11[%get3A_1256, %get3A_1257] {strides = array<i32>} : memref<80x128xf32, #tpu.memory_space<vmem>>, vector<16xf32>,
        %get3A_1259 = arith.index_cast %add3A_1208 : i32 to index
        %get3A_1260 = arith.constant 48 : index
        %get3A_1261 = tpu.vector_load %arg12[%get3A_1259, %get3A_1260] {strides = array<i32>} : memref<80x128xf32, #tpu.memory_space<vmem>>, vector<16xf32>,
        %sub3A_1262 = arith.subf %get3A_1258, %get3A_1261 : vector<16xf32>
        %ge3A_1263 = arith.constant 0.000000e+00 : f32
        %ge3A_1264 = vector.broadcast %ge3A_1263 : f32 to vector<16xf32>
        %ge3A_1265 = arith.cmpf oge, %sub3A_1262, %ge3A_1264 : vector<16xf32>
        %mul3A_1266 = arith.constant 0.00999999977 : f32
        %mul3A_1267 = vector.broadcast %mul3A_1266 : f32 to vector<16xf32>
        %mul3A_1268 = arith.mulf %mul3A_1267, %sub3A_1262 : vector<16xf32>
        %select_n3A_1269 = arith.select %ge3A_1265, %sub3A_1262, %mul3A_1268 : vector<16xi1>, vector<16xf32>
        %add3A_1270 = arith.addf %add3A_1255, %select_n3A_1269 : vector<16xf32>
        %get3A_1271 = arith.index_cast %add3A_1208 : i32 to index
        %get3A_1272 = arith.constant 64 : index
        %get3A_1273 = tpu.vector_load %arg11[%get3A_1271, %get3A_1272] {strides = array<i32>} : memref<80x128xf32, #tpu.memory_space<vmem>>, vector<16xf32>,
        %get3A_1274 = arith.index_cast %add3A_1208 : i32 to index
        %get3A_1275 = arith.constant 64 : index
        %get3A_1276 = tpu.vector_load %arg12[%get3A_1274, %get3A_1275] {strides = array<i32>} : memref<80x128xf32, #tpu.memory_space<vmem>>, vector<16xf32>,
        %sub3A_1277 = arith.subf %get3A_1273, %get3A_1276 : vector<16xf32>
        %ge3A_1278 = arith.constant 0.000000e+00 : f32
        %ge3A_1279 = vector.broadcast %ge3A_1278 : f32 to vector<16xf32>
        %ge3A_1280 = arith.cmpf oge, %sub3A_1277, %ge3A_1279 : vector<16xf32>
        %mul3A_1281 = arith.constant 0.00999999977 : f32
        %mul3A_1282 = vector.broadcast %mul3A_1281 : f32 to vector<16xf32>
        %mul3A_1283 = arith.mulf %mul3A_1282, %sub3A_1277 : vector<16xf32>
        %select_n3A_1284 = arith.select %ge3A_1280, %sub3A_1277, %mul3A_1283 : vector<16xi1>, vector<16xf32>
        %add3A_1285 = arith.addf %add3A_1270, %select_n3A_1284 : vector<16xf32>
        %get3A_1286 = arith.index_cast %add3A_1208 : i32 to index
        %get3A_1287 = arith.constant 80 : index
        %get3A_1288 = tpu.vector_load %arg11[%get3A_1286, %get3A_1287] {strides = array<i32>} : memref<80x128xf32, #tpu.memory_space<vmem>>, vector<16xf32>,
        %get3A_1289 = arith.index_cast %add3A_1208 : i32 to index
        %get3A_1290 = arith.constant 80 : index
        %get3A_1291 = tpu.vector_load %arg12[%get3A_1289, %get3A_1290] {strides = array<i32>} : memref<80x128xf32, #tpu.memory_space<vmem>>, vector<16xf32>,
        %sub3A_1292 = arith.subf %get3A_1288, %get3A_1291 : vector<16xf32>
        %ge3A_1293 = arith.constant 0.000000e+00 : f32
        %ge3A_1294 = vector.broadcast %ge3A_1293 : f32 to vector<16xf32>
        %ge3A_1295 = arith.cmpf oge, %sub3A_1292, %ge3A_1294 : vector<16xf32>
        %mul3A_1296 = arith.constant 0.00999999977 : f32
        %mul3A_1297 = vector.broadcast %mul3A_1296 : f32 to vector<16xf32>
        %mul3A_1298 = arith.mulf %mul3A_1297, %sub3A_1292 : vector<16xf32>
        %select_n3A_1299 = arith.select %ge3A_1295, %sub3A_1292, %mul3A_1298 : vector<16xi1>, vector<16xf32>
        %add3A_1300 = arith.addf %add3A_1285, %select_n3A_1299 : vector<16xf32>
        %get3A_1301 = arith.index_cast %add3A_1208 : i32 to index
        %get3A_1302 = arith.constant 96 : index
        %get3A_1303 = tpu.vector_load %arg11[%get3A_1301, %get3A_1302] {strides = array<i32>} : memref<80x128xf32, #tpu.memory_space<vmem>>, vector<16xf32>,
        %get3A_1304 = arith.index_cast %add3A_1208 : i32 to index
        %get3A_1305 = arith.constant 96 : index
        %get3A_1306 = tpu.vector_load %arg12[%get3A_1304, %get3A_1305] {strides = array<i32>} : memref<80x128xf32, #tpu.memory_space<vmem>>, vector<16xf32>,
        %sub3A_1307 = arith.subf %get3A_1303, %get3A_1306 : vector<16xf32>
        %ge3A_1308 = arith.constant 0.000000e+00 : f32
        %ge3A_1309 = vector.broadcast %ge3A_1308 : f32 to vector<16xf32>
        %ge3A_1310 = arith.cmpf oge, %sub3A_1307, %ge3A_1309 : vector<16xf32>
        %mul3A_1311 = arith.constant 0.00999999977 : f32
        %mul3A_1312 = vector.broadcast %mul3A_1311 : f32 to vector<16xf32>
        %mul3A_1313 = arith.mulf %mul3A_1312, %sub3A_1307 : vector<16xf32>
        %select_n3A_1314 = arith.select %ge3A_1310, %sub3A_1307, %mul3A_1313 : vector<16xi1>, vector<16xf32>
        %add3A_1315 = arith.addf %add3A_1300, %select_n3A_1314 : vector<16xf32>
        %get3A_1316 = arith.index_cast %add3A_1208 : i32 to index
        %get3A_1317 = arith.constant 112 : index
        %get3A_1318 = tpu.vector_load %arg11[%get3A_1316, %get3A_1317] {strides = array<i32>} : memref<80x128xf32, #tpu.memory_space<vmem>>, vector<16xf32>,
        %get3A_1319 = arith.index_cast %add3A_1208 : i32 to index
        %get3A_1320 = arith.constant 112 : index
        %get3A_1321 = tpu.vector_load %arg12[%get3A_1319, %get3A_1320] {strides = array<i32>} : memref<80x128xf32, #tpu.memory_space<vmem>>, vector<16xf32>,
        %sub3A_1322 = arith.subf %get3A_1318, %get3A_1321 : vector<16xf32>
        %ge3A_1323 = arith.constant 0.000000e+00 : f32
        %ge3A_1324 = vector.broadcast %ge3A_1323 : f32 to vector<16xf32>
        %ge3A_1325 = arith.cmpf oge, %sub3A_1322, %ge3A_1324 : vector<16xf32>
        %mul3A_1326 = arith.constant 0.00999999977 : f32
        %mul3A_1327 = vector.broadcast %mul3A_1326 : f32 to vector<16xf32>
        %mul3A_1328 = arith.mulf %mul3A_1327, %sub3A_1322 : vector<16xf32>
        %select_n3A_1329 = arith.select %ge3A_1325, %sub3A_1322, %mul3A_1328 : vector<16xi1>, vector<16xf32>
        %add3A_1330 = arith.addf %add3A_1315, %select_n3A_1329 : vector<16xf32>
        %swap3A_1331 = arith.constant 144 : index
        %swap3A_1332 = tpu.vector_load %arg14[%swap3A_1331] {strides = array<i32>} : memref<256xf32, #tpu.memory_space<vmem>>, vector<16xf32>,
        tpu.vector_store %arg14[%swap3A_1331], %add3A_1330 {strides = array<i32>} : memref<256xf32, #tpu.memory_space<vmem>>, vector<16xf32>,
        %mul3A_1333 = arith.constant 16 : i32
        %mul3A_1334 = arith.muli %scan3A_56, %mul3A_1333 : i32
        %add3A_1335 = arith.constant 10 : i32
        %add3A_1336 = arith.addi %mul3A_1334, %add3A_1335 : i32
        %broadcast_in_dim3A_1337 = arith.constant 0.000000e+00 : f32
        %broadcast_in_dim3A_1338 = vector.broadcast %broadcast_in_dim3A_1337 : f32 to vector<16xf32>
        %get3A_1339 = arith.index_cast %add3A_1336 : i32 to index
        %get3A_1340 = arith.constant 0 : index
        %get3A_1341 = tpu.vector_load %arg11[%get3A_1339, %get3A_1340] {strides = array<i32>} : memref<80x128xf32, #tpu.memory_space<vmem>>, vector<16xf32>,
        %get3A_1342 = arith.index_cast %add3A_1336 : i32 to index
        %get3A_1343 = arith.constant 0 : index
        %get3A_1344 = tpu.vector_load %arg12[%get3A_1342, %get3A_1343] {strides = array<i32>} : memref<80x128xf32, #tpu.memory_space<vmem>>, vector<16xf32>,
        %sub3A_1345 = arith.subf %get3A_1341, %get3A_1344 : vector<16xf32>
        %ge3A_1346 = arith.constant 0.000000e+00 : f32
        %ge3A_1347 = vector.broadcast %ge3A_1346 : f32 to vector<16xf32>
        %ge3A_1348 = arith.cmpf oge, %sub3A_1345, %ge3A_1347 : vector<16xf32>
        %mul3A_1349 = arith.constant 0.00999999977 : f32
        %mul3A_1350 = vector.broadcast %mul3A_1349 : f32 to vector<16xf32>
        %mul3A_1351 = arith.mulf %mul3A_1350, %sub3A_1345 : vector<16xf32>
        %select_n3A_1352 = arith.select %ge3A_1348, %sub3A_1345, %mul3A_1351 : vector<16xi1>, vector<16xf32>
        %add3A_1353 = arith.addf %broadcast_in_dim3A_1338, %select_n3A_1352 : vector<16xf32>
        %get3A_1354 = arith.index_cast %add3A_1336 : i32 to index
        %get3A_1355 = arith.constant 16 : index
        %get3A_1356 = tpu.vector_load %arg11[%get3A_1354, %get3A_1355] {strides = array<i32>} : memref<80x128xf32, #tpu.memory_space<vmem>>, vector<16xf32>,
        %get3A_1357 = arith.index_cast %add3A_1336 : i32 to index
        %get3A_1358 = arith.constant 16 : index
        %get3A_1359 = tpu.vector_load %arg12[%get3A_1357, %get3A_1358] {strides = array<i32>} : memref<80x128xf32, #tpu.memory_space<vmem>>, vector<16xf32>,
        %sub3A_1360 = arith.subf %get3A_1356, %get3A_1359 : vector<16xf32>
        %ge3A_1361 = arith.constant 0.000000e+00 : f32
        %ge3A_1362 = vector.broadcast %ge3A_1361 : f32 to vector<16xf32>
        %ge3A_1363 = arith.cmpf oge, %sub3A_1360, %ge3A_1362 : vector<16xf32>
        %mul3A_1364 = arith.constant 0.00999999977 : f32
        %mul3A_1365 = vector.broadcast %mul3A_1364 : f32 to vector<16xf32>
        %mul3A_1366 = arith.mulf %mul3A_1365, %sub3A_1360 : vector<16xf32>
        %select_n3A_1367 = arith.select %ge3A_1363, %sub3A_1360, %mul3A_1366 : vector<16xi1>, vector<16xf32>
        %add3A_1368 = arith.addf %add3A_1353, %select_n3A_1367 : vector<16xf32>
        %get3A_1369 = arith.index_cast %add3A_1336 : i32 to index
        %get3A_1370 = arith.constant 32 : index
        %get3A_1371 = tpu.vector_load %arg11[%get3A_1369, %get3A_1370] {strides = array<i32>} : memref<80x128xf32, #tpu.memory_space<vmem>>, vector<16xf32>,
        %get3A_1372 = arith.index_cast %add3A_1336 : i32 to index
        %get3A_1373 = arith.constant 32 : index
        %get3A_1374 = tpu.vector_load %arg12[%get3A_1372, %get3A_1373] {strides = array<i32>} : memref<80x128xf32, #tpu.memory_space<vmem>>, vector<16xf32>,
        %sub3A_1375 = arith.subf %get3A_1371, %get3A_1374 : vector<16xf32>
        %ge3A_1376 = arith.constant 0.000000e+00 : f32
        %ge3A_1377 = vector.broadcast %ge3A_1376 : f32 to vector<16xf32>
        %ge3A_1378 = arith.cmpf oge, %sub3A_1375, %ge3A_1377 : vector<16xf32>
        %mul3A_1379 = arith.constant 0.00999999977 : f32
        %mul3A_1380 = vector.broadcast %mul3A_1379 : f32 to vector<16xf32>
        %mul3A_1381 = arith.mulf %mul3A_1380, %sub3A_1375 : vector<16xf32>
        %select_n3A_1382 = arith.select %ge3A_1378, %sub3A_1375, %mul3A_1381 : vector<16xi1>, vector<16xf32>
        %add3A_1383 = arith.addf %add3A_1368, %select_n3A_1382 : vector<16xf32>
        %get3A_1384 = arith.index_cast %add3A_1336 : i32 to index
        %get3A_1385 = arith.constant 48 : index
        %get3A_1386 = tpu.vector_load %arg11[%get3A_1384, %get3A_1385] {strides = array<i32>} : memref<80x128xf32, #tpu.memory_space<vmem>>, vector<16xf32>,
        %get3A_1387 = arith.index_cast %add3A_1336 : i32 to index
        %get3A_1388 = arith.constant 48 : index
        %get3A_1389 = tpu.vector_load %arg12[%get3A_1387, %get3A_1388] {strides = array<i32>} : memref<80x128xf32, #tpu.memory_space<vmem>>, vector<16xf32>,
        %sub3A_1390 = arith.subf %get3A_1386, %get3A_1389 : vector<16xf32>
        %ge3A_1391 = arith.constant 0.000000e+00 : f32
        %ge3A_1392 = vector.broadcast %ge3A_1391 : f32 to vector<16xf32>
        %ge3A_1393 = arith.cmpf oge, %sub3A_1390, %ge3A_1392 : vector<16xf32>
        %mul3A_1394 = arith.constant 0.00999999977 : f32
        %mul3A_1395 = vector.broadcast %mul3A_1394 : f32 to vector<16xf32>
        %mul3A_1396 = arith.mulf %mul3A_1395, %sub3A_1390 : vector<16xf32>
        %select_n3A_1397 = arith.select %ge3A_1393, %sub3A_1390, %mul3A_1396 : vector<16xi1>, vector<16xf32>
        %add3A_1398 = arith.addf %add3A_1383, %select_n3A_1397 : vector<16xf32>
        %get3A_1399 = arith.index_cast %add3A_1336 : i32 to index
        %get3A_1400 = arith.constant 64 : index
        %get3A_1401 = tpu.vector_load %arg11[%get3A_1399, %get3A_1400] {strides = array<i32>} : memref<80x128xf32, #tpu.memory_space<vmem>>, vector<16xf32>,
        %get3A_1402 = arith.index_cast %add3A_1336 : i32 to index
        %get3A_1403 = arith.constant 64 : index
        %get3A_1404 = tpu.vector_load %arg12[%get3A_1402, %get3A_1403] {strides = array<i32>} : memref<80x128xf32, #tpu.memory_space<vmem>>, vector<16xf32>,
        %sub3A_1405 = arith.subf %get3A_1401, %get3A_1404 : vector<16xf32>
        %ge3A_1406 = arith.constant 0.000000e+00 : f32
        %ge3A_1407 = vector.broadcast %ge3A_1406 : f32 to vector<16xf32>
        %ge3A_1408 = arith.cmpf oge, %sub3A_1405, %ge3A_1407 : vector<16xf32>
        %mul3A_1409 = arith.constant 0.00999999977 : f32
        %mul3A_1410 = vector.broadcast %mul3A_1409 : f32 to vector<16xf32>
        %mul3A_1411 = arith.mulf %mul3A_1410, %sub3A_1405 : vector<16xf32>
        %select_n3A_1412 = arith.select %ge3A_1408, %sub3A_1405, %mul3A_1411 : vector<16xi1>, vector<16xf32>
        %add3A_1413 = arith.addf %add3A_1398, %select_n3A_1412 : vector<16xf32>
        %get3A_1414 = arith.index_cast %add3A_1336 : i32 to index
        %get3A_1415 = arith.constant 80 : index
        %get3A_1416 = tpu.vector_load %arg11[%get3A_1414, %get3A_1415] {strides = array<i32>} : memref<80x128xf32, #tpu.memory_space<vmem>>, vector<16xf32>,
        %get3A_1417 = arith.index_cast %add3A_1336 : i32 to index
        %get3A_1418 = arith.constant 80 : index
        %get3A_1419 = tpu.vector_load %arg12[%get3A_1417, %get3A_1418] {strides = array<i32>} : memref<80x128xf32, #tpu.memory_space<vmem>>, vector<16xf32>,
        %sub3A_1420 = arith.subf %get3A_1416, %get3A_1419 : vector<16xf32>
        %ge3A_1421 = arith.constant 0.000000e+00 : f32
        %ge3A_1422 = vector.broadcast %ge3A_1421 : f32 to vector<16xf32>
        %ge3A_1423 = arith.cmpf oge, %sub3A_1420, %ge3A_1422 : vector<16xf32>
        %mul3A_1424 = arith.constant 0.00999999977 : f32
        %mul3A_1425 = vector.broadcast %mul3A_1424 : f32 to vector<16xf32>
        %mul3A_1426 = arith.mulf %mul3A_1425, %sub3A_1420 : vector<16xf32>
        %select_n3A_1427 = arith.select %ge3A_1423, %sub3A_1420, %mul3A_1426 : vector<16xi1>, vector<16xf32>
        %add3A_1428 = arith.addf %add3A_1413, %select_n3A_1427 : vector<16xf32>
        %get3A_1429 = arith.index_cast %add3A_1336 : i32 to index
        %get3A_1430 = arith.constant 96 : index
        %get3A_1431 = tpu.vector_load %arg11[%get3A_1429, %get3A_1430] {strides = array<i32>} : memref<80x128xf32, #tpu.memory_space<vmem>>, vector<16xf32>,
        %get3A_1432 = arith.index_cast %add3A_1336 : i32 to index
        %get3A_1433 = arith.constant 96 : index
        %get3A_1434 = tpu.vector_load %arg12[%get3A_1432, %get3A_1433] {strides = array<i32>} : memref<80x128xf32, #tpu.memory_space<vmem>>, vector<16xf32>,
        %sub3A_1435 = arith.subf %get3A_1431, %get3A_1434 : vector<16xf32>
        %ge3A_1436 = arith.constant 0.000000e+00 : f32
        %ge3A_1437 = vector.broadcast %ge3A_1436 : f32 to vector<16xf32>
        %ge3A_1438 = arith.cmpf oge, %sub3A_1435, %ge3A_1437 : vector<16xf32>
        %mul3A_1439 = arith.constant 0.00999999977 : f32
        %mul3A_1440 = vector.broadcast %mul3A_1439 : f32 to vector<16xf32>
        %mul3A_1441 = arith.mulf %mul3A_1440, %sub3A_1435 : vector<16xf32>
        %select_n3A_1442 = arith.select %ge3A_1438, %sub3A_1435, %mul3A_1441 : vector<16xi1>, vector<16xf32>
        %add3A_1443 = arith.addf %add3A_1428, %select_n3A_1442 : vector<16xf32>
        %get3A_1444 = arith.index_cast %add3A_1336 : i32 to index
        %get3A_1445 = arith.constant 112 : index
        %get3A_1446 = tpu.vector_load %arg11[%get3A_1444, %get3A_1445] {strides = array<i32>} : memref<80x128xf32, #tpu.memory_space<vmem>>, vector<16xf32>,
        %get3A_1447 = arith.index_cast %add3A_1336 : i32 to index
        %get3A_1448 = arith.constant 112 : index
        %get3A_1449 = tpu.vector_load %arg12[%get3A_1447, %get3A_1448] {strides = array<i32>} : memref<80x128xf32, #tpu.memory_space<vmem>>, vector<16xf32>,
        %sub3A_1450 = arith.subf %get3A_1446, %get3A_1449 : vector<16xf32>
        %ge3A_1451 = arith.constant 0.000000e+00 : f32
        %ge3A_1452 = vector.broadcast %ge3A_1451 : f32 to vector<16xf32>
        %ge3A_1453 = arith.cmpf oge, %sub3A_1450, %ge3A_1452 : vector<16xf32>
        %mul3A_1454 = arith.constant 0.00999999977 : f32
        %mul3A_1455 = vector.broadcast %mul3A_1454 : f32 to vector<16xf32>
        %mul3A_1456 = arith.mulf %mul3A_1455, %sub3A_1450 : vector<16xf32>
        %select_n3A_1457 = arith.select %ge3A_1453, %sub3A_1450, %mul3A_1456 : vector<16xi1>, vector<16xf32>
        %add3A_1458 = arith.addf %add3A_1443, %select_n3A_1457 : vector<16xf32>
        %swap3A_1459 = arith.constant 160 : index
        %swap3A_1460 = tpu.vector_load %arg14[%swap3A_1459] {strides = array<i32>} : memref<256xf32, #tpu.memory_space<vmem>>, vector<16xf32>,
        tpu.vector_store %arg14[%swap3A_1459], %add3A_1458 {strides = array<i32>} : memref<256xf32, #tpu.memory_space<vmem>>, vector<16xf32>,
        %mul3A_1461 = arith.constant 16 : i32
        %mul3A_1462 = arith.muli %scan3A_56, %mul3A_1461 : i32
        %add3A_1463 = arith.constant 11 : i32
        %add3A_1464 = arith.addi %mul3A_1462, %add3A_1463 : i32
        %broadcast_in_dim3A_1465 = arith.constant 0.000000e+00 : f32
        %broadcast_in_dim3A_1466 = vector.broadcast %broadcast_in_dim3A_1465 : f32 to vector<16xf32>
        %get3A_1467 = arith.index_cast %add3A_1464 : i32 to index
        %get3A_1468 = arith.constant 0 : index
        %get3A_1469 = tpu.vector_load %arg11[%get3A_1467, %get3A_1468] {strides = array<i32>} : memref<80x128xf32, #tpu.memory_space<vmem>>, vector<16xf32>,
        %get3A_1470 = arith.index_cast %add3A_1464 : i32 to index
        %get3A_1471 = arith.constant 0 : index
        %get3A_1472 = tpu.vector_load %arg12[%get3A_1470, %get3A_1471] {strides = array<i32>} : memref<80x128xf32, #tpu.memory_space<vmem>>, vector<16xf32>,
        %sub3A_1473 = arith.subf %get3A_1469, %get3A_1472 : vector<16xf32>
        %ge3A_1474 = arith.constant 0.000000e+00 : f32
        %ge3A_1475 = vector.broadcast %ge3A_1474 : f32 to vector<16xf32>
        %ge3A_1476 = arith.cmpf oge, %sub3A_1473, %ge3A_1475 : vector<16xf32>
        %mul3A_1477 = arith.constant 0.00999999977 : f32
        %mul3A_1478 = vector.broadcast %mul3A_1477 : f32 to vector<16xf32>
        %mul3A_1479 = arith.mulf %mul3A_1478, %sub3A_1473 : vector<16xf32>
        %select_n3A_1480 = arith.select %ge3A_1476, %sub3A_1473, %mul3A_1479 : vector<16xi1>, vector<16xf32>
        %add3A_1481 = arith.addf %broadcast_in_dim3A_1466, %select_n3A_1480 : vector<16xf32>
        %get3A_1482 = arith.index_cast %add3A_1464 : i32 to index
        %get3A_1483 = arith.constant 16 : index
        %get3A_1484 = tpu.vector_load %arg11[%get3A_1482, %get3A_1483] {strides = array<i32>} : memref<80x128xf32, #tpu.memory_space<vmem>>, vector<16xf32>,
        %get3A_1485 = arith.index_cast %add3A_1464 : i32 to index
        %get3A_1486 = arith.constant 16 : index
        %get3A_1487 = tpu.vector_load %arg12[%get3A_1485, %get3A_1486] {strides = array<i32>} : memref<80x128xf32, #tpu.memory_space<vmem>>, vector<16xf32>,
        %sub3A_1488 = arith.subf %get3A_1484, %get3A_1487 : vector<16xf32>
        %ge3A_1489 = arith.constant 0.000000e+00 : f32
        %ge3A_1490 = vector.broadcast %ge3A_1489 : f32 to vector<16xf32>
        %ge3A_1491 = arith.cmpf oge, %sub3A_1488, %ge3A_1490 : vector<16xf32>
        %mul3A_1492 = arith.constant 0.00999999977 : f32
        %mul3A_1493 = vector.broadcast %mul3A_1492 : f32 to vector<16xf32>
        %mul3A_1494 = arith.mulf %mul3A_1493, %sub3A_1488 : vector<16xf32>
        %select_n3A_1495 = arith.select %ge3A_1491, %sub3A_1488, %mul3A_1494 : vector<16xi1>, vector<16xf32>
        %add3A_1496 = arith.addf %add3A_1481, %select_n3A_1495 : vector<16xf32>
        %get3A_1497 = arith.index_cast %add3A_1464 : i32 to index
        %get3A_1498 = arith.constant 32 : index
        %get3A_1499 = tpu.vector_load %arg11[%get3A_1497, %get3A_1498] {strides = array<i32>} : memref<80x128xf32, #tpu.memory_space<vmem>>, vector<16xf32>,
        %get3A_1500 = arith.index_cast %add3A_1464 : i32 to index
        %get3A_1501 = arith.constant 32 : index
        %get3A_1502 = tpu.vector_load %arg12[%get3A_1500, %get3A_1501] {strides = array<i32>} : memref<80x128xf32, #tpu.memory_space<vmem>>, vector<16xf32>,
        %sub3A_1503 = arith.subf %get3A_1499, %get3A_1502 : vector<16xf32>
        %ge3A_1504 = arith.constant 0.000000e+00 : f32
        %ge3A_1505 = vector.broadcast %ge3A_1504 : f32 to vector<16xf32>
        %ge3A_1506 = arith.cmpf oge, %sub3A_1503, %ge3A_1505 : vector<16xf32>
        %mul3A_1507 = arith.constant 0.00999999977 : f32
        %mul3A_1508 = vector.broadcast %mul3A_1507 : f32 to vector<16xf32>
        %mul3A_1509 = arith.mulf %mul3A_1508, %sub3A_1503 : vector<16xf32>
        %select_n3A_1510 = arith.select %ge3A_1506, %sub3A_1503, %mul3A_1509 : vector<16xi1>, vector<16xf32>
        %add3A_1511 = arith.addf %add3A_1496, %select_n3A_1510 : vector<16xf32>
        %get3A_1512 = arith.index_cast %add3A_1464 : i32 to index
        %get3A_1513 = arith.constant 48 : index
        %get3A_1514 = tpu.vector_load %arg11[%get3A_1512, %get3A_1513] {strides = array<i32>} : memref<80x128xf32, #tpu.memory_space<vmem>>, vector<16xf32>,
        %get3A_1515 = arith.index_cast %add3A_1464 : i32 to index
        %get3A_1516 = arith.constant 48 : index
        %get3A_1517 = tpu.vector_load %arg12[%get3A_1515, %get3A_1516] {strides = array<i32>} : memref<80x128xf32, #tpu.memory_space<vmem>>, vector<16xf32>,
        %sub3A_1518 = arith.subf %get3A_1514, %get3A_1517 : vector<16xf32>
        %ge3A_1519 = arith.constant 0.000000e+00 : f32
        %ge3A_1520 = vector.broadcast %ge3A_1519 : f32 to vector<16xf32>
        %ge3A_1521 = arith.cmpf oge, %sub3A_1518, %ge3A_1520 : vector<16xf32>
        %mul3A_1522 = arith.constant 0.00999999977 : f32
        %mul3A_1523 = vector.broadcast %mul3A_1522 : f32 to vector<16xf32>
        %mul3A_1524 = arith.mulf %mul3A_1523, %sub3A_1518 : vector<16xf32>
        %select_n3A_1525 = arith.select %ge3A_1521, %sub3A_1518, %mul3A_1524 : vector<16xi1>, vector<16xf32>
        %add3A_1526 = arith.addf %add3A_1511, %select_n3A_1525 : vector<16xf32>
        %get3A_1527 = arith.index_cast %add3A_1464 : i32 to index
        %get3A_1528 = arith.constant 64 : index
        %get3A_1529 = tpu.vector_load %arg11[%get3A_1527, %get3A_1528] {strides = array<i32>} : memref<80x128xf32, #tpu.memory_space<vmem>>, vector<16xf32>,
        %get3A_1530 = arith.index_cast %add3A_1464 : i32 to index
        %get3A_1531 = arith.constant 64 : index
        %get3A_1532 = tpu.vector_load %arg12[%get3A_1530, %get3A_1531] {strides = array<i32>} : memref<80x128xf32, #tpu.memory_space<vmem>>, vector<16xf32>,
        %sub3A_1533 = arith.subf %get3A_1529, %get3A_1532 : vector<16xf32>
        %ge3A_1534 = arith.constant 0.000000e+00 : f32
        %ge3A_1535 = vector.broadcast %ge3A_1534 : f32 to vector<16xf32>
        %ge3A_1536 = arith.cmpf oge, %sub3A_1533, %ge3A_1535 : vector<16xf32>
        %mul3A_1537 = arith.constant 0.00999999977 : f32
        %mul3A_1538 = vector.broadcast %mul3A_1537 : f32 to vector<16xf32>
        %mul3A_1539 = arith.mulf %mul3A_1538, %sub3A_1533 : vector<16xf32>
        %select_n3A_1540 = arith.select %ge3A_1536, %sub3A_1533, %mul3A_1539 : vector<16xi1>, vector<16xf32>
        %add3A_1541 = arith.addf %add3A_1526, %select_n3A_1540 : vector<16xf32>
        %get3A_1542 = arith.index_cast %add3A_1464 : i32 to index
        %get3A_1543 = arith.constant 80 : index
        %get3A_1544 = tpu.vector_load %arg11[%get3A_1542, %get3A_1543] {strides = array<i32>} : memref<80x128xf32, #tpu.memory_space<vmem>>, vector<16xf32>,
        %get3A_1545 = arith.index_cast %add3A_1464 : i32 to index
        %get3A_1546 = arith.constant 80 : index
        %get3A_1547 = tpu.vector_load %arg12[%get3A_1545, %get3A_1546] {strides = array<i32>} : memref<80x128xf32, #tpu.memory_space<vmem>>, vector<16xf32>,
        %sub3A_1548 = arith.subf %get3A_1544, %get3A_1547 : vector<16xf32>
        %ge3A_1549 = arith.constant 0.000000e+00 : f32
        %ge3A_1550 = vector.broadcast %ge3A_1549 : f32 to vector<16xf32>
        %ge3A_1551 = arith.cmpf oge, %sub3A_1548, %ge3A_1550 : vector<16xf32>
        %mul3A_1552 = arith.constant 0.00999999977 : f32
        %mul3A_1553 = vector.broadcast %mul3A_1552 : f32 to vector<16xf32>
        %mul3A_1554 = arith.mulf %mul3A_1553, %sub3A_1548 : vector<16xf32>
        %select_n3A_1555 = arith.select %ge3A_1551, %sub3A_1548, %mul3A_1554 : vector<16xi1>, vector<16xf32>
        %add3A_1556 = arith.addf %add3A_1541, %select_n3A_1555 : vector<16xf32>
        %get3A_1557 = arith.index_cast %add3A_1464 : i32 to index
        %get3A_1558 = arith.constant 96 : index
        %get3A_1559 = tpu.vector_load %arg11[%get3A_1557, %get3A_1558] {strides = array<i32>} : memref<80x128xf32, #tpu.memory_space<vmem>>, vector<16xf32>,
        %get3A_1560 = arith.index_cast %add3A_1464 : i32 to index
        %get3A_1561 = arith.constant 96 : index
        %get3A_1562 = tpu.vector_load %arg12[%get3A_1560, %get3A_1561] {strides = array<i32>} : memref<80x128xf32, #tpu.memory_space<vmem>>, vector<16xf32>,
        %sub3A_1563 = arith.subf %get3A_1559, %get3A_1562 : vector<16xf32>
        %ge3A_1564 = arith.constant 0.000000e+00 : f32
        %ge3A_1565 = vector.broadcast %ge3A_1564 : f32 to vector<16xf32>
        %ge3A_1566 = arith.cmpf oge, %sub3A_1563, %ge3A_1565 : vector<16xf32>
        %mul3A_1567 = arith.constant 0.00999999977 : f32
        %mul3A_1568 = vector.broadcast %mul3A_1567 : f32 to vector<16xf32>
        %mul3A_1569 = arith.mulf %mul3A_1568, %sub3A_1563 : vector<16xf32>
        %select_n3A_1570 = arith.select %ge3A_1566, %sub3A_1563, %mul3A_1569 : vector<16xi1>, vector<16xf32>
        %add3A_1571 = arith.addf %add3A_1556, %select_n3A_1570 : vector<16xf32>
        %get3A_1572 = arith.index_cast %add3A_1464 : i32 to index
        %get3A_1573 = arith.constant 112 : index
        %get3A_1574 = tpu.vector_load %arg11[%get3A_1572, %get3A_1573] {strides = array<i32>} : memref<80x128xf32, #tpu.memory_space<vmem>>, vector<16xf32>,
        %get3A_1575 = arith.index_cast %add3A_1464 : i32 to index
        %get3A_1576 = arith.constant 112 : index
        %get3A_1577 = tpu.vector_load %arg12[%get3A_1575, %get3A_1576] {strides = array<i32>} : memref<80x128xf32, #tpu.memory_space<vmem>>, vector<16xf32>,
        %sub3A_1578 = arith.subf %get3A_1574, %get3A_1577 : vector<16xf32>
        %ge3A_1579 = arith.constant 0.000000e+00 : f32
        %ge3A_1580 = vector.broadcast %ge3A_1579 : f32 to vector<16xf32>
        %ge3A_1581 = arith.cmpf oge, %sub3A_1578, %ge3A_1580 : vector<16xf32>
        %mul3A_1582 = arith.constant 0.00999999977 : f32
        %mul3A_1583 = vector.broadcast %mul3A_1582 : f32 to vector<16xf32>
        %mul3A_1584 = arith.mulf %mul3A_1583, %sub3A_1578 : vector<16xf32>
        %select_n3A_1585 = arith.select %ge3A_1581, %sub3A_1578, %mul3A_1584 : vector<16xi1>, vector<16xf32>
        %add3A_1586 = arith.addf %add3A_1571, %select_n3A_1585 : vector<16xf32>
        %swap3A_1587 = arith.constant 176 : index
        %swap3A_1588 = tpu.vector_load %arg14[%swap3A_1587] {strides = array<i32>} : memref<256xf32, #tpu.memory_space<vmem>>, vector<16xf32>,
        tpu.vector_store %arg14[%swap3A_1587], %add3A_1586 {strides = array<i32>} : memref<256xf32, #tpu.memory_space<vmem>>, vector<16xf32>,
        %mul3A_1589 = arith.constant 16 : i32
        %mul3A_1590 = arith.muli %scan3A_56, %mul3A_1589 : i32
        %add3A_1591 = arith.constant 12 : i32
        %add3A_1592 = arith.addi %mul3A_1590, %add3A_1591 : i32
        %broadcast_in_dim3A_1593 = arith.constant 0.000000e+00 : f32
        %broadcast_in_dim3A_1594 = vector.broadcast %broadcast_in_dim3A_1593 : f32 to vector<16xf32>
        %get3A_1595 = arith.index_cast %add3A_1592 : i32 to index
        %get3A_1596 = arith.constant 0 : index
        %get3A_1597 = tpu.vector_load %arg11[%get3A_1595, %get3A_1596] {strides = array<i32>} : memref<80x128xf32, #tpu.memory_space<vmem>>, vector<16xf32>,
        %get3A_1598 = arith.index_cast %add3A_1592 : i32 to index
        %get3A_1599 = arith.constant 0 : index
        %get3A_1600 = tpu.vector_load %arg12[%get3A_1598, %get3A_1599] {strides = array<i32>} : memref<80x128xf32, #tpu.memory_space<vmem>>, vector<16xf32>,
        %sub3A_1601 = arith.subf %get3A_1597, %get3A_1600 : vector<16xf32>
        %ge3A_1602 = arith.constant 0.000000e+00 : f32
        %ge3A_1603 = vector.broadcast %ge3A_1602 : f32 to vector<16xf32>
        %ge3A_1604 = arith.cmpf oge, %sub3A_1601, %ge3A_1603 : vector<16xf32>
        %mul3A_1605 = arith.constant 0.00999999977 : f32
        %mul3A_1606 = vector.broadcast %mul3A_1605 : f32 to vector<16xf32>
        %mul3A_1607 = arith.mulf %mul3A_1606, %sub3A_1601 : vector<16xf32>
        %select_n3A_1608 = arith.select %ge3A_1604, %sub3A_1601, %mul3A_1607 : vector<16xi1>, vector<16xf32>
        %add3A_1609 = arith.addf %broadcast_in_dim3A_1594, %select_n3A_1608 : vector<16xf32>
        %get3A_1610 = arith.index_cast %add3A_1592 : i32 to index
        %get3A_1611 = arith.constant 16 : index
        %get3A_1612 = tpu.vector_load %arg11[%get3A_1610, %get3A_1611] {strides = array<i32>} : memref<80x128xf32, #tpu.memory_space<vmem>>, vector<16xf32>,
        %get3A_1613 = arith.index_cast %add3A_1592 : i32 to index
        %get3A_1614 = arith.constant 16 : index
        %get3A_1615 = tpu.vector_load %arg12[%get3A_1613, %get3A_1614] {strides = array<i32>} : memref<80x128xf32, #tpu.memory_space<vmem>>, vector<16xf32>,
        %sub3A_1616 = arith.subf %get3A_1612, %get3A_1615 : vector<16xf32>
        %ge3A_1617 = arith.constant 0.000000e+00 : f32
        %ge3A_1618 = vector.broadcast %ge3A_1617 : f32 to vector<16xf32>
        %ge3A_1619 = arith.cmpf oge, %sub3A_1616, %ge3A_1618 : vector<16xf32>
        %mul3A_1620 = arith.constant 0.00999999977 : f32
        %mul3A_1621 = vector.broadcast %mul3A_1620 : f32 to vector<16xf32>
        %mul3A_1622 = arith.mulf %mul3A_1621, %sub3A_1616 : vector<16xf32>
        %select_n3A_1623 = arith.select %ge3A_1619, %sub3A_1616, %mul3A_1622 : vector<16xi1>, vector<16xf32>
        %add3A_1624 = arith.addf %add3A_1609, %select_n3A_1623 : vector<16xf32>
        %get3A_1625 = arith.index_cast %add3A_1592 : i32 to index
        %get3A_1626 = arith.constant 32 : index
        %get3A_1627 = tpu.vector_load %arg11[%get3A_1625, %get3A_1626] {strides = array<i32>} : memref<80x128xf32, #tpu.memory_space<vmem>>, vector<16xf32>,
        %get3A_1628 = arith.index_cast %add3A_1592 : i32 to index
        %get3A_1629 = arith.constant 32 : index
        %get3A_1630 = tpu.vector_load %arg12[%get3A_1628, %get3A_1629] {strides = array<i32>} : memref<80x128xf32, #tpu.memory_space<vmem>>, vector<16xf32>,
        %sub3A_1631 = arith.subf %get3A_1627, %get3A_1630 : vector<16xf32>
        %ge3A_1632 = arith.constant 0.000000e+00 : f32
        %ge3A_1633 = vector.broadcast %ge3A_1632 : f32 to vector<16xf32>
        %ge3A_1634 = arith.cmpf oge, %sub3A_1631, %ge3A_1633 : vector<16xf32>
        %mul3A_1635 = arith.constant 0.00999999977 : f32
        %mul3A_1636 = vector.broadcast %mul3A_1635 : f32 to vector<16xf32>
        %mul3A_1637 = arith.mulf %mul3A_1636, %sub3A_1631 : vector<16xf32>
        %select_n3A_1638 = arith.select %ge3A_1634, %sub3A_1631, %mul3A_1637 : vector<16xi1>, vector<16xf32>
        %add3A_1639 = arith.addf %add3A_1624, %select_n3A_1638 : vector<16xf32>
        %get3A_1640 = arith.index_cast %add3A_1592 : i32 to index
        %get3A_1641 = arith.constant 48 : index
        %get3A_1642 = tpu.vector_load %arg11[%get3A_1640, %get3A_1641] {strides = array<i32>} : memref<80x128xf32, #tpu.memory_space<vmem>>, vector<16xf32>,
        %get3A_1643 = arith.index_cast %add3A_1592 : i32 to index
        %get3A_1644 = arith.constant 48 : index
        %get3A_1645 = tpu.vector_load %arg12[%get3A_1643, %get3A_1644] {strides = array<i32>} : memref<80x128xf32, #tpu.memory_space<vmem>>, vector<16xf32>,
        %sub3A_1646 = arith.subf %get3A_1642, %get3A_1645 : vector<16xf32>
        %ge3A_1647 = arith.constant 0.000000e+00 : f32
        %ge3A_1648 = vector.broadcast %ge3A_1647 : f32 to vector<16xf32>
        %ge3A_1649 = arith.cmpf oge, %sub3A_1646, %ge3A_1648 : vector<16xf32>
        %mul3A_1650 = arith.constant 0.00999999977 : f32
        %mul3A_1651 = vector.broadcast %mul3A_1650 : f32 to vector<16xf32>
        %mul3A_1652 = arith.mulf %mul3A_1651, %sub3A_1646 : vector<16xf32>
        %select_n3A_1653 = arith.select %ge3A_1649, %sub3A_1646, %mul3A_1652 : vector<16xi1>, vector<16xf32>
        %add3A_1654 = arith.addf %add3A_1639, %select_n3A_1653 : vector<16xf32>
        %get3A_1655 = arith.index_cast %add3A_1592 : i32 to index
        %get3A_1656 = arith.constant 64 : index
        %get3A_1657 = tpu.vector_load %arg11[%get3A_1655, %get3A_1656] {strides = array<i32>} : memref<80x128xf32, #tpu.memory_space<vmem>>, vector<16xf32>,
        %get3A_1658 = arith.index_cast %add3A_1592 : i32 to index
        %get3A_1659 = arith.constant 64 : index
        %get3A_1660 = tpu.vector_load %arg12[%get3A_1658, %get3A_1659] {strides = array<i32>} : memref<80x128xf32, #tpu.memory_space<vmem>>, vector<16xf32>,
        %sub3A_1661 = arith.subf %get3A_1657, %get3A_1660 : vector<16xf32>
        %ge3A_1662 = arith.constant 0.000000e+00 : f32
        %ge3A_1663 = vector.broadcast %ge3A_1662 : f32 to vector<16xf32>
        %ge3A_1664 = arith.cmpf oge, %sub3A_1661, %ge3A_1663 : vector<16xf32>
        %mul3A_1665 = arith.constant 0.00999999977 : f32
        %mul3A_1666 = vector.broadcast %mul3A_1665 : f32 to vector<16xf32>
        %mul3A_1667 = arith.mulf %mul3A_1666, %sub3A_1661 : vector<16xf32>
        %select_n3A_1668 = arith.select %ge3A_1664, %sub3A_1661, %mul3A_1667 : vector<16xi1>, vector<16xf32>
        %add3A_1669 = arith.addf %add3A_1654, %select_n3A_1668 : vector<16xf32>
        %get3A_1670 = arith.index_cast %add3A_1592 : i32 to index
        %get3A_1671 = arith.constant 80 : index
        %get3A_1672 = tpu.vector_load %arg11[%get3A_1670, %get3A_1671] {strides = array<i32>} : memref<80x128xf32, #tpu.memory_space<vmem>>, vector<16xf32>,
        %get3A_1673 = arith.index_cast %add3A_1592 : i32 to index
        %get3A_1674 = arith.constant 80 : index
        %get3A_1675 = tpu.vector_load %arg12[%get3A_1673, %get3A_1674] {strides = array<i32>} : memref<80x128xf32, #tpu.memory_space<vmem>>, vector<16xf32>,
        %sub3A_1676 = arith.subf %get3A_1672, %get3A_1675 : vector<16xf32>
        %ge3A_1677 = arith.constant 0.000000e+00 : f32
        %ge3A_1678 = vector.broadcast %ge3A_1677 : f32 to vector<16xf32>
        %ge3A_1679 = arith.cmpf oge, %sub3A_1676, %ge3A_1678 : vector<16xf32>
        %mul3A_1680 = arith.constant 0.00999999977 : f32
        %mul3A_1681 = vector.broadcast %mul3A_1680 : f32 to vector<16xf32>
        %mul3A_1682 = arith.mulf %mul3A_1681, %sub3A_1676 : vector<16xf32>
        %select_n3A_1683 = arith.select %ge3A_1679, %sub3A_1676, %mul3A_1682 : vector<16xi1>, vector<16xf32>
        %add3A_1684 = arith.addf %add3A_1669, %select_n3A_1683 : vector<16xf32>
        %get3A_1685 = arith.index_cast %add3A_1592 : i32 to index
        %get3A_1686 = arith.constant 96 : index
        %get3A_1687 = tpu.vector_load %arg11[%get3A_1685, %get3A_1686] {strides = array<i32>} : memref<80x128xf32, #tpu.memory_space<vmem>>, vector<16xf32>,
        %get3A_1688 = arith.index_cast %add3A_1592 : i32 to index
        %get3A_1689 = arith.constant 96 : index
        %get3A_1690 = tpu.vector_load %arg12[%get3A_1688, %get3A_1689] {strides = array<i32>} : memref<80x128xf32, #tpu.memory_space<vmem>>, vector<16xf32>,
        %sub3A_1691 = arith.subf %get3A_1687, %get3A_1690 : vector<16xf32>
        %ge3A_1692 = arith.constant 0.000000e+00 : f32
        %ge3A_1693 = vector.broadcast %ge3A_1692 : f32 to vector<16xf32>
        %ge3A_1694 = arith.cmpf oge, %sub3A_1691, %ge3A_1693 : vector<16xf32>
        %mul3A_1695 = arith.constant 0.00999999977 : f32
        %mul3A_1696 = vector.broadcast %mul3A_1695 : f32 to vector<16xf32>
        %mul3A_1697 = arith.mulf %mul3A_1696, %sub3A_1691 : vector<16xf32>
        %select_n3A_1698 = arith.select %ge3A_1694, %sub3A_1691, %mul3A_1697 : vector<16xi1>, vector<16xf32>
        %add3A_1699 = arith.addf %add3A_1684, %select_n3A_1698 : vector<16xf32>
        %get3A_1700 = arith.index_cast %add3A_1592 : i32 to index
        %get3A_1701 = arith.constant 112 : index
        %get3A_1702 = tpu.vector_load %arg11[%get3A_1700, %get3A_1701] {strides = array<i32>} : memref<80x128xf32, #tpu.memory_space<vmem>>, vector<16xf32>,
        %get3A_1703 = arith.index_cast %add3A_1592 : i32 to index
        %get3A_1704 = arith.constant 112 : index
        %get3A_1705 = tpu.vector_load %arg12[%get3A_1703, %get3A_1704] {strides = array<i32>} : memref<80x128xf32, #tpu.memory_space<vmem>>, vector<16xf32>,
        %sub3A_1706 = arith.subf %get3A_1702, %get3A_1705 : vector<16xf32>
        %ge3A_1707 = arith.constant 0.000000e+00 : f32
        %ge3A_1708 = vector.broadcast %ge3A_1707 : f32 to vector<16xf32>
        %ge3A_1709 = arith.cmpf oge, %sub3A_1706, %ge3A_1708 : vector<16xf32>
        %mul3A_1710 = arith.constant 0.00999999977 : f32
        %mul3A_1711 = vector.broadcast %mul3A_1710 : f32 to vector<16xf32>
        %mul3A_1712 = arith.mulf %mul3A_1711, %sub3A_1706 : vector<16xf32>
        %select_n3A_1713 = arith.select %ge3A_1709, %sub3A_1706, %mul3A_1712 : vector<16xi1>, vector<16xf32>
        %add3A_1714 = arith.addf %add3A_1699, %select_n3A_1713 : vector<16xf32>
        %swap3A_1715 = arith.constant 192 : index
        %swap3A_1716 = tpu.vector_load %arg14[%swap3A_1715] {strides = array<i32>} : memref<256xf32, #tpu.memory_space<vmem>>, vector<16xf32>,
        tpu.vector_store %arg14[%swap3A_1715], %add3A_1714 {strides = array<i32>} : memref<256xf32, #tpu.memory_space<vmem>>, vector<16xf32>,
        %mul3A_1717 = arith.constant 16 : i32
        %mul3A_1718 = arith.muli %scan3A_56, %mul3A_1717 : i32
        %add3A_1719 = arith.constant 13 : i32
        %add3A_1720 = arith.addi %mul3A_1718, %add3A_1719 : i32
        %broadcast_in_dim3A_1721 = arith.constant 0.000000e+00 : f32
        %broadcast_in_dim3A_1722 = vector.broadcast %broadcast_in_dim3A_1721 : f32 to vector<16xf32>
        %get3A_1723 = arith.index_cast %add3A_1720 : i32 to index
        %get3A_1724 = arith.constant 0 : index
        %get3A_1725 = tpu.vector_load %arg11[%get3A_1723, %get3A_1724] {strides = array<i32>} : memref<80x128xf32, #tpu.memory_space<vmem>>, vector<16xf32>,
        %get3A_1726 = arith.index_cast %add3A_1720 : i32 to index
        %get3A_1727 = arith.constant 0 : index
        %get3A_1728 = tpu.vector_load %arg12[%get3A_1726, %get3A_1727] {strides = array<i32>} : memref<80x128xf32, #tpu.memory_space<vmem>>, vector<16xf32>,
        %sub3A_1729 = arith.subf %get3A_1725, %get3A_1728 : vector<16xf32>
        %ge3A_1730 = arith.constant 0.000000e+00 : f32
        %ge3A_1731 = vector.broadcast %ge3A_1730 : f32 to vector<16xf32>
        %ge3A_1732 = arith.cmpf oge, %sub3A_1729, %ge3A_1731 : vector<16xf32>
        %mul3A_1733 = arith.constant 0.00999999977 : f32
        %mul3A_1734 = vector.broadcast %mul3A_1733 : f32 to vector<16xf32>
        %mul3A_1735 = arith.mulf %mul3A_1734, %sub3A_1729 : vector<16xf32>
        %select_n3A_1736 = arith.select %ge3A_1732, %sub3A_1729, %mul3A_1735 : vector<16xi1>, vector<16xf32>
        %add3A_1737 = arith.addf %broadcast_in_dim3A_1722, %select_n3A_1736 : vector<16xf32>
        %get3A_1738 = arith.index_cast %add3A_1720 : i32 to index
        %get3A_1739 = arith.constant 16 : index
        %get3A_1740 = tpu.vector_load %arg11[%get3A_1738, %get3A_1739] {strides = array<i32>} : memref<80x128xf32, #tpu.memory_space<vmem>>, vector<16xf32>,
        %get3A_1741 = arith.index_cast %add3A_1720 : i32 to index
        %get3A_1742 = arith.constant 16 : index
        %get3A_1743 = tpu.vector_load %arg12[%get3A_1741, %get3A_1742] {strides = array<i32>} : memref<80x128xf32, #tpu.memory_space<vmem>>, vector<16xf32>,
        %sub3A_1744 = arith.subf %get3A_1740, %get3A_1743 : vector<16xf32>
        %ge3A_1745 = arith.constant 0.000000e+00 : f32
        %ge3A_1746 = vector.broadcast %ge3A_1745 : f32 to vector<16xf32>
        %ge3A_1747 = arith.cmpf oge, %sub3A_1744, %ge3A_1746 : vector<16xf32>
        %mul3A_1748 = arith.constant 0.00999999977 : f32
        %mul3A_1749 = vector.broadcast %mul3A_1748 : f32 to vector<16xf32>
        %mul3A_1750 = arith.mulf %mul3A_1749, %sub3A_1744 : vector<16xf32>
        %select_n3A_1751 = arith.select %ge3A_1747, %sub3A_1744, %mul3A_1750 : vector<16xi1>, vector<16xf32>
        %add3A_1752 = arith.addf %add3A_1737, %select_n3A_1751 : vector<16xf32>
        %get3A_1753 = arith.index_cast %add3A_1720 : i32 to index
        %get3A_1754 = arith.constant 32 : index
        %get3A_1755 = tpu.vector_load %arg11[%get3A_1753, %get3A_1754] {strides = array<i32>} : memref<80x128xf32, #tpu.memory_space<vmem>>, vector<16xf32>,
        %get3A_1756 = arith.index_cast %add3A_1720 : i32 to index
        %get3A_1757 = arith.constant 32 : index
        %get3A_1758 = tpu.vector_load %arg12[%get3A_1756, %get3A_1757] {strides = array<i32>} : memref<80x128xf32, #tpu.memory_space<vmem>>, vector<16xf32>,
        %sub3A_1759 = arith.subf %get3A_1755, %get3A_1758 : vector<16xf32>
        %ge3A_1760 = arith.constant 0.000000e+00 : f32
        %ge3A_1761 = vector.broadcast %ge3A_1760 : f32 to vector<16xf32>
        %ge3A_1762 = arith.cmpf oge, %sub3A_1759, %ge3A_1761 : vector<16xf32>
        %mul3A_1763 = arith.constant 0.00999999977 : f32
        %mul3A_1764 = vector.broadcast %mul3A_1763 : f32 to vector<16xf32>
        %mul3A_1765 = arith.mulf %mul3A_1764, %sub3A_1759 : vector<16xf32>
        %select_n3A_1766 = arith.select %ge3A_1762, %sub3A_1759, %mul3A_1765 : vector<16xi1>, vector<16xf32>
        %add3A_1767 = arith.addf %add3A_1752, %select_n3A_1766 : vector<16xf32>
        %get3A_1768 = arith.index_cast %add3A_1720 : i32 to index
        %get3A_1769 = arith.constant 48 : index
        %get3A_1770 = tpu.vector_load %arg11[%get3A_1768, %get3A_1769] {strides = array<i32>} : memref<80x128xf32, #tpu.memory_space<vmem>>, vector<16xf32>,
        %get3A_1771 = arith.index_cast %add3A_1720 : i32 to index
        %get3A_1772 = arith.constant 48 : index
        %get3A_1773 = tpu.vector_load %arg12[%get3A_1771, %get3A_1772] {strides = array<i32>} : memref<80x128xf32, #tpu.memory_space<vmem>>, vector<16xf32>,
        %sub3A_1774 = arith.subf %get3A_1770, %get3A_1773 : vector<16xf32>
        %ge3A_1775 = arith.constant 0.000000e+00 : f32
        %ge3A_1776 = vector.broadcast %ge3A_1775 : f32 to vector<16xf32>
        %ge3A_1777 = arith.cmpf oge, %sub3A_1774, %ge3A_1776 : vector<16xf32>
        %mul3A_1778 = arith.constant 0.00999999977 : f32
        %mul3A_1779 = vector.broadcast %mul3A_1778 : f32 to vector<16xf32>
        %mul3A_1780 = arith.mulf %mul3A_1779, %sub3A_1774 : vector<16xf32>
        %select_n3A_1781 = arith.select %ge3A_1777, %sub3A_1774, %mul3A_1780 : vector<16xi1>, vector<16xf32>
        %add3A_1782 = arith.addf %add3A_1767, %select_n3A_1781 : vector<16xf32>
        %get3A_1783 = arith.index_cast %add3A_1720 : i32 to index
        %get3A_1784 = arith.constant 64 : index
        %get3A_1785 = tpu.vector_load %arg11[%get3A_1783, %get3A_1784] {strides = array<i32>} : memref<80x128xf32, #tpu.memory_space<vmem>>, vector<16xf32>,
        %get3A_1786 = arith.index_cast %add3A_1720 : i32 to index
        %get3A_1787 = arith.constant 64 : index
        %get3A_1788 = tpu.vector_load %arg12[%get3A_1786, %get3A_1787] {strides = array<i32>} : memref<80x128xf32, #tpu.memory_space<vmem>>, vector<16xf32>,
        %sub3A_1789 = arith.subf %get3A_1785, %get3A_1788 : vector<16xf32>
        %ge3A_1790 = arith.constant 0.000000e+00 : f32
        %ge3A_1791 = vector.broadcast %ge3A_1790 : f32 to vector<16xf32>
        %ge3A_1792 = arith.cmpf oge, %sub3A_1789, %ge3A_1791 : vector<16xf32>
        %mul3A_1793 = arith.constant 0.00999999977 : f32
        %mul3A_1794 = vector.broadcast %mul3A_1793 : f32 to vector<16xf32>
        %mul3A_1795 = arith.mulf %mul3A_1794, %sub3A_1789 : vector<16xf32>
        %select_n3A_1796 = arith.select %ge3A_1792, %sub3A_1789, %mul3A_1795 : vector<16xi1>, vector<16xf32>
        %add3A_1797 = arith.addf %add3A_1782, %select_n3A_1796 : vector<16xf32>
        %get3A_1798 = arith.index_cast %add3A_1720 : i32 to index
        %get3A_1799 = arith.constant 80 : index
        %get3A_1800 = tpu.vector_load %arg11[%get3A_1798, %get3A_1799] {strides = array<i32>} : memref<80x128xf32, #tpu.memory_space<vmem>>, vector<16xf32>,
        %get3A_1801 = arith.index_cast %add3A_1720 : i32 to index
        %get3A_1802 = arith.constant 80 : index
        %get3A_1803 = tpu.vector_load %arg12[%get3A_1801, %get3A_1802] {strides = array<i32>} : memref<80x128xf32, #tpu.memory_space<vmem>>, vector<16xf32>,
        %sub3A_1804 = arith.subf %get3A_1800, %get3A_1803 : vector<16xf32>
        %ge3A_1805 = arith.constant 0.000000e+00 : f32
        %ge3A_1806 = vector.broadcast %ge3A_1805 : f32 to vector<16xf32>
        %ge3A_1807 = arith.cmpf oge, %sub3A_1804, %ge3A_1806 : vector<16xf32>
        %mul3A_1808 = arith.constant 0.00999999977 : f32
        %mul3A_1809 = vector.broadcast %mul3A_1808 : f32 to vector<16xf32>
        %mul3A_1810 = arith.mulf %mul3A_1809, %sub3A_1804 : vector<16xf32>
        %select_n3A_1811 = arith.select %ge3A_1807, %sub3A_1804, %mul3A_1810 : vector<16xi1>, vector<16xf32>
        %add3A_1812 = arith.addf %add3A_1797, %select_n3A_1811 : vector<16xf32>
        %get3A_1813 = arith.index_cast %add3A_1720 : i32 to index
        %get3A_1814 = arith.constant 96 : index
        %get3A_1815 = tpu.vector_load %arg11[%get3A_1813, %get3A_1814] {strides = array<i32>} : memref<80x128xf32, #tpu.memory_space<vmem>>, vector<16xf32>,
        %get3A_1816 = arith.index_cast %add3A_1720 : i32 to index
        %get3A_1817 = arith.constant 96 : index
        %get3A_1818 = tpu.vector_load %arg12[%get3A_1816, %get3A_1817] {strides = array<i32>} : memref<80x128xf32, #tpu.memory_space<vmem>>, vector<16xf32>,
        %sub3A_1819 = arith.subf %get3A_1815, %get3A_1818 : vector<16xf32>
        %ge3A_1820 = arith.constant 0.000000e+00 : f32
        %ge3A_1821 = vector.broadcast %ge3A_1820 : f32 to vector<16xf32>
        %ge3A_1822 = arith.cmpf oge, %sub3A_1819, %ge3A_1821 : vector<16xf32>
        %mul3A_1823 = arith.constant 0.00999999977 : f32
        %mul3A_1824 = vector.broadcast %mul3A_1823 : f32 to vector<16xf32>
        %mul3A_1825 = arith.mulf %mul3A_1824, %sub3A_1819 : vector<16xf32>
        %select_n3A_1826 = arith.select %ge3A_1822, %sub3A_1819, %mul3A_1825 : vector<16xi1>, vector<16xf32>
        %add3A_1827 = arith.addf %add3A_1812, %select_n3A_1826 : vector<16xf32>
        %get3A_1828 = arith.index_cast %add3A_1720 : i32 to index
        %get3A_1829 = arith.constant 112 : index
        %get3A_1830 = tpu.vector_load %arg11[%get3A_1828, %get3A_1829] {strides = array<i32>} : memref<80x128xf32, #tpu.memory_space<vmem>>, vector<16xf32>,
        %get3A_1831 = arith.index_cast %add3A_1720 : i32 to index
        %get3A_1832 = arith.constant 112 : index
        %get3A_1833 = tpu.vector_load %arg12[%get3A_1831, %get3A_1832] {strides = array<i32>} : memref<80x128xf32, #tpu.memory_space<vmem>>, vector<16xf32>,
        %sub3A_1834 = arith.subf %get3A_1830, %get3A_1833 : vector<16xf32>
        %ge3A_1835 = arith.constant 0.000000e+00 : f32
        %ge3A_1836 = vector.broadcast %ge3A_1835 : f32 to vector<16xf32>
        %ge3A_1837 = arith.cmpf oge, %sub3A_1834, %ge3A_1836 : vector<16xf32>
        %mul3A_1838 = arith.constant 0.00999999977 : f32
        %mul3A_1839 = vector.broadcast %mul3A_1838 : f32 to vector<16xf32>
        %mul3A_1840 = arith.mulf %mul3A_1839, %sub3A_1834 : vector<16xf32>
        %select_n3A_1841 = arith.select %ge3A_1837, %sub3A_1834, %mul3A_1840 : vector<16xi1>, vector<16xf32>
        %add3A_1842 = arith.addf %add3A_1827, %select_n3A_1841 : vector<16xf32>
        %swap3A_1843 = arith.constant 208 : index
        %swap3A_1844 = tpu.vector_load %arg14[%swap3A_1843] {strides = array<i32>} : memref<256xf32, #tpu.memory_space<vmem>>, vector<16xf32>,
        tpu.vector_store %arg14[%swap3A_1843], %add3A_1842 {strides = array<i32>} : memref<256xf32, #tpu.memory_space<vmem>>, vector<16xf32>,
        %mul3A_1845 = arith.constant 16 : i32
        %mul3A_1846 = arith.muli %scan3A_56, %mul3A_1845 : i32
        %add3A_1847 = arith.constant 14 : i32
        %add3A_1848 = arith.addi %mul3A_1846, %add3A_1847 : i32
        %broadcast_in_dim3A_1849 = arith.constant 0.000000e+00 : f32
        %broadcast_in_dim3A_1850 = vector.broadcast %broadcast_in_dim3A_1849 : f32 to vector<16xf32>
        %get3A_1851 = arith.index_cast %add3A_1848 : i32 to index
        %get3A_1852 = arith.constant 0 : index
        %get3A_1853 = tpu.vector_load %arg11[%get3A_1851, %get3A_1852] {strides = array<i32>} : memref<80x128xf32, #tpu.memory_space<vmem>>, vector<16xf32>,
        %get3A_1854 = arith.index_cast %add3A_1848 : i32 to index
        %get3A_1855 = arith.constant 0 : index
        %get3A_1856 = tpu.vector_load %arg12[%get3A_1854, %get3A_1855] {strides = array<i32>} : memref<80x128xf32, #tpu.memory_space<vmem>>, vector<16xf32>,
        %sub3A_1857 = arith.subf %get3A_1853, %get3A_1856 : vector<16xf32>
        %ge3A_1858 = arith.constant 0.000000e+00 : f32
        %ge3A_1859 = vector.broadcast %ge3A_1858 : f32 to vector<16xf32>
        %ge3A_1860 = arith.cmpf oge, %sub3A_1857, %ge3A_1859 : vector<16xf32>
        %mul3A_1861 = arith.constant 0.00999999977 : f32
        %mul3A_1862 = vector.broadcast %mul3A_1861 : f32 to vector<16xf32>
        %mul3A_1863 = arith.mulf %mul3A_1862, %sub3A_1857 : vector<16xf32>
        %select_n3A_1864 = arith.select %ge3A_1860, %sub3A_1857, %mul3A_1863 : vector<16xi1>, vector<16xf32>
        %add3A_1865 = arith.addf %broadcast_in_dim3A_1850, %select_n3A_1864 : vector<16xf32>
        %get3A_1866 = arith.index_cast %add3A_1848 : i32 to index
        %get3A_1867 = arith.constant 16 : index
        %get3A_1868 = tpu.vector_load %arg11[%get3A_1866, %get3A_1867] {strides = array<i32>} : memref<80x128xf32, #tpu.memory_space<vmem>>, vector<16xf32>,
        %get3A_1869 = arith.index_cast %add3A_1848 : i32 to index
        %get3A_1870 = arith.constant 16 : index
        %get3A_1871 = tpu.vector_load %arg12[%get3A_1869, %get3A_1870] {strides = array<i32>} : memref<80x128xf32, #tpu.memory_space<vmem>>, vector<16xf32>,
        %sub3A_1872 = arith.subf %get3A_1868, %get3A_1871 : vector<16xf32>
        %ge3A_1873 = arith.constant 0.000000e+00 : f32
        %ge3A_1874 = vector.broadcast %ge3A_1873 : f32 to vector<16xf32>
        %ge3A_1875 = arith.cmpf oge, %sub3A_1872, %ge3A_1874 : vector<16xf32>
        %mul3A_1876 = arith.constant 0.00999999977 : f32
        %mul3A_1877 = vector.broadcast %mul3A_1876 : f32 to vector<16xf32>
        %mul3A_1878 = arith.mulf %mul3A_1877, %sub3A_1872 : vector<16xf32>
        %select_n3A_1879 = arith.select %ge3A_1875, %sub3A_1872, %mul3A_1878 : vector<16xi1>, vector<16xf32>
        %add3A_1880 = arith.addf %add3A_1865, %select_n3A_1879 : vector<16xf32>
        %get3A_1881 = arith.index_cast %add3A_1848 : i32 to index
        %get3A_1882 = arith.constant 32 : index
        %get3A_1883 = tpu.vector_load %arg11[%get3A_1881, %get3A_1882] {strides = array<i32>} : memref<80x128xf32, #tpu.memory_space<vmem>>, vector<16xf32>,
        %get3A_1884 = arith.index_cast %add3A_1848 : i32 to index
        %get3A_1885 = arith.constant 32 : index
        %get3A_1886 = tpu.vector_load %arg12[%get3A_1884, %get3A_1885] {strides = array<i32>} : memref<80x128xf32, #tpu.memory_space<vmem>>, vector<16xf32>,
        %sub3A_1887 = arith.subf %get3A_1883, %get3A_1886 : vector<16xf32>
        %ge3A_1888 = arith.constant 0.000000e+00 : f32
        %ge3A_1889 = vector.broadcast %ge3A_1888 : f32 to vector<16xf32>
        %ge3A_1890 = arith.cmpf oge, %sub3A_1887, %ge3A_1889 : vector<16xf32>
        %mul3A_1891 = arith.constant 0.00999999977 : f32
        %mul3A_1892 = vector.broadcast %mul3A_1891 : f32 to vector<16xf32>
        %mul3A_1893 = arith.mulf %mul3A_1892, %sub3A_1887 : vector<16xf32>
        %select_n3A_1894 = arith.select %ge3A_1890, %sub3A_1887, %mul3A_1893 : vector<16xi1>, vector<16xf32>
        %add3A_1895 = arith.addf %add3A_1880, %select_n3A_1894 : vector<16xf32>
        %get3A_1896 = arith.index_cast %add3A_1848 : i32 to index
        %get3A_1897 = arith.constant 48 : index
        %get3A_1898 = tpu.vector_load %arg11[%get3A_1896, %get3A_1897] {strides = array<i32>} : memref<80x128xf32, #tpu.memory_space<vmem>>, vector<16xf32>,
        %get3A_1899 = arith.index_cast %add3A_1848 : i32 to index
        %get3A_1900 = arith.constant 48 : index
        %get3A_1901 = tpu.vector_load %arg12[%get3A_1899, %get3A_1900] {strides = array<i32>} : memref<80x128xf32, #tpu.memory_space<vmem>>, vector<16xf32>,
        %sub3A_1902 = arith.subf %get3A_1898, %get3A_1901 : vector<16xf32>
        %ge3A_1903 = arith.constant 0.000000e+00 : f32
        %ge3A_1904 = vector.broadcast %ge3A_1903 : f32 to vector<16xf32>
        %ge3A_1905 = arith.cmpf oge, %sub3A_1902, %ge3A_1904 : vector<16xf32>
        %mul3A_1906 = arith.constant 0.00999999977 : f32
        %mul3A_1907 = vector.broadcast %mul3A_1906 : f32 to vector<16xf32>
        %mul3A_1908 = arith.mulf %mul3A_1907, %sub3A_1902 : vector<16xf32>
        %select_n3A_1909 = arith.select %ge3A_1905, %sub3A_1902, %mul3A_1908 : vector<16xi1>, vector<16xf32>
        %add3A_1910 = arith.addf %add3A_1895, %select_n3A_1909 : vector<16xf32>
        %get3A_1911 = arith.index_cast %add3A_1848 : i32 to index
        %get3A_1912 = arith.constant 64 : index
        %get3A_1913 = tpu.vector_load %arg11[%get3A_1911, %get3A_1912] {strides = array<i32>} : memref<80x128xf32, #tpu.memory_space<vmem>>, vector<16xf32>,
        %get3A_1914 = arith.index_cast %add3A_1848 : i32 to index
        %get3A_1915 = arith.constant 64 : index
        %get3A_1916 = tpu.vector_load %arg12[%get3A_1914, %get3A_1915] {strides = array<i32>} : memref<80x128xf32, #tpu.memory_space<vmem>>, vector<16xf32>,
        %sub3A_1917 = arith.subf %get3A_1913, %get3A_1916 : vector<16xf32>
        %ge3A_1918 = arith.constant 0.000000e+00 : f32
        %ge3A_1919 = vector.broadcast %ge3A_1918 : f32 to vector<16xf32>
        %ge3A_1920 = arith.cmpf oge, %sub3A_1917, %ge3A_1919 : vector<16xf32>
        %mul3A_1921 = arith.constant 0.00999999977 : f32
        %mul3A_1922 = vector.broadcast %mul3A_1921 : f32 to vector<16xf32>
        %mul3A_1923 = arith.mulf %mul3A_1922, %sub3A_1917 : vector<16xf32>
        %select_n3A_1924 = arith.select %ge3A_1920, %sub3A_1917, %mul3A_1923 : vector<16xi1>, vector<16xf32>
        %add3A_1925 = arith.addf %add3A_1910, %select_n3A_1924 : vector<16xf32>
        %get3A_1926 = arith.index_cast %add3A_1848 : i32 to index
        %get3A_1927 = arith.constant 80 : index
        %get3A_1928 = tpu.vector_load %arg11[%get3A_1926, %get3A_1927] {strides = array<i32>} : memref<80x128xf32, #tpu.memory_space<vmem>>, vector<16xf32>,
        %get3A_1929 = arith.index_cast %add3A_1848 : i32 to index
        %get3A_1930 = arith.constant 80 : index
        %get3A_1931 = tpu.vector_load %arg12[%get3A_1929, %get3A_1930] {strides = array<i32>} : memref<80x128xf32, #tpu.memory_space<vmem>>, vector<16xf32>,
        %sub3A_1932 = arith.subf %get3A_1928, %get3A_1931 : vector<16xf32>
        %ge3A_1933 = arith.constant 0.000000e+00 : f32
        %ge3A_1934 = vector.broadcast %ge3A_1933 : f32 to vector<16xf32>
        %ge3A_1935 = arith.cmpf oge, %sub3A_1932, %ge3A_1934 : vector<16xf32>
        %mul3A_1936 = arith.constant 0.00999999977 : f32
        %mul3A_1937 = vector.broadcast %mul3A_1936 : f32 to vector<16xf32>
        %mul3A_1938 = arith.mulf %mul3A_1937, %sub3A_1932 : vector<16xf32>
        %select_n3A_1939 = arith.select %ge3A_1935, %sub3A_1932, %mul3A_1938 : vector<16xi1>, vector<16xf32>
        %add3A_1940 = arith.addf %add3A_1925, %select_n3A_1939 : vector<16xf32>
        %get3A_1941 = arith.index_cast %add3A_1848 : i32 to index
        %get3A_1942 = arith.constant 96 : index
        %get3A_1943 = tpu.vector_load %arg11[%get3A_1941, %get3A_1942] {strides = array<i32>} : memref<80x128xf32, #tpu.memory_space<vmem>>, vector<16xf32>,
        %get3A_1944 = arith.index_cast %add3A_1848 : i32 to index
        %get3A_1945 = arith.constant 96 : index
        %get3A_1946 = tpu.vector_load %arg12[%get3A_1944, %get3A_1945] {strides = array<i32>} : memref<80x128xf32, #tpu.memory_space<vmem>>, vector<16xf32>,
        %sub3A_1947 = arith.subf %get3A_1943, %get3A_1946 : vector<16xf32>
        %ge3A_1948 = arith.constant 0.000000e+00 : f32
        %ge3A_1949 = vector.broadcast %ge3A_1948 : f32 to vector<16xf32>
        %ge3A_1950 = arith.cmpf oge, %sub3A_1947, %ge3A_1949 : vector<16xf32>
        %mul3A_1951 = arith.constant 0.00999999977 : f32
        %mul3A_1952 = vector.broadcast %mul3A_1951 : f32 to vector<16xf32>
        %mul3A_1953 = arith.mulf %mul3A_1952, %sub3A_1947 : vector<16xf32>
        %select_n3A_1954 = arith.select %ge3A_1950, %sub3A_1947, %mul3A_1953 : vector<16xi1>, vector<16xf32>
        %add3A_1955 = arith.addf %add3A_1940, %select_n3A_1954 : vector<16xf32>
        %get3A_1956 = arith.index_cast %add3A_1848 : i32 to index
        %get3A_1957 = arith.constant 112 : index
        %get3A_1958 = tpu.vector_load %arg11[%get3A_1956, %get3A_1957] {strides = array<i32>} : memref<80x128xf32, #tpu.memory_space<vmem>>, vector<16xf32>,
        %get3A_1959 = arith.index_cast %add3A_1848 : i32 to index
        %get3A_1960 = arith.constant 112 : index
        %get3A_1961 = tpu.vector_load %arg12[%get3A_1959, %get3A_1960] {strides = array<i32>} : memref<80x128xf32, #tpu.memory_space<vmem>>, vector<16xf32>,
        %sub3A_1962 = arith.subf %get3A_1958, %get3A_1961 : vector<16xf32>
        %ge3A_1963 = arith.constant 0.000000e+00 : f32
        %ge3A_1964 = vector.broadcast %ge3A_1963 : f32 to vector<16xf32>
        %ge3A_1965 = arith.cmpf oge, %sub3A_1962, %ge3A_1964 : vector<16xf32>
        %mul3A_1966 = arith.constant 0.00999999977 : f32
        %mul3A_1967 = vector.broadcast %mul3A_1966 : f32 to vector<16xf32>
        %mul3A_1968 = arith.mulf %mul3A_1967, %sub3A_1962 : vector<16xf32>
        %select_n3A_1969 = arith.select %ge3A_1965, %sub3A_1962, %mul3A_1968 : vector<16xi1>, vector<16xf32>
        %add3A_1970 = arith.addf %add3A_1955, %select_n3A_1969 : vector<16xf32>
        %swap3A_1971 = arith.constant 224 : index
        %swap3A_1972 = tpu.vector_load %arg14[%swap3A_1971] {strides = array<i32>} : memref<256xf32, #tpu.memory_space<vmem>>, vector<16xf32>,
        tpu.vector_store %arg14[%swap3A_1971], %add3A_1970 {strides = array<i32>} : memref<256xf32, #tpu.memory_space<vmem>>, vector<16xf32>,
        %mul3A_1973 = arith.constant 16 : i32
        %mul3A_1974 = arith.muli %scan3A_56, %mul3A_1973 : i32
        %add3A_1975 = arith.constant 15 : i32
        %add3A_1976 = arith.addi %mul3A_1974, %add3A_1975 : i32
        %broadcast_in_dim3A_1977 = arith.constant 0.000000e+00 : f32
        %broadcast_in_dim3A_1978 = vector.broadcast %broadcast_in_dim3A_1977 : f32 to vector<16xf32>
        %get3A_1979 = arith.index_cast %add3A_1976 : i32 to index
        %get3A_1980 = arith.constant 0 : index
        %get3A_1981 = tpu.vector_load %arg11[%get3A_1979, %get3A_1980] {strides = array<i32>} : memref<80x128xf32, #tpu.memory_space<vmem>>, vector<16xf32>,
        %get3A_1982 = arith.index_cast %add3A_1976 : i32 to index
        %get3A_1983 = arith.constant 0 : index
        %get3A_1984 = tpu.vector_load %arg12[%get3A_1982, %get3A_1983] {strides = array<i32>} : memref<80x128xf32, #tpu.memory_space<vmem>>, vector<16xf32>,
        %sub3A_1985 = arith.subf %get3A_1981, %get3A_1984 : vector<16xf32>
        %ge3A_1986 = arith.constant 0.000000e+00 : f32
        %ge3A_1987 = vector.broadcast %ge3A_1986 : f32 to vector<16xf32>
        %ge3A_1988 = arith.cmpf oge, %sub3A_1985, %ge3A_1987 : vector<16xf32>
        %mul3A_1989 = arith.constant 0.00999999977 : f32
        %mul3A_1990 = vector.broadcast %mul3A_1989 : f32 to vector<16xf32>
        %mul3A_1991 = arith.mulf %mul3A_1990, %sub3A_1985 : vector<16xf32>
        %select_n3A_1992 = arith.select %ge3A_1988, %sub3A_1985, %mul3A_1991 : vector<16xi1>, vector<16xf32>
        %add3A_1993 = arith.addf %broadcast_in_dim3A_1978, %select_n3A_1992 : vector<16xf32>
        %get3A_1994 = arith.index_cast %add3A_1976 : i32 to index
        %get3A_1995 = arith.constant 16 : index
        %get3A_1996 = tpu.vector_load %arg11[%get3A_1994, %get3A_1995] {strides = array<i32>} : memref<80x128xf32, #tpu.memory_space<vmem>>, vector<16xf32>,
        %get3A_1997 = arith.index_cast %add3A_1976 : i32 to index
        %get3A_1998 = arith.constant 16 : index
        %get3A_1999 = tpu.vector_load %arg12[%get3A_1997, %get3A_1998] {strides = array<i32>} : memref<80x128xf32, #tpu.memory_space<vmem>>, vector<16xf32>,
        %sub3A_2000 = arith.subf %get3A_1996, %get3A_1999 : vector<16xf32>
        %ge3A_2001 = arith.constant 0.000000e+00 : f32
        %ge3A_2002 = vector.broadcast %ge3A_2001 : f32 to vector<16xf32>
        %ge3A_2003 = arith.cmpf oge, %sub3A_2000, %ge3A_2002 : vector<16xf32>
        %mul3A_2004 = arith.constant 0.00999999977 : f32
        %mul3A_2005 = vector.broadcast %mul3A_2004 : f32 to vector<16xf32>
        %mul3A_2006 = arith.mulf %mul3A_2005, %sub3A_2000 : vector<16xf32>
        %select_n3A_2007 = arith.select %ge3A_2003, %sub3A_2000, %mul3A_2006 : vector<16xi1>, vector<16xf32>
        %add3A_2008 = arith.addf %add3A_1993, %select_n3A_2007 : vector<16xf32>
        %get3A_2009 = arith.index_cast %add3A_1976 : i32 to index
        %get3A_2010 = arith.constant 32 : index
        %get3A_2011 = tpu.vector_load %arg11[%get3A_2009, %get3A_2010] {strides = array<i32>} : memref<80x128xf32, #tpu.memory_space<vmem>>, vector<16xf32>,
        %get3A_2012 = arith.index_cast %add3A_1976 : i32 to index
        %get3A_2013 = arith.constant 32 : index
        %get3A_2014 = tpu.vector_load %arg12[%get3A_2012, %get3A_2013] {strides = array<i32>} : memref<80x128xf32, #tpu.memory_space<vmem>>, vector<16xf32>,
        %sub3A_2015 = arith.subf %get3A_2011, %get3A_2014 : vector<16xf32>
        %ge3A_2016 = arith.constant 0.000000e+00 : f32
        %ge3A_2017 = vector.broadcast %ge3A_2016 : f32 to vector<16xf32>
        %ge3A_2018 = arith.cmpf oge, %sub3A_2015, %ge3A_2017 : vector<16xf32>
        %mul3A_2019 = arith.constant 0.00999999977 : f32
        %mul3A_2020 = vector.broadcast %mul3A_2019 : f32 to vector<16xf32>
        %mul3A_2021 = arith.mulf %mul3A_2020, %sub3A_2015 : vector<16xf32>
        %select_n3A_2022 = arith.select %ge3A_2018, %sub3A_2015, %mul3A_2021 : vector<16xi1>, vector<16xf32>
        %add3A_2023 = arith.addf %add3A_2008, %select_n3A_2022 : vector<16xf32>
        %get3A_2024 = arith.index_cast %add3A_1976 : i32 to index
        %get3A_2025 = arith.constant 48 : index
        %get3A_2026 = tpu.vector_load %arg11[%get3A_2024, %get3A_2025] {strides = array<i32>} : memref<80x128xf32, #tpu.memory_space<vmem>>, vector<16xf32>,
        %get3A_2027 = arith.index_cast %add3A_1976 : i32 to index
        %get3A_2028 = arith.constant 48 : index
        %get3A_2029 = tpu.vector_load %arg12[%get3A_2027, %get3A_2028] {strides = array<i32>} : memref<80x128xf32, #tpu.memory_space<vmem>>, vector<16xf32>,
        %sub3A_2030 = arith.subf %get3A_2026, %get3A_2029 : vector<16xf32>
        %ge3A_2031 = arith.constant 0.000000e+00 : f32
        %ge3A_2032 = vector.broadcast %ge3A_2031 : f32 to vector<16xf32>
        %ge3A_2033 = arith.cmpf oge, %sub3A_2030, %ge3A_2032 : vector<16xf32>
        %mul3A_2034 = arith.constant 0.00999999977 : f32
        %mul3A_2035 = vector.broadcast %mul3A_2034 : f32 to vector<16xf32>
        %mul3A_2036 = arith.mulf %mul3A_2035, %sub3A_2030 : vector<16xf32>
        %select_n3A_2037 = arith.select %ge3A_2033, %sub3A_2030, %mul3A_2036 : vector<16xi1>, vector<16xf32>
        %add3A_2038 = arith.addf %add3A_2023, %select_n3A_2037 : vector<16xf32>
        %get3A_2039 = arith.index_cast %add3A_1976 : i32 to index
        %get3A_2040 = arith.constant 64 : index
        %get3A_2041 = tpu.vector_load %arg11[%get3A_2039, %get3A_2040] {strides = array<i32>} : memref<80x128xf32, #tpu.memory_space<vmem>>, vector<16xf32>,
        %get3A_2042 = arith.index_cast %add3A_1976 : i32 to index
        %get3A_2043 = arith.constant 64 : index
        %get3A_2044 = tpu.vector_load %arg12[%get3A_2042, %get3A_2043] {strides = array<i32>} : memref<80x128xf32, #tpu.memory_space<vmem>>, vector<16xf32>,
        %sub3A_2045 = arith.subf %get3A_2041, %get3A_2044 : vector<16xf32>
        %ge3A_2046 = arith.constant 0.000000e+00 : f32
        %ge3A_2047 = vector.broadcast %ge3A_2046 : f32 to vector<16xf32>
        %ge3A_2048 = arith.cmpf oge, %sub3A_2045, %ge3A_2047 : vector<16xf32>
        %mul3A_2049 = arith.constant 0.00999999977 : f32
        %mul3A_2050 = vector.broadcast %mul3A_2049 : f32 to vector<16xf32>
        %mul3A_2051 = arith.mulf %mul3A_2050, %sub3A_2045 : vector<16xf32>
        %select_n3A_2052 = arith.select %ge3A_2048, %sub3A_2045, %mul3A_2051 : vector<16xi1>, vector<16xf32>
        %add3A_2053 = arith.addf %add3A_2038, %select_n3A_2052 : vector<16xf32>
        %get3A_2054 = arith.index_cast %add3A_1976 : i32 to index
        %get3A_2055 = arith.constant 80 : index
        %get3A_2056 = tpu.vector_load %arg11[%get3A_2054, %get3A_2055] {strides = array<i32>} : memref<80x128xf32, #tpu.memory_space<vmem>>, vector<16xf32>,
        %get3A_2057 = arith.index_cast %add3A_1976 : i32 to index
        %get3A_2058 = arith.constant 80 : index
        %get3A_2059 = tpu.vector_load %arg12[%get3A_2057, %get3A_2058] {strides = array<i32>} : memref<80x128xf32, #tpu.memory_space<vmem>>, vector<16xf32>,
        %sub3A_2060 = arith.subf %get3A_2056, %get3A_2059 : vector<16xf32>
        %ge3A_2061 = arith.constant 0.000000e+00 : f32
        %ge3A_2062 = vector.broadcast %ge3A_2061 : f32 to vector<16xf32>
        %ge3A_2063 = arith.cmpf oge, %sub3A_2060, %ge3A_2062 : vector<16xf32>
        %mul3A_2064 = arith.constant 0.00999999977 : f32
        %mul3A_2065 = vector.broadcast %mul3A_2064 : f32 to vector<16xf32>
        %mul3A_2066 = arith.mulf %mul3A_2065, %sub3A_2060 : vector<16xf32>
        %select_n3A_2067 = arith.select %ge3A_2063, %sub3A_2060, %mul3A_2066 : vector<16xi1>, vector<16xf32>
        %add3A_2068 = arith.addf %add3A_2053, %select_n3A_2067 : vector<16xf32>
        %get3A_2069 = arith.index_cast %add3A_1976 : i32 to index
        %get3A_2070 = arith.constant 96 : index
        %get3A_2071 = tpu.vector_load %arg11[%get3A_2069, %get3A_2070] {strides = array<i32>} : memref<80x128xf32, #tpu.memory_space<vmem>>, vector<16xf32>,
        %get3A_2072 = arith.index_cast %add3A_1976 : i32 to index
        %get3A_2073 = arith.constant 96 : index
        %get3A_2074 = tpu.vector_load %arg12[%get3A_2072, %get3A_2073] {strides = array<i32>} : memref<80x128xf32, #tpu.memory_space<vmem>>, vector<16xf32>,
        %sub3A_2075 = arith.subf %get3A_2071, %get3A_2074 : vector<16xf32>
        %ge3A_2076 = arith.constant 0.000000e+00 : f32
        %ge3A_2077 = vector.broadcast %ge3A_2076 : f32 to vector<16xf32>
        %ge3A_2078 = arith.cmpf oge, %sub3A_2075, %ge3A_2077 : vector<16xf32>
        %mul3A_2079 = arith.constant 0.00999999977 : f32
        %mul3A_2080 = vector.broadcast %mul3A_2079 : f32 to vector<16xf32>
        %mul3A_2081 = arith.mulf %mul3A_2080, %sub3A_2075 : vector<16xf32>
        %select_n3A_2082 = arith.select %ge3A_2078, %sub3A_2075, %mul3A_2081 : vector<16xi1>, vector<16xf32>
        %add3A_2083 = arith.addf %add3A_2068, %select_n3A_2082 : vector<16xf32>
        %get3A_2084 = arith.index_cast %add3A_1976 : i32 to index
        %get3A_2085 = arith.constant 112 : index
        %get3A_2086 = tpu.vector_load %arg11[%get3A_2084, %get3A_2085] {strides = array<i32>} : memref<80x128xf32, #tpu.memory_space<vmem>>, vector<16xf32>,
        %get3A_2087 = arith.index_cast %add3A_1976 : i32 to index
        %get3A_2088 = arith.constant 112 : index
        %get3A_2089 = tpu.vector_load %arg12[%get3A_2087, %get3A_2088] {strides = array<i32>} : memref<80x128xf32, #tpu.memory_space<vmem>>, vector<16xf32>,
        %sub3A_2090 = arith.subf %get3A_2086, %get3A_2089 : vector<16xf32>
        %ge3A_2091 = arith.constant 0.000000e+00 : f32
        %ge3A_2092 = vector.broadcast %ge3A_2091 : f32 to vector<16xf32>
        %ge3A_2093 = arith.cmpf oge, %sub3A_2090, %ge3A_2092 : vector<16xf32>
        %mul3A_2094 = arith.constant 0.00999999977 : f32
        %mul3A_2095 = vector.broadcast %mul3A_2094 : f32 to vector<16xf32>
        %mul3A_2096 = arith.mulf %mul3A_2095, %sub3A_2090 : vector<16xf32>
        %select_n3A_2097 = arith.select %ge3A_2093, %sub3A_2090, %mul3A_2096 : vector<16xi1>, vector<16xf32>
        %add3A_2098 = arith.addf %add3A_2083, %select_n3A_2097 : vector<16xf32>
        %swap3A_2099 = arith.constant 240 : index
        %swap3A_2100 = tpu.vector_load %arg14[%swap3A_2099] {strides = array<i32>} : memref<256xf32, #tpu.memory_space<vmem>>, vector<16xf32>,
        tpu.vector_store %arg14[%swap3A_2099], %add3A_2098 {strides = array<i32>} : memref<256xf32, #tpu.memory_space<vmem>>, vector<16xf32>,
        %broadcast_in_dim3A_2101 = arith.constant 0.000000e+00 : f32
        %broadcast_in_dim3A_2102 = vector.broadcast %broadcast_in_dim3A_2101 : f32 to vector<16xf32>
        %add3A_2103 = arith.constant 0 : i32
        %add3A_2104 = vector.broadcast %add3A_2103 : i32 to vector<16xi32>
        %add3A_2105 = arith.addi %mul3A_6, %add3A_2104 : vector<16xi32>
        %gather3A = tpu.vector_load_idx %arg14[%add3A_2105] : memref<256xf32, #tpu.memory_space<vmem>>[vector<16xi32>], vector<16xf32>,
        %add3A_2106 = arith.addf %broadcast_in_dim3A_2102, %gather3A : vector<16xf32>
        %add3A_2107 = arith.constant 1 : i32
        %add3A_2108 = vector.broadcast %add3A_2107 : i32 to vector<16xi32>
        %add3A_2109 = arith.addi %mul3A_6, %add3A_2108 : vector<16xi32>
        %gather3A_2110 = tpu.vector_load_idx %arg14[%add3A_2109] : memref<256xf32, #tpu.memory_space<vmem>>[vector<16xi32>], vector<16xf32>,
        %add3A_2111 = arith.addf %add3A_2106, %gather3A_2110 : vector<16xf32>
        %add3A_2112 = arith.constant 2 : i32
        %add3A_2113 = vector.broadcast %add3A_2112 : i32 to vector<16xi32>
        %add3A_2114 = arith.addi %mul3A_6, %add3A_2113 : vector<16xi32>
        %gather3A_2115 = tpu.vector_load_idx %arg14[%add3A_2114] : memref<256xf32, #tpu.memory_space<vmem>>[vector<16xi32>], vector<16xf32>,
        %add3A_2116 = arith.addf %add3A_2111, %gather3A_2115 : vector<16xf32>
        %add3A_2117 = arith.constant 3 : i32
        %add3A_2118 = vector.broadcast %add3A_2117 : i32 to vector<16xi32>
        %add3A_2119 = arith.addi %mul3A_6, %add3A_2118 : vector<16xi32>
        %gather3A_2120 = tpu.vector_load_idx %arg14[%add3A_2119] : memref<256xf32, #tpu.memory_space<vmem>>[vector<16xi32>], vector<16xf32>,
        %add3A_2121 = arith.addf %add3A_2116, %gather3A_2120 : vector<16xf32>
        %add3A_2122 = arith.constant 4 : i32
        %add3A_2123 = vector.broadcast %add3A_2122 : i32 to vector<16xi32>
        %add3A_2124 = arith.addi %mul3A_6, %add3A_2123 : vector<16xi32>
        %gather3A_2125 = tpu.vector_load_idx %arg14[%add3A_2124] : memref<256xf32, #tpu.memory_space<vmem>>[vector<16xi32>], vector<16xf32>,
        %add3A_2126 = arith.addf %add3A_2121, %gather3A_2125 : vector<16xf32>
        %add3A_2127 = arith.constant 5 : i32
        %add3A_2128 = vector.broadcast %add3A_2127 : i32 to vector<16xi32>
        %add3A_2129 = arith.addi %mul3A_6, %add3A_2128 : vector<16xi32>
        %gather3A_2130 = tpu.vector_load_idx %arg14[%add3A_2129] : memref<256xf32, #tpu.memory_space<vmem>>[vector<16xi32>], vector<16xf32>,
        %add3A_2131 = arith.addf %add3A_2126, %gather3A_2130 : vector<16xf32>
        %add3A_2132 = arith.constant 6 : i32
        %add3A_2133 = vector.broadcast %add3A_2132 : i32 to vector<16xi32>
        %add3A_2134 = arith.addi %mul3A_6, %add3A_2133 : vector<16xi32>
        %gather3A_2135 = tpu.vector_load_idx %arg14[%add3A_2134] : memref<256xf32, #tpu.memory_space<vmem>>[vector<16xi32>], vector<16xf32>,
        %add3A_2136 = arith.addf %add3A_2131, %gather3A_2135 : vector<16xf32>
        %add3A_2137 = arith.constant 7 : i32
        %add3A_2138 = vector.broadcast %add3A_2137 : i32 to vector<16xi32>
        %add3A_2139 = arith.addi %mul3A_6, %add3A_2138 : vector<16xi32>
        %gather3A_2140 = tpu.vector_load_idx %arg14[%add3A_2139] : memref<256xf32, #tpu.memory_space<vmem>>[vector<16xi32>], vector<16xf32>,
        %add3A_2141 = arith.addf %add3A_2136, %gather3A_2140 : vector<16xf32>
        %add3A_2142 = arith.constant 8 : i32
        %add3A_2143 = vector.broadcast %add3A_2142 : i32 to vector<16xi32>
        %add3A_2144 = arith.addi %mul3A_6, %add3A_2143 : vector<16xi32>
        %gather3A_2145 = tpu.vector_load_idx %arg14[%add3A_2144] : memref<256xf32, #tpu.memory_space<vmem>>[vector<16xi32>], vector<16xf32>,
        %add3A_2146 = arith.addf %add3A_2141, %gather3A_2145 : vector<16xf32>
        %add3A_2147 = arith.constant 9 : i32
        %add3A_2148 = vector.broadcast %add3A_2147 : i32 to vector<16xi32>
        %add3A_2149 = arith.addi %mul3A_6, %add3A_2148 : vector<16xi32>
        %gather3A_2150 = tpu.vector_load_idx %arg14[%add3A_2149] : memref<256xf32, #tpu.memory_space<vmem>>[vector<16xi32>], vector<16xf32>,
        %add3A_2151 = arith.addf %add3A_2146, %gather3A_2150 : vector<16xf32>
        %add3A_2152 = arith.constant 10 : i32
        %add3A_2153 = vector.broadcast %add3A_2152 : i32 to vector<16xi32>
        %add3A_2154 = arith.addi %mul3A_6, %add3A_2153 : vector<16xi32>
        %gather3A_2155 = tpu.vector_load_idx %arg14[%add3A_2154] : memref<256xf32, #tpu.memory_space<vmem>>[vector<16xi32>], vector<16xf32>,
        %add3A_2156 = arith.addf %add3A_2151, %gather3A_2155 : vector<16xf32>
        %add3A_2157 = arith.constant 11 : i32
        %add3A_2158 = vector.broadcast %add3A_2157 : i32 to vector<16xi32>
        %add3A_2159 = arith.addi %mul3A_6, %add3A_2158 : vector<16xi32>
        %gather3A_2160 = tpu.vector_load_idx %arg14[%add3A_2159] : memref<256xf32, #tpu.memory_space<vmem>>[vector<16xi32>], vector<16xf32>,
        %add3A_2161 = arith.addf %add3A_2156, %gather3A_2160 : vector<16xf32>
        %add3A_2162 = arith.constant 12 : i32
        %add3A_2163 = vector.broadcast %add3A_2162 : i32 to vector<16xi32>
        %add3A_2164 = arith.addi %mul3A_6, %add3A_2163 : vector<16xi32>
        %gather3A_2165 = tpu.vector_load_idx %arg14[%add3A_2164] : memref<256xf32, #tpu.memory_space<vmem>>[vector<16xi32>], vector<16xf32>,
        %add3A_2166 = arith.addf %add3A_2161, %gather3A_2165 : vector<16xf32>
        %add3A_2167 = arith.constant 13 : i32
        %add3A_2168 = vector.broadcast %add3A_2167 : i32 to vector<16xi32>
        %add3A_2169 = arith.addi %mul3A_6, %add3A_2168 : vector<16xi32>
        %gather3A_2170 = tpu.vector_load_idx %arg14[%add3A_2169] : memref<256xf32, #tpu.memory_space<vmem>>[vector<16xi32>], vector<16xf32>,
        %add3A_2171 = arith.addf %add3A_2166, %gather3A_2170 : vector<16xf32>
        %add3A_2172 = arith.constant 14 : i32
        %add3A_2173 = vector.broadcast %add3A_2172 : i32 to vector<16xi32>
        %add3A_2174 = arith.addi %mul3A_6, %add3A_2173 : vector<16xi32>
        %gather3A_2175 = tpu.vector_load_idx %arg14[%add3A_2174] : memref<256xf32, #tpu.memory_space<vmem>>[vector<16xi32>], vector<16xf32>,
        %add3A_2176 = arith.addf %add3A_2171, %gather3A_2175 : vector<16xf32>
        %add3A_2177 = arith.constant 15 : i32
        %add3A_2178 = vector.broadcast %add3A_2177 : i32 to vector<16xi32>
        %add3A_2179 = arith.addi %mul3A_6, %add3A_2178 : vector<16xi32>
        %gather3A_2180 = tpu.vector_load_idx %arg14[%add3A_2179] : memref<256xf32, #tpu.memory_space<vmem>>[vector<16xi32>], vector<16xf32>,
        %add3A_2181 = arith.addf %add3A_2176, %gather3A_2180 : vector<16xf32>
        %neg3A = arith.constant 0.000000e+00 : f32
        %neg3A_2182 = vector.broadcast %neg3A : f32 to vector<16xf32>
        %neg3A_2183 = arith.subf %neg3A_2182, %add3A_2181 : vector<16xf32>
        %exp3A = math.exp %neg3A_2183 : vector<16xf32>
        %add3A_2184 = arith.constant 1.000000e+00 : f32
        %add3A_2185 = vector.broadcast %add3A_2184 : f32 to vector<16xf32>
        %add3A_2186 = arith.addf %add3A_2185, %exp3A : vector<16xf32>
        %div3A = arith.constant 1.000000e+00 : f32
        %div3A_2187 = vector.broadcast %div3A : f32 to vector<16xf32>
        %div3A_2188 = arith.divf %div3A_2187, %add3A_2186 : vector<16xf32>
        %mul3A_2189 = arith.constant 16 : i32
        %mul3A_2190 = arith.muli %scan3A_56, %mul3A_2189 : i32
        %add3A_2191 = arith.addi %mul3A_33, %mul3A_2190 : i32
        %swap3A_2192 = arith.index_cast %add3A_2191 : i32 to index
        %swap3A_2193 = tpu.vector_load %arg10[%swap3A_2192] {strides = array<i32>} : memref<10000xf32, #tpu.memory_space<vmem>>, vector<16xf32>,
        tpu.vector_store %arg10[%swap3A_2192], %div3A_2188 {strides = array<i32>} : memref<10000xf32, #tpu.memory_space<vmem>>, vector<16xf32>,
        %scan3A_2194 = arith.constant 0 : i32
        scf.yield %scan3A_2194 : i32
      }
      %scan3A_54 = arith.constant 5 : i32
      %scan3A_55 = arith.constant 0 : i32
      scf.yield %scan3A_55 : i32
    }
    %scan3A_14 = arith.constant 125 : i32
    "tpu.region"() ({
      %run_scoped3A = tpu.sem_alloc : memref<!tpu.dma_semaphore, #tpu.memory_space<semaphore_mem>>
      %dma_start3A = tpu.memref_slice %arg6[%multiple_of3A] : memref<320000xf32, #tpu.memory_space<hbm>> -> memref<10000xf32, #tpu.memory_space<hbm>>
      %dma_start3A_30 = tpu.memref_slice %arg6[%multiple_of3A] : memref<320000xf32, #tpu.memory_space<hbm>> -> memref<10000xf32, #tpu.memory_space<hbm>>
      tpu.enqueue_dma source(%arg10 : memref<10000xf32, #tpu.memory_space<vmem>>) target(%dma_start3A_30 : memref<10000xf32, #tpu.memory_space<hbm>>) target_semaphore(%run_scoped3A : memref<!tpu.dma_semaphore, #tpu.memory_space<semaphore_mem>>)
      %dma_wait3A = tpu.memref_slice %arg6[%multiple_of3A] : memref<320000xf32, #tpu.memory_space<hbm>> -> memref<10000xf32, #tpu.memory_space<hbm>>
      %dma_wait3A_31 = tpu.memref_slice %arg6[%multiple_of3A] : memref<320000xf32, #tpu.memory_space<hbm>> -> memref<10000xf32, #tpu.memory_space<hbm>>
      tpu.wait_dma2 semaphore(%run_scoped3A : memref<!tpu.dma_semaphore, #tpu.memory_space<semaphore_mem>>) src(%arg10 : memref<10000xf32, #tpu.memory_space<vmem>>) dst(%dma_wait3A_31 : memref<10000xf32, #tpu.memory_space<hbm>>)
      tpu.yield
    }) : () -> ()
    %scan3A_15 = arith.constant 0 : i32
    %scan3A_16 = arith.constant 0 : i32
    %scan3A_17 = arith.constant 648 : i32
    %scan3A_18 = arith.addi %scan3A_16, %scan3A_17 : i32
    %scan3A_19 = arith.constant 1 : i32
    %scan3A_20 = scf.for %scan3A_30 = %scan3A_16 to %scan3A_18 step %scan3A_19 iter_args(%scan3A_31 = %scan3A_15) -> (i32)  : i32 {
      %broadcast_in_dim3A_32 = arith.constant 0 : i32
      %broadcast_in_dim3A_33 = vector.broadcast %broadcast_in_dim3A_32 : i32 to vector<16xi32>
      %mul3A_34 = arith.constant 16 : i32
      %mul3A_35 = arith.muli %scan3A_30, %mul3A_34 : i32
      %swap3A = arith.index_cast %mul3A_35 : i32 to index
      %swap3A_36 = tpu.vector_load %arg13[%swap3A] {strides = array<i32>} : memref<10368xi32, #tpu.memory_space<vmem>>, vector<16xi32>,
      tpu.vector_store %arg13[%swap3A], %broadcast_in_dim3A_33 {strides = array<i32>} : memref<10368xi32, #tpu.memory_space<vmem>>, vector<16xi32>,
      %scan3A_37 = arith.constant 0 : i32
      scf.yield %scan3A_37 : i32
    }
    %scan3A_21 = arith.constant 648 : i32
    %broadcast_in_dim3A = arith.constant 1 : i32
    %broadcast_in_dim3A_22 = vector.broadcast %broadcast_in_dim3A : i32 to vector<16xi32>
    %scan3A_23 = arith.constant 0 : i32
    %scan3A_24 = arith.constant 0 : i32
    %scan3A_25 = arith.constant 10000 : i32
    %scan3A_26 = arith.addi %scan3A_24, %scan3A_25 : i32
    %scan3A_27 = arith.constant 1 : i32
    %scan3A_28 = scf.for %scan3A_30 = %scan3A_24 to %scan3A_26 step %scan3A_27 iter_args(%scan3A_31 = %scan3A_23) -> (i32)  : i32 {
      %broadcast_in_dim3A_32 = vector.broadcast %scan3A_30 : i32 to vector<16xi32>
      %gather3A = tpu.vector_load_idx %arg8[%broadcast_in_dim3A_32] : memref<10000xi32, #tpu.memory_space<vmem>>[vector<16xi32>], vector<16xi32>,
      tpu.vector_store_idx %arg13[%gather3A], %broadcast_in_dim3A_22 masked %eq3A_2 {add = true} : memref<10368xi32, #tpu.memory_space<vmem>>[vector<16xi32>], vector<16xi32>, vector<16xi1>
      %scan3A_33 = arith.constant 0 : i32
      scf.yield %scan3A_33 : i32
    }
    %scan3A_29 = arith.constant 10000 : i32
    "tpu.region"() ({
      %run_scoped3A = tpu.sem_alloc : memref<!tpu.dma_semaphore, #tpu.memory_space<semaphore_mem>>
      %dma_start3A = arith.constant 0 : i32
      %dma_start3A_30 = tpu.memref_slice %arg7[%add3A, %dma_start3A] : memref<32x10368xi32, #tpu.memory_space<hbm>> -> memref<1x10368xi32, #tpu.memory_space<hbm>>
      %dma_start3A_31 = tpu.memref_squeeze %dma_start3A_30 : memref<1x10368xi32, #tpu.memory_space<hbm>> -> memref<10368xi32, #tpu.memory_space<hbm>>
      %dma_start3A_32 = arith.constant 0 : i32
      %dma_start3A_33 = tpu.memref_slice %arg7[%add3A, %dma_start3A_32] : memref<32x10368xi32, #tpu.memory_space<hbm>> -> memref<1x10368xi32, #tpu.memory_space<hbm>>
      %dma_start3A_34 = tpu.memref_squeeze %dma_start3A_33 : memref<1x10368xi32, #tpu.memory_space<hbm>> -> memref<10368xi32, #tpu.memory_space<hbm>>
      tpu.enqueue_dma source(%arg13 : memref<10368xi32, #tpu.memory_space<vmem>>) target(%dma_start3A_34 : memref<10368xi32, #tpu.memory_space<hbm>>) target_semaphore(%run_scoped3A : memref<!tpu.dma_semaphore, #tpu.memory_space<semaphore_mem>>)
      %dma_wait3A = arith.constant 0 : i32
      %dma_wait3A_35 = tpu.memref_slice %arg7[%add3A, %dma_wait3A] : memref<32x10368xi32, #tpu.memory_space<hbm>> -> memref<1x10368xi32, #tpu.memory_space<hbm>>
      %dma_wait3A_36 = tpu.memref_squeeze %dma_wait3A_35 : memref<1x10368xi32, #tpu.memory_space<hbm>> -> memref<10368xi32, #tpu.memory_space<hbm>>
      %dma_wait3A_37 = arith.constant 0 : i32
      %dma_wait3A_38 = tpu.memref_slice %arg7[%add3A, %dma_wait3A_37] : memref<32x10368xi32, #tpu.memory_space<hbm>> -> memref<1x10368xi32, #tpu.memory_space<hbm>>
      %dma_wait3A_39 = tpu.memref_squeeze %dma_wait3A_38 : memref<1x10368xi32, #tpu.memory_space<hbm>> -> memref<10368xi32, #tpu.memory_space<hbm>>
      tpu.wait_dma2 semaphore(%run_scoped3A : memref<!tpu.dma_semaphore, #tpu.memory_space<semaphore_mem>>) src(%arg13 : memref<10368xi32, #tpu.memory_space<vmem>>) dst(%dma_wait3A_39 : memref<10368xi32, #tpu.memory_space<hbm>>)
      tpu.yield
    }) : () -> ()
    return
  }
}

module attributes {stable_mosaic.version = 14 : i64} {
  func.func @_enc_body(%arg0: i32, %arg1: memref<1000x128xf32, #tpu.memory_space<vmem>>, %arg2: memref<128x128xf32, #tpu.memory_space<vmem>>, %arg3: memref<1x128xf32, #tpu.memory_space<vmem>>, %arg4: memref<128x128xf32, #tpu.memory_space<vmem>>, %arg5: memref<1x128xf32, #tpu.memory_space<vmem>>, %arg6: memref<1000x128xf32, #tpu.memory_space<vmem>>, %arg7: memref<1000x128xf32, #tpu.memory_space<vmem>>, %arg8: memref<1000x128xf32, #tpu.memory_space<vmem>>) attributes {dimension_semantics = [#tpu.dimension_semantics<arbitrary>], iteration_bounds = array<i64: 10>, scalar_prefetch = 0 : i64, scratch_operands = 0 : i64, tpu.core_type = #tpu.core_type<tc>, window_params = [{transform_indices = @transform_0, window_bounds = array<i64: 1000, 128>}, {pipeline_mode = #tpu.pipeline_mode<synchronous>, transform_indices = @transform_1, window_bounds = array<i64: 128, 128>}, {pipeline_mode = #tpu.pipeline_mode<synchronous>, transform_indices = @transform_2, window_bounds = array<i64: 1, 128>}, {pipeline_mode = #tpu.pipeline_mode<synchronous>, transform_indices = @transform_3, window_bounds = array<i64: 128, 128>}, {pipeline_mode = #tpu.pipeline_mode<synchronous>, transform_indices = @transform_4, window_bounds = array<i64: 1, 128>}, {transform_indices = @transform_5, window_bounds = array<i64: 1000, 128>}, {transform_indices = @transform_6, window_bounds = array<i64: 1000, 128>}, {transform_indices = @transform_7, window_bounds = array<i64: 1000, 128>}]} {
    %get3A = arith.constant 0 : index
    %get3A_0 = arith.constant 0 : index
    %get3A_1 = vector.load %arg1[%get3A, %get3A_0] : memref<1000x128xf32, #tpu.memory_space<vmem>>, vector<1000x128xf32>
    %get3A_2 = arith.constant 0 : index
    %get3A_3 = arith.constant 0 : index
    %get3A_4 = vector.load %arg2[%get3A_2, %get3A_3] : memref<128x128xf32, #tpu.memory_space<vmem>>, vector<128x128xf32>
    %dot_general3A = arith.constant dense<0.000000e+00> : vector<1000x128xf32>
    %dot_general3A_5 = tpu.matmul %get3A_1, %get3A_4, %dot_general3A {dimension_numbers = #tpu.dot_dimension_numbers<[1], [0], [0], [1], [0, 0, 1, 1], [], []>, transpose_lhs_hint = false} : vector<1000x128xf32>, vector<128x128xf32>, vector<1000x128xf32> -> vector<1000x128xf32>
    %get3A_6 = arith.constant 0 : index
    %get3A_7 = arith.constant 0 : index
    %get3A_8 = vector.load %arg3[%get3A_6, %get3A_7] : memref<1x128xf32, #tpu.memory_space<vmem>>, vector<1x128xf32>
    %add3A = vector.broadcast %get3A_8 : vector<1x128xf32> to vector<1000x128xf32>
    %add3A_9 = arith.addf %dot_general3A_5, %add3A : vector<1000x128xf32>
    %ge3A = arith.constant 0.000000e+00 : f32
    %ge3A_10 = vector.broadcast %ge3A : f32 to vector<1000x128xf32>
    %ge3A_11 = arith.cmpf oge, %add3A_9, %ge3A_10 : vector<1000x128xf32>
    %mul3A = arith.constant 0.00999999977 : f32
    %mul3A_12 = vector.broadcast %mul3A : f32 to vector<1000x128xf32>
    %mul3A_13 = arith.mulf %mul3A_12, %add3A_9 : vector<1000x128xf32>
    %select_n3A = arith.select %ge3A_11, %add3A_9, %mul3A_13 : vector<1000x128xi1>, vector<1000x128xf32>
    %swap3A = arith.constant 0 : index
    %swap3A_14 = arith.constant 0 : index
    %swap3A_15 = vector.load %arg6[%swap3A, %swap3A_14] : memref<1000x128xf32, #tpu.memory_space<vmem>>, vector<1000x128xf32>
    tpu.vector_store %arg6[%swap3A, %swap3A_14], %select_n3A {strides = array<i32>} : memref<1000x128xf32, #tpu.memory_space<vmem>>, vector<1000x128xf32>,
    %get3A_16 = arith.constant 0 : index
    %get3A_17 = arith.constant 0 : index
    %get3A_18 = vector.load %arg4[%get3A_16, %get3A_17] : memref<128x128xf32, #tpu.memory_space<vmem>>, vector<128x128xf32>
    %dot_general3A_19 = arith.constant dense<0.000000e+00> : vector<1000x128xf32>
    %dot_general3A_20 = tpu.matmul %select_n3A, %get3A_18, %dot_general3A_19 {dimension_numbers = #tpu.dot_dimension_numbers<[1], [0], [0], [1], [0, 0, 1, 1], [], []>, transpose_lhs_hint = false} : vector<1000x128xf32>, vector<128x128xf32>, vector<1000x128xf32> -> vector<1000x128xf32>
    %swap3A_21 = arith.constant 0 : index
    %swap3A_22 = arith.constant 0 : index
    %swap3A_23 = vector.load %arg7[%swap3A_21, %swap3A_22] : memref<1000x128xf32, #tpu.memory_space<vmem>>, vector<1000x128xf32>
    tpu.vector_store %arg7[%swap3A_21, %swap3A_22], %dot_general3A_20 {strides = array<i32>} : memref<1000x128xf32, #tpu.memory_space<vmem>>, vector<1000x128xf32>,
    %get3A_24 = arith.constant 0 : index
    %get3A_25 = arith.constant 0 : index
    %get3A_26 = vector.load %arg5[%get3A_24, %get3A_25] : memref<1x128xf32, #tpu.memory_space<vmem>>, vector<1x128xf32>
    %sub3A = vector.broadcast %get3A_26 : vector<1x128xf32> to vector<1000x128xf32>
    %sub3A_27 = arith.subf %dot_general3A_20, %sub3A : vector<1000x128xf32>
    %swap3A_28 = arith.constant 0 : index
    %swap3A_29 = arith.constant 0 : index
    %swap3A_30 = vector.load %arg8[%swap3A_28, %swap3A_29] : memref<1000x128xf32, #tpu.memory_space<vmem>>, vector<1000x128xf32>
    tpu.vector_store %arg8[%swap3A_28, %swap3A_29], %sub3A_27 {strides = array<i32>} : memref<1000x128xf32, #tpu.memory_space<vmem>>, vector<1000x128xf32>,
    return
  }
  func.func @transform_0(%arg0: i32) -> (i32, i32) {
    %c0_i32 = arith.constant 0 : i32
    %c0_i32_0 = arith.constant 0 : i32
    return %arg0, %c0_i32 : i32, i32
  }
  func.func @transform_1(%arg0: i32) -> (i32, i32) {
    %c0_i32 = arith.constant 0 : i32
    %c0_i32_0 = arith.constant 0 : i32
    %c0_i32_1 = arith.constant 0 : i32
    return %c0_i32, %c0_i32_0 : i32, i32
  }
  func.func @transform_2(%arg0: i32) -> (i32, i32) {
    %c0_i32 = arith.constant 0 : i32
    %c0_i32_0 = arith.constant 0 : i32
    %c0_i32_1 = arith.constant 0 : i32
    return %c0_i32, %c0_i32_0 : i32, i32
  }
  func.func @transform_3(%arg0: i32) -> (i32, i32) {
    %c0_i32 = arith.constant 0 : i32
    %c0_i32_0 = arith.constant 0 : i32
    %c0_i32_1 = arith.constant 0 : i32
    return %c0_i32, %c0_i32_0 : i32, i32
  }
  func.func @transform_4(%arg0: i32) -> (i32, i32) {
    %c0_i32 = arith.constant 0 : i32
    %c0_i32_0 = arith.constant 0 : i32
    %c0_i32_1 = arith.constant 0 : i32
    return %c0_i32, %c0_i32_0 : i32, i32
  }
  func.func @transform_5(%arg0: i32) -> (i32, i32) {
    %c0_i32 = arith.constant 0 : i32
    %c0_i32_0 = arith.constant 0 : i32
    return %arg0, %c0_i32 : i32, i32
  }
  func.func @transform_6(%arg0: i32) -> (i32, i32) {
    %c0_i32 = arith.constant 0 : i32
    %c0_i32_0 = arith.constant 0 : i32
    return %arg0, %c0_i32 : i32, i32
  }
  func.func @transform_7(%arg0: i32) -> (i32, i32) {
    %c0_i32 = arith.constant 0 : i32
    %c0_i32_0 = arith.constant 0 : i32
    return %arg0, %c0_i32 : i32, i32
  }
}

</mosaic_0001>

<sc_bundles>
// kernel: gather_offload_async_start
scs
__scs_entry_jumppad:
0x0: {  	(pc) =	sbr.rel $0x88, $3  }
0x1: {  	(tag) =	ssettag $0x0;
	lr =	simm.s32 $0x1  }
0x2: {  	[smem:$0x3F99] =	sst lr;
	_ =	strace $0xD0000000  }
0x3: {  	_ = 	snop  }
0x4: {  	_ = 	snop  }
0x5: {  	_ = 	snop  }
0x6: {  	_ = 	snop  }
0x7: {  	_ = 	snop  }
__scs_overlays_trampoline_lowered:
0x8: {  	[smem:$0x3FA8] =	sst s0  }
0x9: {  	[smem:$0x3FA9] =	sst s1  }
0xa: {  	[smem:$0x3FAA] =	sst s2  }
0xb: {  	[smem:$0x3FAB] =	sst s3  }
0xc: {  	[smem:$0x3FAC] =	sst s4  }
0xd: {  	[smem:$0x3FAD] =	sst s5  }
0xe: {  	[smem:$0x3FAE] =	sst s6  }
0xf: {  	[smem:$0x3FAF] =	sst s7  }
0x10: {  	[smem:$0x3FB0] =	sst s8  }
0x11: {  	[smem:$0x3FB1] =	sst s9;
	s0 =	simm.s32 @!p0 $0x0  }
0x12: {  	s1 =	sld [smem:$0x3F97];
	s0 =	simm.s32 @p0 $0x1  }
0x13: {  	[smem:$0x3FB2] =	sst s0;
	s0 =	simm.s32 @!p1 $0x0  }
0x14: {  	s2 =	sld [smem:$0x3F96];
	s0 =	simm.s32 @p1 $0x1  }
0x15: {  	[smem:$0x3FB3] =	sst s0;
	s0 =	simm.s32 @!p2 $0x0  }
0x16: {  	s3 =	sld [smem:$0x3FDB];
	s0 =	simm.s32 @p2 $0x1  }
0x17: {  	s4 =	simm.s32 $0x1BF5;
	[smem:$0x3FB5] =	sst s0  }
0x18: {  	s0 =	sld [smem:$0x3F98];
	_ =	swait.ge [sflag:s4], $0x0  }
0x19: {  	s7 =	sld [smem:$0x3F99]  }
0x1a: {  	s8 =	sadd.s32 $0xFFFFE003, lr  }
0x1b: {  	s9 =	sadd.s32 $0xFFFFFEF7, lr;
	s5 =	simm.s32 $0xFFFFFFFF;
	p2 =	slt.u32 s8, $0xFFFFF086  }
0x1c: {  	p1 =	slt.u32 s9, $0xF7A;
	s5 =	simm.s32 @!p2 $0x0  }
0x1d: {  	s5 =	simm.s32 @p1 $0x1;
	p0 =	seq.s32 s7, s2  }
0x1e: {  	s7 =	smul.u32 @!p0 $0xF7A, s2;
	p2 =	seq.s32 @!p0 s5, $0x0  }
0x1f: {  	s9 =	smul.u32 $0xF7A, s1;
	s8 =	simm.s32 @!p0 $0x1BF5;
	p2 =	por !p2, p0  }
0x20: {  	[sflag:s8] =	ssyncset.s32 @!p0 $0xFFFFF086;
	s6 =	sadd.s32 @!p0 s3, s7;
	s7 =	simm.s32 @!p0 $0x108  }
0x21: {  	s3 =	sadd.s32 s3, s9;
	s6 =	sadd.s32 @!p0 $0x88, s6;
	s7 =	simm.s32 @p2 $0x1082  }
0x22: {  	[simem:s7], [sflag:s8] =	dma.local @!p0 [hbm:s6], $0xF7A  }
0x23: {  	s9 =	sor.u32 $0xD0000000, s2;
	s6 =	simm.s32 $0x108;
	_ =	swait.ge @!p0 [sflag:s8], $0x0  }
0x24: {  	s3 =	sadd.s32 $0x88, s3;
	s6 =	simm.s32 @!p1 $0x1082;
	[sflag:s4] =	ssyncset.s32 $0xFFFFF086  }
0x25: {  	[simem:s6], [sflag:s4] =	dma.local [hbm:s3], $0xF7A  }
0x26: {  	[smem:$0x3F99] =	sst s1;
	(tag) =	ssettag s2;
	_ =	strace s9  }
0x27: {  	s1 =	sld [smem:$0x3FA9]  }
0x28: {  	s2 =	sld [smem:$0x3FAA]  }
0x29: {  	s4 =	sld [smem:$0x3FAC]  }
0x2a: {  	p0 =	seq.s32 s5, $0x0;
	s5 =	sld [smem:$0x3FAD]  }
0x2b: {  	s6 =	sld [smem:$0x3FAE]  }
0x2c: {  	s7 =	sld [smem:$0x3FAF]  }
0x2d: {  	s3 =	simm.s32 $0x108;
	s8 =	sld [smem:$0x3FB0]  }
0x2e: {  	s3 =	simm.s32 @!p0 $0x1082;
	s9 =	sld [smem:$0x3FB1]  }
0x2f: {  	lr =	sadd.s32 s0, s3;
	s0 =	sld [smem:$0x3FA8]  }
0x30: {  	s3 =	sld [smem:$0x3FAB]  }
0x31: {  	[smem:$0x3FB4] =	sst s10  }
0x32: {  	s10 =	sld [smem:$0x3FB2];
	_ =	sdelay $0x3  }
0x33: {  	p0 =	seq.s32 s10, $0x1;
	s10 =	sld [smem:$0x3FB4];
	_ =	sdelay $0x3  }
0x34: {  	[smem:$0x3FB4] =	sst s10  }
0x35: {  	s10 =	sld [smem:$0x3FB3];
	_ =	sdelay $0x3  }
0x36: {  	p1 =	seq.s32 s10, $0x1;
	s10 =	sld [smem:$0x3FB4];
	_ =	sdelay $0x3  }
0x37: {  	[smem:$0x3FB4] =	sst s10  }
0x38: {  	s10 =	sld [smem:$0x3FB5]  }
0x39: {  	_ = 	snop;
	(pc) =	sbr.ind lr, $3  }
0x3a: {  	_ = 	snop  }
0x3b: {  	_ = 	snop  }
0x3c: {  	p2 =	seq.s32 s10, $0x1;
	s10 =	sld [smem:$0x3FB4]  }
0x3d: {  	_ =	shalt  }
0x3e: {  	_ =	shalt  }
0x3f: {  	_ =	shalt  }
0x40: {  	_ =	shalt  }
0x41: {  	_ =	shalt  }
0x42: {  	_ =	shalt  }
0x43: {  	_ =	shalt  }
0x44: {  	_ =	shalt  }
0x45: {  	_ =	shalt  }
0x46: {  	_ =	shalt  }
0x47: {  	_ =	shalt  }
0x48: {  	_ =	shalt  }
0x49: {  	_ =	shalt  }
0x4a: {  	_ =	shalt  }
0x4b: {  	_ =	shalt  }
0x4c: {  	_ =	shalt  }
0x4d: {  	_ =	shalt  }
0x4e: {  	_ =	shalt  }
0x4f: {  	_ =	shalt  }
0x50: {  	_ =	shalt  }
0x51: {  	_ =	shalt  }
0x52: {  	_ =	shalt  }
0x53: {  	_ =	shalt  }
0x54: {  	_ =	shalt  }
0x55: {  	_ =	shalt  }
0x56: {  	_ =	shalt  }
0x57: {  	_ =	shalt  }
0x58: {  	_ =	shalt  }
0x59: {  	_ =	shalt  }
0x5a: {  	_ =	shalt  }
0x5b: {  	_ =	shalt  }
0x5c: {  	_ =	shalt  }
0x5d: {  	_ =	shalt  }
0x5e: {  	_ =	shalt  }
0x5f: {  	_ =	shalt  }
0x60: {  	_ =	shalt  }
0x61: {  	_ =	shalt  }
0x62: {  	_ =	shalt  }
0x63: {  	_ =	shalt  }
0x64: {  	_ =	shalt  }
0x65: {  	_ =	shalt  }
0x66: {  	_ =	shalt  }
0x67: {  	_ =	shalt  }
0x68: {  	_ =	shalt  }
0x69: {  	_ =	shalt  }
0x6a: {  	_ =	shalt  }
0x6b: {  	_ =	shalt  }
0x6c: {  	_ =	shalt  }
0x6d: {  	_ =	shalt  }
0x6e: {  	_ =	shalt  }
0x6f: {  	_ =	shalt  }
0x70: {  	_ =	shalt  }
0x71: {  	_ =	shalt  }
0x72: {  	_ =	shalt  }
0x73: {  	_ =	shalt  }
0x74: {  	_ =	shalt  }
0x75: {  	_ =	shalt  }
0x76: {  	_ =	shalt  }
0x77: {  	_ =	shalt  }
0x78: {  	_ =	shalt  }
0x79: {  	_ =	shalt  }
0x7a: {  	_ =	shalt  }
0x7b: {  	_ =	shalt  }
0x7c: {  	_ =	shalt  }
0x7d: {  	_ =	shalt  }
0x7e: {  	_ =	shalt  }
0x7f: {  	_ =	shalt  }
0x80: {  	_ =	shalt  }
0x81: {  	_ =	shalt  }
0x82: {  	_ =	shalt  }
0x83: {  	_ =	shalt  }
0x84: {  	_ =	shalt  }
0x85: {  	_ =	shalt  }
0x86: {  	_ =	shalt  }
0x87: {  	_ =	shalt  }
.Lfunc_end0:
.L_simem_size_0:
called_computation.1_lowered:
.L_overlay_start_0:
0x88: {  	s2 =	sld [smem:$0x3FD9]  }
0x89: {  	s3 =	sld [smem:$0x3FFE];
	_ =	sdelay $0x1  }
0x8a: {  	s1 =	srdreg.scid  }
0x8b: {  	s0 =	sand.u32 $0x1, s1  }
0x8c: {  	s14 =	sshll.u32 s0, $0xA;
	s2 =	sadd.s32 s3, s2  }
0x8d: {  	s2 =	sadd.s32 s2, s14  }
0x8e: {  	[smem:$0x3FC0] =	sst s2  }
0x8f: {  	_ = 	snop  }
0x90: {  	s2 =	sld [smem:$0x3FD0];
	_ =	sdelay $0x2  }
0x91: {  	s15 =	simm.s32 $0xA;
	s4 =	simm.s32 $0x10  }
0x92: {  	[smem:s4], [sflag:s15] =	dma.local [hbm:s2], $0x1  }
0x93: {  	_ =	swait.eq [sflag:s15], $0x1  }
0x94: {  	[sflag:s15] =	ssyncset.done $0x0  }
0x95: {  	[sflag:s15] =	ssyncadd.s32 $0xFFFFFFFF  }
0x96: {  	s16 =	sld [smem:$0x10];
	(tm) =	ssettm $0x1  }
0x97: {  	s17 =	sld [smem:$0x3FFB];
	_ =	sdelay $0x3  }
0x98: {  	_ =	strace s17  }
0x99: {  	s3 =	sld [smem:$0x3FFC];
	_ =	sdelay $0x3  }
0x9a: {  	_ =	strace s3  }
0x9b: {  	s3 =	sld [smem:$0x3FFD];
	_ =	sdelay $0x3  }
0x9c: {  	_ =	strace s3  }
0x9d: {  	_ =	strace $0x8FFFFFFF  }
0x9e: {  	s18 =	sld [smem:$0x3FDB];
	_ =	sdelay $0x1  }
0x9f: {  	s19 =	simm.s32 $_scs_section_size  }
0xa0: {  	s5 =	simm.s32 $_size__tile_overlayer_lowered;
	s6 =	simm.s32 $_tile_overlayer_lowered  }
0xa1: {  	s22 =	simm.s32 $0x1BFF;
	s21 =	sshll.u32 s6, $0x1;
	s3 =	sadd.s32 s19, s18  }
0xa2: {  	s7 =	simm.s32 $0x0;
	s20 =	sshll.u32 s5, $0x1;
	s5 =	sadd.s32 s21, s3  }
0xa3: {  	[timem:s7], [sflag:s22] =	dma.local [hbm:s5], s20  }
0xa4: {  	_ =	swait.ge [sflag:s22], s20  }
0xa5: {  	s4 =	ssub.s32 $0x0, s20;
	[sflag:s22] =	ssyncset.done $0x0  }
0xa6: {  	[sflag:s22] =	ssyncadd.s32 s4;
	_ =	sdelay $0x1  }
0xa7: {  	s23 =	simm.s32 $0x1B8B  }
0xa8: {  	_ =	swait.ge [sflag:s23], $0x1  }
0xa9: {  	[sflag:s23] =	ssyncset.done $0x0  }
0xaa: {  	s25 =	simm.s32 $0x1B8E;
	s24 =	sld [smem:$0x3FFE];
	[sflag:s23] =	ssyncadd.s32 $0xFFFFFFFF  }
0xab: {  	s26 =	simm.s32 $execute0_lowered;
	[smem:$0x3FD2] =	sst s25  }
0xac: {  	s5 =	sshll.u32 s26, $0x1;
	_ =	strace $0x8000004C;
	[dreg:$0x1] =	wrdreg $0xFFFFFFFF  }
0xad: {  	s28 =	simm.s32 $_size_execute0_lowered;
	s3 =	sadd.s32 s3, s5;
	[dreg:$0x0] =	wrdreg $0x0  }
0xae: {  	s5 =	sshll.u32 s28, $0x1;
	[dreg:$0x2] =	wrdreg s3  }
0xaf: {  	[dreg:$0x3] =	wrdreg s5  }
0xb0: {  	[dreg:$0x4] =	wrdreg $0xC0  }
0xb1: {  	_ =	task [dreg:s7], $0x5FFFF  }
0xb2: {  	[dreg:$0x1] =	wrdreg $0xFFFFFFFF  }
0xb3: {  	[dreg:$0x0] =	wrdreg $0x60  }
0xb4: {  	[dreg:$0x2] =	wrdreg s16  }
0xb5: {  	[dreg:$0x3] =	wrdreg s24  }
0xb6: {  	[dreg:$0x4] =	wrdreg $0x9  }
0xb7: {  	_ =	task.clear_ibuf [dreg:s7], $0x5FFFF;
	_ =	strace $0x9000004C  }
0xb8: {  	s29 =	simm.s32 $0x9;
	_ =	strace $0x8000004E  }
0xb9: {  	_ =	swait.ge [sflag:s29], $0x1  }
0xba: {  	[sflag:s29] =	ssyncadd.s32 $0xFFFFFFFF  }
0xbb: {  	_ =	strace $0x9000004E  }
0xbc: {  	_ =	sfence  }
0xbd: {  	s30 =	sld [smem:$0x0];
	_ =	sdelay $0x2  }
0xbe: {  	s31 =	sshll.u32 s1, $0xD;
	s1 =	sshrl.u32 s1, $0x2  }
0xbf: {  	s3 =	sand.u32 $0x4000, s31;
	s1 =	sadd.s32 s1, s30  }
0xc0: {  	s0 =	sor.u32 s3, s0;
	s1 =	sshll.u32 s1, $0x11  }
0xc1: {  	s0 =	sor.u32 s1, s0  }
0xc2: {  	s0 =	sadd.s32 $0x8F2B, s0  }
0xc3: {  	[sflag:s0] =	ssyncadd.remote.s32 $0x1  }
0xc4: {  	_ =	sfence.sel $0xFFFF  }
0xc5: {  	[dreg:$0x0] =	wrdreg $0xFFFFFFFF;
	(pc) =	sbr.abs _section_cstart, $3  }
0xc6: {  	[dreg:$0x1] =	wrdreg $0xFFFFFFFF  }
0xc7: {  	_ =	task.clear_ibuf [dreg:s7], $0x2FFFF;
	_ =	strace $0x9FFFFFFF  }
0xc8: {  	(tm) =	ssettm $0x7FFFFFFF  }
0xc9: {  	_ =	shalt  }
tec
execute0_lowered:
.L_overlay_start_1:
0x0: {  	(tag) =	ssettag $0x1  }
0x1: {  	s0 =	stileid.u32;
	s1 =	srdreg.scid  }
0x2: {  	s1 =	sand.u32 $0x1, s1;
	s2 =	sshll.u32 s0, $0x1  }
0x3: {  	s1 =	sor.u32 s2, s1  }
0x4: {  	s2 =	smul.u32 $0x4E20, s1;
	_ =	sdelay $0x1  }
0x5: {  	s6 =	ssub.s32 $0x5F5E100, s2  }
0x6: {  	s3 =	rddreg [dreg:$0x0];
	s31 =	smulhi.u32 $0x68DB8BB, s6  }
0x7: {  	s8 =	rddreg [dreg:$0x1];
	s5 =	simm.s32 $0x1  }
0x8: {  	s10 =	simm.s32 $0x3;
	s13 =	simm.s32 $0x0;
	s7 =	sshrl.u32 s31, $0xE  }
0x9: {  	s12 =	simm.s32 $0x0;
	s4 =	sadd.s32 $0x186B200, s8;
	s9 =	smul.u32 $0x9C400, s7  }
.Ltmp0:
0xa: {  	s8 =	sadd.s32 $0x2457000, s8;
	s1 =	rddreg [dreg:$0x2];
	(pc) =	sbr.rel .LBB2_1-.Ltmp0, $4  }
0xb: {  	_ =	strace $0x8000004D;
	p0 =	sne.s32 s6, s9;
	s9 =	simm.s32 $0x1  }
0xc: {  	[sflag:s5] =	ssyncpa.u1 $0x0;
	s6 =	simm.s32 $0x2;
	s9 =	simm.s32 @!p0 $0x0  }
0xd: {  	s11 =	smov.u32 s2;
	[sflag:s6] =	ssyncpa.u1 $0x0;
	s7 =	sadd.s32 s9, s7  }
0xe: {  	vm0 =	vmmov $0xffff;
	[sflag:s10] =	ssyncpa.u1 $0x0;
	s10 =	simm.s32 $0x0;
	s9 =	sadd.s32 $0x1, s7  }
.LBB2_4:
0xf: {  	vm1 =	veq.s32 v4, $0x80000000;
	v56 =	vand.u32 $0x3FFF, v4;
	v6 =	vand.u32 $0x3FFF, v6  }
0x10: {  	v2 =	vor.u32 v2, v5;
	v59 =	vshrl.u32 v1, $0xE;
	v60 =	vand.u32 $0x3FFF, v1  }
0x11: {  	v4 =	vsel vm1, $0xFFFFFFFF, v56;
	v6 =	vsel vm1, $0xFFFFFFFF, v6;
	v2 =	vor.u32 v3, v2  }
0x12: {  	vm1 =	veq.s32 v1, $0x80000000;
	v5 =	vand.u32 $0x3FFF, v59;
	v7 =	vshrl.u32 v4, $0x3  }
0x13: {  	v57 =	vshll.u32 v6, $0x3;
	v4 =	vshll.u32 v4, $0x7;
	v1 =	vsel vm1, $0xFFFFFFFF, v60  }
0x14: {  	v5 =	vsel vm1, $0xFFFFFFFF, v5;
	v6 =	vand.u32 $0x7F, v6;
	v7 =	vmul.u32 $0x13C00, v7  }
0x15: {  	v58 =	vand.u32 $0xFFFFFC00, v57;
	v4 =	vand.u32 $0x380, v4;
	v61 =	vshrl.u32 v1, $0x3  }
0x16: {  	v62 =	vshll.u32 v5, $0x3;
	v3 =	vadd.s32 v7, v58;
	v7 =	vmul.u32 $0x13C00, v61  }
0x17: {  	v1 =	vshll.u32 v1, $0x7;
	v3 =	vor.u32 v4, v3;
	v4 =	vand.u32 $0xFFFFFC00, v62  }
0x18: {  	v1 =	vand.u32 $0x380, v1;
	v3 =	vor.u32 v6, v3;
	v4 =	vadd.s32 v7, v4  }
0x19: {  	[tilespmem:s16], [sflag:$0x1] =	stream.indirect_vreg.gather [hbm4b:s3+s10], $0x1, v0, vm0, $0x4038;
	v63 =	vand.u32 $0x7F, v5;
	v1 =	vor.u32 v1, v4;
	[tilespmem:$0x13880] =	vst v63  }
0x1a: {  	s15 =	sadd.s32 $0x10, s15;
	(ifvalue) =	ssetifvalue $0x7FFFFFFF;
	v0 =	vor.u32 v63, v1  }
0x1b: {  	[tilespmem:s15], [sflag:$0x1] =	stream.indirect_vreg.gather [hbm4b:s3+s10], $0x1, v2, vm0, $0x4038;
	[tilespmem:$0x13880] =	vst v63  }
0x1c: {  	s15 =	sadd.s32 $0x10, s15;
	(ifvalue) =	ssetifvalue $0x7FFFFFFF  }
0x1d: {  	[tilespmem:s15], [sflag:$0x1] =	stream.indirect_vreg.gather [hbm4b:s3+s10], $0x1, v3, vm0, $0x4038;
	[tilespmem:$0x13880] =	vst v63  }
0x1e: {  	s15 =	sadd.s32 $0x10, s15;
	(ifvalue) =	ssetifvalue $0x7FFFFFFF  }
0x1f: {  	[tilespmem:s15], [sflag:$0x1] =	stream.indirect_vreg.gather [hbm4b:s3+s10], $0x1, v0, vm0, $0x4038;
	[tilespmem:$0x13880] =	vst v63  }
0x20: {  	_ =	swait.ge [sflag:s5], $0x4E20  }
0x21: {  	s30 =	sshrl.u32 s13, $0x3;
	[sflag:s5] =	ssyncset.done $0x0  }
0x22: {  	s31 =	sand.u32 $0x7, s13;
	s15 =	sadd.s32 s8, s30;
	[sflag:s5] =	ssyncadd.s32 $0xFFFFB1E0  }
0x23: {  	[hbm4b:s15+s31] =	stream.linear.scatter [tilespmem:s14], [sflag:$0x3], $0x4E20, $0x38;
	[tilespmem:$0x13880] =	vst v63  }
.LBB2_5:
0x24: {  	s15 =	sadd.s32 $0x9C400, s11  }
0x25: {  	p1 =	sgt.s32 s15, $0x5F5E0FF  }
0x26: {  	s15 =	smov.u32 @p1 s2;
	p1 =	sne.s32 s12, s9  }
.Ltmp1:
0x27: {  	p0 =	slt.u32 s12, $0x2;
	(pc) =	sbr.rel @!p1 .LBB2_6-.Ltmp1, $4  }
0x28: {  	s14 =	simm.s32 @!p0 $0x3  }
0x29: {  	_ =	swait.ge @!p0 [sflag:s14], $0x4E20  }
0x2a: {  	s16 =	sadd.s32 $0x1, s12;
	s13 =	smov.u32 s11;
	[sflag:s14] =	ssyncset.done @!p0 $0x0  }
0x2b: {  	s12 =	smov.u32 s16;
	s11 =	smov.u32 s15;
	[sflag:s14] =	ssyncadd.s32 @!p0 $0xFFFFB1E0  }
.LBB2_1:
0x2c: {  	p0 =	sge.u32 s12, s7  }
0x2d: {  	s14 =	sxor.u32 @!p0 $0xFFFFFFFF, s12  }
0x2e: {  	s14 =	sand.u32 @!p0 $0x1, s14  }
0x2f: {  	s14 =	smul.u32 @!p0 $0x13880, s14  }
0x30: {  	s31 =	sadd.s32 $0xFFFFFFFF, s12;
	s15 =	sshrl.u32 @!p0 s11, $0x3  }
0x31: {  	s16 =	sand.u32 @!p0 $0x7, s11;
	s15 =	sadd.s32 @!p0 s4, s15;
	s14 =	sshrl.u32 @!p0 s14, $0x2  }
0x32: {  	[tilespmem:s14], [sflag:$0x2] =	stream.linear.gather @!p0 [hbm4b:s15+s16], $0x4E20, $0x38;
	[tilespmem:$0x13880] =	vst v63  }
0x33: {  	p0 =	sge.u32 s31, s7  }
.Ltmp2:
0x34: {  	_ = 	snop;
	(pc) =	sbr.rel @p0 .LBB2_5-.Ltmp2, $1  }
0x35: {  	_ =	sdelay $0x3  }
0x36: {  	s14 =	sand.u32 $0x1, s12  }
0x37: {  	_ =	swait.ge [sflag:s6], $0x4E20;
	p0 =	seq.s32 s14, $0x1;
	s14 =	simm.s32 $0x4E20  }
0x38: {  	[sflag:s6] =	ssyncset.done $0x0;
	s14 =	simm.s32 @!p0 $0x0  }
0x39: {  	[sflag:s6] =	ssyncadd.s32 $0xFFFFB1E0;
	(ifvalue) =	ssetifvalue $0x7FFFFFFF;
	v0 =	vld.msk [tilespmem:s14+$0x0 ss:$0x1], $0xffff  }
0x3a: {  	s15 =	sadd.s32 $0x10, s14  }
0x3b: {  	v1 =	vld.msk [tilespmem:s15+$0x0 ss:$0x1], $0xffff;
	_ =	sdelay $0x2  }
0x3c: {  	v2 =	vshrl.u32 v0, $0xE  }
0x3d: {  	vm1 =	veq.s32 v0, $0x80000000;
	v0 =	vand.u32 $0x3FFF, v0;
	v2 =	vand.u32 $0x3FFF, v2  }
0x3e: {  	v0 =	vsel vm1, $0xFFFFFFFF, v0;
	v6 =	vshrl.u32 v1, $0xE;
	v2 =	vsel vm1, $0xFFFFFFFF, v2  }
0x3f: {  	v3 =	vshrl.u32 v0, $0x3;
	v0 =	vshll.u32 v0, $0x7;
	vm1 =	veq.s32 v1, $0x80000000  }
0x40: {  	s15 =	sadd.s32 $0x10, s15;
	v1 =	vand.u32 $0x3FFF, v1;
	v4 =	vshll.u32 v2, $0x3;
	v3 =	vmul.u32 $0x13C00, v3  }
0x41: {  	v0 =	vand.u32 $0x380, v0;
	v7 =	vand.u32 $0x7F, v2;
	v5 =	vand.u32 $0xFFFFFC00, v4;
	v4 =	vld.msk [tilespmem:s15+$0x0 ss:$0x1], $0xffff  }
0x42: {  	v1 =	vsel vm1, $0xFFFFFFFF, v1;
	v2 =	vadd.s32 v3, v5;
	v3 =	vand.u32 $0x3FFF, v6  }
0x43: {  	v3 =	vsel vm1, $0xFFFFFFFF, v3;
	v0 =	vor.u32 v0, v2;
	v2 =	vshrl.u32 v1, $0x3  }
0x44: {  	v1 =	vshll.u32 v1, $0x7;
	v5 =	vshll.u32 v3, $0x3;
	v8 =	vmul.u32 $0x13C00, v2  }
0x45: {  	s18 =	simm.s32 $0x30;
	s14 =	sadd.s32 $0x9C40, s14;
	s17 =	sadd.s32 $0x10, s15;
	v2 =	vand.u32 $0x380, v1;
	v0 =	vor.u32 v7, v0;
	v5 =	vand.u32 $0xFFFFFC00, v5  }
0x46: {  	s16 =	smov.u32 s14;
	s15 =	smov.u32 s14;
	v1 =	vld.msk [tilespmem:s17+$0x0 ss:$0x1], $0xffff;
	v3 =	vand.u32 $0x7F, v3;
	(ifvalue) =	ssetifvalue $0x7FFFFFFF;
	v6 =	vshrl.u32 v4, $0xE;
	v5 =	vadd.s32 v8, v5  }
.LBB2_3:
0x47: {  	s18 =	sadd.s32 $0x10, s18  }
0x48: {  	vm1 =	veq.s32 v4, $0x80000000;
	v4 =	vand.u32 $0x3FFF, v4;
	v6 =	vand.u32 $0x3FFF, v6;
	s15 =	sadd.s32 $0x10, s15;
	p0 =	slt.u32 s18, $0x4E10  }
.Ltmp3:
0x49: {  	v5 =	vor.u32 v2, v5;
	v4 =	vsel vm1, $0xFFFFFFFF, v4;
	v7 =	vsel vm1, $0xFFFFFFFF, v6;
	(pc) =	sbr.rel @p0 .LBB2_3-.Ltmp3, $4  }
0x4a: {  	v2 =	vshrl.u32 v4, $0x3;
	v6 =	vshll.u32 v7, $0x3;
	v4 =	vshll.u32 v4, $0x7;
	[tilespmem:s16], [sflag:$0x1] =	stream.indirect_vreg.gather [hbm4b:s3+s10], $0x1, v0, vm0, $0x4038;
	[tilespmem:$0x13880] =	vst v63  }
0x4b: {  	v0 =	vor.u32 v3, v5;
	s16 =	smov.u32 s15;
	v8 =	vmul.u32 $0x13C00, v2;
	v2 =	vand.u32 $0x380, v4  }
0x4c: {  	s17 =	sadd.s32 $0x10, s17;
	v9 =	vand.u32 $0xFFFFFC00, v6  }
0x4d: {  	v3 =	vand.u32 $0x7F, v7;
	v6 =	vshrl.u32 v1, $0xE;
	v5 =	vadd.s32 v8, v9;
	(ifvalue) =	ssetifvalue $0x7FFFFFFF;
	v4 =	vmovc v1;
	v1 =	vld.msk [tilespmem:s17+$0x0 ss:$0x1], $0xffff  }
.Ltmp4:
0x4e: {  	_ = 	snop;
	(pc) =	sbr.rel .LBB2_4-.Ltmp4, $1  }
0x4f: {  	_ =	sdelay $0x3  }
.LBB2_6:
0x50: {  	_ =	sfence.sel $0x180000  }
0x51: {  	s2 =	simm.s32 $0x2;
	[bflag:$0x0] =	sbarrier.arrive $0xFFFF  }
0x52: {  	s30 =	simm.s32 $0x3;
	[sflag:s2] =	ssyncpa.u1 $0x1  }
0x53: {  	s31 =	simm.s32 $0x1;
	[sflag:s30] =	ssyncpa.u1 $0x1  }
0x54: {  	[sflag:s31] =	ssyncpa.u1 $0x1  }
0x55: {  	p0 =	sne.s32 s0, $0x0;
	_ =	strace $0x9000004D  }
0x56: {  	s0 =	sadd.s32 @!p0 $0x100000, s1;
	[bflag:$0x2] =	sbarrier.arrive $0xFFFF  }
0x57: {  	[sflag:s0] =	ssyncadd.tile.s32 @!p0 $0x1;
	_ =	shalt  }
.Lfunc_end2:
_tile_overlayer_lowered:
.L_overlay_start_2:
0x58: {  	(tag) =	ssettag $0x2  }
0x59: {  	s0 =	rddreg [dreg:$0x0];
	s2 =	stileid.u32  }
0x5a: {  	s1 =	rddreg [dreg:$0x1];
	p0 =	sne.s32 s2, $0x0  }
0x5b: {  	s3 =	rddreg [dreg:$0x2];
	[bflag:$0x3] =	sbarrier.arrive $0xFFFF;
	s2 =	simm.s32 @!p0 $0x1C01  }
0x5c: {  	[timem:s3], [sflag:s2] =	dma.local @!p0 [hbm:s0], s1  }
0x5d: {  	s0 =	simm.s32 @!p0 $0x1  }
0x5e: {  	_ =	swait.ge @!p0 [sflag:s0], s1  }
0x5f: {  	s1 =	ssub.s32 @!p0 $0x0, s1;
	[sflag:s0] =	ssyncset.done @!p0 $0x0  }
0x60: {  	[sflag:s0] =	ssyncadd.s32 @!p0 s1  }
0x61: {  	[bflag:$0x3] =	sbarrier.arrive $0xFFFF  }
0x62: {  	_ =	shalt  }

// kernel: kernel.4.cloned.1.call-start
scs
__scs_entry_jumppad:
0x0: {  	(pc) =	sbr.rel $0x88, $3  }
0x1: {  	(tag) =	ssettag $0x0;
	lr =	simm.s32 $0x1  }
0x2: {  	[smem:$0x3F99] =	sst lr;
	_ =	strace $0xD0000000  }
0x3: {  	_ = 	snop  }
0x4: {  	_ = 	snop  }
0x5: {  	_ = 	snop  }
0x6: {  	_ = 	snop  }
0x7: {  	_ = 	snop  }
__scs_overlays_trampoline_lowered:
0x8: {  	[smem:$0x3FA8] =	sst s0  }
0x9: {  	[smem:$0x3FA9] =	sst s1  }
0xa: {  	[smem:$0x3FAA] =	sst s2  }
0xb: {  	[smem:$0x3FAB] =	sst s3  }
0xc: {  	[smem:$0x3FAC] =	sst s4  }
0xd: {  	[smem:$0x3FAD] =	sst s5  }
0xe: {  	[smem:$0x3FAE] =	sst s6  }
0xf: {  	[smem:$0x3FAF] =	sst s7  }
0x10: {  	[smem:$0x3FB0] =	sst s8  }
0x11: {  	[smem:$0x3FB1] =	sst s9;
	s0 =	simm.s32 @!p0 $0x0  }
0x12: {  	s1 =	sld [smem:$0x3F97];
	s0 =	simm.s32 @p0 $0x1  }
0x13: {  	[smem:$0x3FB2] =	sst s0;
	s0 =	simm.s32 @!p1 $0x0  }
0x14: {  	s2 =	sld [smem:$0x3F96];
	s0 =	simm.s32 @p1 $0x1  }
0x15: {  	[smem:$0x3FB3] =	sst s0;
	s0 =	simm.s32 @!p2 $0x0  }
0x16: {  	s3 =	sld [smem:$0x3FDB];
	s0 =	simm.s32 @p2 $0x1  }
0x17: {  	s4 =	simm.s32 $0x1BF5;
	[smem:$0x3FB5] =	sst s0  }
0x18: {  	s0 =	sld [smem:$0x3F98];
	_ =	swait.ge [sflag:s4], $0x0  }
0x19: {  	s7 =	sld [smem:$0x3F99]  }
0x1a: {  	s8 =	sadd.s32 $0xFFFFE003, lr  }
0x1b: {  	s9 =	sadd.s32 $0xFFFFFEF7, lr;
	s5 =	simm.s32 $0xFFFFFFFF;
	p2 =	slt.u32 s8, $0xFFFFF086  }
0x1c: {  	p1 =	slt.u32 s9, $0xF7A;
	s5 =	simm.s32 @!p2 $0x0  }
0x1d: {  	s5 =	simm.s32 @p1 $0x1;
	p0 =	seq.s32 s7, s2  }
0x1e: {  	s7 =	smul.u32 @!p0 $0xF7A, s2;
	p2 =	seq.s32 @!p0 s5, $0x0  }
0x1f: {  	s9 =	smul.u32 $0xF7A, s1;
	s8 =	simm.s32 @!p0 $0x1BF5;
	p2 =	por !p2, p0  }
0x20: {  	[sflag:s8] =	ssyncset.s32 @!p0 $0xFFFFF086;
	s6 =	sadd.s32 @!p0 s3, s7;
	s7 =	simm.s32 @!p0 $0x108  }
0x21: {  	s3 =	sadd.s32 s3, s9;
	s6 =	sadd.s32 @!p0 $0x88, s6;
	s7 =	simm.s32 @p2 $0x1082  }
0x22: {  	[simem:s7], [sflag:s8] =	dma.local @!p0 [hbm:s6], $0xF7A  }
0x23: {  	s9 =	sor.u32 $0xD0000000, s2;
	s6 =	simm.s32 $0x108;
	_ =	swait.ge @!p0 [sflag:s8], $0x0  }
0x24: {  	s3 =	sadd.s32 $0x88, s3;
	s6 =	simm.s32 @!p1 $0x1082;
	[sflag:s4] =	ssyncset.s32 $0xFFFFF086  }
0x25: {  	[simem:s6], [sflag:s4] =	dma.local [hbm:s3], $0xF7A  }
0x26: {  	[smem:$0x3F99] =	sst s1;
	(tag) =	ssettag s2;
	_ =	strace s9  }
0x27: {  	s1 =	sld [smem:$0x3FA9]  }
0x28: {  	s2 =	sld [smem:$0x3FAA]  }
0x29: {  	s4 =	sld [smem:$0x3FAC]  }
0x2a: {  	p0 =	seq.s32 s5, $0x0;
	s5 =	sld [smem:$0x3FAD]  }
0x2b: {  	s6 =	sld [smem:$0x3FAE]  }
0x2c: {  	s7 =	sld [smem:$0x3FAF]  }
0x2d: {  	s3 =	simm.s32 $0x108;
	s8 =	sld [smem:$0x3FB0]  }
0x2e: {  	s3 =	simm.s32 @!p0 $0x1082;
	s9 =	sld [smem:$0x3FB1]  }
0x2f: {  	lr =	sadd.s32 s0, s3;
	s0 =	sld [smem:$0x3FA8]  }
0x30: {  	s3 =	sld [smem:$0x3FAB]  }
0x31: {  	[smem:$0x3FB4] =	sst s10  }
0x32: {  	s10 =	sld [smem:$0x3FB2];
	_ =	sdelay $0x3  }
0x33: {  	p0 =	seq.s32 s10, $0x1;
	s10 =	sld [smem:$0x3FB4];
	_ =	sdelay $0x3  }
0x34: {  	[smem:$0x3FB4] =	sst s10  }
0x35: {  	s10 =	sld [smem:$0x3FB3];
	_ =	sdelay $0x3  }
0x36: {  	p1 =	seq.s32 s10, $0x1;
	s10 =	sld [smem:$0x3FB4];
	_ =	sdelay $0x3  }
0x37: {  	[smem:$0x3FB4] =	sst s10  }
0x38: {  	s10 =	sld [smem:$0x3FB5]  }
0x39: {  	_ = 	snop;
	(pc) =	sbr.ind lr, $3  }
0x3a: {  	_ = 	snop  }
0x3b: {  	_ = 	snop  }
0x3c: {  	p2 =	seq.s32 s10, $0x1;
	s10 =	sld [smem:$0x3FB4]  }
0x3d: {  	_ =	shalt  }
0x3e: {  	_ =	shalt  }
0x3f: {  	_ =	shalt  }
0x40: {  	_ =	shalt  }
0x41: {  	_ =	shalt  }
0x42: {  	_ =	shalt  }
0x43: {  	_ =	shalt  }
0x44: {  	_ =	shalt  }
0x45: {  	_ =	shalt  }
0x46: {  	_ =	shalt  }
0x47: {  	_ =	shalt  }
0x48: {  	_ =	shalt  }
0x49: {  	_ =	shalt  }
0x4a: {  	_ =	shalt  }
0x4b: {  	_ =	shalt  }
0x4c: {  	_ =	shalt  }
0x4d: {  	_ =	shalt  }
0x4e: {  	_ =	shalt  }
0x4f: {  	_ =	shalt  }
0x50: {  	_ =	shalt  }
0x51: {  	_ =	shalt  }
0x52: {  	_ =	shalt  }
0x53: {  	_ =	shalt  }
0x54: {  	_ =	shalt  }
0x55: {  	_ =	shalt  }
0x56: {  	_ =	shalt  }
0x57: {  	_ =	shalt  }
0x58: {  	_ =	shalt  }
0x59: {  	_ =	shalt  }
0x5a: {  	_ =	shalt  }
0x5b: {  	_ =	shalt  }
0x5c: {  	_ =	shalt  }
0x5d: {  	_ =	shalt  }
0x5e: {  	_ =	shalt  }
0x5f: {  	_ =	shalt  }
0x60: {  	_ =	shalt  }
0x61: {  	_ =	shalt  }
0x62: {  	_ =	shalt  }
0x63: {  	_ =	shalt  }
0x64: {  	_ =	shalt  }
0x65: {  	_ =	shalt  }
0x66: {  	_ =	shalt  }
0x67: {  	_ =	shalt  }
0x68: {  	_ =	shalt  }
0x69: {  	_ =	shalt  }
0x6a: {  	_ =	shalt  }
0x6b: {  	_ =	shalt  }
0x6c: {  	_ =	shalt  }
0x6d: {  	_ =	shalt  }
0x6e: {  	_ =	shalt  }
0x6f: {  	_ =	shalt  }
0x70: {  	_ =	shalt  }
0x71: {  	_ =	shalt  }
0x72: {  	_ =	shalt  }
0x73: {  	_ =	shalt  }
0x74: {  	_ =	shalt  }
0x75: {  	_ =	shalt  }
0x76: {  	_ =	shalt  }
0x77: {  	_ =	shalt  }
0x78: {  	_ =	shalt  }
0x79: {  	_ =	shalt  }
0x7a: {  	_ =	shalt  }
0x7b: {  	_ =	shalt  }
0x7c: {  	_ =	shalt  }
0x7d: {  	_ =	shalt  }
0x7e: {  	_ =	shalt  }
0x7f: {  	_ =	shalt  }
0x80: {  	_ =	shalt  }
0x81: {  	_ =	shalt  }
0x82: {  	_ =	shalt  }
0x83: {  	_ =	shalt  }
0x84: {  	_ =	shalt  }
0x85: {  	_ =	shalt  }
0x86: {  	_ =	shalt  }
0x87: {  	_ =	shalt  }
.Lfunc_end0:
.L_simem_size_0:
called_computation.2_lowered:
.L_overlay_start_0:
0x88: {  	s2 =	sld [smem:$0x3FD9]  }
0x89: {  	s3 =	sld [smem:$0x3FFE];
	_ =	sdelay $0x1  }
0x8a: {  	s1 =	srdreg.scid  }
0x8b: {  	s0 =	sand.u32 $0x1, s1  }
0x8c: {  	s14 =	sshll.u32 s0, $0xA;
	s2 =	sadd.s32 s3, s2  }
0x8d: {  	s2 =	sadd.s32 s2, s14  }
0x8e: {  	[smem:$0x3FC0] =	sst s2  }
0x8f: {  	_ = 	snop  }
0x90: {  	s2 =	sld [smem:$0x3FD0];
	_ =	sdelay $0x2  }
0x91: {  	s15 =	simm.s32 $0xA;
	s4 =	simm.s32 $0x10  }
0x92: {  	[smem:s4], [sflag:s15] =	dma.local [hbm:s2], $0x1  }
0x93: {  	_ =	swait.eq [sflag:s15], $0x1  }
0x94: {  	[sflag:s15] =	ssyncset.done $0x0  }
0x95: {  	[sflag:s15] =	ssyncadd.s32 $0xFFFFFFFF  }
0x96: {  	s16 =	sld [smem:$0x10];
	(tm) =	ssettm $0x1  }
0x97: {  	s17 =	sld [smem:$0x3FFB];
	_ =	sdelay $0x3  }
0x98: {  	_ =	strace s17  }
0x99: {  	s3 =	sld [smem:$0x3FFC];
	_ =	sdelay $0x3  }
0x9a: {  	_ =	strace s3  }
0x9b: {  	s3 =	sld [smem:$0x3FFD];
	_ =	sdelay $0x3  }
0x9c: {  	_ =	strace s3  }
0x9d: {  	_ =	strace $0x8FFFFFFF  }
0x9e: {  	s18 =	sld [smem:$0x3FDB];
	_ =	sdelay $0x1  }
0x9f: {  	s19 =	simm.s32 $_scs_section_size  }
0xa0: {  	s5 =	simm.s32 $_size__tile_overlayer_lowered;
	s6 =	simm.s32 $_tile_overlayer_lowered  }
0xa1: {  	s22 =	simm.s32 $0x1BFF;
	s21 =	sshll.u32 s6, $0x1;
	s3 =	sadd.s32 s19, s18  }
0xa2: {  	s7 =	simm.s32 $0x0;
	s20 =	sshll.u32 s5, $0x1;
	s5 =	sadd.s32 s21, s3  }
0xa3: {  	[timem:s7], [sflag:s22] =	dma.local [hbm:s5], s20  }
0xa4: {  	_ =	swait.ge [sflag:s22], s20  }
0xa5: {  	s4 =	ssub.s32 $0x0, s20;
	[sflag:s22] =	ssyncset.done $0x0  }
0xa6: {  	[sflag:s22] =	ssyncadd.s32 s4;
	_ =	sdelay $0x1  }
0xa7: {  	s23 =	simm.s32 $0x1B8B  }
0xa8: {  	_ =	swait.ge [sflag:s23], $0x1  }
0xa9: {  	[sflag:s23] =	ssyncset.done $0x0  }
0xaa: {  	s25 =	simm.s32 $0x1B8E;
	s24 =	sld [smem:$0x3FFE];
	[sflag:s23] =	ssyncadd.s32 $0xFFFFFFFF  }
0xab: {  	s26 =	simm.s32 $execute0_lowered;
	[smem:$0x3FD2] =	sst s25  }
0xac: {  	s5 =	sshll.u32 s26, $0x1;
	_ =	strace $0x80000046;
	[dreg:$0x1] =	wrdreg $0xFFFFFFFF  }
0xad: {  	s28 =	simm.s32 $_size_execute0_lowered;
	s3 =	sadd.s32 s3, s5;
	[dreg:$0x0] =	wrdreg $0x0  }
0xae: {  	s5 =	sshll.u32 s28, $0x1;
	[dreg:$0x2] =	wrdreg s3  }
0xaf: {  	[dreg:$0x3] =	wrdreg s5  }
0xb0: {  	[dreg:$0x4] =	wrdreg $0xC0  }
0xb1: {  	_ =	task [dreg:s7], $0x5FFFF  }
0xb2: {  	[dreg:$0x1] =	wrdreg $0xFFFFFFFF  }
0xb3: {  	[dreg:$0x0] =	wrdreg $0x60  }
0xb4: {  	[dreg:$0x2] =	wrdreg s16  }
0xb5: {  	[dreg:$0x3] =	wrdreg s24  }
0xb6: {  	[dreg:$0x4] =	wrdreg $0x9  }
0xb7: {  	_ =	task.clear_ibuf [dreg:s7], $0x5FFFF;
	_ =	strace $0x90000046  }
0xb8: {  	s29 =	simm.s32 $0x9;
	_ =	strace $0x80000048  }
0xb9: {  	_ =	swait.ge [sflag:s29], $0x1  }
0xba: {  	[sflag:s29] =	ssyncadd.s32 $0xFFFFFFFF  }
0xbb: {  	_ =	strace $0x90000048  }
0xbc: {  	_ =	sfence  }
0xbd: {  	s30 =	sld [smem:$0x0];
	_ =	sdelay $0x2  }
0xbe: {  	s31 =	sshll.u32 s1, $0xD;
	s1 =	sshrl.u32 s1, $0x2  }
0xbf: {  	s3 =	sand.u32 $0x4000, s31;
	s1 =	sadd.s32 s1, s30  }
0xc0: {  	s0 =	sor.u32 s3, s0;
	s1 =	sshll.u32 s1, $0x11  }
0xc1: {  	s0 =	sor.u32 s1, s0  }
0xc2: {  	s0 =	sadd.s32 $0x8F2B, s0  }
0xc3: {  	[sflag:s0] =	ssyncadd.remote.s32 $0x1  }
0xc4: {  	_ =	sfence.sel $0xFFFF  }
0xc5: {  	[dreg:$0x0] =	wrdreg $0xFFFFFFFF;
	(pc) =	sbr.abs _section_cstart, $3  }
0xc6: {  	[dreg:$0x1] =	wrdreg $0xFFFFFFFF  }
0xc7: {  	_ =	task.clear_ibuf [dreg:s7], $0x2FFFF;
	_ =	strace $0x9FFFFFFF  }
0xc8: {  	(tm) =	ssettm $0x7FFFFFFF  }
0xc9: {  	_ =	shalt  }
tec
execute0_lowered:
.L_overlay_start_1:
0x0: {  	(tag) =	ssettag $0x1  }
0x1: {  	s0 =	srdreg.scid;
	s2 =	rddreg [dreg:$0x0]  }
0x2: {  	s6 =	rddreg [dreg:$0x1];
	s3 =	simm.s32 $0x0;
	s11 =	simm.s32 $0x2780  }
0x3: {  	s12 =	simm.s32 $0x50;
	s13 =	simm.s32 $0x7680;
	s14 =	simm.s32 $0x9E80  }
0x4: {  	s15 =	simm.s32 $0x1;
	s16 =	simm.s32 $0x2;
	s17 =	simm.s32 $0xEF00  }
0x5: {  	s18 =	simm.s32 $0x4F00;
	s19 =	simm.s32 $0xC680;
	s5 =	sand.u32 $0x1, s0  }
0x6: {  	s20 =	simm.s32 $0x80;
	s0 =	stileid.u32;
	s1 =	sshll.u32 s5, $0x4  }
0x7: {  	v0 =	vlaneseq.u32;
	s21 =	simm.s32 $0x400;
	s22 =	simm.s32 $0x0;
	s4 =	sor.u32 s0, s1  }
0x8: {  	[smem:$0x7FF] =	sst s3;
	v0 =	vmul.u32 $0x10, v0;
	s8 =	sshll.u32 s0, $0x7;
	s7 =	sshrl.u32 s4, $0x3  }
0x9: {  	v16 =	vimm.s32 $0x0;
	v17 =	vimm.s32 $0x1;
	s9 =	ssub.s32 $0x2, s5;
	s1 =	rddreg [dreg:$0x2];
	s7 =	smul.u32 $0x14400, s7  }
0xa: {  	s8 =	sand.u32 $0x380, s8;
	_ =	strace $0x80000047;
	v1 =	vor.u32 $0x1, v0;
	v2 =	vor.u32 $0x2, v0;
	v3 =	vor.u32 $0x3, v0;
	s30 =	smul.u32 $0x4E2, s4  }
0xb: {  	s31 =	sshrl.u32 s9, $0x1;
	v4 =	vor.u32 $0x4, v0;
	v5 =	vor.u32 $0x5, v0;
	v6 =	vor.u32 $0x6, v0;
	s4 =	sadd.s32 $0x13C00, s6;
	s7 =	sor.u32 s8, s7  }
0xc: {  	v7 =	vor.u32 $0x7, v0;
	v8 =	vor.u32 $0x8, v0;
	v9 =	vor.u32 $0x9, v0;
	s9 =	ssub.s32 s9, s31;
	s5 =	sadd.s32 s6, s30;
	s7 =	sshrl.u32 s7, $0x3  }
0xd: {  	v10 =	vor.u32 $0xA, v0;
	v11 =	vor.u32 $0xB, v0;
	v12 =	vor.u32 $0xC, v0;
	s9 =	smax.u32 s9, $0x1;
	s10 =	sadd.s32 s7, s6;
	s6 =	sadd.s32 $0x9E00, s5  }
0xe: {  	v13 =	vor.u32 $0xD, v0;
	v14 =	vor.u32 $0xE, v0;
	v15 =	vor.u32 $0xF, v0;
	s7 =	sadd.s32 $0x45000, s5;
	s8 =	sadd.s32 $0x3AE00, s10;
	s10 =	simm.s32 $0x3  }
.LBB2_1:
0xf: {  	[tilespmem:s3], [sflag:$0x3] =	stream.linear.gather [hbm4b:s6+s3], $0x2710, $0x38;
	[tilespmem:$0xF000] =	vst v63  }
0x10: {  	_ =	swait.ge [sflag:s10], $0x2710  }
0x11: {  	[sflag:s10] =	ssyncset.done $0x0  }
0x12: {  	[sflag:s10] =	ssyncadd.s32 $0xFFFFD8F0  }
0x13: {  	[tilespmem:s11], [sflag:$0x3] =	stream.linear.gather [hbm4b:s5+s3], $0x2710, $0x38;
	[tilespmem:$0xF000] =	vst v63  }
0x14: {  	_ =	swait.ge [sflag:s10], $0x2710  }
0x15: {  	[sflag:s10] =	ssyncset.done $0x0  }
0x16: {  	s23 =	simm.s32 $0x0;
	[sflag:s10] =	ssyncadd.s32 $0xFFFFD8F0  }
.LBB2_2:
0x17: {  	s24 =	smul.u32 $0x50, s23;
	_ =	sdelay $0x1  }
0x18: {  	[tilespmem:s13], [sflag:$0x1] =	stream.indirect.gather [hbm4b:s2+s12], $0x80, s24, s12, $0xb8;
	[tilespmem:$0xF000] =	vst v63  }
0x19: {  	s25 =	sadd.s32 $0x2780, s24  }
0x1a: {  	[tilespmem:s14], [sflag:$0x2] =	stream.indirect.gather [hbm4b:s4+s12], $0x80, s25, s12, $0xb8;
	[tilespmem:$0xF000] =	vst v63  }
0x1b: {  	_ =	swait.ge [sflag:s15], $0x2800  }
0x1c: {  	[sflag:s15] =	ssyncset.done $0x0  }
0x1d: {  	[sflag:s15] =	ssyncadd.s32 $0xFFFFD800  }
0x1e: {  	_ =	swait.ge [sflag:s16], $0x2800  }
0x1f: {  	s31 =	sadd.s32 $0x4F00, s24;
	[sflag:s16] =	ssyncset.done $0x0  }
0x20: {  	s24 =	simm.s32 $0x0;
	v18 =	vmov s31;
	[sflag:s16] =	ssyncadd.s32 $0xFFFFD800  }
.LBB2_3:
0x21: {  	s25 =	sshll.u32 s24, $0xB  }
0x22: {  	v19 =	vld [tilespmem:s25+$0x7680]  }
0x23: {  	v20 =	vld [tilespmem:s25+$0x9E80]  }
0x24: {  	v21 =	vld [tilespmem:s25+$0x7690]  }
0x25: {  	v22 =	vld [tilespmem:s25+$0x9E90]  }
0x26: {  	v23 =	vld [tilespmem:s25+$0x76A0]  }
0x27: {  	v24 =	vld [tilespmem:s25+$0x9EA0]  }
0x28: {  	v25 =	vld [tilespmem:s25+$0x9EB0];
	v19 =	vsub.f32 v19, v20  }
0x29: {  	v20 =	vld [tilespmem:s25+$0x76B0]  }
0x2a: {  	v33 =	vld [tilespmem:s25+$0x76C0];
	v21 =	vsub.f32 v21, v22;
	v26 =	vmul.f32 $9.999999770e-03, v19  }
0x2b: {  	v27 =	vld [tilespmem:s25+$0x9EC0];
	vm0 =	vge.f32 v19, $0.0e+00  }
0x2c: {  	v35 =	vld [tilespmem:s25+$0x76D0];
	v23 =	vsub.f32 v23, v24;
	v34 =	vmul.f32 $9.999999770e-03, v21;
	v19 =	vsel vm0, v19, v26  }
0x2d: {  	v28 =	vld [tilespmem:s25+$0x9ED0];
	vm9 =	vge.f32 v21, $0.0e+00;
	v19 =	vadd.f32 $0.0e+00, v19  }
0x2e: {  	v37 =	vld [tilespmem:s25+$0x76E0];
	v36 =	vmul.f32 $9.999999770e-03, v23;
	v21 =	vsel vm9, v21, v34;
	v20 =	vsub.f32 v20, v25  }
0x2f: {  	v38 =	vld [tilespmem:s25+$0x9EE0];
	vm10 =	vge.f32 v23, $0.0e+00;
	v19 =	vadd.f32 v21, v19  }
0x30: {  	v40 =	vld [tilespmem:s25+$0x76F0];
	v22 =	vsub.f32 v33, v27;
	v23 =	vsel vm10, v23, v36;
	v39 =	vmul.f32 $9.999999770e-03, v20  }
0x31: {  	v41 =	vld [tilespmem:s25+$0x9EF0];
	vm11 =	vge.f32 v20, $0.0e+00;
	v19 =	vadd.f32 v23, v19  }
0x32: {  	v24 =	vsub.f32 v35, v28;
	v42 =	vmul.f32 $9.999999770e-03, v22;
	v20 =	vsel vm11, v20, v39  }
0x33: {  	vm12 =	vge.f32 v22, $0.0e+00;
	v19 =	vadd.f32 v20, v19  }
0x34: {  	v43 =	vmul.f32 $9.999999770e-03, v24;
	v21 =	vsub.f32 v37, v38;
	v20 =	vsel vm12, v22, v42  }
0x35: {  	vm13 =	vge.f32 v24, $0.0e+00;
	v19 =	vadd.f32 v20, v19  }
0x36: {  	v44 =	vmul.f32 $9.999999770e-03, v21;
	v23 =	vsub.f32 v40, v41;
	v20 =	vsel vm13, v24, v43  }
0x37: {  	vm14 =	vge.f32 v21, $0.0e+00;
	v19 =	vadd.f32 v20, v19  }
0x38: {  	v45 =	vmul.f32 $9.999999770e-03, v23;
	v20 =	vsel vm14, v21, v44  }
0x39: {  	vm15 =	vge.f32 v23, $0.0e+00;
	v19 =	vadd.f32 v20, v19  }
0x3a: {  	v20 =	vsel vm15, v23, v45  }
0x3b: {  	v19 =	vadd.f32 v20, v19;
	_ =	sdelay $0x1  }
0x3c: {  	[tilespmem:$0xEF00] =	vst v19  }
0x3d: {  	v19 =	vld [tilespmem:s25+$0x7700]  }
0x3e: {  	v20 =	vld [tilespmem:s25+$0x9F00]  }
0x3f: {  	v46 =	vld [tilespmem:s25+$0x7710]  }
0x40: {  	v47 =	vld [tilespmem:s25+$0x9F10]  }
0x41: {  	v48 =	vld [tilespmem:s25+$0x7720]  }
0x42: {  	v49 =	vld [tilespmem:s25+$0x9F20]  }
0x43: {  	v50 =	vld [tilespmem:s25+$0x9F30];
	v19 =	vsub.f32 v19, v20  }
0x44: {  	v20 =	vld [tilespmem:s25+$0x7730]  }
0x45: {  	v52 =	vld [tilespmem:s25+$0x7740];
	v21 =	vsub.f32 v46, v47;
	v51 =	vmul.f32 $9.999999770e-03, v19  }
0x46: {  	v53 =	vld [tilespmem:s25+$0x9F40];
	vm4 =	vge.f32 v19, $0.0e+00  }
0x47: {  	v55 =	vld [tilespmem:s25+$0x7750];
	v23 =	vsub.f32 v48, v49;
	v54 =	vmul.f32 $9.999999770e-03, v21;
	v19 =	vsel vm4, v19, v51  }
0x48: {  	v56 =	vld [tilespmem:s25+$0x9F50];
	vm5 =	vge.f32 v21, $0.0e+00;
	v19 =	vadd.f32 $0.0e+00, v19  }
0x49: {  	v58 =	vld [tilespmem:s25+$0x7760];
	v57 =	vmul.f32 $9.999999770e-03, v23;
	v21 =	vsel vm5, v21, v54;
	v20 =	vsub.f32 v20, v50  }
0x4a: {  	v59 =	vld [tilespmem:s25+$0x9F60];
	vm6 =	vge.f32 v23, $0.0e+00;
	v19 =	vadd.f32 v21, v19  }
0x4b: {  	v61 =	vld [tilespmem:s25+$0x7770];
	v22 =	vsub.f32 v52, v53;
	v23 =	vsel vm6, v23, v57;
	v60 =	vmul.f32 $9.999999770e-03, v20  }
0x4c: {  	v62 =	vld [tilespmem:s25+$0x9F70];
	vm7 =	vge.f32 v20, $0.0e+00;
	v19 =	vadd.f32 v23, v19  }
0x4d: {  	v24 =	vsub.f32 v55, v56;
	v63 =	vmul.f32 $9.999999770e-03, v22;
	v20 =	vsel vm7, v20, v60  }
0x4e: {  	vm8 =	vge.f32 v22, $0.0e+00;
	v19 =	vadd.f32 v20, v19  }
0x4f: {  	v26 =	vmul.f32 $9.999999770e-03, v24;
	v21 =	vsub.f32 v58, v59;
	v20 =	vsel vm8, v22, v63  }
0x50: {  	vm9 =	vge.f32 v24, $0.0e+00;
	v19 =	vadd.f32 v20, v19  }
0x51: {  	v28 =	vmul.f32 $9.999999770e-03, v21;
	v23 =	vsub.f32 v61, v62;
	v20 =	vsel vm9, v24, v26  }
0x52: {  	vm10 =	vge.f32 v21, $0.0e+00;
	v19 =	vadd.f32 v20, v19  }
0x53: {  	v29 =	vmul.f32 $9.999999770e-03, v23;
	v20 =	vsel vm10, v21, v28  }
0x54: {  	vm11 =	vge.f32 v23, $0.0e+00;
	v19 =	vadd.f32 v20, v19  }
0x55: {  	v20 =	vsel vm11, v23, v29  }
0x56: {  	v19 =	vadd.f32 v20, v19;
	_ =	sdelay $0x1  }
0x57: {  	[tilespmem:$0xEF10] =	vst v19  }
0x58: {  	v19 =	vld [tilespmem:s25+$0x7780]  }
0x59: {  	v20 =	vld [tilespmem:s25+$0x9F80]  }
0x5a: {  	v30 =	vld [tilespmem:s25+$0x7790]  }
0x5b: {  	v31 =	vld [tilespmem:s25+$0x9F90]  }
0x5c: {  	v32 =	vld [tilespmem:s25+$0x77A0]  }
0x5d: {  	v33 =	vld [tilespmem:s25+$0x9FA0]  }
0x5e: {  	v34 =	vld [tilespmem:s25+$0x9FB0];
	v19 =	vsub.f32 v19, v20  }
0x5f: {  	v20 =	vld [tilespmem:s25+$0x77B0]  }
0x60: {  	v36 =	vld [tilespmem:s25+$0x77C0];
	v21 =	vsub.f32 v30, v31;
	v35 =	vmul.f32 $9.999999770e-03, v19  }
0x61: {  	v37 =	vld [tilespmem:s25+$0x9FC0];
	vm12 =	vge.f32 v19, $0.0e+00  }
0x62: {  	v39 =	vld [tilespmem:s25+$0x77D0];
	v23 =	vsub.f32 v32, v33;
	v38 =	vmul.f32 $9.999999770e-03, v21;
	v19 =	vsel vm12, v19, v35  }
0x63: {  	v40 =	vld [tilespmem:s25+$0x9FD0];
	vm13 =	vge.f32 v21, $0.0e+00;
	v19 =	vadd.f32 $0.0e+00, v19  }
0x64: {  	v42 =	vld [tilespmem:s25+$0x77E0];
	v41 =	vmul.f32 $9.999999770e-03, v23;
	v21 =	vsel vm13, v21, v38;
	v20 =	vsub.f32 v20, v34  }
0x65: {  	v43 =	vld [tilespmem:s25+$0x9FE0];
	vm14 =	vge.f32 v23, $0.0e+00;
	v19 =	vadd.f32 v21, v19  }
0x66: {  	v45 =	vld [tilespmem:s25+$0x77F0];
	v22 =	vsub.f32 v36, v37;
	v23 =	vsel vm14, v23, v41;
	v44 =	vmul.f32 $9.999999770e-03, v20  }
0x67: {  	v46 =	vld [tilespmem:s25+$0x9FF0];
	vm15 =	vge.f32 v20, $0.0e+00;
	v19 =	vadd.f32 v23, v19  }
0x68: {  	v24 =	vsub.f32 v39, v40;
	v47 =	vmul.f32 $9.999999770e-03, v22;
	v20 =	vsel vm15, v20, v44  }
0x69: {  	vm4 =	vge.f32 v22, $0.0e+00;
	v19 =	vadd.f32 v20, v19  }
0x6a: {  	v48 =	vmul.f32 $9.999999770e-03, v24;
	v21 =	vsub.f32 v42, v43;
	v20 =	vsel vm4, v22, v47  }
0x6b: {  	vm5 =	vge.f32 v24, $0.0e+00;
	v19 =	vadd.f32 v20, v19  }
0x6c: {  	v49 =	vmul.f32 $9.999999770e-03, v21;
	v23 =	vsub.f32 v45, v46;
	v20 =	vsel vm5, v24, v48  }
0x6d: {  	vm6 =	vge.f32 v21, $0.0e+00;
	v19 =	vadd.f32 v20, v19  }
0x6e: {  	v50 =	vmul.f32 $9.999999770e-03, v23;
	v20 =	vsel vm6, v21, v49  }
0x6f: {  	vm7 =	vge.f32 v23, $0.0e+00;
	v19 =	vadd.f32 v20, v19  }
0x70: {  	v20 =	vsel vm7, v23, v50  }
0x71: {  	v19 =	vadd.f32 v20, v19;
	_ =	sdelay $0x1  }
0x72: {  	[tilespmem:$0xEF20] =	vst v19  }
0x73: {  	v19 =	vld [tilespmem:s25+$0x7800]  }
0x74: {  	v20 =	vld [tilespmem:s25+$0xA000]  }
0x75: {  	v51 =	vld [tilespmem:s25+$0x7810]  }
0x76: {  	v52 =	vld [tilespmem:s25+$0xA010]  }
0x77: {  	v53 =	vld [tilespmem:s25+$0x7820]  }
0x78: {  	v54 =	vld [tilespmem:s25+$0xA020]  }
0x79: {  	v55 =	vld [tilespmem:s25+$0xA030];
	v19 =	vsub.f32 v19, v20  }
0x7a: {  	v20 =	vld [tilespmem:s25+$0x7830]  }
0x7b: {  	v57 =	vld [tilespmem:s25+$0x7840];
	v21 =	vsub.f32 v51, v52;
	v56 =	vmul.f32 $9.999999770e-03, v19  }
0x7c: {  	v58 =	vld [tilespmem:s25+$0xA040];
	vm8 =	vge.f32 v19, $0.0e+00  }
0x7d: {  	v60 =	vld [tilespmem:s25+$0x7850];
	v23 =	vsub.f32 v53, v54;
	v59 =	vmul.f32 $9.999999770e-03, v21;
	v19 =	vsel vm8, v19, v56  }
0x7e: {  	v61 =	vld [tilespmem:s25+$0xA050];
	vm9 =	vge.f32 v21, $0.0e+00;
	v19 =	vadd.f32 $0.0e+00, v19  }
0x7f: {  	v63 =	vld [tilespmem:s25+$0x7860];
	v62 =	vmul.f32 $9.999999770e-03, v23;
	v21 =	vsel vm9, v21, v59;
	v20 =	vsub.f32 v20, v55  }
0x80: {  	v30 =	vld [tilespmem:s25+$0xA060];
	vm10 =	vge.f32 v23, $0.0e+00;
	v19 =	vadd.f32 v21, v19  }
0x81: {  	v32 =	vld [tilespmem:s25+$0x7870];
	v22 =	vsub.f32 v57, v58;
	v23 =	vsel vm10, v23, v62;
	v31 =	vmul.f32 $9.999999770e-03, v20  }
0x82: {  	v33 =	vld [tilespmem:s25+$0xA070];
	vm11 =	vge.f32 v20, $0.0e+00;
	v19 =	vadd.f32 v23, v19  }
0x83: {  	v24 =	vsub.f32 v60, v61;
	v34 =	vmul.f32 $9.999999770e-03, v22;
	v20 =	vsel vm11, v20, v31  }
0x84: {  	vm12 =	vge.f32 v22, $0.0e+00;
	v19 =	vadd.f32 v20, v19  }
0x85: {  	v35 =	vmul.f32 $9.999999770e-03, v24;
	v21 =	vsub.f32 v63, v30;
	v20 =	vsel vm12, v22, v34  }
0x86: {  	vm13 =	vge.f32 v24, $0.0e+00;
	v19 =	vadd.f32 v20, v19  }
0x87: {  	v36 =	vmul.f32 $9.999999770e-03, v21;
	v23 =	vsub.f32 v32, v33;
	v20 =	vsel vm13, v24, v35  }
0x88: {  	vm14 =	vge.f32 v21, $0.0e+00;
	v19 =	vadd.f32 v20, v19  }
0x89: {  	v37 =	vmul.f32 $9.999999770e-03, v23;
	v20 =	vsel vm14, v21, v36  }
0x8a: {  	vm15 =	vge.f32 v23, $0.0e+00;
	v19 =	vadd.f32 v20, v19  }
0x8b: {  	v20 =	vsel vm15, v23, v37  }
0x8c: {  	v19 =	vadd.f32 v20, v19;
	_ =	sdelay $0x1  }
0x8d: {  	[tilespmem:$0xEF30] =	vst v19  }
0x8e: {  	v19 =	vld [tilespmem:s25+$0x7880]  }
0x8f: {  	v20 =	vld [tilespmem:s25+$0xA080]  }
0x90: {  	v38 =	vld [tilespmem:s25+$0x7890]  }
0x91: {  	v39 =	vld [tilespmem:s25+$0xA090]  }
0x92: {  	v40 =	vld [tilespmem:s25+$0x78A0]  }
0x93: {  	v41 =	vld [tilespmem:s25+$0xA0A0]  }
0x94: {  	v42 =	vld [tilespmem:s25+$0xA0B0];
	v19 =	vsub.f32 v19, v20  }
0x95: {  	v20 =	vld [tilespmem:s25+$0x78B0]  }
0x96: {  	v44 =	vld [tilespmem:s25+$0x78C0];
	v21 =	vsub.f32 v38, v39;
	v43 =	vmul.f32 $9.999999770e-03, v19  }
0x97: {  	v45 =	vld [tilespmem:s25+$0xA0C0];
	vm4 =	vge.f32 v19, $0.0e+00  }
0x98: {  	v47 =	vld [tilespmem:s25+$0x78D0];
	v23 =	vsub.f32 v40, v41;
	v46 =	vmul.f32 $9.999999770e-03, v21;
	v19 =	vsel vm4, v19, v43  }
0x99: {  	v48 =	vld [tilespmem:s25+$0xA0D0];
	vm5 =	vge.f32 v21, $0.0e+00;
	v19 =	vadd.f32 $0.0e+00, v19  }
0x9a: {  	v50 =	vld [tilespmem:s25+$0x78E0];
	v49 =	vmul.f32 $9.999999770e-03, v23;
	v21 =	vsel vm5, v21, v46;
	v20 =	vsub.f32 v20, v42  }
0x9b: {  	v51 =	vld [tilespmem:s25+$0xA0E0];
	vm6 =	vge.f32 v23, $0.0e+00;
	v19 =	vadd.f32 v21, v19  }
0x9c: {  	v53 =	vld [tilespmem:s25+$0x78F0];
	v22 =	vsub.f32 v44, v45;
	v23 =	vsel vm6, v23, v49;
	v52 =	vmul.f32 $9.999999770e-03, v20  }
0x9d: {  	v54 =	vld [tilespmem:s25+$0xA0F0];
	vm7 =	vge.f32 v20, $0.0e+00;
	v19 =	vadd.f32 v23, v19  }
0x9e: {  	v24 =	vsub.f32 v47, v48;
	v55 =	vmul.f32 $9.999999770e-03, v22;
	v20 =	vsel vm7, v20, v52  }
0x9f: {  	vm8 =	vge.f32 v22, $0.0e+00;
	v19 =	vadd.f32 v20, v19  }
0xa0: {  	v56 =	vmul.f32 $9.999999770e-03, v24;
	v21 =	vsub.f32 v50, v51;
	v20 =	vsel vm8, v22, v55  }
0xa1: {  	vm9 =	vge.f32 v24, $0.0e+00;
	v19 =	vadd.f32 v20, v19  }
0xa2: {  	v57 =	vmul.f32 $9.999999770e-03, v21;
	v23 =	vsub.f32 v53, v54;
	v20 =	vsel vm9, v24, v56  }
0xa3: {  	vm10 =	vge.f32 v21, $0.0e+00;
	v19 =	vadd.f32 v20, v19  }
0xa4: {  	v58 =	vmul.f32 $9.999999770e-03, v23;
	v20 =	vsel vm10, v21, v57  }
0xa5: {  	vm11 =	vge.f32 v23, $0.0e+00;
	v19 =	vadd.f32 v20, v19  }
0xa6: {  	v20 =	vsel vm11, v23, v58  }
0xa7: {  	v19 =	vadd.f32 v20, v19;
	_ =	sdelay $0x1  }
0xa8: {  	[tilespmem:$0xEF40] =	vst v19  }
0xa9: {  	v19 =	vld [tilespmem:s25+$0x7900]  }
0xaa: {  	v20 =	vld [tilespmem:s25+$0xA100]  }
0xab: {  	v59 =	vld [tilespmem:s25+$0x7910]  }
0xac: {  	v60 =	vld [tilespmem:s25+$0xA110]  }
0xad: {  	v61 =	vld [tilespmem:s25+$0x7920]  }
0xae: {  	v62 =	vld [tilespmem:s25+$0xA120]  }
0xaf: {  	v63 =	vld [tilespmem:s25+$0xA130];
	v19 =	vsub.f32 v19, v20  }
0xb0: {  	v20 =	vld [tilespmem:s25+$0x7930]  }
0xb1: {  	v33 =	vld [tilespmem:s25+$0x7940];
	v21 =	vsub.f32 v59, v60;
	v32 =	vmul.f32 $9.999999770e-03, v19  }
0xb2: {  	v34 =	vld [tilespmem:s25+$0xA140];
	vm12 =	vge.f32 v19, $0.0e+00  }
0xb3: {  	v36 =	vld [tilespmem:s25+$0x7950];
	v23 =	vsub.f32 v61, v62;
	v35 =	vmul.f32 $9.999999770e-03, v21;
	v19 =	vsel vm12, v19, v32  }
0xb4: {  	v37 =	vld [tilespmem:s25+$0xA150];
	vm13 =	vge.f32 v21, $0.0e+00;
	v19 =	vadd.f32 $0.0e+00, v19  }
0xb5: {  	v39 =	vld [tilespmem:s25+$0x7960];
	v38 =	vmul.f32 $9.999999770e-03, v23;
	v21 =	vsel vm13, v21, v35;
	v20 =	vsub.f32 v20, v63  }
0xb6: {  	v40 =	vld [tilespmem:s25+$0xA160];
	vm14 =	vge.f32 v23, $0.0e+00;
	v19 =	vadd.f32 v21, v19  }
0xb7: {  	v42 =	vld [tilespmem:s25+$0x7970];
	v22 =	vsub.f32 v33, v34;
	v23 =	vsel vm14, v23, v38;
	v41 =	vmul.f32 $9.999999770e-03, v20  }
0xb8: {  	v43 =	vld [tilespmem:s25+$0xA170];
	vm15 =	vge.f32 v20, $0.0e+00;
	v19 =	vadd.f32 v23, v19  }
0xb9: {  	v24 =	vsub.f32 v36, v37;
	v44 =	vmul.f32 $9.999999770e-03, v22;
	v20 =	vsel vm15, v20, v41  }
0xba: {  	vm4 =	vge.f32 v22, $0.0e+00;
	v19 =	vadd.f32 v20, v19  }
0xbb: {  	v45 =	vmul.f32 $9.999999770e-03, v24;
	v21 =	vsub.f32 v39, v40;
	v20 =	vsel vm4, v22, v44  }
0xbc: {  	vm5 =	vge.f32 v24, $0.0e+00;
	v19 =	vadd.f32 v20, v19  }
0xbd: {  	v46 =	vmul.f32 $9.999999770e-03, v21;
	v23 =	vsub.f32 v42, v43;
	v20 =	vsel vm5, v24, v45  }
0xbe: {  	vm6 =	vge.f32 v21, $0.0e+00;
	v19 =	vadd.f32 v20, v19  }
0xbf: {  	v47 =	vmul.f32 $9.999999770e-03, v23;
	v20 =	vsel vm6, v21, v46  }
0xc0: {  	vm7 =	vge.f32 v23, $0.0e+00;
	v19 =	vadd.f32 v20, v19  }
0xc1: {  	v20 =	vsel vm7, v23, v47  }
0xc2: {  	v19 =	vadd.f32 v20, v19;
	_ =	sdelay $0x1  }
0xc3: {  	[tilespmem:$0xEF50] =	vst v19  }
0xc4: {  	v19 =	vld [tilespmem:s25+$0x7980]  }
0xc5: {  	v20 =	vld [tilespmem:s25+$0xA180]  }
0xc6: {  	v48 =	vld [tilespmem:s25+$0x7990]  }
0xc7: {  	v49 =	vld [tilespmem:s25+$0xA190]  }
0xc8: {  	v50 =	vld [tilespmem:s25+$0x79A0]  }
0xc9: {  	v51 =	vld [tilespmem:s25+$0xA1A0]  }
0xca: {  	v52 =	vld [tilespmem:s25+$0xA1B0];
	v19 =	vsub.f32 v19, v20  }
0xcb: {  	v20 =	vld [tilespmem:s25+$0x79B0]  }
0xcc: {  	v54 =	vld [tilespmem:s25+$0x79C0];
	v21 =	vsub.f32 v48, v49;
	v53 =	vmul.f32 $9.999999770e-03, v19  }
0xcd: {  	v55 =	vld [tilespmem:s25+$0xA1C0];
	vm8 =	vge.f32 v19, $0.0e+00  }
0xce: {  	v57 =	vld [tilespmem:s25+$0x79D0];
	v23 =	vsub.f32 v50, v51;
	v56 =	vmul.f32 $9.999999770e-03, v21;
	v19 =	vsel vm8, v19, v53  }
0xcf: {  	v58 =	vld [tilespmem:s25+$0xA1D0];
	vm9 =	vge.f32 v21, $0.0e+00;
	v19 =	vadd.f32 $0.0e+00, v19  }
0xd0: {  	v60 =	vld [tilespmem:s25+$0x79E0];
	v59 =	vmul.f32 $9.999999770e-03, v23;
	v21 =	vsel vm9, v21, v56;
	v20 =	vsub.f32 v20, v52  }
0xd1: {  	v61 =	vld [tilespmem:s25+$0xA1E0];
	vm10 =	vge.f32 v23, $0.0e+00;
	v19 =	vadd.f32 v21, v19  }
0xd2: {  	v63 =	vld [tilespmem:s25+$0x79F0];
	v22 =	vsub.f32 v54, v55;
	v23 =	vsel vm10, v23, v59;
	v62 =	vmul.f32 $9.999999770e-03, v20  }
0xd3: {  	v30 =	vld [tilespmem:s25+$0xA1F0];
	vm11 =	vge.f32 v20, $0.0e+00;
	v19 =	vadd.f32 v23, v19  }
0xd4: {  	v24 =	vsub.f32 v57, v58;
	v31 =	vmul.f32 $9.999999770e-03, v22;
	v20 =	vsel vm11, v20, v62  }
0xd5: {  	vm12 =	vge.f32 v22, $0.0e+00;
	v19 =	vadd.f32 v20, v19  }
0xd6: {  	v32 =	vmul.f32 $9.999999770e-03, v24;
	v21 =	vsub.f32 v60, v61;
	v20 =	vsel vm12, v22, v31  }
0xd7: {  	vm13 =	vge.f32 v24, $0.0e+00;
	v19 =	vadd.f32 v20, v19  }
0xd8: {  	v33 =	vmul.f32 $9.999999770e-03, v21;
	v23 =	vsub.f32 v63, v30;
	v20 =	vsel vm13, v24, v32  }
0xd9: {  	vm14 =	vge.f32 v21, $0.0e+00;
	v19 =	vadd.f32 v20, v19  }
0xda: {  	v34 =	vmul.f32 $9.999999770e-03, v23;
	v20 =	vsel vm14, v21, v33  }
0xdb: {  	vm15 =	vge.f32 v23, $0.0e+00;
	v19 =	vadd.f32 v20, v19  }
0xdc: {  	v20 =	vsel vm15, v23, v34  }
0xdd: {  	v19 =	vadd.f32 v20, v19;
	_ =	sdelay $0x1  }
0xde: {  	[tilespmem:$0xEF60] =	vst v19  }
0xdf: {  	v19 =	vld [tilespmem:s25+$0x7A00]  }
0xe0: {  	v20 =	vld [tilespmem:s25+$0xA200]  }
0xe1: {  	v35 =	vld [tilespmem:s25+$0x7A10]  }
0xe2: {  	v36 =	vld [tilespmem:s25+$0xA210]  }
0xe3: {  	v37 =	vld [tilespmem:s25+$0x7A20]  }
0xe4: {  	v38 =	vld [tilespmem:s25+$0xA220]  }
0xe5: {  	v39 =	vld [tilespmem:s25+$0xA230];
	v19 =	vsub.f32 v19, v20  }
0xe6: {  	v20 =	vld [tilespmem:s25+$0x7A30]  }
0xe7: {  	v41 =	vld [tilespmem:s25+$0x7A40];
	v21 =	vsub.f32 v35, v36;
	v40 =	vmul.f32 $9.999999770e-03, v19  }
0xe8: {  	v42 =	vld [tilespmem:s25+$0xA240];
	vm4 =	vge.f32 v19, $0.0e+00  }
0xe9: {  	v44 =	vld [tilespmem:s25+$0x7A50];
	v23 =	vsub.f32 v37, v38;
	v43 =	vmul.f32 $9.999999770e-03, v21;
	v19 =	vsel vm4, v19, v40  }
0xea: {  	v45 =	vld [tilespmem:s25+$0xA250];
	vm5 =	vge.f32 v21, $0.0e+00;
	v19 =	vadd.f32 $0.0e+00, v19  }
0xeb: {  	v47 =	vld [tilespmem:s25+$0x7A60];
	v46 =	vmul.f32 $9.999999770e-03, v23;
	v21 =	vsel vm5, v21, v43;
	v20 =	vsub.f32 v20, v39  }
0xec: {  	v48 =	vld [tilespmem:s25+$0xA260];
	vm6 =	vge.f32 v23, $0.0e+00;
	v19 =	vadd.f32 v21, v19  }
0xed: {  	v50 =	vld [tilespmem:s25+$0x7A70];
	v22 =	vsub.f32 v41, v42;
	v23 =	vsel vm6, v23, v46;
	v49 =	vmul.f32 $9.999999770e-03, v20  }
0xee: {  	v51 =	vld [tilespmem:s25+$0xA270];
	vm7 =	vge.f32 v20, $0.0e+00;
	v19 =	vadd.f32 v23, v19  }
0xef: {  	v24 =	vsub.f32 v44, v45;
	v52 =	vmul.f32 $9.999999770e-03, v22;
	v20 =	vsel vm7, v20, v49  }
0xf0: {  	vm8 =	vge.f32 v22, $0.0e+00;
	v19 =	vadd.f32 v20, v19  }
0xf1: {  	v53 =	vmul.f32 $9.999999770e-03, v24;
	v21 =	vsub.f32 v47, v48;
	v20 =	vsel vm8, v22, v52  }
0xf2: {  	vm9 =	vge.f32 v24, $0.0e+00;
	v19 =	vadd.f32 v20, v19  }
0xf3: {  	v54 =	vmul.f32 $9.999999770e-03, v21;
	v23 =	vsub.f32 v50, v51;
	v20 =	vsel vm9, v24, v53  }
0xf4: {  	vm10 =	vge.f32 v21, $0.0e+00;
	v19 =	vadd.f32 v20, v19  }
0xf5: {  	v55 =	vmul.f32 $9.999999770e-03, v23;
	v20 =	vsel vm10, v21, v54  }
0xf6: {  	vm11 =	vge.f32 v23, $0.0e+00;
	v19 =	vadd.f32 v20, v19  }
0xf7: {  	v20 =	vsel vm11, v23, v55  }
0xf8: {  	v19 =	vadd.f32 v20, v19;
	_ =	sdelay $0x1  }
0xf9: {  	[tilespmem:$0xEF70] =	vst v19  }
0xfa: {  	v19 =	vld [tilespmem:s25+$0x7A80]  }
0xfb: {  	v20 =	vld [tilespmem:s25+$0xA280]  }
0xfc: {  	v56 =	vld [tilespmem:s25+$0x7A90]  }
0xfd: {  	v57 =	vld [tilespmem:s25+$0xA290]  }
0xfe: {  	v58 =	vld [tilespmem:s25+$0x7AA0]  }
0xff: {  	v59 =	vld [tilespmem:s25+$0xA2A0]  }
0x100: {  	v60 =	vld [tilespmem:s25+$0xA2B0];
	v19 =	vsub.f32 v19, v20  }
0x101: {  	v20 =	vld [tilespmem:s25+$0x7AB0]  }
0x102: {  	v62 =	vld [tilespmem:s25+$0x7AC0];
	v21 =	vsub.f32 v56, v57;
	v61 =	vmul.f32 $9.999999770e-03, v19  }
0x103: {  	v63 =	vld [tilespmem:s25+$0xA2C0];
	vm12 =	vge.f32 v19, $0.0e+00  }
0x104: {  	v33 =	vld [tilespmem:s25+$0x7AD0];
	v23 =	vsub.f32 v58, v59;
	v32 =	vmul.f32 $9.999999770e-03, v21;
	v19 =	vsel vm12, v19, v61  }
0x105: {  	v34 =	vld [tilespmem:s25+$0xA2D0];
	vm13 =	vge.f32 v21, $0.0e+00;
	v19 =	vadd.f32 $0.0e+00, v19  }
0x106: {  	v36 =	vld [tilespmem:s25+$0x7AE0];
	v35 =	vmul.f32 $9.999999770e-03, v23;
	v21 =	vsel vm13, v21, v32;
	v20 =	vsub.f32 v20, v60  }
0x107: {  	v37 =	vld [tilespmem:s25+$0xA2E0];
	vm14 =	vge.f32 v23, $0.0e+00;
	v19 =	vadd.f32 v21, v19  }
0x108: {  	v39 =	vld [tilespmem:s25+$0x7AF0];
	v22 =	vsub.f32 v62, v63;
	v23 =	vsel vm14, v23, v35;
	v38 =	vmul.f32 $9.999999770e-03, v20  }
0x109: {  	v40 =	vld [tilespmem:s25+$0xA2F0];
	vm15 =	vge.f32 v20, $0.0e+00;
	v19 =	vadd.f32 v23, v19  }
0x10a: {  	v24 =	vsub.f32 v33, v34;
	v41 =	vmul.f32 $9.999999770e-03, v22;
	v20 =	vsel vm15, v20, v38  }
0x10b: {  	vm4 =	vge.f32 v22, $0.0e+00;
	v19 =	vadd.f32 v20, v19  }
0x10c: {  	v42 =	vmul.f32 $9.999999770e-03, v24;
	v21 =	vsub.f32 v36, v37;
	v20 =	vsel vm4, v22, v41  }
0x10d: {  	vm5 =	vge.f32 v24, $0.0e+00;
	v19 =	vadd.f32 v20, v19  }
0x10e: {  	v43 =	vmul.f32 $9.999999770e-03, v21;
	v23 =	vsub.f32 v39, v40;
	v20 =	vsel vm5, v24, v42  }
0x10f: {  	vm6 =	vge.f32 v21, $0.0e+00;
	v19 =	vadd.f32 v20, v19  }
0x110: {  	v44 =	vmul.f32 $9.999999770e-03, v23;
	v20 =	vsel vm6, v21, v43  }
0x111: {  	vm7 =	vge.f32 v23, $0.0e+00;
	v19 =	vadd.f32 v20, v19  }
0x112: {  	v20 =	vsel vm7, v23, v44  }
0x113: {  	v19 =	vadd.f32 v20, v19;
	_ =	sdelay $0x1  }
0x114: {  	[tilespmem:$0xEF80] =	vst v19  }
0x115: {  	v19 =	vld [tilespmem:s25+$0x7B00]  }
0x116: {  	v20 =	vld [tilespmem:s25+$0xA300]  }
0x117: {  	v45 =	vld [tilespmem:s25+$0x7B10]  }
0x118: {  	v46 =	vld [tilespmem:s25+$0xA310]  }
0x119: {  	v47 =	vld [tilespmem:s25+$0x7B20]  }
0x11a: {  	v48 =	vld [tilespmem:s25+$0xA320]  }
0x11b: {  	v49 =	vld [tilespmem:s25+$0xA330];
	v19 =	vsub.f32 v19, v20  }
0x11c: {  	v20 =	vld [tilespmem:s25+$0x7B30]  }
0x11d: {  	v51 =	vld [tilespmem:s25+$0x7B40];
	v21 =	vsub.f32 v45, v46;
	v50 =	vmul.f32 $9.999999770e-03, v19  }
0x11e: {  	v52 =	vld [tilespmem:s25+$0xA340];
	vm8 =	vge.f32 v19, $0.0e+00  }
0x11f: {  	v54 =	vld [tilespmem:s25+$0x7B50];
	v23 =	vsub.f32 v47, v48;
	v53 =	vmul.f32 $9.999999770e-03, v21;
	v19 =	vsel vm8, v19, v50  }
0x120: {  	v55 =	vld [tilespmem:s25+$0xA350];
	vm9 =	vge.f32 v21, $0.0e+00;
	v19 =	vadd.f32 $0.0e+00, v19  }
0x121: {  	v57 =	vld [tilespmem:s25+$0x7B60];
	v56 =	vmul.f32 $9.999999770e-03, v23;
	v21 =	vsel vm9, v21, v53;
	v20 =	vsub.f32 v20, v49  }
0x122: {  	v58 =	vld [tilespmem:s25+$0xA360];
	vm10 =	vge.f32 v23, $0.0e+00;
	v19 =	vadd.f32 v21, v19  }
0x123: {  	v60 =	vld [tilespmem:s25+$0x7B70];
	v22 =	vsub.f32 v51, v52;
	v23 =	vsel vm10, v23, v56;
	v59 =	vmul.f32 $9.999999770e-03, v20  }
0x124: {  	v61 =	vld [tilespmem:s25+$0xA370];
	vm11 =	vge.f32 v20, $0.0e+00;
	v19 =	vadd.f32 v23, v19  }
0x125: {  	v24 =	vsub.f32 v54, v55;
	v62 =	vmul.f32 $9.999999770e-03, v22;
	v20 =	vsel vm11, v20, v59  }
0x126: {  	vm12 =	vge.f32 v22, $0.0e+00;
	v19 =	vadd.f32 v20, v19  }
0x127: {  	v63 =	vmul.f32 $9.999999770e-03, v24;
	v21 =	vsub.f32 v57, v58;
	v20 =	vsel vm12, v22, v62  }
0x128: {  	vm13 =	vge.f32 v24, $0.0e+00;
	v19 =	vadd.f32 v20, v19  }
0x129: {  	v26 =	vmul.f32 $9.999999770e-03, v21;
	v23 =	vsub.f32 v60, v61;
	v20 =	vsel vm13, v24, v63  }
0x12a: {  	vm14 =	vge.f32 v21, $0.0e+00;
	v19 =	vadd.f32 v20, v19  }
0x12b: {  	v27 =	vmul.f32 $9.999999770e-03, v23;
	v20 =	vsel vm14, v21, v26  }
0x12c: {  	vm15 =	vge.f32 v23, $0.0e+00;
	v19 =	vadd.f32 v20, v19  }
0x12d: {  	v20 =	vsel vm15, v23, v27  }
0x12e: {  	v19 =	vadd.f32 v20, v19;
	_ =	sdelay $0x1  }
0x12f: {  	[tilespmem:$0xEF90] =	vst v19  }
0x130: {  	v19 =	vld [tilespmem:s25+$0x7B80]  }
0x131: {  	v20 =	vld [tilespmem:s25+$0xA380]  }
0x132: {  	v28 =	vld [tilespmem:s25+$0x7B90]  }
0x133: {  	v29 =	vld [tilespmem:s25+$0xA390]  }
0x134: {  	v30 =	vld [tilespmem:s25+$0x7BA0]  }
0x135: {  	v31 =	vld [tilespmem:s25+$0xA3A0]  }
0x136: {  	v32 =	vld [tilespmem:s25+$0xA3B0];
	v19 =	vsub.f32 v19, v20  }
0x137: {  	v20 =	vld [tilespmem:s25+$0x7BB0]  }
0x138: {  	v34 =	vld [tilespmem:s25+$0x7BC0];
	v21 =	vsub.f32 v28, v29;
	v33 =	vmul.f32 $9.999999770e-03, v19  }
0x139: {  	v35 =	vld [tilespmem:s25+$0xA3C0];
	vm4 =	vge.f32 v19, $0.0e+00  }
0x13a: {  	v37 =	vld [tilespmem:s25+$0x7BD0];
	v23 =	vsub.f32 v30, v31;
	v36 =	vmul.f32 $9.999999770e-03, v21;
	v19 =	vsel vm4, v19, v33  }
0x13b: {  	v38 =	vld [tilespmem:s25+$0xA3D0];
	vm5 =	vge.f32 v21, $0.0e+00;
	v19 =	vadd.f32 $0.0e+00, v19  }
0x13c: {  	v40 =	vld [tilespmem:s25+$0x7BE0];
	v39 =	vmul.f32 $9.999999770e-03, v23;
	v21 =	vsel vm5, v21, v36;
	v20 =	vsub.f32 v20, v32  }
0x13d: {  	v41 =	vld [tilespmem:s25+$0xA3E0];
	vm6 =	vge.f32 v23, $0.0e+00;
	v19 =	vadd.f32 v21, v19  }
0x13e: {  	v43 =	vld [tilespmem:s25+$0x7BF0];
	v22 =	vsub.f32 v34, v35;
	v23 =	vsel vm6, v23, v39;
	v42 =	vmul.f32 $9.999999770e-03, v20  }
0x13f: {  	v44 =	vld [tilespmem:s25+$0xA3F0];
	vm7 =	vge.f32 v20, $0.0e+00;
	v19 =	vadd.f32 v23, v19  }
0x140: {  	v24 =	vsub.f32 v37, v38;
	v45 =	vmul.f32 $9.999999770e-03, v22;
	v20 =	vsel vm7, v20, v42  }
0x141: {  	vm8 =	vge.f32 v22, $0.0e+00;
	v19 =	vadd.f32 v20, v19  }
0x142: {  	v46 =	vmul.f32 $9.999999770e-03, v24;
	v21 =	vsub.f32 v40, v41;
	v20 =	vsel vm8, v22, v45  }
0x143: {  	vm9 =	vge.f32 v24, $0.0e+00;
	v19 =	vadd.f32 v20, v19  }
0x144: {  	v47 =	vmul.f32 $9.999999770e-03, v21;
	v23 =	vsub.f32 v43, v44;
	v20 =	vsel vm9, v24, v46  }
0x145: {  	vm10 =	vge.f32 v21, $0.0e+00;
	v19 =	vadd.f32 v20, v19  }
0x146: {  	v48 =	vmul.f32 $9.999999770e-03, v23;
	v20 =	vsel vm10, v21, v47  }
0x147: {  	vm11 =	vge.f32 v23, $0.0e+00;
	v19 =	vadd.f32 v20, v19  }
0x148: {  	v20 =	vsel vm11, v23, v48  }
0x149: {  	v19 =	vadd.f32 v20, v19;
	_ =	sdelay $0x1  }
0x14a: {  	[tilespmem:$0xEFA0] =	vst v19  }
0x14b: {  	v19 =	vld [tilespmem:s25+$0x7C00]  }
0x14c: {  	v20 =	vld [tilespmem:s25+$0xA400]  }
0x14d: {  	v49 =	vld [tilespmem:s25+$0x7C10]  }
0x14e: {  	v50 =	vld [tilespmem:s25+$0xA410]  }
0x14f: {  	v51 =	vld [tilespmem:s25+$0x7C20]  }
0x150: {  	v52 =	vld [tilespmem:s25+$0xA420]  }
0x151: {  	v53 =	vld [tilespmem:s25+$0xA430];
	v19 =	vsub.f32 v19, v20  }
0x152: {  	v20 =	vld [tilespmem:s25+$0x7C30]  }
0x153: {  	v55 =	vld [tilespmem:s25+$0x7C40];
	v21 =	vsub.f32 v49, v50;
	v54 =	vmul.f32 $9.999999770e-03, v19  }
0x154: {  	v56 =	vld [tilespmem:s25+$0xA440];
	vm12 =	vge.f32 v19, $0.0e+00  }
0x155: {  	v58 =	vld [tilespmem:s25+$0x7C50];
	v23 =	vsub.f32 v51, v52;
	v57 =	vmul.f32 $9.999999770e-03, v21;
	v19 =	vsel vm12, v19, v54  }
0x156: {  	v59 =	vld [tilespmem:s25+$0xA450];
	vm13 =	vge.f32 v21, $0.0e+00;
	v19 =	vadd.f32 $0.0e+00, v19  }
0x157: {  	v61 =	vld [tilespmem:s25+$0x7C60];
	v60 =	vmul.f32 $9.999999770e-03, v23;
	v21 =	vsel vm13, v21, v57;
	v20 =	vsub.f32 v20, v53  }
0x158: {  	v62 =	vld [tilespmem:s25+$0xA460];
	vm14 =	vge.f32 v23, $0.0e+00;
	v19 =	vadd.f32 v21, v19  }
0x159: {  	v30 =	vld [tilespmem:s25+$0x7C70];
	v22 =	vsub.f32 v55, v56;
	v23 =	vsel vm14, v23, v60;
	v63 =	vmul.f32 $9.999999770e-03, v20  }
0x15a: {  	v31 =	vld [tilespmem:s25+$0xA470];
	vm15 =	vge.f32 v20, $0.0e+00;
	v19 =	vadd.f32 v23, v19  }
0x15b: {  	v24 =	vsub.f32 v58, v59;
	v32 =	vmul.f32 $9.999999770e-03, v22;
	v20 =	vsel vm15, v20, v63  }
0x15c: {  	vm4 =	vge.f32 v22, $0.0e+00;
	v19 =	vadd.f32 v20, v19  }
0x15d: {  	v33 =	vmul.f32 $9.999999770e-03, v24;
	v21 =	vsub.f32 v61, v62;
	v20 =	vsel vm4, v22, v32  }
0x15e: {  	vm5 =	vge.f32 v24, $0.0e+00;
	v19 =	vadd.f32 v20, v19  }
0x15f: {  	v34 =	vmul.f32 $9.999999770e-03, v21;
	v23 =	vsub.f32 v30, v31;
	v20 =	vsel vm5, v24, v33  }
0x160: {  	vm6 =	vge.f32 v21, $0.0e+00;
	v19 =	vadd.f32 v20, v19  }
0x161: {  	v35 =	vmul.f32 $9.999999770e-03, v23;
	v20 =	vsel vm6, v21, v34  }
0x162: {  	vm7 =	vge.f32 v23, $0.0e+00;
	v19 =	vadd.f32 v20, v19  }
0x163: {  	v20 =	vsel vm7, v23, v35  }
0x164: {  	v19 =	vadd.f32 v20, v19;
	_ =	sdelay $0x1  }
0x165: {  	[tilespmem:$0xEFB0] =	vst v19  }
0x166: {  	v19 =	vld [tilespmem:s25+$0x7C80]  }
0x167: {  	v20 =	vld [tilespmem:s25+$0xA480]  }
0x168: {  	v36 =	vld [tilespmem:s25+$0x7C90]  }
0x169: {  	v37 =	vld [tilespmem:s25+$0xA490]  }
0x16a: {  	v38 =	vld [tilespmem:s25+$0x7CA0]  }
0x16b: {  	v39 =	vld [tilespmem:s25+$0xA4A0]  }
0x16c: {  	v40 =	vld [tilespmem:s25+$0xA4B0];
	v19 =	vsub.f32 v19, v20  }
0x16d: {  	v20 =	vld [tilespmem:s25+$0x7CB0]  }
0x16e: {  	v42 =	vld [tilespmem:s25+$0x7CC0];
	v21 =	vsub.f32 v36, v37;
	v41 =	vmul.f32 $9.999999770e-03, v19  }
0x16f: {  	v43 =	vld [tilespmem:s25+$0xA4C0];
	vm8 =	vge.f32 v19, $0.0e+00  }
0x170: {  	v45 =	vld [tilespmem:s25+$0x7CD0];
	v23 =	vsub.f32 v38, v39;
	v44 =	vmul.f32 $9.999999770e-03, v21;
	v19 =	vsel vm8, v19, v41  }
0x171: {  	v46 =	vld [tilespmem:s25+$0xA4D0];
	vm9 =	vge.f32 v21, $0.0e+00;
	v19 =	vadd.f32 $0.0e+00, v19  }
0x172: {  	v48 =	vld [tilespmem:s25+$0x7CE0];
	v47 =	vmul.f32 $9.999999770e-03, v23;
	v21 =	vsel vm9, v21, v44;
	v20 =	vsub.f32 v20, v40  }
0x173: {  	v49 =	vld [tilespmem:s25+$0xA4E0];
	vm10 =	vge.f32 v23, $0.0e+00;
	v19 =	vadd.f32 v21, v19  }
0x174: {  	v51 =	vld [tilespmem:s25+$0x7CF0];
	v22 =	vsub.f32 v42, v43;
	v23 =	vsel vm10, v23, v47;
	v50 =	vmul.f32 $9.999999770e-03, v20  }
0x175: {  	v52 =	vld [tilespmem:s25+$0xA4F0];
	vm11 =	vge.f32 v20, $0.0e+00;
	v19 =	vadd.f32 v23, v19  }
0x176: {  	v24 =	vsub.f32 v45, v46;
	v53 =	vmul.f32 $9.999999770e-03, v22;
	v20 =	vsel vm11, v20, v50  }
0x177: {  	vm12 =	vge.f32 v22, $0.0e+00;
	v19 =	vadd.f32 v20, v19  }
0x178: {  	v54 =	vmul.f32 $9.999999770e-03, v24;
	v21 =	vsub.f32 v48, v49;
	v20 =	vsel vm12, v22, v53  }
0x179: {  	vm13 =	vge.f32 v24, $0.0e+00;
	v19 =	vadd.f32 v20, v19  }
0x17a: {  	v55 =	vmul.f32 $9.999999770e-03, v21;
	v23 =	vsub.f32 v51, v52;
	v20 =	vsel vm13, v24, v54  }
0x17b: {  	vm14 =	vge.f32 v21, $0.0e+00;
	v19 =	vadd.f32 v20, v19  }
0x17c: {  	v56 =	vmul.f32 $9.999999770e-03, v23;
	v20 =	vsel vm14, v21, v55  }
0x17d: {  	vm15 =	vge.f32 v23, $0.0e+00;
	v19 =	vadd.f32 v20, v19  }
0x17e: {  	v20 =	vsel vm15, v23, v56  }
0x17f: {  	v19 =	vadd.f32 v20, v19;
	_ =	sdelay $0x1  }
0x180: {  	[tilespmem:$0xEFC0] =	vst v19  }
0x181: {  	v19 =	vld [tilespmem:s25+$0x7D00]  }
0x182: {  	v20 =	vld [tilespmem:s25+$0xA500]  }
0x183: {  	v57 =	vld [tilespmem:s25+$0x7D10]  }
0x184: {  	v58 =	vld [tilespmem:s25+$0xA510]  }
0x185: {  	v59 =	vld [tilespmem:s25+$0x7D20]  }
0x186: {  	v60 =	vld [tilespmem:s25+$0xA520]  }
0x187: {  	v61 =	vld [tilespmem:s25+$0xA530];
	v19 =	vsub.f32 v19, v20  }
0x188: {  	v20 =	vld [tilespmem:s25+$0x7D30]  }
0x189: {  	v63 =	vld [tilespmem:s25+$0x7D40];
	v21 =	vsub.f32 v57, v58;
	v62 =	vmul.f32 $9.999999770e-03, v19  }
0x18a: {  	v32 =	vld [tilespmem:s25+$0xA540];
	vm4 =	vge.f32 v19, $0.0e+00  }
0x18b: {  	v34 =	vld [tilespmem:s25+$0x7D50];
	v23 =	vsub.f32 v59, v60;
	v33 =	vmul.f32 $9.999999770e-03, v21;
	v19 =	vsel vm4, v19, v62  }
0x18c: {  	v35 =	vld [tilespmem:s25+$0xA550];
	vm5 =	vge.f32 v21, $0.0e+00;
	v19 =	vadd.f32 $0.0e+00, v19  }
0x18d: {  	v37 =	vld [tilespmem:s25+$0x7D60];
	v36 =	vmul.f32 $9.999999770e-03, v23;
	v21 =	vsel vm5, v21, v33;
	v20 =	vsub.f32 v20, v61  }
0x18e: {  	v38 =	vld [tilespmem:s25+$0xA560];
	vm6 =	vge.f32 v23, $0.0e+00;
	v19 =	vadd.f32 v21, v19  }
0x18f: {  	v40 =	vld [tilespmem:s25+$0x7D70];
	v22 =	vsub.f32 v63, v32;
	v23 =	vsel vm6, v23, v36;
	v39 =	vmul.f32 $9.999999770e-03, v20  }
0x190: {  	v41 =	vld [tilespmem:s25+$0xA570];
	vm7 =	vge.f32 v20, $0.0e+00;
	v19 =	vadd.f32 v23, v19  }
0x191: {  	v24 =	vsub.f32 v34, v35;
	v42 =	vmul.f32 $9.999999770e-03, v22;
	v20 =	vsel vm7, v20, v39  }
0x192: {  	vm8 =	vge.f32 v22, $0.0e+00;
	v19 =	vadd.f32 v20, v19  }
0x193: {  	v43 =	vmul.f32 $9.999999770e-03, v24;
	v21 =	vsub.f32 v37, v38;
	v20 =	vsel vm8, v22, v42  }
0x194: {  	vm9 =	vge.f32 v24, $0.0e+00;
	v19 =	vadd.f32 v20, v19  }
0x195: {  	v44 =	vmul.f32 $9.999999770e-03, v21;
	v23 =	vsub.f32 v40, v41;
	v20 =	vsel vm9, v24, v43  }
0x196: {  	vm10 =	vge.f32 v21, $0.0e+00;
	v19 =	vadd.f32 v20, v19  }
0x197: {  	v45 =	vmul.f32 $9.999999770e-03, v23;
	v20 =	vsel vm10, v21, v44  }
0x198: {  	vm11 =	vge.f32 v23, $0.0e+00;
	v19 =	vadd.f32 v20, v19  }
0x199: {  	v20 =	vsel vm11, v23, v45  }
0x19a: {  	v19 =	vadd.f32 v20, v19;
	_ =	sdelay $0x1  }
0x19b: {  	[tilespmem:$0xEFD0] =	vst v19  }
0x19c: {  	v19 =	vld [tilespmem:s25+$0x7D80]  }
0x19d: {  	v20 =	vld [tilespmem:s25+$0xA580]  }
0x19e: {  	v46 =	vld [tilespmem:s25+$0x7D90]  }
0x19f: {  	v47 =	vld [tilespmem:s25+$0xA590]  }
0x1a0: {  	v48 =	vld [tilespmem:s25+$0x7DA0]  }
0x1a1: {  	v49 =	vld [tilespmem:s25+$0xA5A0]  }
0x1a2: {  	v50 =	vld [tilespmem:s25+$0xA5B0];
	v19 =	vsub.f32 v19, v20  }
0x1a3: {  	v20 =	vld [tilespmem:s25+$0x7DB0]  }
0x1a4: {  	v52 =	vld [tilespmem:s25+$0x7DC0];
	v21 =	vsub.f32 v46, v47;
	v51 =	vmul.f32 $9.999999770e-03, v19  }
0x1a5: {  	v53 =	vld [tilespmem:s25+$0xA5C0];
	vm12 =	vge.f32 v19, $0.0e+00  }
0x1a6: {  	v55 =	vld [tilespmem:s25+$0x7DD0];
	v23 =	vsub.f32 v48, v49;
	v54 =	vmul.f32 $9.999999770e-03, v21;
	v19 =	vsel vm12, v19, v51  }
0x1a7: {  	v56 =	vld [tilespmem:s25+$0xA5D0];
	vm13 =	vge.f32 v21, $0.0e+00;
	v19 =	vadd.f32 $0.0e+00, v19  }
0x1a8: {  	v58 =	vld [tilespmem:s25+$0x7DE0];
	v57 =	vmul.f32 $9.999999770e-03, v23;
	v21 =	vsel vm13, v21, v54;
	v20 =	vsub.f32 v20, v50  }
0x1a9: {  	v59 =	vld [tilespmem:s25+$0xA5E0];
	vm14 =	vge.f32 v23, $0.0e+00;
	v19 =	vadd.f32 v21, v19  }
0x1aa: {  	v61 =	vld [tilespmem:s25+$0x7DF0];
	v22 =	vsub.f32 v52, v53;
	v23 =	vsel vm14, v23, v57;
	v60 =	vmul.f32 $9.999999770e-03, v20  }
0x1ab: {  	v62 =	vld [tilespmem:s25+$0xA5F0];
	vm15 =	vge.f32 v20, $0.0e+00;
	v19 =	vadd.f32 v23, v19  }
0x1ac: {  	v24 =	vsub.f32 v55, v56;
	v63 =	vmul.f32 $9.999999770e-03, v22;
	v20 =	vsel vm15, v20, v60  }
0x1ad: {  	vm4 =	vge.f32 v22, $0.0e+00;
	v19 =	vadd.f32 v20, v19  }
0x1ae: {  	v29 =	vmul.f32 $9.999999770e-03, v24;
	v21 =	vsub.f32 v58, v59;
	v20 =	vsel vm4, v22, v63  }
0x1af: {  	vm5 =	vge.f32 v24, $0.0e+00;
	v19 =	vadd.f32 v20, v19  }
0x1b0: {  	v30 =	vmul.f32 $9.999999770e-03, v21;
	v23 =	vsub.f32 v61, v62;
	v20 =	vsel vm5, v24, v29  }
0x1b1: {  	vm6 =	vge.f32 v21, $0.0e+00;
	v19 =	vadd.f32 v20, v19  }
0x1b2: {  	v31 =	vmul.f32 $9.999999770e-03, v23;
	v20 =	vsel vm6, v21, v30  }
0x1b3: {  	vm7 =	vge.f32 v23, $0.0e+00;
	v19 =	vadd.f32 v20, v19  }
0x1b4: {  	v20 =	vsel vm7, v23, v31  }
0x1b5: {  	v19 =	vadd.f32 v20, v19;
	_ =	sdelay $0x1  }
0x1b6: {  	[tilespmem:$0xEFE0] =	vst v19  }
0x1b7: {  	v19 =	vld [tilespmem:s25+$0x7E00]  }
0x1b8: {  	v20 =	vld [tilespmem:s25+$0xA600]  }
0x1b9: {  	v32 =	vld [tilespmem:s25+$0x7E10]  }
0x1ba: {  	v33 =	vld [tilespmem:s25+$0xA610]  }
0x1bb: {  	v34 =	vld [tilespmem:s25+$0x7E20]  }
0x1bc: {  	v35 =	vld [tilespmem:s25+$0xA620]  }
0x1bd: {  	v36 =	vld [tilespmem:s25+$0xA630];
	v19 =	vsub.f32 v19, v20  }
0x1be: {  	v20 =	vld [tilespmem:s25+$0x7E30]  }
0x1bf: {  	v38 =	vld [tilespmem:s25+$0x7E40];
	v21 =	vsub.f32 v32, v33;
	v37 =	vmul.f32 $9.999999770e-03, v19  }
0x1c0: {  	v39 =	vld [tilespmem:s25+$0xA640];
	vm8 =	vge.f32 v19, $0.0e+00  }
0x1c1: {  	v41 =	vld [tilespmem:s25+$0x7E50];
	v23 =	vsub.f32 v34, v35;
	v40 =	vmul.f32 $9.999999770e-03, v21;
	v19 =	vsel vm8, v19, v37  }
0x1c2: {  	v42 =	vld [tilespmem:s25+$0xA650];
	vm9 =	vge.f32 v21, $0.0e+00;
	v19 =	vadd.f32 $0.0e+00, v19  }
0x1c3: {  	v44 =	vld [tilespmem:s25+$0x7E60];
	v43 =	vmul.f32 $9.999999770e-03, v23;
	v21 =	vsel vm9, v21, v40;
	v20 =	vsub.f32 v20, v36  }
0x1c4: {  	v45 =	vld [tilespmem:s25+$0xA660];
	vm10 =	vge.f32 v23, $0.0e+00;
	v19 =	vadd.f32 v21, v19  }
0x1c5: {  	v47 =	vld [tilespmem:s25+$0x7E70];
	v22 =	vsub.f32 v38, v39;
	v23 =	vsel vm10, v23, v43;
	v46 =	vmul.f32 $9.999999770e-03, v20  }
0x1c6: {  	v48 =	vld [tilespmem:s25+$0xA670];
	vm11 =	vge.f32 v20, $0.0e+00;
	v19 =	vadd.f32 v23, v19  }
0x1c7: {  	v24 =	vsub.f32 v41, v42;
	v49 =	vmul.f32 $9.999999770e-03, v22;
	v20 =	vsel vm11, v20, v46  }
0x1c8: {  	vm12 =	vge.f32 v22, $0.0e+00;
	v19 =	vadd.f32 v20, v19  }
0x1c9: {  	v50 =	vmul.f32 $9.999999770e-03, v24;
	v21 =	vsub.f32 v44, v45;
	v20 =	vsel vm12, v22, v49  }
0x1ca: {  	vm13 =	vge.f32 v24, $0.0e+00;
	v19 =	vadd.f32 v20, v19  }
0x1cb: {  	v51 =	vsub.f32 v47, v48;
	v52 =	vmul.f32 $9.999999770e-03, v21;
	v20 =	vsel vm13, v24, v50  }
0x1cc: {  	vm14 =	vge.f32 v21, $0.0e+00;
	v19 =	vadd.f32 v20, v19  }
0x1cd: {  	v53 =	vmul.f32 $9.999999770e-03, v51;
	v20 =	vsel vm14, v21, v52  }
0x1ce: {  	vm15 =	vge.f32 v51, $0.0e+00;
	v19 =	vadd.f32 v20, v19  }
0x1cf: {  	v20 =	vsel vm15, v51, v53  }
0x1d0: {  	v19 =	vadd.f32 v20, v19;
	_ =	sdelay $0x1  }
0x1d1: {  	[tilespmem:$0xEFF0] =	vst v19  }
0x1d2: {  	v19 =	vld.idx.msk [tilespmem:v0+s17+$0x0], $0xffff;
	_ =	sdelay $0x1  }
0x1d3: {  	v20 =	vld.idx.msk [tilespmem:v1+s17+$0x0], $0xffff;
	_ =	sdelay $0x1  }
0x1d4: {  	v54 =	vld.idx.msk [tilespmem:v2+s17+$0x0], $0xffff  }
0x1d5: {  	v19 =	vadd.f32 $0.0e+00, v19  }
0x1d6: {  	v55 =	vld.idx.msk [tilespmem:v3+s17+$0x0], $0xffff  }
0x1d7: {  	v19 =	vadd.f32 v20, v19  }
0x1d8: {  	v20 =	vld.idx.msk [tilespmem:v4+s17+$0x0], $0xffff  }
0x1d9: {  	v19 =	vadd.f32 v54, v19  }
0x1da: {  	v56 =	vld.idx.msk [tilespmem:v5+s17+$0x0], $0xffff  }
0x1db: {  	v19 =	vadd.f32 v55, v19  }
0x1dc: {  	v57 =	vld.idx.msk [tilespmem:v6+s17+$0x0], $0xffff  }
0x1dd: {  	v19 =	vadd.f32 v20, v19  }
0x1de: {  	v20 =	vld.idx.msk [tilespmem:v7+s17+$0x0], $0xffff  }
0x1df: {  	v19 =	vadd.f32 v56, v19  }
0x1e0: {  	v58 =	vld.idx.msk [tilespmem:v8+s17+$0x0], $0xffff  }
0x1e1: {  	v19 =	vadd.f32 v57, v19  }
0x1e2: {  	v59 =	vld.idx.msk [tilespmem:v9+s17+$0x0], $0xffff  }
0x1e3: {  	v19 =	vadd.f32 v20, v19  }
0x1e4: {  	v20 =	vld.idx.msk [tilespmem:v10+s17+$0x0], $0xffff  }
0x1e5: {  	v19 =	vadd.f32 v58, v19  }
0x1e6: {  	v60 =	vld.idx.msk [tilespmem:v11+s17+$0x0], $0xffff  }
0x1e7: {  	v19 =	vadd.f32 v59, v19  }
0x1e8: {  	v61 =	vld.idx.msk [tilespmem:v12+s17+$0x0], $0xffff  }
0x1e9: {  	v19 =	vadd.f32 v20, v19  }
0x1ea: {  	v20 =	vld.idx.msk [tilespmem:v13+s17+$0x0], $0xffff  }
0x1eb: {  	v19 =	vadd.f32 v60, v19  }
0x1ec: {  	v62 =	vld.idx.msk [tilespmem:v14+s17+$0x0], $0xffff  }
0x1ed: {  	v19 =	vadd.f32 v61, v19  }
0x1ee: {  	v63 =	vld.idx.msk [tilespmem:v15+s17+$0x0], $0xffff  }
0x1ef: {  	v19 =	vadd.f32 v20, v19;
	_ =	sdelay $0x1  }
0x1f0: {  	v19 =	vadd.f32 v62, v19;
	_ =	sdelay $0x1  }
0x1f1: {  	v19 =	vadd.f32 v63, v19;
	_ =	sdelay $0x1  }
0x1f2: {  	v19 =	vsub.f32 $0.0e+00, v19;
	_ =	sdelay $0x1  }
0x1f3: {  	v19 =	vmul.f32 $1.442695020e+00, v19;
	_ =	sdelay $0x1  }
0x1f4: {  	(erf) = vpow2.f32 v19;
	_ =	sdelay $0x8  }
0x1f5: {  	v19 =	vpop (erf)  }
0x1f6: {  	v19 =	vadd.f32 $1.000000000e+00, v19;
	_ =	sdelay $0x1  }
0x1f7: {  	(erf) = vrcp.f32 v19;
	_ =	sdelay $0x4  }
0x1f8: {  	p0 =	sne.s32 s24, $0x4  }
.Ltmp0:
0x1f9: {  	_ = 	snop;
	(pc) =	sbr.rel @p0 .LBB2_3-.Ltmp0, $4  }
0x1fa: {  	_ = 	snop  }
0x1fb: {  	s31 =	sshll.u32 s24, $0x4  }
0x1fc: {  	s25 =	sand.u32 $0x3FFFFFF0, s31;
	v19 =	vpop (erf)  }
0x1fd: {  	s24 =	sadd.s32 $0x1, s24;
	[tilespmem:v18+s25+$0x0 ss:$0x1] =	vst.idx.msk $0xffff, v19  }
0x1fe: {  	s23 =	sadd.s32 $0x1, s23  }
0x1ff: {  	p0 =	sne.s32 s23, $0x7D  }
.Ltmp1:
0x200: {  	_ = 	snop;
	(pc) =	sbr.rel @p0 .LBB2_2-.Ltmp1, $1  }
0x201: {  	_ =	sdelay $0x3  }
0x202: {  	s23 =	simm.s32 $0x0  }
0x203: {  	[hbm4b:s7+s23] =	stream.linear.scatter [tilespmem:s18], [sflag:$0x3], $0x2710, $0x38;
	[tilespmem:$0xF000] =	vst v63  }
0x204: {  	_ =	swait.ge [sflag:s10], $0x2710  }
0x205: {  	[sflag:s10] =	ssyncset.done $0x0  }
0x206: {  	s24 =	simm.s32 $0x40;
	s25 =	simm.s32 $0x0;
	[sflag:s10] =	ssyncadd.s32 $0xFFFFD8F0  }
.LBB2_6:
0x207: {  	p0 =	sne.s32 s24, $0xA1C0;
	[tilespmem:s25+$0xC680] =	vst v16;
	s25 =	smov.u32 s24;
	s24 =	sadd.s32 $0x40, s24  }
.Ltmp2:
0x208: {  	(pc) =	sbr.rel @p0 .LBB2_6-.Ltmp2, $2  }
0x209: {  	_ =	sdelay $0x2  }
0x20a: {  	s25 =	sshra.s32 s25, $0x2  }
0x20b: {  	v18 =	vmov s23;
	_ =	sdelay $0x3  }
0x20c: {  	[tilespmem:s25+$0xC680] =	vst v16  }
0x20d: {  	v18 =	vld.idx.msk [tilespmem:v18+s3+$0x0], $0xffff;
	_ =	sdelay $0x2  }
0x20e: {  	s31 =	simm.s32 $0x1  }
0x20f: {  	s23 =	simm.s32 $0x2;
	v19 =	vmov s31  }
.LBB2_8:
0x210: {  	p0 =	sne.s32 s23, $0x270F;
	_ =	sdelay $0x2  }
0x211: {  	[tilespmem:v18+s19+$0x0] =	vst.idx.add.s32.msk $0x1, v17  }
.Ltmp3:
0x212: {  	v18 =	vld.idx.msk [tilespmem:v19+s3+$0x0], $0xffff;
	(pc) =	sbr.rel @p0 .LBB2_8-.Ltmp3, $2  }
0x213: {  	_ =	sdelay $0x2  }
0x214: {  	v19 =	vmov s23;
	s23 =	sadd.s32 $0x1, s23  }
0x215: {  	_ =	sdelay $0x3  }
0x216: {  	[tilespmem:v18+s19+$0x0] =	vst.idx.add.s32.msk $0x1, v17  }
0x217: {  	v18 =	vld.idx.msk [tilespmem:v19+s3+$0x0], $0xffff;
	_ =	sdelay $0x5  }
0x218: {  	s22 =	sadd.s32 $0x1, s22  }
0x219: {  	p0 =	sne.s32 s22, s9  }
.Ltmp4:
0x21a: {  	[tilespmem:v18+s19+$0x0] =	vst.idx.add.s32.msk $0x1, v17;
	(pc) =	sbr.rel @p0 .LBB2_1-.Ltmp4, $4  }
0x21b: {  	[hbm4b:s8+s20] =	stream.strided.scatter [tilespmem:s19], [sflag:$0x3], $0x2880, s21, s20, $0x38;
	[tilespmem:$0xF000] =	vst v63  }
0x21c: {  	_ =	swait.ge [sflag:s10], $0x2880  }
0x21d: {  	[sflag:s10] =	ssyncset.done $0x0  }
0x21e: {  	[sflag:s10] =	ssyncadd.s32 $0xFFFFD780  }
0x21f: {  	_ =	sfence.sel $0x180000  }
0x220: {  	[bflag:$0x0] =	sbarrier.arrive $0xFFFF  }
0x221: {  	p0 =	sne.s32 s0, $0x0;
	_ =	strace $0x90000047  }
0x222: {  	s0 =	sadd.s32 @!p0 $0x100000, s1;
	[bflag:$0x2] =	sbarrier.arrive $0xFFFF  }
0x223: {  	[sflag:s0] =	ssyncadd.tile.s32 @!p0 $0x1;
	_ =	shalt  }
.Lfunc_end2:
_tile_overlayer_lowered:
.L_overlay_start_2:
0x224: {  	(tag) =	ssettag $0x2  }
0x225: {  	s0 =	rddreg [dreg:$0x0];
	s2 =	stileid.u32  }
0x226: {  	s1 =	rddreg [dreg:$0x1];
	p0 =	sne.s32 s2, $0x0  }
0x227: {  	s3 =	rddreg [dreg:$0x2];
	[bflag:$0x3] =	sbarrier.arrive $0xFFFF;
	s2 =	simm.s32 @!p0 $0x1C03  }
0x228: {  	[timem:s3], [sflag:s2] =	dma.local @!p0 [hbm:s0], s1  }
0x229: {  	s0 =	simm.s32 @!p0 $0x3  }
0x22a: {  	_ =	swait.ge @!p0 [sflag:s0], s1  }
0x22b: {  	s1 =	ssub.s32 @!p0 $0x0, s1;
	[sflag:s0] =	ssyncset.done @!p0 $0x0  }
0x22c: {  	[sflag:s0] =	ssyncadd.s32 @!p0 s1  }
0x22d: {  	[bflag:$0x3] =	sbarrier.arrive $0xFFFF  }
0x22e: {  	_ =	shalt  }

// kernel: scatter_offload_async_start
scs
__scs_entry_jumppad:
0x0: {  	(pc) =	sbr.rel $0x88, $3  }
0x1: {  	(tag) =	ssettag $0x0;
	lr =	simm.s32 $0x1  }
0x2: {  	[smem:$0x3F99] =	sst lr;
	_ =	strace $0xD0000000  }
0x3: {  	_ = 	snop  }
0x4: {  	_ = 	snop  }
0x5: {  	_ = 	snop  }
0x6: {  	_ = 	snop  }
0x7: {  	_ = 	snop  }
__scs_overlays_trampoline_lowered:
0x8: {  	[smem:$0x3FA8] =	sst s0  }
0x9: {  	[smem:$0x3FA9] =	sst s1  }
0xa: {  	[smem:$0x3FAA] =	sst s2  }
0xb: {  	[smem:$0x3FAB] =	sst s3  }
0xc: {  	[smem:$0x3FAC] =	sst s4  }
0xd: {  	[smem:$0x3FAD] =	sst s5  }
0xe: {  	[smem:$0x3FAE] =	sst s6  }
0xf: {  	[smem:$0x3FAF] =	sst s7  }
0x10: {  	[smem:$0x3FB0] =	sst s8  }
0x11: {  	[smem:$0x3FB1] =	sst s9;
	s0 =	simm.s32 @!p0 $0x0  }
0x12: {  	s1 =	sld [smem:$0x3F97];
	s0 =	simm.s32 @p0 $0x1  }
0x13: {  	[smem:$0x3FB2] =	sst s0;
	s0 =	simm.s32 @!p1 $0x0  }
0x14: {  	s2 =	sld [smem:$0x3F96];
	s0 =	simm.s32 @p1 $0x1  }
0x15: {  	[smem:$0x3FB3] =	sst s0;
	s0 =	simm.s32 @!p2 $0x0  }
0x16: {  	s3 =	sld [smem:$0x3FDB];
	s0 =	simm.s32 @p2 $0x1  }
0x17: {  	s4 =	simm.s32 $0x1BF5;
	[smem:$0x3FB5] =	sst s0  }
0x18: {  	s0 =	sld [smem:$0x3F98];
	_ =	swait.ge [sflag:s4], $0x0  }
0x19: {  	s7 =	sld [smem:$0x3F99]  }
0x1a: {  	s8 =	sadd.s32 $0xFFFFE003, lr  }
0x1b: {  	s9 =	sadd.s32 $0xFFFFFEF7, lr;
	s5 =	simm.s32 $0xFFFFFFFF;
	p2 =	slt.u32 s8, $0xFFFFF086  }
0x1c: {  	p1 =	slt.u32 s9, $0xF7A;
	s5 =	simm.s32 @!p2 $0x0  }
0x1d: {  	s5 =	simm.s32 @p1 $0x1;
	p0 =	seq.s32 s7, s2  }
0x1e: {  	s7 =	smul.u32 @!p0 $0xF7A, s2;
	p2 =	seq.s32 @!p0 s5, $0x0  }
0x1f: {  	s9 =	smul.u32 $0xF7A, s1;
	s8 =	simm.s32 @!p0 $0x1BF5;
	p2 =	por !p2, p0  }
0x20: {  	[sflag:s8] =	ssyncset.s32 @!p0 $0xFFFFF086;
	s6 =	sadd.s32 @!p0 s3, s7;
	s7 =	simm.s32 @!p0 $0x108  }
0x21: {  	s3 =	sadd.s32 s3, s9;
	s6 =	sadd.s32 @!p0 $0x88, s6;
	s7 =	simm.s32 @p2 $0x1082  }
0x22: {  	[simem:s7], [sflag:s8] =	dma.local @!p0 [hbm:s6], $0xF7A  }
0x23: {  	s9 =	sor.u32 $0xD0000000, s2;
	s6 =	simm.s32 $0x108;
	_ =	swait.ge @!p0 [sflag:s8], $0x0  }
0x24: {  	s3 =	sadd.s32 $0x88, s3;
	s6 =	simm.s32 @!p1 $0x1082;
	[sflag:s4] =	ssyncset.s32 $0xFFFFF086  }
0x25: {  	[simem:s6], [sflag:s4] =	dma.local [hbm:s3], $0xF7A  }
0x26: {  	[smem:$0x3F99] =	sst s1;
	(tag) =	ssettag s2;
	_ =	strace s9  }
0x27: {  	s1 =	sld [smem:$0x3FA9]  }
0x28: {  	s2 =	sld [smem:$0x3FAA]  }
0x29: {  	s4 =	sld [smem:$0x3FAC]  }
0x2a: {  	p0 =	seq.s32 s5, $0x0;
	s5 =	sld [smem:$0x3FAD]  }
0x2b: {  	s6 =	sld [smem:$0x3FAE]  }
0x2c: {  	s7 =	sld [smem:$0x3FAF]  }
0x2d: {  	s3 =	simm.s32 $0x108;
	s8 =	sld [smem:$0x3FB0]  }
0x2e: {  	s3 =	simm.s32 @!p0 $0x1082;
	s9 =	sld [smem:$0x3FB1]  }
0x2f: {  	lr =	sadd.s32 s0, s3;
	s0 =	sld [smem:$0x3FA8]  }
0x30: {  	s3 =	sld [smem:$0x3FAB]  }
0x31: {  	[smem:$0x3FB4] =	sst s10  }
0x32: {  	s10 =	sld [smem:$0x3FB2];
	_ =	sdelay $0x3  }
0x33: {  	p0 =	seq.s32 s10, $0x1;
	s10 =	sld [smem:$0x3FB4];
	_ =	sdelay $0x3  }
0x34: {  	[smem:$0x3FB4] =	sst s10  }
0x35: {  	s10 =	sld [smem:$0x3FB3];
	_ =	sdelay $0x3  }
0x36: {  	p1 =	seq.s32 s10, $0x1;
	s10 =	sld [smem:$0x3FB4];
	_ =	sdelay $0x3  }
0x37: {  	[smem:$0x3FB4] =	sst s10  }
0x38: {  	s10 =	sld [smem:$0x3FB5]  }
0x39: {  	_ = 	snop;
	(pc) =	sbr.ind lr, $3  }
0x3a: {  	_ = 	snop  }
0x3b: {  	_ = 	snop  }
0x3c: {  	p2 =	seq.s32 s10, $0x1;
	s10 =	sld [smem:$0x3FB4]  }
0x3d: {  	_ =	shalt  }
0x3e: {  	_ =	shalt  }
0x3f: {  	_ =	shalt  }
0x40: {  	_ =	shalt  }
0x41: {  	_ =	shalt  }
0x42: {  	_ =	shalt  }
0x43: {  	_ =	shalt  }
0x44: {  	_ =	shalt  }
0x45: {  	_ =	shalt  }
0x46: {  	_ =	shalt  }
0x47: {  	_ =	shalt  }
0x48: {  	_ =	shalt  }
0x49: {  	_ =	shalt  }
0x4a: {  	_ =	shalt  }
0x4b: {  	_ =	shalt  }
0x4c: {  	_ =	shalt  }
0x4d: {  	_ =	shalt  }
0x4e: {  	_ =	shalt  }
0x4f: {  	_ =	shalt  }
0x50: {  	_ =	shalt  }
0x51: {  	_ =	shalt  }
0x52: {  	_ =	shalt  }
0x53: {  	_ =	shalt  }
0x54: {  	_ =	shalt  }
0x55: {  	_ =	shalt  }
0x56: {  	_ =	shalt  }
0x57: {  	_ =	shalt  }
0x58: {  	_ =	shalt  }
0x59: {  	_ =	shalt  }
0x5a: {  	_ =	shalt  }
0x5b: {  	_ =	shalt  }
0x5c: {  	_ =	shalt  }
0x5d: {  	_ =	shalt  }
0x5e: {  	_ =	shalt  }
0x5f: {  	_ =	shalt  }
0x60: {  	_ =	shalt  }
0x61: {  	_ =	shalt  }
0x62: {  	_ =	shalt  }
0x63: {  	_ =	shalt  }
0x64: {  	_ =	shalt  }
0x65: {  	_ =	shalt  }
0x66: {  	_ =	shalt  }
0x67: {  	_ =	shalt  }
0x68: {  	_ =	shalt  }
0x69: {  	_ =	shalt  }
0x6a: {  	_ =	shalt  }
0x6b: {  	_ =	shalt  }
0x6c: {  	_ =	shalt  }
0x6d: {  	_ =	shalt  }
0x6e: {  	_ =	shalt  }
0x6f: {  	_ =	shalt  }
0x70: {  	_ =	shalt  }
0x71: {  	_ =	shalt  }
0x72: {  	_ =	shalt  }
0x73: {  	_ =	shalt  }
0x74: {  	_ =	shalt  }
0x75: {  	_ =	shalt  }
0x76: {  	_ =	shalt  }
0x77: {  	_ =	shalt  }
0x78: {  	_ =	shalt  }
0x79: {  	_ =	shalt  }
0x7a: {  	_ =	shalt  }
0x7b: {  	_ =	shalt  }
0x7c: {  	_ =	shalt  }
0x7d: {  	_ =	shalt  }
0x7e: {  	_ =	shalt  }
0x7f: {  	_ =	shalt  }
0x80: {  	_ =	shalt  }
0x81: {  	_ =	shalt  }
0x82: {  	_ =	shalt  }
0x83: {  	_ =	shalt  }
0x84: {  	_ =	shalt  }
0x85: {  	_ =	shalt  }
0x86: {  	_ =	shalt  }
0x87: {  	_ =	shalt  }
.Lfunc_end0:
.L_simem_size_0:
called_computation_lowered:
.L_overlay_start_0:
0x88: {  	s0 =	sld [smem:$0x3FD9]  }
0x89: {  	s1 =	sld [smem:$0x3FFE];
	_ =	sdelay $0x3  }
0x8a: {  	s0 =	sadd.s32 s1, s0  }
0x8b: {  	[smem:$0x3FC0] =	sst s0  }
0x8c: {  	_ = 	snop  }
0x8d: {  	s0 =	sld [smem:$0x3FD0];
	_ =	sdelay $0x2  }
0x8e: {  	s13 =	simm.s32 $0xA;
	s2 =	simm.s32 $0x10  }
0x8f: {  	[smem:s2], [sflag:s13] =	dma.local [hbm:s0], $0x1  }
0x90: {  	_ =	swait.eq [sflag:s13], $0x1  }
0x91: {  	[sflag:s13] =	ssyncset.done $0x0  }
0x92: {  	[sflag:s13] =	ssyncadd.s32 $0xFFFFFFFF  }
0x93: {  	s14 =	sld [smem:$0x10];
	(tm) =	ssettm $0x1  }
0x94: {  	s15 =	sld [smem:$0x3FFB];
	_ =	sdelay $0x3  }
0x95: {  	_ =	strace s15  }
0x96: {  	s1 =	sld [smem:$0x3FFC];
	_ =	sdelay $0x3  }
0x97: {  	_ =	strace s1  }
0x98: {  	s1 =	sld [smem:$0x3FFD];
	_ =	sdelay $0x3  }
0x99: {  	_ =	strace s1  }
0x9a: {  	_ =	strace $0x8FFFFFFF  }
0x9b: {  	s16 =	sld [smem:$0x3FDB];
	_ =	sdelay $0x1  }
0x9c: {  	s17 =	simm.s32 $_scs_section_size  }
0x9d: {  	s3 =	simm.s32 $_size__tile_overlayer_lowered;
	s4 =	simm.s32 $_tile_overlayer_lowered  }
0x9e: {  	s20 =	simm.s32 $0x1BFF;
	s19 =	sshll.u32 s4, $0x1;
	s1 =	sadd.s32 s17, s16  }
0x9f: {  	s5 =	simm.s32 $0x0;
	s18 =	sshll.u32 s3, $0x1;
	s3 =	sadd.s32 s19, s1  }
0xa0: {  	[timem:s5], [sflag:s20] =	dma.local [hbm:s3], s18  }
0xa1: {  	_ =	swait.ge [sflag:s20], s18  }
0xa2: {  	s2 =	ssub.s32 $0x0, s18;
	[sflag:s20] =	ssyncset.done $0x0  }
0xa3: {  	[sflag:s20] =	ssyncadd.s32 s2;
	_ =	sdelay $0x1  }
0xa4: {  	s21 =	simm.s32 $0x1B8B  }
0xa5: {  	_ =	swait.ge [sflag:s21], $0x1  }
0xa6: {  	[sflag:s21] =	ssyncset.done $0x0  }
0xa7: {  	s23 =	simm.s32 $0x1B8E;
	s22 =	sld [smem:$0x3FFE];
	[sflag:s21] =	ssyncadd.s32 $0xFFFFFFFF  }
0xa8: {  	s24 =	simm.s32 $execute0_lowered;
	[smem:$0x3FD2] =	sst s23  }
0xa9: {  	s3 =	sshll.u32 s24, $0x1;
	_ =	strace $0x80000049;
	[dreg:$0x1] =	wrdreg $0xFFFFFFFF  }
0xaa: {  	s25 =	simm.s32 $_size_execute0_lowered;
	s1 =	sadd.s32 s1, s3;
	[dreg:$0x0] =	wrdreg $0x0  }
0xab: {  	s3 =	sshll.u32 s25, $0x1;
	[dreg:$0x2] =	wrdreg s1  }
0xac: {  	[dreg:$0x3] =	wrdreg s3  }
0xad: {  	[dreg:$0x4] =	wrdreg $0xC0  }
0xae: {  	_ =	task [dreg:s5], $0x5FFFF  }
0xaf: {  	[dreg:$0x1] =	wrdreg $0xFFFFFFFF  }
0xb0: {  	[dreg:$0x0] =	wrdreg $0x60  }
0xb1: {  	[dreg:$0x2] =	wrdreg s22  }
0xb2: {  	[dreg:$0x3] =	wrdreg s14  }
0xb3: {  	[dreg:$0x4] =	wrdreg $0x9  }
0xb4: {  	_ =	task.clear_ibuf [dreg:s5], $0x5FFFF;
	_ =	strace $0x90000049  }
0xb5: {  	s26 =	simm.s32 $0x9;
	_ =	strace $0x8000004B  }
0xb6: {  	_ =	swait.ge [sflag:s26], $0x1  }
0xb7: {  	[sflag:s26] =	ssyncadd.s32 $0xFFFFFFFF  }
0xb8: {  	_ =	strace $0x9000004B  }
0xb9: {  	_ =	sfence  }
0xba: {  	s28 =	sld [smem:$0x0];
	_ =	sdelay $0x1  }
0xbb: {  	s29 =	srdreg.scid  }
0xbc: {  	s30 =	sshll.u32 s29, $0xD;
	s31 =	sshrl.u32 s29, $0x2  }
0xbd: {  	s2 =	sand.u32 $0x4000, s30;
	s1 =	sand.u32 $0x1, s29;
	s0 =	sadd.s32 s31, s28  }
0xbe: {  	s1 =	sor.u32 s2, s1;
	s0 =	sshll.u32 s0, $0x11  }
0xbf: {  	s0 =	sor.u32 s0, s1  }
0xc0: {  	s0 =	sadd.s32 $0x8F2B, s0  }
0xc1: {  	[sflag:s0] =	ssyncadd.remote.s32 $0x1  }
0xc2: {  	_ =	sfence.sel $0xFFFF  }
0xc3: {  	[dreg:$0x0] =	wrdreg $0xFFFFFFFF;
	(pc) =	sbr.abs _section_cstart, $3  }
0xc4: {  	[dreg:$0x1] =	wrdreg $0xFFFFFFFF  }
0xc5: {  	_ =	task.clear_ibuf [dreg:s5], $0x2FFFF;
	_ =	strace $0x9FFFFFFF  }
0xc6: {  	(tm) =	ssettm $0x7FFFFFFF  }
0xc7: {  	_ =	shalt  }
tec
execute0_lowered:
.L_overlay_start_1:
0x0: {  	(tag) =	ssettag $0x1  }
0x1: {  	s11 =	rddreg [dreg:$0x0]  }
0x2: {  	s4 =	rddreg [dreg:$0x1];
	_ =	strace $0x8000004A;
	s15 =	stileid.u32  }
0x3: {  	s0 =	simm.s32 $0x1;
	s1 =	smin.u32 s15, $0x8;
	s5 =	sshll.u32 s15, $0x1  }
0x4: {  	[sflag:s0] =	ssyncpa.u1 $0x0;
	s1 =	sadd.s32 s1, s5  }
0x5: {  	v1 =	vimm.s32 $0xFFFFFFFF;
	p0 =	slt.u32 s15, $0x8;
	s6 =	smul.u32 $0x1F40, s1;
	s1 =	simm.s32 $0x5DC0  }
0x6: {  	[tilespmem:$0x10] =	vst v1;
	s1 =	simm.s32 @!p0 $0x3E80  }
0x7: {  	v0 =	vimm.f32 $0.0e+00;
	[tilespmem:$0x20] =	vst v1;
	s1 =	sadd.s32 s1, s6  }
0x8: {  	[tilespmem:$0x30] =	vst v0;
	s7 =	smin.u32 s1, $0x4E200  }
0x9: {  	s3 =	simm.s32 $0x2;
	[tilespmem:$0x40] =	vst v0;
	s1 =	ssub.s32 s7, s6  }
0xa: {  	s8 =	simm.s32 $0x7;
	s9 =	simm.s32 $0x8;
	[tilespmem:$0x50] =	vst v0;
	p0 =	sgt.s32 s1, $0x0  }
0xb: {  	s31 =	simm.s32 $0x9;
	s16 =	simm.s32 $0x0;
	[tilespmem:$0x60] =	vst v1;
	s1 =	simm.s32 @!p0 $0x0  }
0xc: {  	s17 =	simm.s32 $0xF0;
	s18 =	simm.s32 $0xFFFFFFFF;
	[tilespmem:$0x70] =	vst v1;
	s2 =	smulhi.u32 $0x10624DD3, s1  }
0xd: {  	s19 =	simm.s32 $0xFFFFC280;
	s20 =	simm.s32 $0xFFFFFFFE;
	s21 =	simm.s32 $0xF;
	[tilespmem:$0x80] =	vst v1  }
0xe: {  	s22 =	simm.s32 $0x30;
	s25 =	simm.s32 $0x0;
	v1 =	vimm.s32 $0x0;
	[tilespmem:$0xB0] =	vst v0;
	s2 =	sshrl.u32 s2, $0x9  }
0xf: {  	s24 =	simm.s32 $0x0;
	s15 =	sshllo.u32 s15, $0x1;
	[tilespmem:$0x90] =	vst v1;
	s10 =	smul.u32 $0x1F40, s2  }
.Ltmp0:
0x10: {  	s13 =	sor.u32 $0x80, s5;
	[tilespmem:$0xA0] =	vst v1;
	[sflag:s3] =	ssyncpa.u1 $0x0;
	(pc) =	sbr.rel .LBB2_1-.Ltmp0, $4  }
0x11: {  	s14 =	sor.u32 $0x81, s5;
	[sflag:s8] =	ssyncpa.u1 $0x0;
	p0 =	sne.s32 s1, s10  }
0x12: {  	[sflag:s9] =	ssyncpa.u1 $0x0;
	s23 =	smov.u32 s6;
	s0 =	simm.s32 @!p0 $0x0  }
0x13: {  	vm0 =	vmmov $0xffff;
	v2 =	vlaneseq.u32;
	[sflag:s31] =	ssyncpa.u1 $0x0;
	s1 =	sadd.s32 $0x4F200, s11;
	s10 =	sadd.s32 s0, s2  }
0x14: {  	vm1 =	vmxor vm1, vm1;
	vm2 =	vmmov $0x1;
	vm3 =	vcmask $0x3F3C;
	p0 =	por $0x0, $0x0;
	s11 =	sadd.s32 $0x1, s10;
	s12 =	sadd.s32 $0x2, s10  }
.LBB2_9:
0x15: {  	p1 =	slt.u32 s24, $0x3  }
0x16: {  	s0 =	simm.s32 @!p1 $0x2  }
0x17: {  	_ =	swait.ge @!p1 [sflag:s0], $0x1F40  }
0x18: {  	[sflag:s0] =	ssyncset.done @!p1 $0x0  }
0x19: {  	[sflag:s0] =	ssyncadd.s32 @!p1 $0xFFFFE0C0;
	s0 =	simm.s32 @!p1 $0x9  }
0x1a: {  	_ =	swait.ge @!p1 [sflag:s0], $0x10  }
0x1b: {  	[sflag:s0] =	ssyncset.done @!p1 $0x0  }
0x1c: {  	[sflag:s0] =	ssyncadd.s32 @!p1 $0xFFFFFFF0;
	p1 =	sne.s32 s24, s12  }
.Ltmp1:
0x1d: {  	s2 =	sadd.s32 $0x1F40, s23;
	(pc) =	sbr.rel @!p1 .LBB2_10-.Ltmp1, $4  }
0x1e: {  	s3 =	smov.u32 s6;
	s31 =	sadd.s32 $0x1, s24;
	s17 =	sadd.s32 $0x1F40, s17  }
0x1f: {  	s18 =	sadd.s32 $0x1, s18;
	s25 =	smov.u32 s23;
	p2 =	slt.s32 s2, s7  }
0x20: {  	p0 =	por !p0, !p0;
	s19 =	sadd.s32 $0x1F40, s19;
	s3 =	smov.u32 @p2 s2  }
0x21: {  	s20 =	sadd.s32 $0x1, s20;
	s23 =	smov.u32 s3;
	s24 =	smov.u32 s31  }
.LBB2_1:
0x22: {  	p1 =	sge.u32 s24, s10  }
0x23: {  	s0 =	smulhi.u32 @!p1 $0xAAAAAAAB, s24;
	_ =	sdelay $0x1  }
0x24: {  	s0 =	sshrl.u32 @!p1 s0, $0x1  }
0x25: {  	s0 =	smul.u32 @!p1 $0x3, s0;
	_ =	sdelay $0x1  }
0x26: {  	s0 =	ssub.s32 @!p1 s24, s0  }
0x27: {  	s0 =	smul.u32 @!p1 $0x7D00, s0;
	_ =	sdelay $0x1  }
0x28: {  	s2 =	sshrl.u32 @!p1 s23, $0x3;
	s0 =	sshrl.u32 @!p1 s0, $0x2  }
0x29: {  	s3 =	sand.u32 @!p1 $0x7, s23;
	s2 =	sadd.s32 @!p1 s4, s2;
	s0 =	sadd.s32 @!p1 $0x100, s0  }
0x2a: {  	[tilespmem:s0], [sflag:$0x7] =	stream.linear.gather @!p1 [hbm4b:s2+s3], $0x1F40, $0x38;
	[tilespmem:$0x11A60] =	vst v63  }
0x2b: {  	s0 =	sadd.s32 $0xFFFFFFFF, s24  }
0x2c: {  	p1 =	sge.u32 s0, s10  }
.Ltmp2:
0x2d: {  	_ = 	snop;
	(pc) =	sbr.rel @p1 .LBB2_5-.Ltmp2, $1  }
0x2e: {  	_ =	sdelay $0x3  }
0x2f: {  	s2 =	smulhi.u32 $0xAAAAAAAB, s0;
	_ =	sdelay $0x1  }
0x30: {  	s2 =	sshrl.u32 s2, $0x1  }
0x31: {  	s2 =	smul.u32 $0x3, s2;
	_ =	sdelay $0x1  }
0x32: {  	s2 =	ssub.s32 s0, s2  }
0x33: {  	s2 =	smul.u32 $0x7D00, s2  }
0x34: {  	_ =	swait.ge [sflag:s8], $0x1F40  }
0x35: {  	[sflag:s8] =	ssyncset.done $0x0;
	s2 =	sshrl.u32 s2, $0x2  }
0x36: {  	[sflag:s8] =	ssyncadd.s32 $0xFFFFE0C0;
	(ifvalue) =	ssetifvalue $0xFFFFFFFF;
	v3 =	vld.msk [tilespmem:s2+$0x100 ss:$0x1], $0xffff;
	_ =	sdelay $0x2  }
0x37: {  	s30 =	smulhi.u32 $0xAAAAAAAB, s18;
	p1 =	sne.s32 s24, $0x1  }
0x38: {  	v4 =	vimm.s32 @!p1 $0x0  }
0x39: {  	s2 =	sshrl.u32 s30, $0x1;
	v4 =	vperm.xlane @!p1 v3, v4  }
0x3a: {  	s3 =	sshll.u32 s24, $0x4;
	s2 =	smul.u32 $0xFFFE8900, s2;
	vm4 =	vlt.u32 v3, $0x5F5E400  }
0x3b: {  	s3 =	sand.u32 $0x10, s3;
	v3 =	vnsel vm4, $0xFFFFFFFE, v3;
	vm4 =	vlt.u32 @!p1 v4, $0x5F5E400  }
0x3c: {  	s2 =	sshra.s32 s2, $0x2;
	[tilespmem:s3+$0x60] =	vst v3;
	v3 =	vnsel @!p1 vm4, $0xFFFFFFFE, v4  }
0x3d: {  	s28 =	sadd.s32 s2, s17;
	[tilespmem:$0x80] =	vst @!p1 v3  }
0x3e: {  	v3 =	vld.msk [tilespmem:s28+$0x0 ss:$0x1], $0xffff;
	_ =	sdelay $0x4  }
0x3f: {  	(xrf1) =	vunique.msk.u32 $0xffff, v3;
	_ =	sdelay $0xd  }
0x40: {  	v4 =	vimm.s32 $0xFFFFFFFF;
	v5, _, _ =	vpop (xrf1)  }
0x41: {  	vm5 =	vne.s32 v3, v4;
	vm4 =	veq.s32 v5, v2  }
0x42: {  	vm6 =	vlt.u32 v3, $0x5F5E400;
	vm4 =	vmand vm5, vm4  }
0x43: {  	vm4 =	vmand vm6, vm4  }
0x44: {  	v4 =	vnsel vm4, $0xFFFFFFFF, v3  }
0x45: {  	s31 =	sand.u32 $0x1, s0  }
0x46: {  	s0 =	simm.s32 $0x1F40;
	p1 =	seq.s32 s31, $0x1  }
0x47: {  	s0 =	simm.s32 @!p1 $0x0  }
0x48: {  	s26 =	sadd.s32 $0x7DF0, s0;
	(ifvalue) =	ssetifvalue $0xFFFFFFFF  }
0x49: {  	v3 =	vperm.xlane v3, v1;
	[tilespmem:s26], [sflag:$0x8] =	stream.indirect_vreg.gather [hbm4b:s1+s16], $0x1, v4, vm0, $0x4038;
	v4 =	vnsel vm6, $0xFFFFFFFE, v4;
	[tilespmem:$0x11A60] =	vst v63  }
0x4a: {  	s2 =	simm.s32 $0x0;
	s3 =	sadd.s32 $0xFFFFFFF0, s28;
	[tilespmem:s28+$0x0] =	vst v4  }
.LBB2_3:
0x4b: {  	v4 =	vld.msk [tilespmem:s3+$0x0 ss:$0x1], $0xffff;
	s2 =	sadd.s32 $0x10, s2;
	v5 =	vmov v3;
	s28 =	smov.u32 s3  }
0x4c: {  	p1 =	slt.u32 s2, $0x1F30;
	_ =	sdelay $0x4  }
0x4d: {  	v3 =	vperm.xlane v4, v1;
	(xrf1) =	vunique.msk.u32 $0xffff, v4;
	_ =	sdelay $0xd  }
0x4e: {  	v6, _, _ =	vpop (xrf1)  }
0x4f: {  	vm5 =	vne.s32 v4, v5;
	vm4 =	veq.s32 v6, v2  }
0x50: {  	vm6 =	vlt.u32 v4, $0x5F5E400;
	vm4 =	vmand vm5, vm4  }
0x51: {  	vm4 =	vmand vm6, vm4  }
0x52: {  	v4 =	vnsel vm4, $0xFFFFFFFF, v4  }
.Ltmp3:
0x53: {  	v5 =	vnsel vm6, $0xFFFFFFFE, v4;
	(pc) =	sbr.rel @p1 .LBB2_3-.Ltmp3, $3  }
0x54: {  	_ =	sdelay $0x1  }
0x55: {  	s3 =	sadd.s32 $0xFFFFFFF0, s3;
	s26 =	sadd.s32 $0xFFFFFFF0, s26;
	(ifvalue) =	ssetifvalue $0xFFFFFFFF  }
0x56: {  	[tilespmem:s26], [sflag:$0x8] =	stream.indirect_vreg.gather [hbm4b:s1+s16], $0x1, v4, vm0, $0x4038;
	[tilespmem:s28+$0x0] =	vst v5  }
0x57: {  	s2 =	sshrl.u32 s25, $0x3;
	s3 =	rddreg [dreg:$0x0]  }
0x58: {  	s0 =	sadd.s32 $0x9D40, s0;
	s2 =	sadd.s32 s3, s2  }
0x59: {  	[tilespmem:s0], [sflag:$0x8] =	stream.linear.gather [hbm:s2], $0x1F40, $0x38;
	[tilespmem:$0x11A60] =	vst v63  }
.LBB2_5:
0x5a: {  	p1 =	slt.u32 s24, $0x2  }
0x5b: {  	p2 =	sge.u32 @!p1 s24, s12  }
0x5c: {  	p1 =	por p1, p2  }
.Ltmp4:
0x5d: {  	_ = 	snop;
	(pc) =	sbr.rel @p1 .LBB2_9-.Ltmp4, $1  }
0x5e: {  	_ =	sdelay $0x3  }
0x5f: {  	s0 =	sadd.s32 $0xFFFFFFFE, s24  }
0x60: {  	s2 =	smulhi.u32 $0xAAAAAAAB, s0;
	_ =	sdelay $0x1  }
0x61: {  	s2 =	sshrl.u32 s2, $0x1  }
0x62: {  	s2 =	smul.u32 $0x3, s2;
	_ =	sdelay $0x1  }
0x63: {  	s0 =	ssub.s32 s0, s2  }
0x64: {  	_ =	swait.ge [sflag:s9], $0x3E80;
	s0 =	smul.u32 $0x1F40, s0  }
0x65: {  	p1 =	sne.s32 s24, s11;
	[sflag:s9] =	ssyncset.done $0x0  }
0x66: {  	[sflag:s9] =	ssyncadd.s32 $0xFFFFC180;
	s2 =	sadd.s32 @!p1 $0x203F, s0  }
0x67: {  	[spmem:s14] =	stream.linear.scatter @!p1 [tilespmem:s2], [sflag:$0x1], $0x1, $0x38;
	[tilespmem:$0x11A60] =	vst v63  }
0x68: {  	s2 =	simm.s32 @!p1 $0x1  }
0x69: {  	_ =	swait.ge @!p1 [sflag:s2], $0x1  }
0x6a: {  	s3 =	sshll.u32 s24, $0x4;
	[sflag:s2] =	ssyncset.done @!p1 $0x0  }
0x6b: {  	s25 =	sand.u32 $0x10, s3;
	[sflag:s2] =	ssyncadd.s32 @!p1 $0xFFFFFFFF  }
0x6c: {  	s2 =	sxor.u32 $0x10, s25;
	v4 =	vld [tilespmem:s25+$0x10]  }
0x6d: {  	v5 =	vld [tilespmem:s2+$0x60]  }
0x6e: {  	v3 =	vld [tilespmem:$0x80];
	_ =	sdelay $0x2  }
0x6f: {  	(v2sf) =	vpush v4, $0x0  }
0x70: {  	(v2sf) =	vpush v5, $0x0  }
0x71: {  	(v2sf) =	vpush v3, $0x0;
	_ =	sdelay $0xc  }
0x72: {  	s3 =	spop (v2sf)  }
0x73: {  	s26 =	spop (v2sf)  }
0x74: {  	s28 =	spop (v2sf)  }
0x75: {  	p2 =	seq.s32 s3, s26;
	p3 =	seq.s32 s28, s3  }
0x76: {  	p3 =	por p2, p3  }
0x77: {  	s26 =	sand.u32 $0x1, s24;
	v4 =	vpsel p3, $0xFFFFFFFF, v4  }
0x78: {  	s29 =	smul.u32 $0x1F40, s26;
	[tilespmem:s25+$0x10] =	vst.msk $0x1, v4  }
0x79: {  	v4 =	vld [tilespmem:$0x30]  }
0x7a: {  	v5 =	vld [tilespmem:s29+$0x9D40]  }
0x7b: {  	v6 =	vld [tilespmem:s25+$0x40];
	_ =	sdelay $0x3  }
0x7c: {  	vm4 =	vmmov vm1;
	v5 =	vadd.f32 v5, v4  }
0x7d: {  	vm5 =	vmmov vm2;
	vm4 =	vmmov @p2 vm2;
	s3 =	sshll.u32 s26, $0x4;
	v4 =	vadd.f32 v6, v4  }
0x7e: {  	s26 =	sor.u32 $0x11A40, s3;
	vm5 =	vmmov @p3 vm1;
	[tilespmem:s29+$0x9D40] =	vst.msk vm4, v5  }
0x7f: {  	[tilespmem:s26+$0x0] =	vst.msk vm5, v4  }
0x80: {  	v4 =	vld [tilespmem:s29+$0x7DF0];
	_ =	sdelay $0x3  }
0x81: {  	v5 =	vimm.f32 $0.0e+00  }
0x82: {  	v4 =	vshift.insert v4, v5, s21  }
0x83: {  	s3 =	sor.u32 $0x40, s2  }
0x84: {  	[tilespmem:s3+$0x0] =	vst.msk $0x1, v4  }
0x85: {  	[tilespmem:s29+$0x7DFF] =	vst.msk $0x1, v5  }
0x86: {  	v4 =	vld [tilespmem:s0+$0x2030];
	_ =	sdelay $0x1  }
0x87: {  	s3 =	smulhi.u32 $0xAAAAAAAB, s20;
	s0 =	simm.s32 $0x1  }
0x88: {  	s0 =	simm.s32 @!p0 $0x0  }
0x89: {  	s3 =	sshrl.u32 s3, $0x1;
	s0 =	smul.u32 $0x7D00, s0  }
0x8a: {  	s3 =	smul.u32 $0xFFFE8900, s3;
	v4 =	vshift.insert v4, v1, s21  }
0x8b: {  	s0 =	sshrl.u32 s0, $0x2  }
0x8c: {  	s3 =	sshra.s32 s3, $0x2;
	s30 =	sadd.s32 $0x9D40, s0;
	[tilespmem:s2+$0x10] =	vst.msk $0x1, v4  }
0x8d: {  	s3 =	sadd.s32 s3, s19;
	v6 =	vld [tilespmem:s30+$0x0]  }
0x8e: {  	v7 =	vld [tilespmem:s3+$0x0];
	_ =	sdelay $0x3  }
0x8f: {  	v5 =	vadd.f32 v6, v5  }
0x90: {  	vm4 =	vne.s32 v7, $0xFFFFFFFF  }
0x91: {  	(xrf2) =	vadd.seg.scan.f32 vm4, v5;
	_ =	sdelay $0x3  }
0x92: {  	s31 =	sadd.s32 $0x5EC0, s0;
	v5 =	vperm.xlane v4, v1  }
0x93: {  	v6 =	vld [tilespmem:s31+$0x0]  }
0x94: {  	vm5 =	veq.s32 v7, v3;
	vm6 =	veq.s32 v7, v5  }
0x95: {  	vm7 =	vgt.u32 v7, $0xFFFFFFFD;
	vm6 =	vmor vm6, vm5  }
0x96: {  	vm6 =	vmor vm6, vm7  }
0x97: {  	v9 =	vld [tilespmem:$0xA0];
	v7 =	vsel vm6, $0xFFFFFFFF, v7  }
0x98: {  	v10 =	vld [tilespmem:$0x90];
	v6 =	vsel vm5, $0x0, v6;
	v8, _, _ =	vpop (xrf2)  }
0x99: {  	v6 =	vadd.f32 v8, v6  }
0x9a: {  	s0 =	sadd.s32 $0xDBC0, s0  }
0x9b: {  	vm4 =	vmand vm4, vm3;
	[tilespmem:s0+$0x0] =	vst v6;
	(ifvalue) =	ssetifvalue $0xFFFFFFFF  }
0x9c: {  	vm6 =	veq.s32 v9, $0x1;
	[hbm4b:s1+s16] =	stream.indirect_vreg.scatter [tilespmem:s0], [sflag:$0x2], $0x1, v7, vm0, $0x4038;
	v7 =	vsel vm4, $0x0, v8;
	[tilespmem:$0x11A60] =	vst v63  }
0x9d: {  	s2 =	simm.s32 $0x0;
	s3 =	sadd.s32 $0x10, s3;
	vm4 =	vmor vm6, vm5;
	v6 =	vsel vm5, v8, v10;
	v7 =	vshift.insert v7, v0, s21  }
.LBB2_7:
0x9e: {  	v8 =	vld [tilespmem:s3+$0x0];
	s30 =	sadd.s32 $0x10, s30  }
0x9f: {  	s31 =	sadd.s32 $0x10, s31;
	v9 =	vld [tilespmem:s30+$0x0]  }
0xa0: {  	s2 =	sadd.s32 $0x10, s2;
	v10 =	vld [tilespmem:s31+$0x0]  }
0xa1: {  	p2 =	slt.u32 s2, $0x1F30;
	_ =	sdelay $0x2  }
0xa2: {  	v7 =	vadd.f32 v9, v7  }
0xa3: {  	vm5 =	vne.s32 v8, $0xFFFFFFFF  }
0xa4: {  	vm6 =	vmand vm5, vm3;
	(xrf2) =	vadd.seg.scan.f32 vm5, v7;
	_ =	sdelay $0x5  }
0xa5: {  	vm7 =	veq.s32 v8, v5;
	vm5 =	veq.s32 v8, v3  }
0xa6: {  	vm8 =	vgt.u32 v8, $0xFFFFFFFD;
	vm4 =	vmor vm4, vm5;
	vm7 =	vmor vm7, vm5  }
0xa7: {  	vm7 =	vmor vm7, vm8  }
0xa8: {  	v8 =	vsel vm7, $0xFFFFFFFF, v8  }
.Ltmp5:
0xa9: {  	v7 =	vsel vm5, $0x0, v10;
	v9, _, _ =	vpop (xrf2);
	(pc) =	sbr.rel @p2 .LBB2_7-.Ltmp5, $4  }
0xaa: {  	v6 =	vsel vm5, v9, v6;
	v10 =	vadd.f32 v9, v7;
	v7 =	vsel vm6, $0x0, v9  }
0xab: {  	s0 =	sadd.s32 $0x10, s0;
	v7 =	vshift.insert v7, v0, s21  }
0xac: {  	s3 =	sadd.s32 $0x10, s3;
	[tilespmem:s0+$0x0] =	vst v10;
	(ifvalue) =	ssetifvalue $0xFFFFFFFF  }
0xad: {  	[hbm4b:s1+s16] =	stream.indirect_vreg.scatter [tilespmem:s0], [sflag:$0x2], $0x1, v8, vm0, $0x4038;
	[tilespmem:$0x11A60] =	vst v63  }
0xae: {  	v3 =	vld [tilespmem:s29+$0xFAF0];
	_ =	sdelay $0x4  }
0xaf: {  	v3 =	vshift.insert v3, v0, s21;
	_ =	sdelay $0x1  }
0xb0: {  	[tilespmem:s22+$0x0] =	vst.msk $0x1, v3  }
0xb1: {  	v3 =	vsel vm4, $0x1, v1;
	[tilespmem:$0x90] =	vst v6  }
0xb2: {  	s0 =	sadd.s32 @!p1 $0xFAFF, s29;
	[tilespmem:$0xA0] =	vst v3  }
0xb3: {  	[spmem:s15] =	stream.linear.scatter @!p1 [tilespmem:s0], [sflag:$0x1], $0x1, $0x38;
	[tilespmem:$0x11A60] =	vst v63  }
0xb4: {  	s0 =	simm.s32 @!p1 $0x1  }
0xb5: {  	v3 =	vmctz.xlane @!p1 vm4;
	_ =	swait.ge @!p1 [sflag:s0], $0x1  }
0xb6: {  	(v2sf) =	vpush @!p1 v4, $0x0  }
0xb7: {  	(v2sf) =	vpush @!p1 v3, $0x0;
	_ =	sdelay $0xd  }
0xb8: {  	s2 =	spop @!p1 (v2sf)  }
0xb9: {  	s3 =	spop @!p1 (v2sf)  }
0xba: {  	p2 =	sne.s32 @!p1 s28, s2;
	p3 =	slt.s32 @!p1 s3, $0xF  }
0xbb: {  	[sflag:s0] =	ssyncset.done @!p1 $0x0;
	p2 =	por p2, p1;
	p3 =	por !p3, p1  }
0xbc: {  	[sflag:s0] =	ssyncadd.s32 @!p1 $0xFFFFFFFF;
	v3 =	vimm.s32 @!p2 $0xFFFFFFFF;
	s3 =	simm.s32 @p3 $0xF  }
0xbd: {  	[tilespmem:$0x80] =	vst @!p2 v3;
	s2 =	sadd.s32 @!p1 $0x90, s3  }
0xbe: {  	[spmem:s5] =	stream.linear.scatter @!p1 [tilespmem:s2], [sflag:$0x1], $0x1, $0x38;
	[tilespmem:$0x11A60] =	vst v63  }
0xbf: {  	_ =	swait.ge @!p1 [sflag:s0], $0x1  }
0xc0: {  	[sflag:s0] =	ssyncset.done @!p1 $0x0  }
0xc1: {  	s2 =	simm.s32 @!p1 $0x80;
	[sflag:s0] =	ssyncadd.s32 @!p1 $0xFFFFFFFF  }
0xc2: {  	[spmem:s13] =	stream.linear.scatter @!p1 [tilespmem:s2], [sflag:$0x1], $0x1, $0x38;
	[tilespmem:$0x11A60] =	vst v63  }
0xc3: {  	_ =	swait.ge @!p1 [sflag:s0], $0x1  }
0xc4: {  	[sflag:s0] =	ssyncset.done @!p1 $0x0  }
0xc5: {  	[sflag:s0] =	ssyncadd.s32 @!p1 $0xFFFFFFFF;
	(ifvalue) =	ssetifvalue $0xFFFFFFFF;
	v3 =	vld [tilespmem:s25+$0x10];
	_ =	sdelay $0x3  }
.Ltmp6:
0xc6: {  	_ = 	snop;
	(pc) =	sbr.rel .LBB2_9-.Ltmp6, $3  }
0xc7: {  	_ =	sdelay $0x1  }
0xc8: {  	(ifvalue) =	ssetifvalue $0xFFFFFFFF  }
0xc9: {  	[hbm4b:s1+s16] =	stream.indirect_vreg.scatter [tilespmem:s26], [sflag:$0x9], $0x1, v3, vm0, $0x4038;
	[tilespmem:$0x11A60] =	vst v63  }
.LBB2_10:
0xca: {  	_ =	sfence.sel $0x180000  }
0xcb: {  	s0 =	simm.s32 $0x7;
	[bflag:$0x0] =	sbarrier.arrive $0xFFFF  }
0xcc: {  	s26 =	simm.s32 $0x8;
	[sflag:s0] =	ssyncpa.u1 $0x1  }
0xcd: {  	s28 =	simm.s32 $0x9;
	[sflag:s26] =	ssyncpa.u1 $0x1  }
0xce: {  	[sflag:s28] =	ssyncpa.u1 $0x1  }
0xcf: {  	_ =	sfence.stream.spmem  }
0xd0: {  	s29 =	simm.s32 $0x3;
	[bflag:$0x0] =	sbarrier.arrive $0xFFFF  }
0xd1: {  	s30 =	simm.s32 $0x4;
	[sflag:s29] =	ssyncpa.u1 $0x1  }
0xd2: {  	s31 =	simm.s32 $0x3C;
	s2 =	stileid.u32;
	[sflag:s30] =	ssyncpa.u1 $0x1  }
0xd3: {  	p0 =	sne.s32 s2, $0x0;
	[sflag:s31] =	ssyncpa.u1 $0x1  }
0xd4: {  	s0 =	simm.s32 @p0 $0x1;
	_ =	sfence @p0  }
0xd5: {  	[sflag:s0] =	ssyncpa.u1 @p0 $0x1;
	s0 =	simm.s32 @p0 $0x2  }
0xd6: {  	[sflag:s0] =	ssyncpa.u1 @p0 $0x1  }
0xd7: {  	_ =	strace @p0 $0x9000004A  }
0xd8: {  	[bflag:$0x2] =	sbarrier.arrive @p0 $0xFFFF  }
0xd9: {  	_ =	shalt @p0  }
.LBB2_11:
0xda: {  	_ =	sfence.stream.spmem;
	s0 =	simm.s32 $0x5  }
0xdb: {  	s2 =	simm.s32 $0x80;
	s3 =	simm.s32 $0xC0;
	[sflag:s0] =	ssyncpa.u1 $0x0  }
0xdc: {  	[tilespmem:s3], [sflag:$0x5] =	stream.linear.gather [spmem:s2], $0x20, $0x38;
	[tilespmem:$0x11A60] =	vst v63  }
0xdd: {  	s2 =	simm.s32 $0x0;
	s3 =	simm.s32 $0xE0  }
0xde: {  	[tilespmem:s3], [sflag:$0x5] =	stream.linear.gather [spmem:s2], $0x20, $0x38;
	[tilespmem:$0x11A60] =	vst v63  }
.Ltmp7:
0xdf: {  	_ = 	snop;
	(pc) =	sbr.rel .LBB2_12-.Ltmp7, $4  }
0xe0: {  	_ =	swait.ge [sflag:s0], $0x40  }
0xe1: {  	[sflag:s0] =	ssyncset.done $0x0  }
0xe2: {  	s31 =	simm.s32 $0x6;
	[sflag:s0] =	ssyncadd.s32 $0xFFFFFFC0  }
0xe3: {  	s4 =	simm.s32 $0x0;
	[sflag:s31] =	ssyncpa.u1 $0x0  }
.LBB2_17:
0xe4: {  	p0 =	sgt.u32 s5, $0x5F5E3FF  }
0xe5: {  	s0 =	sshrl.u32 @!p0 s5, $0x3  }
0xe6: {  	s5 =	sand.u32 @!p0 $0x7, s5;
	s6 =	simm.s32 @!p0 $0xB0;
	s0 =	sadd.s32 @!p0 s1, s0  }
0xe7: {  	[tilespmem:s6], [sflag:$0x6] =	stream.linear.gather @!p0 [hbm4b:s0+s5], $0x1, $0x38;
	[tilespmem:$0x11A60] =	vst v63  }
0xe8: {  	s0 =	simm.s32 @!p0 $0x6  }
0xe9: {  	_ =	swait.ge @!p0 [sflag:s0], $0x1  }
0xea: {  	[sflag:s0] =	ssyncset.done @!p0 $0x0  }
0xeb: {  	[sflag:s0] =	ssyncadd.s32 @!p0 $0xFFFFFFFF  }
0xec: {  	v2 =	vmov @!p0 s4;
	v1 =	vld.msk @!p0 [tilespmem:$0xB0], $0x1;
	_ =	sdelay $0x3  }
0xed: {  	s0 =	simm.s32 @!p0 $0xE0  }
0xee: {  	[tilespmem:v2+s0+$0x0], v1 =	vst.idx.ret.add.f32.msk @!p0 $0x1, v1  }
0xef: {  	[tilespmem:s2+$0xC0] =	vst.msk $0x1, v0  }
0xf0: {  	v0 =	vld.msk [tilespmem:s4+$0xE0], $0x1;
	_ =	sdelay $0x4  }
0xf1: {  	[tilespmem:s2+$0xE0] =	vst.msk $0x1, v0;
	s2 =	sadd.s32 $0x1, s2  }
.LBB2_19:
0xf2: {  	s4 =	sadd.s32 $0x1, s4  }
0xf3: {  	p0 =	sne.s32 s4, $0x20  }
.Ltmp8:
0xf4: {  	_ = 	snop;
	(pc) =	sbr.rel @!p0 .LBB2_20-.Ltmp8, $1  }
0xf5: {  	_ =	sdelay $0x3  }
.LBB2_12:
0xf6: {  	v0 =	vld.msk [tilespmem:s4+$0xC0], $0x1;
	_ =	sdelay $0x4  }
0xf7: {  	(v2sf) =	vpush v0, $0x0;
	_ =	sdelay $0xe  }
0xf8: {  	s5 =	spop (v2sf)  }
0xf9: {  	p0 =	seq.s32 s5, $0xFFFFFFFF  }
.Ltmp9:
0xfa: {  	_ = 	snop;
	(pc) =	sbr.rel @p0 .LBB2_19-.Ltmp9, $1  }
0xfb: {  	_ =	sdelay $0x3  }
0xfc: {  	p0 =	slt.s32 s2, $0x1  }
.Ltmp10:
0xfd: {  	_ = 	snop;
	(pc) =	sbr.rel @p0 .LBB2_17-.Ltmp10, $1  }
0xfe: {  	_ =	sdelay $0x3  }
0xff: {  	s0 =	simm.s32 $0xC0;
	p0 =	por $0x0, $0x0  }
0x100: {  	v1 =	vld.msk @!p0 [tilespmem:s0+$0x0], $0x1;
	_ =	sdelay $0x4  }
0x101: {  	(v2sf) =	vpush @!p0 v1, $0x0;
	_ =	sdelay $0xd  }
0x102: {  	p2 =	sne.s32 s2, $0x1  }
.Ltmp11:
0x103: {  	s6 =	spop @!p0 (v2sf);
	(pc) =	sbr.rel @!p2 .LBB2_16-.Ltmp11, $4  }
0x104: {  	p1 =	seq.s32 @!p0 s5, s6  }
0x105: {  	s6 =	simm.s32 $0x0;
	p1 =	por !p1, p0  }
0x106: {  	s8 =	simm.s32 $0xFFFFFFFF;
	s6 =	simm.s32 @p1 $0xFFFFFFFF  }
0x107: {  	s7 =	simm.s32 $0x1;
	s6 =	smov.u32 @p0 s8  }
.LBB2_15:
0x108: {  	s8 =	smov.u32 s6;
	p0 =	sne.s32 s6, $0xFFFFFFFF  }
0x109: {  	s0 =	sadd.s32 $0x1, s0;
	s6 =	smov.u32 s7;
	s7 =	sadd.s32 $0x1, s7  }
0x10a: {  	p1 =	sne.s32 s2, s7;
	v1 =	vld.msk @!p0 [tilespmem:s0+$0x0], $0x1;
	_ =	sdelay $0x4  }
0x10b: {  	(v2sf) =	vpush @!p0 v1, $0x0;
	_ =	sdelay $0xe  }
.Ltmp12:
0x10c: {  	s9 =	spop @!p0 (v2sf);
	(pc) =	sbr.rel @p1 .LBB2_15-.Ltmp12, $4  }
0x10d: {  	p2 =	seq.s32 @!p0 s5, s9  }
0x10e: {  	p2 =	por !p2, p0  }
0x10f: {  	s6 =	simm.s32 @p2 $0xFFFFFFFF  }
0x110: {  	s6 =	smov.u32 @p0 s8  }
.LBB2_16:
0x111: {  	p0 =	sne.s32 s6, $0xFFFFFFFF  }
.Ltmp13:
0x112: {  	_ = 	snop;
	(pc) =	sbr.rel @!p0 .LBB2_17-.Ltmp13, $1  }
0x113: {  	_ =	sdelay $0x3  }
0x114: {  	v0 =	vld.msk [tilespmem:s4+$0xE0], $0x1;
	v1 =	vmov s6  }
.Ltmp14:
0x115: {  	_ = 	snop;
	(pc) =	sbr.rel .LBB2_19-.Ltmp14, $2  }
0x116: {  	_ =	sdelay $0x2  }
0x117: {  	[tilespmem:v1+s3+$0x0], v0 =	vst.idx.ret.add.f32.msk $0x1, v0  }
.LBB2_20:
0x118: {  	p0 =	slt.s32 s2, $0x1  }
.Ltmp15:
0x119: {  	_ = 	snop;
	(pc) =	sbr.rel @p0 .LBB2_24-.Ltmp15, $3  }
0x11a: {  	_ =	sdelay $0x1  }
0x11b: {  	s0 =	simm.s32 $0x6  }
0x11c: {  	s3 =	simm.s32 $0x0;
	[sflag:s0] =	ssyncpa.u1 $0x1  }
0x11d: {  	s0 =	simm.s32 $0xC0  }
0x11e: {  	v0 =	vld.msk [tilespmem:s0+$0x0], $0x1;
	_ =	sdelay $0x4  }
0x11f: {  	(v2sf) =	vpush v0, $0x0;
	_ =	sdelay $0xe  }
0x120: {  	s2 =	sadd.s32 $0xFFFFFFFF, s2;
	s4 =	spop (v2sf)  }
0x121: {  	p1 =	sne.s32 s2, $0x0;
	p0 =	sgt.u32 s4, $0x5F5E3FF  }
.Ltmp16:
0x122: {  	s5 =	sshrl.u32 @!p0 s4, $0x3;
	(pc) =	sbr.rel @!p1 .LBB2_23-.Ltmp16, $4  }
0x123: {  	s0 =	simm.s32 $0xE0;
	s4 =	sand.u32 @!p0 $0x7, s4;
	s5 =	sadd.s32 @!p0 s1, s5  }
0x124: {  	[hbm4b:s5+s4] =	stream.linear.scatter @!p0 [tilespmem:s0], [sflag:$0x5], $0x1, $0x38;
	[tilespmem:$0x11A60] =	vst v63  }
0x125: {  	s5 =	simm.s32 $0x0  }
0x126: {  	s4 =	simm.s32 $0xC1;
	s5 =	simm.s32 @!p0 $0x4  }
.LBB2_22:
0x127: {  	v0 =	vld.msk [tilespmem:s4+$0x0], $0x1;
	s2 =	sadd.s32 $0xFFFFFFFF, s2;
	s3 =	sadd.s32 s3, s5  }
0x128: {  	p0 =	sne.s32 s2, $0x0;
	_ =	sdelay $0x3  }
0x129: {  	(v2sf) =	vpush v0, $0x0;
	_ =	sdelay $0xe  }
.Ltmp17:
0x12a: {  	s6 =	spop (v2sf);
	(pc) =	sbr.rel @p0 .LBB2_22-.Ltmp17, $4  }
0x12b: {  	s5 =	simm.s32 $0x0;
	p1 =	sgt.u32 s6, $0x5F5E3FF  }
0x12c: {  	s0 =	sadd.s32 $0x1, s0;
	s5 =	simm.s32 @!p1 $0x4;
	s7 =	sshrl.u32 @!p1 s6, $0x3  }
0x12d: {  	s4 =	sadd.s32 $0x1, s4;
	s6 =	sand.u32 @!p1 $0x7, s6;
	s7 =	sadd.s32 @!p1 s1, s7  }
0x12e: {  	[hbm4b:s7+s6] =	stream.linear.scatter @!p1 [tilespmem:s0], [sflag:$0x5], $0x1, $0x38;
	[tilespmem:$0x11A60] =	vst v63  }
.LBB2_23:
0x12f: {  	s0 =	sadd.s32 s3, s5  }
0x130: {  	s3 =	sshrl.u32 s0, $0x2  }
.LBB2_24:
0x131: {  	s0 =	simm.s32 $0x5  }
0x132: {  	_ =	swait.ge [sflag:s0], s3  }
0x133: {  	s1 =	ssub.s32 $0x0, s3;
	[sflag:s0] =	ssyncset.done $0x0  }
0x134: {  	[sflag:s0] =	ssyncadd.s32 s1  }
0x135: {  	[sflag:s0] =	ssyncpa.u1 $0x1  }
0x136: {  	s29 =	simm.s32 $0x1;
	_ =	sfence  }
0x137: {  	s30 =	simm.s32 $0x2;
	[sflag:s29] =	ssyncpa.u1 $0x1  }
0x138: {  	[sflag:s30] =	ssyncpa.u1 $0x1  }
0x139: {  	_ =	strace $0x9000004A  }
0x13a: {  	[bflag:$0x2] =	sbarrier.arrive $0xFFFF  }
0x13b: {  	s31 =	rddreg [dreg:$0x2]  }
0x13c: {  	s0 =	sadd.s32 $0x100000, s31  }
0x13d: {  	[sflag:s0] =	ssyncadd.tile.s32 $0x1;
	_ =	shalt  }
.Lfunc_end2:
_tile_overlayer_lowered:
.L_overlay_start_2:
0x13e: {  	(tag) =	ssettag $0x2  }
0x13f: {  	s0 =	rddreg [dreg:$0x0];
	s2 =	stileid.u32  }
0x140: {  	s1 =	rddreg [dreg:$0x1];
	p0 =	sne.s32 s2, $0x0  }
0x141: {  	s3 =	rddreg [dreg:$0x2];
	[bflag:$0x3] =	sbarrier.arrive $0xFFFF;
	s2 =	simm.s32 @!p0 $0x1C01  }
0x142: {  	[timem:s3], [sflag:s2] =	dma.local @!p0 [hbm:s0], s1  }
0x143: {  	s0 =	simm.s32 @!p0 $0x1  }
0x144: {  	_ =	swait.ge @!p0 [sflag:s0], s1  }
0x145: {  	s1 =	ssub.s32 @!p0 $0x0, s1;
	[sflag:s0] =	ssyncset.done @!p0 $0x0  }
0x146: {  	[sflag:s0] =	ssyncadd.s32 @!p0 s1  }
0x147: {  	[bflag:$0x3] =	sbarrier.arrive $0xFFFF  }
0x148: {  	_ =	shalt  }

</sc_bundles>
